<compile_context>
chip_gen: v7x
topology: tpu7x:2x2x1
jax: 0.10.2.dev20260603
libtpu: 0.0.44.dev20260713+nightly
codegen_flags: <defaults>
</compile_context>

<pallas_src>
import functools

import jax
import jax.numpy as jnp
from jax import lax
from jax.experimental import pallas as pl
from jax.experimental.pallas import tpu as pltpu
from jax.experimental.pallas import tpu_sc as plsc

N = 10000
E = 320000
D = 128

NC = 2
NS = 16
NP = 10240
ROWS_PER_TILE = NP // NS
CHUNK = 64
NBUF = 4
NBUF_H = 8
EPT = 10240
EP = EPT * NC * NS
EDGES_PER_SC = EP // NC
NCHUNKS = EPT // CHUNK
NGROUPS = NCHUNKS // NBUF
CH = 128
NCHUNKS_H = EPT // CH
NGROUPS_H = NCHUNKS_H // NBUF_H

_mesh = plsc.VectorSubcoreMesh(core_axis_name="c", subcore_axis_name="s")

_IDX_RING = [pltpu.VMEM((CHUNK,), jnp.int32) for _ in range(NBUF)]
_IDX_RING_H = [pltpu.VMEM((CH,), jnp.int32) for _ in range(NBUF_H)]


@functools.partial(
    pl.kernel,
    out_type=jax.ShapeDtypeStruct((NC, NP), jnp.float32),
    mesh=_mesh,
    scratch_types=[
        pltpu.VMEM_SHARED((NP,), jnp.float32),
        *_IDX_RING_H,
        pltpu.VMEM((CH,), jnp.float32),
        pltpu.VMEM((CH,), jnp.float32),
        pltpu.SemaphoreType.DMA((NBUF_H,)),
        pltpu.SemaphoreType.DMA((NBUF_H,)),
    ],
)
def _deg_kernel(dst_hbm, out_hbm, dacc, d0, d1, d2, d3, d4, d5, d6, d7,
                ones_v, zeros_v, isem, ssem):
    cid = lax.axis_index("c")
    sid = lax.axis_index("s")
    dstv = [d0, d1, d2, d3, d4, d5, d6, d7]

    one = jnp.ones((16,), jnp.float32)
    zero = jnp.zeros((16,), jnp.float32)
    for j in range(CH // 16):
        ones_v[pl.ds(j * 16, 16)] = one
        zeros_v[pl.ds(j * 16, 16)] = zero

    for k in range(ROWS_PER_TILE // CH):
        pltpu.sync_copy(zeros_v, dacc.at[pl.ds(sid * ROWS_PER_TILE + k * CH, CH)])
    plsc.subcore_barrier()

    tile_base = cid * EDGES_PER_SC + sid * EPT

    def idx_load(c, b):
        pltpu.async_copy(dst_hbm.at[pl.ds(tile_base + c * CH, CH)],
                         dstv[b], isem.at[b])

    def idx_wait(b):
        pltpu.make_async_copy(dst_hbm.at[pl.ds(tile_base, CH)],
                              dstv[b], isem.at[b]).wait()

    def scatter(b):
        pltpu.async_copy(ones_v, dacc.at[dstv[b]], ssem.at[b], add=True)

    def scatter_wait(b):
        pltpu.make_async_copy(ones_v, dacc.at[dstv[b]], ssem.at[b]).wait()

    for b in range(NBUF_H):
        idx_load(b, b)

    def body(g, carry):
        for b in range(NBUF_H):
            idx_wait(b)
            scatter(b)
        for b in range(NBUF_H):
            scatter_wait(b)
            idx_load((g + 1) * NBUF_H + b, b)
        return carry

    lax.fori_loop(0, NGROUPS_H - 1, body, 0)
    for b in range(NBUF_H):
        idx_wait(b)
        scatter(b)
    for b in range(NBUF_H):
        scatter_wait(b)
    plsc.subcore_barrier()

    row0 = sid * ROWS_PER_TILE
    pltpu.sync_copy(dacc.at[pl.ds(row0, ROWS_PER_TILE)],
                    out_hbm.at[cid, pl.ds(row0, ROWS_PER_TILE)])


@functools.partial(
    pl.kernel,
    out_type=jax.ShapeDtypeStruct((NC, NP, D), jnp.float32),
    mesh=_mesh,
    scratch_types=[
        pltpu.VMEM_SHARED((NP, D), jnp.float32),
        pltpu.VMEM((EPT,), jnp.int32),
        *_IDX_RING,
        pltpu.VMEM((NBUF, CHUNK, D), jnp.float32),
        pltpu.SemaphoreType.DMA((NBUF,)),
        pltpu.SemaphoreType.DMA((NBUF,)),
        pltpu.SemaphoreType.DMA((NBUF,)),
    ],
)
def _agg_kernel(hs_hbm, src_hbm, dst_hbm, out_hbm,
                acc, src_all, d0, d1, d2, d3, rows, isem, gsem, ssem):
    cid = lax.axis_index("c")
    sid = lax.axis_index("s")
    dstv = [d0, d1, d2, d3]

    z = jnp.zeros((16,), jnp.float32)
    for r in range(16):
        for j in range(D // 16):
            rows[0, r, pl.ds(j * 16, 16)] = z

    tile_base = cid * EDGES_PER_SC + sid * EPT
    pltpu.async_copy(src_hbm.at[pl.ds(tile_base, EPT)], src_all, gsem.at[0])

    def zc(k, carry):
        pltpu.async_copy(rows.at[0].at[pl.ds(0, 16)],
                         acc.at[pl.ds(sid * ROWS_PER_TILE + k * 16, 16)],
                         ssem.at[0])
        return carry

    lax.fori_loop(0, ROWS_PER_TILE // 16, zc, 0)

    def zw(k, carry):
        pltpu.make_async_copy(rows.at[0].at[pl.ds(0, 16)],
                              acc.at[pl.ds(sid * ROWS_PER_TILE, 16)],
                              ssem.at[0]).wait()
        return carry

    lax.fori_loop(0, ROWS_PER_TILE // 16, zw, 0)
    pltpu.make_async_copy(src_hbm.at[pl.ds(tile_base, EPT)], src_all,
                          gsem.at[0]).wait()
    plsc.subcore_barrier()

    def idx_load(c, b):
        pltpu.async_copy(dst_hbm.at[pl.ds(tile_base + c * CHUNK, CHUNK)],
                         dstv[b], isem.at[b])

    def idx_wait(b):
        pltpu.make_async_copy(dst_hbm.at[pl.ds(tile_base, CHUNK)],
                              dstv[b], isem.at[b]).wait()

    def gather(c, b):
        pltpu.async_copy(hs_hbm.at[src_all.at[pl.ds(c * CHUNK, CHUNK)]],
                         rows.at[b], gsem.at[b])

    def gather_wait(b):
        pltpu.make_async_copy(hs_hbm.at[src_all.at[pl.ds(0, CHUNK)]],
                              rows.at[b], gsem.at[b]).wait()

    def scatter(b):
        pltpu.async_copy(rows.at[b], acc.at[dstv[b]], ssem.at[b], add=True)

    def scatter_wait(b):
        pltpu.make_async_copy(rows.at[b], acc.at[dstv[b]], ssem.at[b]).wait()

    for b in range(NBUF):
        idx_load(b, b)
        gather(b, b)

    def body(g, carry):
        for b in range(NBUF):
            gather_wait(b)
            idx_wait(b)
            scatter(b)
        for b in range(NBUF):
            cn = (g + 1) * NBUF + b
            scatter_wait(b)
            gather(cn, b)
            idx_load(cn, b)
        return carry

    lax.fori_loop(0, NGROUPS - 1, body, 0)

    for b in range(NBUF):
        gather_wait(b)
        idx_wait(b)
        scatter(b)
    for b in range(NBUF):
        scatter_wait(b)
    plsc.subcore_barrier()

    row0 = sid * ROWS_PER_TILE
    pltpu.sync_copy(acc.at[pl.ds(row0, ROWS_PER_TILE)],
                    out_hbm.at[cid, pl.ds(row0, ROWS_PER_TILE)])


_BN = 10000
_BO = 400


def _matmul_body(x_ref, w_ref, dv_ref, b_ref, o_ref, xb_ref):
    hs = jnp.dot(x_ref[...], w_ref[...],
                 preferred_element_type=jnp.float32) * dv_ref[...]
    o_ref[...] = hs
    xb_ref[...] = x_ref[...] + b_ref[...] + dv_ref[...] * hs


def _out_body(xb_ref, dv_ref, s0_ref, s1_ref, o_ref):
    o_ref[...] = xb_ref[...] + dv_ref[...] * (s0_ref[0] + s1_ref[0])


def kernel(x, edge_index, W, b):
    pad = EP - E
    src = jnp.concatenate(
        [edge_index[0], jnp.arange(pad, dtype=jnp.int32) % N])
    dst = jnp.concatenate(
        [edge_index[1], N + (jnp.arange(pad, dtype=jnp.int32) % (NP - N))])

    row_spec_m = pl.BlockSpec((_BN, D), lambda i: (i, 0))
    dp = _deg_kernel(dst)
    deg = 1.0 + dp[0, :N] + dp[1, :N]
    dinvb = jnp.broadcast_to(lax.rsqrt(deg)[:, None], (N, D))
    hs, xb = pl.pallas_call(
        _matmul_body,
        grid=(N // _BN,),
        in_specs=[row_spec_m,
                  pl.BlockSpec((D, D), lambda i: (0, 0)),
                  row_spec_m,
                  pl.BlockSpec((1, D), lambda i: (0, 0))],
        out_specs=[row_spec_m, row_spec_m],
        out_shape=[jax.ShapeDtypeStruct((N, D), jnp.float32),
                   jax.ShapeDtypeStruct((N, D), jnp.float32)],
    )(x, W, dinvb, b.reshape(1, D))

    sp = _agg_kernel(hs, src, dst)

    row_spec = pl.BlockSpec((_BO, D), lambda i: (i, 0))
    sp_spec0 = pl.BlockSpec((1, _BO, D), lambda i: (0, i, 0))
    sp_spec1 = pl.BlockSpec((1, _BO, D), lambda i: (1, i, 0))
    out = pl.pallas_call(
        _out_body,
        grid=(N // _BO,),
        in_specs=[row_spec, row_spec, sp_spec0, sp_spec1],
        out_specs=row_spec,
        out_shape=jax.ShapeDtypeStruct((N, D), jnp.float32),
    )(xb, dinvb, sp, sp)

    return out

# --- scband reference (transcript-rebuilt; emitter-appended) ---
"""Pipeline reference for scband-gcnconv-sc-38319698215460 (READ-ONLY COPY).

The authoritative reference and input builder live on the scoring server;
editing this copy changes nothing except your own understanding.
"""

import jax, jax.numpy as jnp
import numpy as np

N = 10000
E = 320000
D = 128

def setup_inputs(seed: int = 0) -> dict:
    key = jax.random.key(seed)
    k1, k2, k3, k4 = jax.random.split(key, 4)
    x = jax.random.normal(k1, (N, D), dtype=jnp.float32)
    edge_index = jax.random.randint(k2, (2, E), 0, N, dtype=jnp.int32)
    W = jax.random.normal(k3, (D, D), dtype=jnp.float32) * (1.0 / np.sqrt(D))
    b = jax.random.normal(k4, (D,), dtype=jnp.float32) * 0.01
    return {"x": x, "edge_index": edge_index, "W": W, "b": b}

def reference(x, edge_index, W, b):
    # PyG GCNConv with cached=False, add_self_loops=True, normalize=True,
    # wrapped in a residual connection: out = x + GCNConv(x, edge_index)
    src = edge_index[0]
    dst = edge_index[1]
    loop = jnp.arange(N, dtype=edge_index.dtype)
    src = jnp.concatenate([src, loop])
    dst = jnp.concatenate([dst, loop])
    # symmetric normalization: deg computed on dst after adding self-loops
    deg = jax.ops.segment_sum(jnp.ones(src.shape[0], dtype=x.dtype), dst, num_segments=N)
    dinv = jnp.where(deg > 0, jax.lax.rsqrt(deg), 0.0)
    norm = dinv[src] * dinv[dst]
    # linear transform (no bias inside lin; bias added after aggregation)
    h = x @ W
    msg = h[src] * norm[:, None]
    agg = jax.ops.segment_sum(msg, dst, num_segments=N)
    gcn_out = agg + b
    return x + gcn_out

if __name__ == "__main__":
    import jax
    _d = setup_inputs()
    print(jax.jit(kernel)(*tuple(_d.values())))

</pallas_src>

<mosaic_0001>
#map = affine_map<(d0, d1) -> (0)>
#map1 = affine_map<(d0, d1) -> (0, 0)>
module attributes {stable_mosaic.version = 14 : i64} {
  func.func @_deg_kernel(%arg0: i32, %arg1: i32, %arg2: memref<327680xi32, #tpu.memory_space<hbm>>, %arg3: memref<2x10240xf32, #tpu.memory_space<hbm>>, %arg4: memref<10240xf32, #tpu.memory_space<vmem_shared>>, %arg5: memref<128xi32, #tpu.memory_space<vmem>>, %arg6: memref<128xi32, #tpu.memory_space<vmem>>, %arg7: memref<128xi32, #tpu.memory_space<vmem>>, %arg8: memref<128xi32, #tpu.memory_space<vmem>>, %arg9: memref<128xi32, #tpu.memory_space<vmem>>, %arg10: memref<128xi32, #tpu.memory_space<vmem>>, %arg11: memref<128xi32, #tpu.memory_space<vmem>>, %arg12: memref<128xi32, #tpu.memory_space<vmem>>, %arg13: memref<128xf32, #tpu.memory_space<vmem>>, %arg14: memref<128xf32, #tpu.memory_space<vmem>>, %arg15: memref<8x!tpu.dma_semaphore, #tpu.memory_space<semaphore_mem>>, %arg16: memref<8x!tpu.dma_semaphore, #tpu.memory_space<semaphore_mem>>) attributes {dimension_semantics = [#tpu.dimension_semantics<core_parallel>, #tpu.dimension_semantics<subcore_parallel>], iteration_bounds = array<i64: 2, 16>, scalar_prefetch = 0 : i64, scratch_operands = 13 : i64, tpu.core_type = #tpu.core_type<sc_vector_subcore>, window_params = [{transform_indices = #map}, {transform_indices = #map1}]} {
    %broadcast_in_dim3A = arith.constant 1.000000e+00 : f32
    %broadcast_in_dim3A_0 = vector.broadcast %broadcast_in_dim3A : f32 to vector<16xf32>
    %broadcast_in_dim3A_1 = arith.constant 0.000000e+00 : f32
    %broadcast_in_dim3A_2 = vector.broadcast %broadcast_in_dim3A_1 : f32 to vector<16xf32>
    %swap3A = arith.constant 0 : index
    %swap3A_3 = tpu.vector_load %arg13[%swap3A] {strides = array<i32>} : memref<128xf32, #tpu.memory_space<vmem>>, vector<16xf32>,
    %swap3A_4 = vector.shape_cast %swap3A_3 : vector<16xf32> to vector<16xf32>
    %swap3A_5 = vector.shape_cast %broadcast_in_dim3A_0 : vector<16xf32> to vector<16xf32>
    tpu.vector_store %arg13[%swap3A], %swap3A_5 {strides = array<i32>} : memref<128xf32, #tpu.memory_space<vmem>>, vector<16xf32>,
    %swap3A_6 = arith.constant 0 : index
    %swap3A_7 = tpu.vector_load %arg14[%swap3A_6] {strides = array<i32>} : memref<128xf32, #tpu.memory_space<vmem>>, vector<16xf32>,
    %swap3A_8 = vector.shape_cast %swap3A_7 : vector<16xf32> to vector<16xf32>
    %swap3A_9 = vector.shape_cast %broadcast_in_dim3A_2 : vector<16xf32> to vector<16xf32>
    tpu.vector_store %arg14[%swap3A_6], %swap3A_9 {strides = array<i32>} : memref<128xf32, #tpu.memory_space<vmem>>, vector<16xf32>,
    %swap3A_10 = arith.constant 16 : index
    %swap3A_11 = tpu.vector_load %arg13[%swap3A_10] {strides = array<i32>} : memref<128xf32, #tpu.memory_space<vmem>>, vector<16xf32>,
    %swap3A_12 = vector.shape_cast %swap3A_11 : vector<16xf32> to vector<16xf32>
    %swap3A_13 = vector.shape_cast %broadcast_in_dim3A_0 : vector<16xf32> to vector<16xf32>
    tpu.vector_store %arg13[%swap3A_10], %swap3A_13 {strides = array<i32>} : memref<128xf32, #tpu.memory_space<vmem>>, vector<16xf32>,
    %swap3A_14 = arith.constant 16 : index
    %swap3A_15 = tpu.vector_load %arg14[%swap3A_14] {strides = array<i32>} : memref<128xf32, #tpu.memory_space<vmem>>, vector<16xf32>,
    %swap3A_16 = vector.shape_cast %swap3A_15 : vector<16xf32> to vector<16xf32>
    %swap3A_17 = vector.shape_cast %broadcast_in_dim3A_2 : vector<16xf32> to vector<16xf32>
    tpu.vector_store %arg14[%swap3A_14], %swap3A_17 {strides = array<i32>} : memref<128xf32, #tpu.memory_space<vmem>>, vector<16xf32>,
    %swap3A_18 = arith.constant 32 : index
    %swap3A_19 = tpu.vector_load %arg13[%swap3A_18] {strides = array<i32>} : memref<128xf32, #tpu.memory_space<vmem>>, vector<16xf32>,
    %swap3A_20 = vector.shape_cast %swap3A_19 : vector<16xf32> to vector<16xf32>
    %swap3A_21 = vector.shape_cast %broadcast_in_dim3A_0 : vector<16xf32> to vector<16xf32>
    tpu.vector_store %arg13[%swap3A_18], %swap3A_21 {strides = array<i32>} : memref<128xf32, #tpu.memory_space<vmem>>, vector<16xf32>,
    %swap3A_22 = arith.constant 32 : index
    %swap3A_23 = tpu.vector_load %arg14[%swap3A_22] {strides = array<i32>} : memref<128xf32, #tpu.memory_space<vmem>>, vector<16xf32>,
    %swap3A_24 = vector.shape_cast %swap3A_23 : vector<16xf32> to vector<16xf32>
    %swap3A_25 = vector.shape_cast %broadcast_in_dim3A_2 : vector<16xf32> to vector<16xf32>
    tpu.vector_store %arg14[%swap3A_22], %swap3A_25 {strides = array<i32>} : memref<128xf32, #tpu.memory_space<vmem>>, vector<16xf32>,
    %swap3A_26 = arith.constant 48 : index
    %swap3A_27 = tpu.vector_load %arg13[%swap3A_26] {strides = array<i32>} : memref<128xf32, #tpu.memory_space<vmem>>, vector<16xf32>,
    %swap3A_28 = vector.shape_cast %swap3A_27 : vector<16xf32> to vector<16xf32>
    %swap3A_29 = vector.shape_cast %broadcast_in_dim3A_0 : vector<16xf32> to vector<16xf32>
    tpu.vector_store %arg13[%swap3A_26], %swap3A_29 {strides = array<i32>} : memref<128xf32, #tpu.memory_space<vmem>>, vector<16xf32>,
    %swap3A_30 = arith.constant 48 : index
    %swap3A_31 = tpu.vector_load %arg14[%swap3A_30] {strides = array<i32>} : memref<128xf32, #tpu.memory_space<vmem>>, vector<16xf32>,
    %swap3A_32 = vector.shape_cast %swap3A_31 : vector<16xf32> to vector<16xf32>
    %swap3A_33 = vector.shape_cast %broadcast_in_dim3A_2 : vector<16xf32> to vector<16xf32>
    tpu.vector_store %arg14[%swap3A_30], %swap3A_33 {strides = array<i32>} : memref<128xf32, #tpu.memory_space<vmem>>, vector<16xf32>,
    %swap3A_34 = arith.constant 64 : index
    %swap3A_35 = tpu.vector_load %arg13[%swap3A_34] {strides = array<i32>} : memref<128xf32, #tpu.memory_space<vmem>>, vector<16xf32>,
    %swap3A_36 = vector.shape_cast %swap3A_35 : vector<16xf32> to vector<16xf32>
    %swap3A_37 = vector.shape_cast %broadcast_in_dim3A_0 : vector<16xf32> to vector<16xf32>
    tpu.vector_store %arg13[%swap3A_34], %swap3A_37 {strides = array<i32>} : memref<128xf32, #tpu.memory_space<vmem>>, vector<16xf32>,
    %swap3A_38 = arith.constant 64 : index
    %swap3A_39 = tpu.vector_load %arg14[%swap3A_38] {strides = array<i32>} : memref<128xf32, #tpu.memory_space<vmem>>, vector<16xf32>,
    %swap3A_40 = vector.shape_cast %swap3A_39 : vector<16xf32> to vector<16xf32>
    %swap3A_41 = vector.shape_cast %broadcast_in_dim3A_2 : vector<16xf32> to vector<16xf32>
    tpu.vector_store %arg14[%swap3A_38], %swap3A_41 {strides = array<i32>} : memref<128xf32, #tpu.memory_space<vmem>>, vector<16xf32>,
    %swap3A_42 = arith.constant 80 : index
    %swap3A_43 = tpu.vector_load %arg13[%swap3A_42] {strides = array<i32>} : memref<128xf32, #tpu.memory_space<vmem>>, vector<16xf32>,
    %swap3A_44 = vector.shape_cast %swap3A_43 : vector<16xf32> to vector<16xf32>
    %swap3A_45 = vector.shape_cast %broadcast_in_dim3A_0 : vector<16xf32> to vector<16xf32>
    tpu.vector_store %arg13[%swap3A_42], %swap3A_45 {strides = array<i32>} : memref<128xf32, #tpu.memory_space<vmem>>, vector<16xf32>,
    %swap3A_46 = arith.constant 80 : index
    %swap3A_47 = tpu.vector_load %arg14[%swap3A_46] {strides = array<i32>} : memref<128xf32, #tpu.memory_space<vmem>>, vector<16xf32>,
    %swap3A_48 = vector.shape_cast %swap3A_47 : vector<16xf32> to vector<16xf32>
    %swap3A_49 = vector.shape_cast %broadcast_in_dim3A_2 : vector<16xf32> to vector<16xf32>
    tpu.vector_store %arg14[%swap3A_46], %swap3A_49 {strides = array<i32>} : memref<128xf32, #tpu.memory_space<vmem>>, vector<16xf32>,
    %swap3A_50 = arith.constant 96 : index
    %swap3A_51 = tpu.vector_load %arg13[%swap3A_50] {strides = array<i32>} : memref<128xf32, #tpu.memory_space<vmem>>, vector<16xf32>,
    %swap3A_52 = vector.shape_cast %swap3A_51 : vector<16xf32> to vector<16xf32>
    %swap3A_53 = vector.shape_cast %broadcast_in_dim3A_0 : vector<16xf32> to vector<16xf32>
    tpu.vector_store %arg13[%swap3A_50], %swap3A_53 {strides = array<i32>} : memref<128xf32, #tpu.memory_space<vmem>>, vector<16xf32>,
    %swap3A_54 = arith.constant 96 : index
    %swap3A_55 = tpu.vector_load %arg14[%swap3A_54] {strides = array<i32>} : memref<128xf32, #tpu.memory_space<vmem>>, vector<16xf32>,
    %swap3A_56 = vector.shape_cast %swap3A_55 : vector<16xf32> to vector<16xf32>
    %swap3A_57 = vector.shape_cast %broadcast_in_dim3A_2 : vector<16xf32> to vector<16xf32>
    tpu.vector_store %arg14[%swap3A_54], %swap3A_57 {strides = array<i32>} : memref<128xf32, #tpu.memory_space<vmem>>, vector<16xf32>,
    %swap3A_58 = arith.constant 112 : index
    %swap3A_59 = tpu.vector_load %arg13[%swap3A_58] {strides = array<i32>} : memref<128xf32, #tpu.memory_space<vmem>>, vector<16xf32>,
    %swap3A_60 = vector.shape_cast %swap3A_59 : vector<16xf32> to vector<16xf32>
    %swap3A_61 = vector.shape_cast %broadcast_in_dim3A_0 : vector<16xf32> to vector<16xf32>
    tpu.vector_store %arg13[%swap3A_58], %swap3A_61 {strides = array<i32>} : memref<128xf32, #tpu.memory_space<vmem>>, vector<16xf32>,
    %swap3A_62 = arith.constant 112 : index
    %swap3A_63 = tpu.vector_load %arg14[%swap3A_62] {strides = array<i32>} : memref<128xf32, #tpu.memory_space<vmem>>, vector<16xf32>,
    %swap3A_64 = vector.shape_cast %swap3A_63 : vector<16xf32> to vector<16xf32>
    %swap3A_65 = vector.shape_cast %broadcast_in_dim3A_2 : vector<16xf32> to vector<16xf32>
    tpu.vector_store %arg14[%swap3A_62], %swap3A_65 {strides = array<i32>} : memref<128xf32, #tpu.memory_space<vmem>>, vector<16xf32>,
    %mul3A = arith.constant 640 : i32
    %mul3A_66 = arith.muli %arg1, %mul3A : i32
    %add3A = arith.constant 0 : i32
    %add3A_67 = arith.addi %mul3A_66, %add3A : i32
    "tpu.region"() ({
      %run_scoped3A = tpu.sem_alloc : memref<!tpu.dma_semaphore, #tpu.memory_space<semaphore_mem>>
      %dma_start3A_271 = tpu.memref_slice %arg4[%add3A_67] : memref<10240xf32, #tpu.memory_space<vmem_shared>> -> memref<128xf32, #tpu.memory_space<vmem_shared>>
      %dma_start3A_272 = tpu.memref_slice %arg4[%add3A_67] : memref<10240xf32, #tpu.memory_space<vmem_shared>> -> memref<128xf32, #tpu.memory_space<vmem_shared>>
      tpu.enqueue_dma source(%arg14 : memref<128xf32, #tpu.memory_space<vmem>>) target(%dma_start3A_272 : memref<128xf32, #tpu.memory_space<vmem_shared>>) target_semaphore(%run_scoped3A : memref<!tpu.dma_semaphore, #tpu.memory_space<semaphore_mem>>)
      %dma_wait3A_273 = tpu.memref_slice %arg4[%add3A_67] : memref<10240xf32, #tpu.memory_space<vmem_shared>> -> memref<128xf32, #tpu.memory_space<vmem_shared>>
      %dma_wait3A_274 = tpu.memref_slice %arg4[%add3A_67] : memref<10240xf32, #tpu.memory_space<vmem_shared>> -> memref<128xf32, #tpu.memory_space<vmem_shared>>
      tpu.wait_dma2 semaphore(%run_scoped3A : memref<!tpu.dma_semaphore, #tpu.memory_space<semaphore_mem>>) src(%arg14 : memref<128xf32, #tpu.memory_space<vmem>>) dst(%dma_wait3A_274 : memref<128xf32, #tpu.memory_space<vmem_shared>>)
      tpu.yield
    }) : () -> ()
    %mul3A_68 = arith.constant 640 : i32
    %mul3A_69 = arith.muli %arg1, %mul3A_68 : i32
    %add3A_70 = arith.constant 128 : i32
    %add3A_71 = arith.addi %mul3A_69, %add3A_70 : i32
    "tpu.region"() ({
      %run_scoped3A = tpu.sem_alloc : memref<!tpu.dma_semaphore, #tpu.memory_space<semaphore_mem>>
      %dma_start3A_271 = tpu.memref_slice %arg4[%add3A_71] : memref<10240xf32, #tpu.memory_space<vmem_shared>> -> memref<128xf32, #tpu.memory_space<vmem_shared>>
      %dma_start3A_272 = tpu.memref_slice %arg4[%add3A_71] : memref<10240xf32, #tpu.memory_space<vmem_shared>> -> memref<128xf32, #tpu.memory_space<vmem_shared>>
      tpu.enqueue_dma source(%arg14 : memref<128xf32, #tpu.memory_space<vmem>>) target(%dma_start3A_272 : memref<128xf32, #tpu.memory_space<vmem_shared>>) target_semaphore(%run_scoped3A : memref<!tpu.dma_semaphore, #tpu.memory_space<semaphore_mem>>)
      %dma_wait3A_273 = tpu.memref_slice %arg4[%add3A_71] : memref<10240xf32, #tpu.memory_space<vmem_shared>> -> memref<128xf32, #tpu.memory_space<vmem_shared>>
      %dma_wait3A_274 = tpu.memref_slice %arg4[%add3A_71] : memref<10240xf32, #tpu.memory_space<vmem_shared>> -> memref<128xf32, #tpu.memory_space<vmem_shared>>
      tpu.wait_dma2 semaphore(%run_scoped3A : memref<!tpu.dma_semaphore, #tpu.memory_space<semaphore_mem>>) src(%arg14 : memref<128xf32, #tpu.memory_space<vmem>>) dst(%dma_wait3A_274 : memref<128xf32, #tpu.memory_space<vmem_shared>>)
      tpu.yield
    }) : () -> ()
    %mul3A_72 = arith.constant 640 : i32
    %mul3A_73 = arith.muli %arg1, %mul3A_72 : i32
    %add3A_74 = arith.constant 256 : i32
    %add3A_75 = arith.addi %mul3A_73, %add3A_74 : i32
    "tpu.region"() ({
      %run_scoped3A = tpu.sem_alloc : memref<!tpu.dma_semaphore, #tpu.memory_space<semaphore_mem>>
      %dma_start3A_271 = tpu.memref_slice %arg4[%add3A_75] : memref<10240xf32, #tpu.memory_space<vmem_shared>> -> memref<128xf32, #tpu.memory_space<vmem_shared>>
      %dma_start3A_272 = tpu.memref_slice %arg4[%add3A_75] : memref<10240xf32, #tpu.memory_space<vmem_shared>> -> memref<128xf32, #tpu.memory_space<vmem_shared>>
      tpu.enqueue_dma source(%arg14 : memref<128xf32, #tpu.memory_space<vmem>>) target(%dma_start3A_272 : memref<128xf32, #tpu.memory_space<vmem_shared>>) target_semaphore(%run_scoped3A : memref<!tpu.dma_semaphore, #tpu.memory_space<semaphore_mem>>)
      %dma_wait3A_273 = tpu.memref_slice %arg4[%add3A_75] : memref<10240xf32, #tpu.memory_space<vmem_shared>> -> memref<128xf32, #tpu.memory_space<vmem_shared>>
      %dma_wait3A_274 = tpu.memref_slice %arg4[%add3A_75] : memref<10240xf32, #tpu.memory_space<vmem_shared>> -> memref<128xf32, #tpu.memory_space<vmem_shared>>
      tpu.wait_dma2 semaphore(%run_scoped3A : memref<!tpu.dma_semaphore, #tpu.memory_space<semaphore_mem>>) src(%arg14 : memref<128xf32, #tpu.memory_space<vmem>>) dst(%dma_wait3A_274 : memref<128xf32, #tpu.memory_space<vmem_shared>>)
      tpu.yield
    }) : () -> ()
    %mul3A_76 = arith.constant 640 : i32
    %mul3A_77 = arith.muli %arg1, %mul3A_76 : i32
    %add3A_78 = arith.constant 384 : i32
    %add3A_79 = arith.addi %mul3A_77, %add3A_78 : i32
    "tpu.region"() ({
      %run_scoped3A = tpu.sem_alloc : memref<!tpu.dma_semaphore, #tpu.memory_space<semaphore_mem>>
      %dma_start3A_271 = tpu.memref_slice %arg4[%add3A_79] : memref<10240xf32, #tpu.memory_space<vmem_shared>> -> memref<128xf32, #tpu.memory_space<vmem_shared>>
      %dma_start3A_272 = tpu.memref_slice %arg4[%add3A_79] : memref<10240xf32, #tpu.memory_space<vmem_shared>> -> memref<128xf32, #tpu.memory_space<vmem_shared>>
      tpu.enqueue_dma source(%arg14 : memref<128xf32, #tpu.memory_space<vmem>>) target(%dma_start3A_272 : memref<128xf32, #tpu.memory_space<vmem_shared>>) target_semaphore(%run_scoped3A : memref<!tpu.dma_semaphore, #tpu.memory_space<semaphore_mem>>)
      %dma_wait3A_273 = tpu.memref_slice %arg4[%add3A_79] : memref<10240xf32, #tpu.memory_space<vmem_shared>> -> memref<128xf32, #tpu.memory_space<vmem_shared>>
      %dma_wait3A_274 = tpu.memref_slice %arg4[%add3A_79] : memref<10240xf32, #tpu.memory_space<vmem_shared>> -> memref<128xf32, #tpu.memory_space<vmem_shared>>
      tpu.wait_dma2 semaphore(%run_scoped3A : memref<!tpu.dma_semaphore, #tpu.memory_space<semaphore_mem>>) src(%arg14 : memref<128xf32, #tpu.memory_space<vmem>>) dst(%dma_wait3A_274 : memref<128xf32, #tpu.memory_space<vmem_shared>>)
      tpu.yield
    }) : () -> ()
    %mul3A_80 = arith.constant 640 : i32
    %mul3A_81 = arith.muli %arg1, %mul3A_80 : i32
    %add3A_82 = arith.constant 512 : i32
    %add3A_83 = arith.addi %mul3A_81, %add3A_82 : i32
    "tpu.region"() ({
      %run_scoped3A = tpu.sem_alloc : memref<!tpu.dma_semaphore, #tpu.memory_space<semaphore_mem>>
      %dma_start3A_271 = tpu.memref_slice %arg4[%add3A_83] : memref<10240xf32, #tpu.memory_space<vmem_shared>> -> memref<128xf32, #tpu.memory_space<vmem_shared>>
      %dma_start3A_272 = tpu.memref_slice %arg4[%add3A_83] : memref<10240xf32, #tpu.memory_space<vmem_shared>> -> memref<128xf32, #tpu.memory_space<vmem_shared>>
      tpu.enqueue_dma source(%arg14 : memref<128xf32, #tpu.memory_space<vmem>>) target(%dma_start3A_272 : memref<128xf32, #tpu.memory_space<vmem_shared>>) target_semaphore(%run_scoped3A : memref<!tpu.dma_semaphore, #tpu.memory_space<semaphore_mem>>)
      %dma_wait3A_273 = tpu.memref_slice %arg4[%add3A_83] : memref<10240xf32, #tpu.memory_space<vmem_shared>> -> memref<128xf32, #tpu.memory_space<vmem_shared>>
      %dma_wait3A_274 = tpu.memref_slice %arg4[%add3A_83] : memref<10240xf32, #tpu.memory_space<vmem_shared>> -> memref<128xf32, #tpu.memory_space<vmem_shared>>
      tpu.wait_dma2 semaphore(%run_scoped3A : memref<!tpu.dma_semaphore, #tpu.memory_space<semaphore_mem>>) src(%arg14 : memref<128xf32, #tpu.memory_space<vmem>>) dst(%dma_wait3A_274 : memref<128xf32, #tpu.memory_space<vmem_shared>>)
      tpu.yield
    }) : () -> ()
    %barrier3A = arith.constant 0 : index
    tpu.barrier barrier_id(%barrier3A)
    %mul3A_84 = arith.constant 163840 : i32
    %mul3A_85 = arith.muli %arg0, %mul3A_84 : i32
    %mul3A_86 = arith.constant 10240 : i32
    %mul3A_87 = arith.muli %arg1, %mul3A_86 : i32
    %add3A_88 = arith.addi %mul3A_85, %mul3A_87 : i32
    %add3A_89 = arith.constant 0 : i32
    %add3A_90 = arith.addi %add3A_88, %add3A_89 : i32
    %dma_start3A = arith.constant 0 : i32
    %dma_start3A_91 = tpu.memref_slice %arg2[%add3A_90] : memref<327680xi32, #tpu.memory_space<hbm>> -> memref<128xi32, #tpu.memory_space<hbm>>
    %dma_start3A_92 = tpu.memref_slice %arg15[%dma_start3A] : memref<8x!tpu.dma_semaphore, #tpu.memory_space<semaphore_mem>> -> memref<1x!tpu.dma_semaphore, #tpu.memory_space<semaphore_mem>>
    %dma_start3A_93 = tpu.memref_squeeze %dma_start3A_92 : memref<1x!tpu.dma_semaphore, #tpu.memory_space<semaphore_mem>> -> memref<!tpu.dma_semaphore, #tpu.memory_space<semaphore_mem>>
    %dma_start3A_94 = tpu.memref_slice %arg2[%add3A_90] : memref<327680xi32, #tpu.memory_space<hbm>> -> memref<128xi32, #tpu.memory_space<hbm>>
    tpu.enqueue_dma source(%dma_start3A_94 : memref<128xi32, #tpu.memory_space<hbm>>) target(%arg5 : memref<128xi32, #tpu.memory_space<vmem>>) target_semaphore(%dma_start3A_93 : memref<!tpu.dma_semaphore, #tpu.memory_space<semaphore_mem>>)
    %add3A_95 = arith.constant 128 : i32
    %add3A_96 = arith.addi %add3A_88, %add3A_95 : i32
    %dma_start3A_97 = arith.constant 1 : i32
    %dma_start3A_98 = tpu.memref_slice %arg2[%add3A_96] : memref<327680xi32, #tpu.memory_space<hbm>> -> memref<128xi32, #tpu.memory_space<hbm>>
    %dma_start3A_99 = tpu.memref_slice %arg15[%dma_start3A_97] : memref<8x!tpu.dma_semaphore, #tpu.memory_space<semaphore_mem>> -> memref<1x!tpu.dma_semaphore, #tpu.memory_space<semaphore_mem>>
    %dma_start3A_100 = tpu.memref_squeeze %dma_start3A_99 : memref<1x!tpu.dma_semaphore, #tpu.memory_space<semaphore_mem>> -> memref<!tpu.dma_semaphore, #tpu.memory_space<semaphore_mem>>
    %dma_start3A_101 = tpu.memref_slice %arg2[%add3A_96] : memref<327680xi32, #tpu.memory_space<hbm>> -> memref<128xi32, #tpu.memory_space<hbm>>
    tpu.enqueue_dma source(%dma_start3A_101 : memref<128xi32, #tpu.memory_space<hbm>>) target(%arg6 : memref<128xi32, #tpu.memory_space<vmem>>) target_semaphore(%dma_start3A_100 : memref<!tpu.dma_semaphore, #tpu.memory_space<semaphore_mem>>)
    %add3A_102 = arith.constant 256 : i32
    %add3A_103 = arith.addi %add3A_88, %add3A_102 : i32
    %dma_start3A_104 = arith.constant 2 : i32
    %dma_start3A_105 = tpu.memref_slice %arg2[%add3A_103] : memref<327680xi32, #tpu.memory_space<hbm>> -> memref<128xi32, #tpu.memory_space<hbm>>
    %dma_start3A_106 = tpu.memref_slice %arg15[%dma_start3A_104] : memref<8x!tpu.dma_semaphore, #tpu.memory_space<semaphore_mem>> -> memref<1x!tpu.dma_semaphore, #tpu.memory_space<semaphore_mem>>
    %dma_start3A_107 = tpu.memref_squeeze %dma_start3A_106 : memref<1x!tpu.dma_semaphore, #tpu.memory_space<semaphore_mem>> -> memref<!tpu.dma_semaphore, #tpu.memory_space<semaphore_mem>>
    %dma_start3A_108 = tpu.memref_slice %arg2[%add3A_103] : memref<327680xi32, #tpu.memory_space<hbm>> -> memref<128xi32, #tpu.memory_space<hbm>>
    tpu.enqueue_dma source(%dma_start3A_108 : memref<128xi32, #tpu.memory_space<hbm>>) target(%arg7 : memref<128xi32, #tpu.memory_space<vmem>>) target_semaphore(%dma_start3A_107 : memref<!tpu.dma_semaphore, #tpu.memory_space<semaphore_mem>>)
    %add3A_109 = arith.constant 384 : i32
    %add3A_110 = arith.addi %add3A_88, %add3A_109 : i32
    %dma_start3A_111 = arith.constant 3 : i32
    %dma_start3A_112 = tpu.memref_slice %arg2[%add3A_110] : memref<327680xi32, #tpu.memory_space<hbm>> -> memref<128xi32, #tpu.memory_space<hbm>>
    %dma_start3A_113 = tpu.memref_slice %arg15[%dma_start3A_111] : memref<8x!tpu.dma_semaphore, #tpu.memory_space<semaphore_mem>> -> memref<1x!tpu.dma_semaphore, #tpu.memory_space<semaphore_mem>>
    %dma_start3A_114 = tpu.memref_squeeze %dma_start3A_113 : memref<1x!tpu.dma_semaphore, #tpu.memory_space<semaphore_mem>> -> memref<!tpu.dma_semaphore, #tpu.memory_space<semaphore_mem>>
    %dma_start3A_115 = tpu.memref_slice %arg2[%add3A_110] : memref<327680xi32, #tpu.memory_space<hbm>> -> memref<128xi32, #tpu.memory_space<hbm>>
    tpu.enqueue_dma source(%dma_start3A_115 : memref<128xi32, #tpu.memory_space<hbm>>) target(%arg8 : memref<128xi32, #tpu.memory_space<vmem>>) target_semaphore(%dma_start3A_114 : memref<!tpu.dma_semaphore, #tpu.memory_space<semaphore_mem>>)
    %add3A_116 = arith.constant 512 : i32
    %add3A_117 = arith.addi %add3A_88, %add3A_116 : i32
    %dma_start3A_118 = arith.constant 4 : i32
    %dma_start3A_119 = tpu.memref_slice %arg2[%add3A_117] : memref<327680xi32, #tpu.memory_space<hbm>> -> memref<128xi32, #tpu.memory_space<hbm>>
    %dma_start3A_120 = tpu.memref_slice %arg15[%dma_start3A_118] : memref<8x!tpu.dma_semaphore, #tpu.memory_space<semaphore_mem>> -> memref<1x!tpu.dma_semaphore, #tpu.memory_space<semaphore_mem>>
    %dma_start3A_121 = tpu.memref_squeeze %dma_start3A_120 : memref<1x!tpu.dma_semaphore, #tpu.memory_space<semaphore_mem>> -> memref<!tpu.dma_semaphore, #tpu.memory_space<semaphore_mem>>
    %dma_start3A_122 = tpu.memref_slice %arg2[%add3A_117] : memref<327680xi32, #tpu.memory_space<hbm>> -> memref<128xi32, #tpu.memory_space<hbm>>
    tpu.enqueue_dma source(%dma_start3A_122 : memref<128xi32, #tpu.memory_space<hbm>>) target(%arg9 : memref<128xi32, #tpu.memory_space<vmem>>) target_semaphore(%dma_start3A_121 : memref<!tpu.dma_semaphore, #tpu.memory_space<semaphore_mem>>)
    %add3A_123 = arith.constant 640 : i32
    %add3A_124 = arith.addi %add3A_88, %add3A_123 : i32
    %dma_start3A_125 = arith.constant 5 : i32
    %dma_start3A_126 = tpu.memref_slice %arg2[%add3A_124] : memref<327680xi32, #tpu.memory_space<hbm>> -> memref<128xi32, #tpu.memory_space<hbm>>
    %dma_start3A_127 = tpu.memref_slice %arg15[%dma_start3A_125] : memref<8x!tpu.dma_semaphore, #tpu.memory_space<semaphore_mem>> -> memref<1x!tpu.dma_semaphore, #tpu.memory_space<semaphore_mem>>
    %dma_start3A_128 = tpu.memref_squeeze %dma_start3A_127 : memref<1x!tpu.dma_semaphore, #tpu.memory_space<semaphore_mem>> -> memref<!tpu.dma_semaphore, #tpu.memory_space<semaphore_mem>>
    %dma_start3A_129 = tpu.memref_slice %arg2[%add3A_124] : memref<327680xi32, #tpu.memory_space<hbm>> -> memref<128xi32, #tpu.memory_space<hbm>>
    tpu.enqueue_dma source(%dma_start3A_129 : memref<128xi32, #tpu.memory_space<hbm>>) target(%arg10 : memref<128xi32, #tpu.memory_space<vmem>>) target_semaphore(%dma_start3A_128 : memref<!tpu.dma_semaphore, #tpu.memory_space<semaphore_mem>>)
    %add3A_130 = arith.constant 768 : i32
    %add3A_131 = arith.addi %add3A_88, %add3A_130 : i32
    %dma_start3A_132 = arith.constant 6 : i32
    %dma_start3A_133 = tpu.memref_slice %arg2[%add3A_131] : memref<327680xi32, #tpu.memory_space<hbm>> -> memref<128xi32, #tpu.memory_space<hbm>>
    %dma_start3A_134 = tpu.memref_slice %arg15[%dma_start3A_132] : memref<8x!tpu.dma_semaphore, #tpu.memory_space<semaphore_mem>> -> memref<1x!tpu.dma_semaphore, #tpu.memory_space<semaphore_mem>>
    %dma_start3A_135 = tpu.memref_squeeze %dma_start3A_134 : memref<1x!tpu.dma_semaphore, #tpu.memory_space<semaphore_mem>> -> memref<!tpu.dma_semaphore, #tpu.memory_space<semaphore_mem>>
    %dma_start3A_136 = tpu.memref_slice %arg2[%add3A_131] : memref<327680xi32, #tpu.memory_space<hbm>> -> memref<128xi32, #tpu.memory_space<hbm>>
    tpu.enqueue_dma source(%dma_start3A_136 : memref<128xi32, #tpu.memory_space<hbm>>) target(%arg11 : memref<128xi32, #tpu.memory_space<vmem>>) target_semaphore(%dma_start3A_135 : memref<!tpu.dma_semaphore, #tpu.memory_space<semaphore_mem>>)
    %add3A_137 = arith.constant 896 : i32
    %add3A_138 = arith.addi %add3A_88, %add3A_137 : i32
    %dma_start3A_139 = arith.constant 7 : i32
    %dma_start3A_140 = tpu.memref_slice %arg2[%add3A_138] : memref<327680xi32, #tpu.memory_space<hbm>> -> memref<128xi32, #tpu.memory_space<hbm>>
    %dma_start3A_141 = tpu.memref_slice %arg15[%dma_start3A_139] : memref<8x!tpu.dma_semaphore, #tpu.memory_space<semaphore_mem>> -> memref<1x!tpu.dma_semaphore, #tpu.memory_space<semaphore_mem>>
    %dma_start3A_142 = tpu.memref_squeeze %dma_start3A_141 : memref<1x!tpu.dma_semaphore, #tpu.memory_space<semaphore_mem>> -> memref<!tpu.dma_semaphore, #tpu.memory_space<semaphore_mem>>
    %dma_start3A_143 = tpu.memref_slice %arg2[%add3A_138] : memref<327680xi32, #tpu.memory_space<hbm>> -> memref<128xi32, #tpu.memory_space<hbm>>
    tpu.enqueue_dma source(%dma_start3A_143 : memref<128xi32, #tpu.memory_space<hbm>>) target(%arg12 : memref<128xi32, #tpu.memory_space<vmem>>) target_semaphore(%dma_start3A_142 : memref<!tpu.dma_semaphore, #tpu.memory_space<semaphore_mem>>)
    %scan3A = arith.constant 0 : i32
    %scan3A_144 = arith.constant 0 : i32
    %scan3A_145 = arith.constant 9 : i32
    %scan3A_146 = arith.addi %scan3A_144, %scan3A_145 : i32
    %scan3A_147 = arith.constant 1 : i32
    scf.for %scan3A_271 = %scan3A_144 to %scan3A_146 step %scan3A_147  : i32 {
      %dma_wait3A_272 = arith.constant 0 : i32
      %dma_wait3A_273 = tpu.memref_slice %arg2[%add3A_88] : memref<327680xi32, #tpu.memory_space<hbm>> -> memref<128xi32, #tpu.memory_space<hbm>>
      %dma_wait3A_274 = tpu.memref_slice %arg15[%dma_wait3A_272] : memref<8x!tpu.dma_semaphore, #tpu.memory_space<semaphore_mem>> -> memref<1x!tpu.dma_semaphore, #tpu.memory_space<semaphore_mem>>
      %dma_wait3A_275 = tpu.memref_squeeze %dma_wait3A_274 : memref<1x!tpu.dma_semaphore, #tpu.memory_space<semaphore_mem>> -> memref<!tpu.dma_semaphore, #tpu.memory_space<semaphore_mem>>
      %dma_wait3A_276 = tpu.memref_slice %arg2[%add3A_88] : memref<327680xi32, #tpu.memory_space<hbm>> -> memref<128xi32, #tpu.memory_space<hbm>>
      tpu.wait_dma2 semaphore(%dma_wait3A_275 : memref<!tpu.dma_semaphore, #tpu.memory_space<semaphore_mem>>) src(%dma_wait3A_276 : memref<128xi32, #tpu.memory_space<hbm>>) dst(%arg5 : memref<128xi32, #tpu.memory_space<vmem>>)
      %dma_start3A_277 = arith.constant 0 : i32
      %dma_start3A_278 = arith.constant 0 : i32
      %dma_start3A_279 = tpu.memref_slice %arg4[%dma_start3A_278] : memref<10240xf32, #tpu.memory_space<vmem_shared>> -> memref<10240xf32, #tpu.memory_space<vmem_shared>>
      %dma_start3A_280 = tpu.memref_slice %arg16[%dma_start3A_277] : memref<8x!tpu.dma_semaphore, #tpu.memory_space<semaphore_mem>> -> memref<1x!tpu.dma_semaphore, #tpu.memory_space<semaphore_mem>>
      %dma_start3A_281 = tpu.memref_squeeze %dma_start3A_280 : memref<1x!tpu.dma_semaphore, #tpu.memory_space<semaphore_mem>> -> memref<!tpu.dma_semaphore, #tpu.memory_space<semaphore_mem>>
      tpu.enqueue_indirect_dma source(%arg13 : memref<128xf32, #tpu.memory_space<vmem>>) target(%dma_start3A_279 : memref<10240xf32, #tpu.memory_space<vmem_shared>>) offsets(%arg5 : memref<128xi32, #tpu.memory_space<vmem>>) semaphore(%dma_start3A_281 : memref<!tpu.dma_semaphore, #tpu.memory_space<semaphore_mem>>) {add = true}
      %dma_wait3A_282 = arith.constant 1 : i32
      %dma_wait3A_283 = tpu.memref_slice %arg2[%add3A_88] : memref<327680xi32, #tpu.memory_space<hbm>> -> memref<128xi32, #tpu.memory_space<hbm>>
      %dma_wait3A_284 = tpu.memref_slice %arg15[%dma_wait3A_282] : memref<8x!tpu.dma_semaphore, #tpu.memory_space<semaphore_mem>> -> memref<1x!tpu.dma_semaphore, #tpu.memory_space<semaphore_mem>>
      %dma_wait3A_285 = tpu.memref_squeeze %dma_wait3A_284 : memref<1x!tpu.dma_semaphore, #tpu.memory_space<semaphore_mem>> -> memref<!tpu.dma_semaphore, #tpu.memory_space<semaphore_mem>>
      %dma_wait3A_286 = tpu.memref_slice %arg2[%add3A_88] : memref<327680xi32, #tpu.memory_space<hbm>> -> memref<128xi32, #tpu.memory_space<hbm>>
      tpu.wait_dma2 semaphore(%dma_wait3A_285 : memref<!tpu.dma_semaphore, #tpu.memory_space<semaphore_mem>>) src(%dma_wait3A_286 : memref<128xi32, #tpu.memory_space<hbm>>) dst(%arg6 : memref<128xi32, #tpu.memory_space<vmem>>)
      %dma_start3A_287 = arith.constant 1 : i32
      %dma_start3A_288 = arith.constant 0 : i32
      %dma_start3A_289 = tpu.memref_slice %arg4[%dma_start3A_288] : memref<10240xf32, #tpu.memory_space<vmem_shared>> -> memref<10240xf32, #tpu.memory_space<vmem_shared>>
      %dma_start3A_290 = tpu.memref_slice %arg16[%dma_start3A_287] : memref<8x!tpu.dma_semaphore, #tpu.memory_space<semaphore_mem>> -> memref<1x!tpu.dma_semaphore, #tpu.memory_space<semaphore_mem>>
      %dma_start3A_291 = tpu.memref_squeeze %dma_start3A_290 : memref<1x!tpu.dma_semaphore, #tpu.memory_space<semaphore_mem>> -> memref<!tpu.dma_semaphore, #tpu.memory_space<semaphore_mem>>
      tpu.enqueue_indirect_dma source(%arg13 : memref<128xf32, #tpu.memory_space<vmem>>) target(%dma_start3A_289 : memref<10240xf32, #tpu.memory_space<vmem_shared>>) offsets(%arg6 : memref<128xi32, #tpu.memory_space<vmem>>) semaphore(%dma_start3A_291 : memref<!tpu.dma_semaphore, #tpu.memory_space<semaphore_mem>>) {add = true}
      %dma_wait3A_292 = arith.constant 2 : i32
      %dma_wait3A_293 = tpu.memref_slice %arg2[%add3A_88] : memref<327680xi32, #tpu.memory_space<hbm>> -> memref<128xi32, #tpu.memory_space<hbm>>
      %dma_wait3A_294 = tpu.memref_slice %arg15[%dma_wait3A_292] : memref<8x!tpu.dma_semaphore, #tpu.memory_space<semaphore_mem>> -> memref<1x!tpu.dma_semaphore, #tpu.memory_space<semaphore_mem>>
      %dma_wait3A_295 = tpu.memref_squeeze %dma_wait3A_294 : memref<1x!tpu.dma_semaphore, #tpu.memory_space<semaphore_mem>> -> memref<!tpu.dma_semaphore, #tpu.memory_space<semaphore_mem>>
      %dma_wait3A_296 = tpu.memref_slice %arg2[%add3A_88] : memref<327680xi32, #tpu.memory_space<hbm>> -> memref<128xi32, #tpu.memory_space<hbm>>
      tpu.wait_dma2 semaphore(%dma_wait3A_295 : memref<!tpu.dma_semaphore, #tpu.memory_space<semaphore_mem>>) src(%dma_wait3A_296 : memref<128xi32, #tpu.memory_space<hbm>>) dst(%arg7 : memref<128xi32, #tpu.memory_space<vmem>>)
      %dma_start3A_297 = arith.constant 2 : i32
      %dma_start3A_298 = arith.constant 0 : i32
      %dma_start3A_299 = tpu.memref_slice %arg4[%dma_start3A_298] : memref<10240xf32, #tpu.memory_space<vmem_shared>> -> memref<10240xf32, #tpu.memory_space<vmem_shared>>
      %dma_start3A_300 = tpu.memref_slice %arg16[%dma_start3A_297] : memref<8x!tpu.dma_semaphore, #tpu.memory_space<semaphore_mem>> -> memref<1x!tpu.dma_semaphore, #tpu.memory_space<semaphore_mem>>
      %dma_start3A_301 = tpu.memref_squeeze %dma_start3A_300 : memref<1x!tpu.dma_semaphore, #tpu.memory_space<semaphore_mem>> -> memref<!tpu.dma_semaphore, #tpu.memory_space<semaphore_mem>>
      tpu.enqueue_indirect_dma source(%arg13 : memref<128xf32, #tpu.memory_space<vmem>>) target(%dma_start3A_299 : memref<10240xf32, #tpu.memory_space<vmem_shared>>) offsets(%arg7 : memref<128xi32, #tpu.memory_space<vmem>>) semaphore(%dma_start3A_301 : memref<!tpu.dma_semaphore, #tpu.memory_space<semaphore_mem>>) {add = true}
      %dma_wait3A_302 = arith.constant 3 : i32
      %dma_wait3A_303 = tpu.memref_slice %arg2[%add3A_88] : memref<327680xi32, #tpu.memory_space<hbm>> -> memref<128xi32, #tpu.memory_space<hbm>>
      %dma_wait3A_304 = tpu.memref_slice %arg15[%dma_wait3A_302] : memref<8x!tpu.dma_semaphore, #tpu.memory_space<semaphore_mem>> -> memref<1x!tpu.dma_semaphore, #tpu.memory_space<semaphore_mem>>
      %dma_wait3A_305 = tpu.memref_squeeze %dma_wait3A_304 : memref<1x!tpu.dma_semaphore, #tpu.memory_space<semaphore_mem>> -> memref<!tpu.dma_semaphore, #tpu.memory_space<semaphore_mem>>
      %dma_wait3A_306 = tpu.memref_slice %arg2[%add3A_88] : memref<327680xi32, #tpu.memory_space<hbm>> -> memref<128xi32, #tpu.memory_space<hbm>>
      tpu.wait_dma2 semaphore(%dma_wait3A_305 : memref<!tpu.dma_semaphore, #tpu.memory_space<semaphore_mem>>) src(%dma_wait3A_306 : memref<128xi32, #tpu.memory_space<hbm>>) dst(%arg8 : memref<128xi32, #tpu.memory_space<vmem>>)
      %dma_start3A_307 = arith.constant 3 : i32
      %dma_start3A_308 = arith.constant 0 : i32
      %dma_start3A_309 = tpu.memref_slice %arg4[%dma_start3A_308] : memref<10240xf32, #tpu.memory_space<vmem_shared>> -> memref<10240xf32, #tpu.memory_space<vmem_shared>>
      %dma_start3A_310 = tpu.memref_slice %arg16[%dma_start3A_307] : memref<8x!tpu.dma_semaphore, #tpu.memory_space<semaphore_mem>> -> memref<1x!tpu.dma_semaphore, #tpu.memory_space<semaphore_mem>>
      %dma_start3A_311 = tpu.memref_squeeze %dma_start3A_310 : memref<1x!tpu.dma_semaphore, #tpu.memory_space<semaphore_mem>> -> memref<!tpu.dma_semaphore, #tpu.memory_space<semaphore_mem>>
      tpu.enqueue_indirect_dma source(%arg13 : memref<128xf32, #tpu.memory_space<vmem>>) target(%dma_start3A_309 : memref<10240xf32, #tpu.memory_space<vmem_shared>>) offsets(%arg8 : memref<128xi32, #tpu.memory_space<vmem>>) semaphore(%dma_start3A_311 : memref<!tpu.dma_semaphore, #tpu.memory_space<semaphore_mem>>) {add = true}
      %dma_wait3A_312 = arith.constant 4 : i32
      %dma_wait3A_313 = tpu.memref_slice %arg2[%add3A_88] : memref<327680xi32, #tpu.memory_space<hbm>> -> memref<128xi32, #tpu.memory_space<hbm>>
      %dma_wait3A_314 = tpu.memref_slice %arg15[%dma_wait3A_312] : memref<8x!tpu.dma_semaphore, #tpu.memory_space<semaphore_mem>> -> memref<1x!tpu.dma_semaphore, #tpu.memory_space<semaphore_mem>>
      %dma_wait3A_315 = tpu.memref_squeeze %dma_wait3A_314 : memref<1x!tpu.dma_semaphore, #tpu.memory_space<semaphore_mem>> -> memref<!tpu.dma_semaphore, #tpu.memory_space<semaphore_mem>>
      %dma_wait3A_316 = tpu.memref_slice %arg2[%add3A_88] : memref<327680xi32, #tpu.memory_space<hbm>> -> memref<128xi32, #tpu.memory_space<hbm>>
      tpu.wait_dma2 semaphore(%dma_wait3A_315 : memref<!tpu.dma_semaphore, #tpu.memory_space<semaphore_mem>>) src(%dma_wait3A_316 : memref<128xi32, #tpu.memory_space<hbm>>) dst(%arg9 : memref<128xi32, #tpu.memory_space<vmem>>)
      %dma_start3A_317 = arith.constant 4 : i32
      %dma_start3A_318 = arith.constant 0 : i32
      %dma_start3A_319 = tpu.memref_slice %arg4[%dma_start3A_318] : memref<10240xf32, #tpu.memory_space<vmem_shared>> -> memref<10240xf32, #tpu.memory_space<vmem_shared>>
      %dma_start3A_320 = tpu.memref_slice %arg16[%dma_start3A_317] : memref<8x!tpu.dma_semaphore, #tpu.memory_space<semaphore_mem>> -> memref<1x!tpu.dma_semaphore, #tpu.memory_space<semaphore_mem>>
      %dma_start3A_321 = tpu.memref_squeeze %dma_start3A_320 : memref<1x!tpu.dma_semaphore, #tpu.memory_space<semaphore_mem>> -> memref<!tpu.dma_semaphore, #tpu.memory_space<semaphore_mem>>
      tpu.enqueue_indirect_dma source(%arg13 : memref<128xf32, #tpu.memory_space<vmem>>) target(%dma_start3A_319 : memref<10240xf32, #tpu.memory_space<vmem_shared>>) offsets(%arg9 : memref<128xi32, #tpu.memory_space<vmem>>) semaphore(%dma_start3A_321 : memref<!tpu.dma_semaphore, #tpu.memory_space<semaphore_mem>>) {add = true}
      %dma_wait3A_322 = arith.constant 5 : i32
      %dma_wait3A_323 = tpu.memref_slice %arg2[%add3A_88] : memref<327680xi32, #tpu.memory_space<hbm>> -> memref<128xi32, #tpu.memory_space<hbm>>
      %dma_wait3A_324 = tpu.memref_slice %arg15[%dma_wait3A_322] : memref<8x!tpu.dma_semaphore, #tpu.memory_space<semaphore_mem>> -> memref<1x!tpu.dma_semaphore, #tpu.memory_space<semaphore_mem>>
      %dma_wait3A_325 = tpu.memref_squeeze %dma_wait3A_324 : memref<1x!tpu.dma_semaphore, #tpu.memory_space<semaphore_mem>> -> memref<!tpu.dma_semaphore, #tpu.memory_space<semaphore_mem>>
      %dma_wait3A_326 = tpu.memref_slice %arg2[%add3A_88] : memref<327680xi32, #tpu.memory_space<hbm>> -> memref<128xi32, #tpu.memory_space<hbm>>
      tpu.wait_dma2 semaphore(%dma_wait3A_325 : memref<!tpu.dma_semaphore, #tpu.memory_space<semaphore_mem>>) src(%dma_wait3A_326 : memref<128xi32, #tpu.memory_space<hbm>>) dst(%arg10 : memref<128xi32, #tpu.memory_space<vmem>>)
      %dma_start3A_327 = arith.constant 5 : i32
      %dma_start3A_328 = arith.constant 0 : i32
      %dma_start3A_329 = tpu.memref_slice %arg4[%dma_start3A_328] : memref<10240xf32, #tpu.memory_space<vmem_shared>> -> memref<10240xf32, #tpu.memory_space<vmem_shared>>
      %dma_start3A_330 = tpu.memref_slice %arg16[%dma_start3A_327] : memref<8x!tpu.dma_semaphore, #tpu.memory_space<semaphore_mem>> -> memref<1x!tpu.dma_semaphore, #tpu.memory_space<semaphore_mem>>
      %dma_start3A_331 = tpu.memref_squeeze %dma_start3A_330 : memref<1x!tpu.dma_semaphore, #tpu.memory_space<semaphore_mem>> -> memref<!tpu.dma_semaphore, #tpu.memory_space<semaphore_mem>>
      tpu.enqueue_indirect_dma source(%arg13 : memref<128xf32, #tpu.memory_space<vmem>>) target(%dma_start3A_329 : memref<10240xf32, #tpu.memory_space<vmem_shared>>) offsets(%arg10 : memref<128xi32, #tpu.memory_space<vmem>>) semaphore(%dma_start3A_331 : memref<!tpu.dma_semaphore, #tpu.memory_space<semaphore_mem>>) {add = true}
      %dma_wait3A_332 = arith.constant 6 : i32
      %dma_wait3A_333 = tpu.memref_slice %arg2[%add3A_88] : memref<327680xi32, #tpu.memory_space<hbm>> -> memref<128xi32, #tpu.memory_space<hbm>>
      %dma_wait3A_334 = tpu.memref_slice %arg15[%dma_wait3A_332] : memref<8x!tpu.dma_semaphore, #tpu.memory_space<semaphore_mem>> -> memref<1x!tpu.dma_semaphore, #tpu.memory_space<semaphore_mem>>
      %dma_wait3A_335 = tpu.memref_squeeze %dma_wait3A_334 : memref<1x!tpu.dma_semaphore, #tpu.memory_space<semaphore_mem>> -> memref<!tpu.dma_semaphore, #tpu.memory_space<semaphore_mem>>
      %dma_wait3A_336 = tpu.memref_slice %arg2[%add3A_88] : memref<327680xi32, #tpu.memory_space<hbm>> -> memref<128xi32, #tpu.memory_space<hbm>>
      tpu.wait_dma2 semaphore(%dma_wait3A_335 : memref<!tpu.dma_semaphore, #tpu.memory_space<semaphore_mem>>) src(%dma_wait3A_336 : memref<128xi32, #tpu.memory_space<hbm>>) dst(%arg11 : memref<128xi32, #tpu.memory_space<vmem>>)
      %dma_start3A_337 = arith.constant 6 : i32
      %dma_start3A_338 = arith.constant 0 : i32
      %dma_start3A_339 = tpu.memref_slice %arg4[%dma_start3A_338] : memref<10240xf32, #tpu.memory_space<vmem_shared>> -> memref<10240xf32, #tpu.memory_space<vmem_shared>>
      %dma_start3A_340 = tpu.memref_slice %arg16[%dma_start3A_337] : memref<8x!tpu.dma_semaphore, #tpu.memory_space<semaphore_mem>> -> memref<1x!tpu.dma_semaphore, #tpu.memory_space<semaphore_mem>>
      %dma_start3A_341 = tpu.memref_squeeze %dma_start3A_340 : memref<1x!tpu.dma_semaphore, #tpu.memory_space<semaphore_mem>> -> memref<!tpu.dma_semaphore, #tpu.memory_space<semaphore_mem>>
      tpu.enqueue_indirect_dma source(%arg13 : memref<128xf32, #tpu.memory_space<vmem>>) target(%dma_start3A_339 : memref<10240xf32, #tpu.memory_space<vmem_shared>>) offsets(%arg11 : memref<128xi32, #tpu.memory_space<vmem>>) semaphore(%dma_start3A_341 : memref<!tpu.dma_semaphore, #tpu.memory_space<semaphore_mem>>) {add = true}
      %dma_wait3A_342 = arith.constant 7 : i32
      %dma_wait3A_343 = tpu.memref_slice %arg2[%add3A_88] : memref<327680xi32, #tpu.memory_space<hbm>> -> memref<128xi32, #tpu.memory_space<hbm>>
      %dma_wait3A_344 = tpu.memref_slice %arg15[%dma_wait3A_342] : memref<8x!tpu.dma_semaphore, #tpu.memory_space<semaphore_mem>> -> memref<1x!tpu.dma_semaphore, #tpu.memory_space<semaphore_mem>>
      %dma_wait3A_345 = tpu.memref_squeeze %dma_wait3A_344 : memref<1x!tpu.dma_semaphore, #tpu.memory_space<semaphore_mem>> -> memref<!tpu.dma_semaphore, #tpu.memory_space<semaphore_mem>>
      %dma_wait3A_346 = tpu.memref_slice %arg2[%add3A_88] : memref<327680xi32, #tpu.memory_space<hbm>> -> memref<128xi32, #tpu.memory_space<hbm>>
      tpu.wait_dma2 semaphore(%dma_wait3A_345 : memref<!tpu.dma_semaphore, #tpu.memory_space<semaphore_mem>>) src(%dma_wait3A_346 : memref<128xi32, #tpu.memory_space<hbm>>) dst(%arg12 : memref<128xi32, #tpu.memory_space<vmem>>)
      %dma_start3A_347 = arith.constant 7 : i32
      %dma_start3A_348 = arith.constant 0 : i32
      %dma_start3A_349 = tpu.memref_slice %arg4[%dma_start3A_348] : memref<10240xf32, #tpu.memory_space<vmem_shared>> -> memref<10240xf32, #tpu.memory_space<vmem_shared>>
      %dma_start3A_350 = tpu.memref_slice %arg16[%dma_start3A_347] : memref<8x!tpu.dma_semaphore, #tpu.memory_space<semaphore_mem>> -> memref<1x!tpu.dma_semaphore, #tpu.memory_space<semaphore_mem>>
      %dma_start3A_351 = tpu.memref_squeeze %dma_start3A_350 : memref<1x!tpu.dma_semaphore, #tpu.memory_space<semaphore_mem>> -> memref<!tpu.dma_semaphore, #tpu.memory_space<semaphore_mem>>
      tpu.enqueue_indirect_dma source(%arg13 : memref<128xf32, #tpu.memory_space<vmem>>) target(%dma_start3A_349 : memref<10240xf32, #tpu.memory_space<vmem_shared>>) offsets(%arg12 : memref<128xi32, #tpu.memory_space<vmem>>) semaphore(%dma_start3A_351 : memref<!tpu.dma_semaphore, #tpu.memory_space<semaphore_mem>>) {add = true}
      %dma_wait3A_352 = arith.constant 0 : i32
      %dma_wait3A_353 = arith.constant 0 : i32
      %dma_wait3A_354 = tpu.memref_slice %arg4[%dma_wait3A_353] : memref<10240xf32, #tpu.memory_space<vmem_shared>> -> memref<10240xf32, #tpu.memory_space<vmem_shared>>
      %dma_wait3A_355 = tpu.memref_slice %arg16[%dma_wait3A_352] : memref<8x!tpu.dma_semaphore, #tpu.memory_space<semaphore_mem>> -> memref<1x!tpu.dma_semaphore, #tpu.memory_space<semaphore_mem>>
      %dma_wait3A_356 = tpu.memref_squeeze %dma_wait3A_355 : memref<1x!tpu.dma_semaphore, #tpu.memory_space<semaphore_mem>> -> memref<!tpu.dma_semaphore, #tpu.memory_space<semaphore_mem>>
      tpu.wait_indirect_dma semaphore(%dma_wait3A_356 : memref<!tpu.dma_semaphore, #tpu.memory_space<semaphore_mem>>) src(%arg13 : memref<128xf32, #tpu.memory_space<vmem>>) dst(%dma_wait3A_354 : memref<10240xf32, #tpu.memory_space<vmem_shared>>)
      %add3A_357 = arith.constant 1 : i32
      %add3A_358 = arith.addi %scan3A_271, %add3A_357 : i32
      %mul3A_359 = arith.constant 8 : i32
      %mul3A_360 = arith.muli %add3A_358, %mul3A_359 : i32
      %add3A_361 = arith.constant 0 : i32
      %add3A_362 = arith.addi %mul3A_360, %add3A_361 : i32
      %mul3A_363 = arith.constant 128 : i32
      %mul3A_364 = arith.muli %add3A_362, %mul3A_363 : i32
      %add3A_365 = arith.addi %add3A_88, %mul3A_364 : i32
      %dma_start3A_366 = arith.constant 0 : i32
      %dma_start3A_367 = tpu.memref_slice %arg2[%add3A_365] : memref<327680xi32, #tpu.memory_space<hbm>> -> memref<128xi32, #tpu.memory_space<hbm>>
      %dma_start3A_368 = tpu.memref_slice %arg15[%dma_start3A_366] : memref<8x!tpu.dma_semaphore, #tpu.memory_space<semaphore_mem>> -> memref<1x!tpu.dma_semaphore, #tpu.memory_space<semaphore_mem>>
      %dma_start3A_369 = tpu.memref_squeeze %dma_start3A_368 : memref<1x!tpu.dma_semaphore, #tpu.memory_space<semaphore_mem>> -> memref<!tpu.dma_semaphore, #tpu.memory_space<semaphore_mem>>
      %dma_start3A_370 = tpu.memref_slice %arg2[%add3A_365] : memref<327680xi32, #tpu.memory_space<hbm>> -> memref<128xi32, #tpu.memory_space<hbm>>
      tpu.enqueue_dma source(%dma_start3A_370 : memref<128xi32, #tpu.memory_space<hbm>>) target(%arg5 : memref<128xi32, #tpu.memory_space<vmem>>) target_semaphore(%dma_start3A_369 : memref<!tpu.dma_semaphore, #tpu.memory_space<semaphore_mem>>)
      %dma_wait3A_371 = arith.constant 1 : i32
      %dma_wait3A_372 = arith.constant 0 : i32
      %dma_wait3A_373 = tpu.memref_slice %arg4[%dma_wait3A_372] : memref<10240xf32, #tpu.memory_space<vmem_shared>> -> memref<10240xf32, #tpu.memory_space<vmem_shared>>
      %dma_wait3A_374 = tpu.memref_slice %arg16[%dma_wait3A_371] : memref<8x!tpu.dma_semaphore, #tpu.memory_space<semaphore_mem>> -> memref<1x!tpu.dma_semaphore, #tpu.memory_space<semaphore_mem>>
      %dma_wait3A_375 = tpu.memref_squeeze %dma_wait3A_374 : memref<1x!tpu.dma_semaphore, #tpu.memory_space<semaphore_mem>> -> memref<!tpu.dma_semaphore, #tpu.memory_space<semaphore_mem>>
      tpu.wait_indirect_dma semaphore(%dma_wait3A_375 : memref<!tpu.dma_semaphore, #tpu.memory_space<semaphore_mem>>) src(%arg13 : memref<128xf32, #tpu.memory_space<vmem>>) dst(%dma_wait3A_373 : memref<10240xf32, #tpu.memory_space<vmem_shared>>)
      %add3A_376 = arith.constant 1 : i32
      %add3A_377 = arith.addi %scan3A_271, %add3A_376 : i32
      %mul3A_378 = arith.constant 8 : i32
      %mul3A_379 = arith.muli %add3A_377, %mul3A_378 : i32
      %add3A_380 = arith.constant 1 : i32
      %add3A_381 = arith.addi %mul3A_379, %add3A_380 : i32
      %mul3A_382 = arith.constant 128 : i32
      %mul3A_383 = arith.muli %add3A_381, %mul3A_382 : i32
      %add3A_384 = arith.addi %add3A_88, %mul3A_383 : i32
      %dma_start3A_385 = arith.constant 1 : i32
      %dma_start3A_386 = tpu.memref_slice %arg2[%add3A_384] : memref<327680xi32, #tpu.memory_space<hbm>> -> memref<128xi32, #tpu.memory_space<hbm>>
      %dma_start3A_387 = tpu.memref_slice %arg15[%dma_start3A_385] : memref<8x!tpu.dma_semaphore, #tpu.memory_space<semaphore_mem>> -> memref<1x!tpu.dma_semaphore, #tpu.memory_space<semaphore_mem>>
      %dma_start3A_388 = tpu.memref_squeeze %dma_start3A_387 : memref<1x!tpu.dma_semaphore, #tpu.memory_space<semaphore_mem>> -> memref<!tpu.dma_semaphore, #tpu.memory_space<semaphore_mem>>
      %dma_start3A_389 = tpu.memref_slice %arg2[%add3A_384] : memref<327680xi32, #tpu.memory_space<hbm>> -> memref<128xi32, #tpu.memory_space<hbm>>
      tpu.enqueue_dma source(%dma_start3A_389 : memref<128xi32, #tpu.memory_space<hbm>>) target(%arg6 : memref<128xi32, #tpu.memory_space<vmem>>) target_semaphore(%dma_start3A_388 : memref<!tpu.dma_semaphore, #tpu.memory_space<semaphore_mem>>)
      %dma_wait3A_390 = arith.constant 2 : i32
      %dma_wait3A_391 = arith.constant 0 : i32
      %dma_wait3A_392 = tpu.memref_slice %arg4[%dma_wait3A_391] : memref<10240xf32, #tpu.memory_space<vmem_shared>> -> memref<10240xf32, #tpu.memory_space<vmem_shared>>
      %dma_wait3A_393 = tpu.memref_slice %arg16[%dma_wait3A_390] : memref<8x!tpu.dma_semaphore, #tpu.memory_space<semaphore_mem>> -> memref<1x!tpu.dma_semaphore, #tpu.memory_space<semaphore_mem>>
      %dma_wait3A_394 = tpu.memref_squeeze %dma_wait3A_393 : memref<1x!tpu.dma_semaphore, #tpu.memory_space<semaphore_mem>> -> memref<!tpu.dma_semaphore, #tpu.memory_space<semaphore_mem>>
      tpu.wait_indirect_dma semaphore(%dma_wait3A_394 : memref<!tpu.dma_semaphore, #tpu.memory_space<semaphore_mem>>) src(%arg13 : memref<128xf32, #tpu.memory_space<vmem>>) dst(%dma_wait3A_392 : memref<10240xf32, #tpu.memory_space<vmem_shared>>)
      %add3A_395 = arith.constant 1 : i32
      %add3A_396 = arith.addi %scan3A_271, %add3A_395 : i32
      %mul3A_397 = arith.constant 8 : i32
      %mul3A_398 = arith.muli %add3A_396, %mul3A_397 : i32
      %add3A_399 = arith.constant 2 : i32
      %add3A_400 = arith.addi %mul3A_398, %add3A_399 : i32
      %mul3A_401 = arith.constant 128 : i32
      %mul3A_402 = arith.muli %add3A_400, %mul3A_401 : i32
      %add3A_403 = arith.addi %add3A_88, %mul3A_402 : i32
      %dma_start3A_404 = arith.constant 2 : i32
      %dma_start3A_405 = tpu.memref_slice %arg2[%add3A_403] : memref<327680xi32, #tpu.memory_space<hbm>> -> memref<128xi32, #tpu.memory_space<hbm>>
      %dma_start3A_406 = tpu.memref_slice %arg15[%dma_start3A_404] : memref<8x!tpu.dma_semaphore, #tpu.memory_space<semaphore_mem>> -> memref<1x!tpu.dma_semaphore, #tpu.memory_space<semaphore_mem>>
      %dma_start3A_407 = tpu.memref_squeeze %dma_start3A_406 : memref<1x!tpu.dma_semaphore, #tpu.memory_space<semaphore_mem>> -> memref<!tpu.dma_semaphore, #tpu.memory_space<semaphore_mem>>
      %dma_start3A_408 = tpu.memref_slice %arg2[%add3A_403] : memref<327680xi32, #tpu.memory_space<hbm>> -> memref<128xi32, #tpu.memory_space<hbm>>
      tpu.enqueue_dma source(%dma_start3A_408 : memref<128xi32, #tpu.memory_space<hbm>>) target(%arg7 : memref<128xi32, #tpu.memory_space<vmem>>) target_semaphore(%dma_start3A_407 : memref<!tpu.dma_semaphore, #tpu.memory_space<semaphore_mem>>)
      %dma_wait3A_409 = arith.constant 3 : i32
      %dma_wait3A_410 = arith.constant 0 : i32
      %dma_wait3A_411 = tpu.memref_slice %arg4[%dma_wait3A_410] : memref<10240xf32, #tpu.memory_space<vmem_shared>> -> memref<10240xf32, #tpu.memory_space<vmem_shared>>
      %dma_wait3A_412 = tpu.memref_slice %arg16[%dma_wait3A_409] : memref<8x!tpu.dma_semaphore, #tpu.memory_space<semaphore_mem>> -> memref<1x!tpu.dma_semaphore, #tpu.memory_space<semaphore_mem>>
      %dma_wait3A_413 = tpu.memref_squeeze %dma_wait3A_412 : memref<1x!tpu.dma_semaphore, #tpu.memory_space<semaphore_mem>> -> memref<!tpu.dma_semaphore, #tpu.memory_space<semaphore_mem>>
      tpu.wait_indirect_dma semaphore(%dma_wait3A_413 : memref<!tpu.dma_semaphore, #tpu.memory_space<semaphore_mem>>) src(%arg13 : memref<128xf32, #tpu.memory_space<vmem>>) dst(%dma_wait3A_411 : memref<10240xf32, #tpu.memory_space<vmem_shared>>)
      %add3A_414 = arith.constant 1 : i32
      %add3A_415 = arith.addi %scan3A_271, %add3A_414 : i32
      %mul3A_416 = arith.constant 8 : i32
      %mul3A_417 = arith.muli %add3A_415, %mul3A_416 : i32
      %add3A_418 = arith.constant 3 : i32
      %add3A_419 = arith.addi %mul3A_417, %add3A_418 : i32
      %mul3A_420 = arith.constant 128 : i32
      %mul3A_421 = arith.muli %add3A_419, %mul3A_420 : i32
      %add3A_422 = arith.addi %add3A_88, %mul3A_421 : i32
      %dma_start3A_423 = arith.constant 3 : i32
      %dma_start3A_424 = tpu.memref_slice %arg2[%add3A_422] : memref<327680xi32, #tpu.memory_space<hbm>> -> memref<128xi32, #tpu.memory_space<hbm>>
      %dma_start3A_425 = tpu.memref_slice %arg15[%dma_start3A_423] : memref<8x!tpu.dma_semaphore, #tpu.memory_space<semaphore_mem>> -> memref<1x!tpu.dma_semaphore, #tpu.memory_space<semaphore_mem>>
      %dma_start3A_426 = tpu.memref_squeeze %dma_start3A_425 : memref<1x!tpu.dma_semaphore, #tpu.memory_space<semaphore_mem>> -> memref<!tpu.dma_semaphore, #tpu.memory_space<semaphore_mem>>
      %dma_start3A_427 = tpu.memref_slice %arg2[%add3A_422] : memref<327680xi32, #tpu.memory_space<hbm>> -> memref<128xi32, #tpu.memory_space<hbm>>
      tpu.enqueue_dma source(%dma_start3A_427 : memref<128xi32, #tpu.memory_space<hbm>>) target(%arg8 : memref<128xi32, #tpu.memory_space<vmem>>) target_semaphore(%dma_start3A_426 : memref<!tpu.dma_semaphore, #tpu.memory_space<semaphore_mem>>)
      %dma_wait3A_428 = arith.constant 4 : i32
      %dma_wait3A_429 = arith.constant 0 : i32
      %dma_wait3A_430 = tpu.memref_slice %arg4[%dma_wait3A_429] : memref<10240xf32, #tpu.memory_space<vmem_shared>> -> memref<10240xf32, #tpu.memory_space<vmem_shared>>
      %dma_wait3A_431 = tpu.memref_slice %arg16[%dma_wait3A_428] : memref<8x!tpu.dma_semaphore, #tpu.memory_space<semaphore_mem>> -> memref<1x!tpu.dma_semaphore, #tpu.memory_space<semaphore_mem>>
      %dma_wait3A_432 = tpu.memref_squeeze %dma_wait3A_431 : memref<1x!tpu.dma_semaphore, #tpu.memory_space<semaphore_mem>> -> memref<!tpu.dma_semaphore, #tpu.memory_space<semaphore_mem>>
      tpu.wait_indirect_dma semaphore(%dma_wait3A_432 : memref<!tpu.dma_semaphore, #tpu.memory_space<semaphore_mem>>) src(%arg13 : memref<128xf32, #tpu.memory_space<vmem>>) dst(%dma_wait3A_430 : memref<10240xf32, #tpu.memory_space<vmem_shared>>)
      %add3A_433 = arith.constant 1 : i32
      %add3A_434 = arith.addi %scan3A_271, %add3A_433 : i32
      %mul3A_435 = arith.constant 8 : i32
      %mul3A_436 = arith.muli %add3A_434, %mul3A_435 : i32
      %add3A_437 = arith.constant 4 : i32
      %add3A_438 = arith.addi %mul3A_436, %add3A_437 : i32
      %mul3A_439 = arith.constant 128 : i32
      %mul3A_440 = arith.muli %add3A_438, %mul3A_439 : i32
      %add3A_441 = arith.addi %add3A_88, %mul3A_440 : i32
      %dma_start3A_442 = arith.constant 4 : i32
      %dma_start3A_443 = tpu.memref_slice %arg2[%add3A_441] : memref<327680xi32, #tpu.memory_space<hbm>> -> memref<128xi32, #tpu.memory_space<hbm>>
      %dma_start3A_444 = tpu.memref_slice %arg15[%dma_start3A_442] : memref<8x!tpu.dma_semaphore, #tpu.memory_space<semaphore_mem>> -> memref<1x!tpu.dma_semaphore, #tpu.memory_space<semaphore_mem>>
      %dma_start3A_445 = tpu.memref_squeeze %dma_start3A_444 : memref<1x!tpu.dma_semaphore, #tpu.memory_space<semaphore_mem>> -> memref<!tpu.dma_semaphore, #tpu.memory_space<semaphore_mem>>
      %dma_start3A_446 = tpu.memref_slice %arg2[%add3A_441] : memref<327680xi32, #tpu.memory_space<hbm>> -> memref<128xi32, #tpu.memory_space<hbm>>
      tpu.enqueue_dma source(%dma_start3A_446 : memref<128xi32, #tpu.memory_space<hbm>>) target(%arg9 : memref<128xi32, #tpu.memory_space<vmem>>) target_semaphore(%dma_start3A_445 : memref<!tpu.dma_semaphore, #tpu.memory_space<semaphore_mem>>)
      %dma_wait3A_447 = arith.constant 5 : i32
      %dma_wait3A_448 = arith.constant 0 : i32
      %dma_wait3A_449 = tpu.memref_slice %arg4[%dma_wait3A_448] : memref<10240xf32, #tpu.memory_space<vmem_shared>> -> memref<10240xf32, #tpu.memory_space<vmem_shared>>
      %dma_wait3A_450 = tpu.memref_slice %arg16[%dma_wait3A_447] : memref<8x!tpu.dma_semaphore, #tpu.memory_space<semaphore_mem>> -> memref<1x!tpu.dma_semaphore, #tpu.memory_space<semaphore_mem>>
      %dma_wait3A_451 = tpu.memref_squeeze %dma_wait3A_450 : memref<1x!tpu.dma_semaphore, #tpu.memory_space<semaphore_mem>> -> memref<!tpu.dma_semaphore, #tpu.memory_space<semaphore_mem>>
      tpu.wait_indirect_dma semaphore(%dma_wait3A_451 : memref<!tpu.dma_semaphore, #tpu.memory_space<semaphore_mem>>) src(%arg13 : memref<128xf32, #tpu.memory_space<vmem>>) dst(%dma_wait3A_449 : memref<10240xf32, #tpu.memory_space<vmem_shared>>)
      %add3A_452 = arith.constant 1 : i32
      %add3A_453 = arith.addi %scan3A_271, %add3A_452 : i32
      %mul3A_454 = arith.constant 8 : i32
      %mul3A_455 = arith.muli %add3A_453, %mul3A_454 : i32
      %add3A_456 = arith.constant 5 : i32
      %add3A_457 = arith.addi %mul3A_455, %add3A_456 : i32
      %mul3A_458 = arith.constant 128 : i32
      %mul3A_459 = arith.muli %add3A_457, %mul3A_458 : i32
      %add3A_460 = arith.addi %add3A_88, %mul3A_459 : i32
      %dma_start3A_461 = arith.constant 5 : i32
      %dma_start3A_462 = tpu.memref_slice %arg2[%add3A_460] : memref<327680xi32, #tpu.memory_space<hbm>> -> memref<128xi32, #tpu.memory_space<hbm>>
      %dma_start3A_463 = tpu.memref_slice %arg15[%dma_start3A_461] : memref<8x!tpu.dma_semaphore, #tpu.memory_space<semaphore_mem>> -> memref<1x!tpu.dma_semaphore, #tpu.memory_space<semaphore_mem>>
      %dma_start3A_464 = tpu.memref_squeeze %dma_start3A_463 : memref<1x!tpu.dma_semaphore, #tpu.memory_space<semaphore_mem>> -> memref<!tpu.dma_semaphore, #tpu.memory_space<semaphore_mem>>
      %dma_start3A_465 = tpu.memref_slice %arg2[%add3A_460] : memref<327680xi32, #tpu.memory_space<hbm>> -> memref<128xi32, #tpu.memory_space<hbm>>
      tpu.enqueue_dma source(%dma_start3A_465 : memref<128xi32, #tpu.memory_space<hbm>>) target(%arg10 : memref<128xi32, #tpu.memory_space<vmem>>) target_semaphore(%dma_start3A_464 : memref<!tpu.dma_semaphore, #tpu.memory_space<semaphore_mem>>)
      %dma_wait3A_466 = arith.constant 6 : i32
      %dma_wait3A_467 = arith.constant 0 : i32
      %dma_wait3A_468 = tpu.memref_slice %arg4[%dma_wait3A_467] : memref<10240xf32, #tpu.memory_space<vmem_shared>> -> memref<10240xf32, #tpu.memory_space<vmem_shared>>
      %dma_wait3A_469 = tpu.memref_slice %arg16[%dma_wait3A_466] : memref<8x!tpu.dma_semaphore, #tpu.memory_space<semaphore_mem>> -> memref<1x!tpu.dma_semaphore, #tpu.memory_space<semaphore_mem>>
      %dma_wait3A_470 = tpu.memref_squeeze %dma_wait3A_469 : memref<1x!tpu.dma_semaphore, #tpu.memory_space<semaphore_mem>> -> memref<!tpu.dma_semaphore, #tpu.memory_space<semaphore_mem>>
      tpu.wait_indirect_dma semaphore(%dma_wait3A_470 : memref<!tpu.dma_semaphore, #tpu.memory_space<semaphore_mem>>) src(%arg13 : memref<128xf32, #tpu.memory_space<vmem>>) dst(%dma_wait3A_468 : memref<10240xf32, #tpu.memory_space<vmem_shared>>)
      %add3A_471 = arith.constant 1 : i32
      %add3A_472 = arith.addi %scan3A_271, %add3A_471 : i32
      %mul3A_473 = arith.constant 8 : i32
      %mul3A_474 = arith.muli %add3A_472, %mul3A_473 : i32
      %add3A_475 = arith.constant 6 : i32
      %add3A_476 = arith.addi %mul3A_474, %add3A_475 : i32
      %mul3A_477 = arith.constant 128 : i32
      %mul3A_478 = arith.muli %add3A_476, %mul3A_477 : i32
      %add3A_479 = arith.addi %add3A_88, %mul3A_478 : i32
      %dma_start3A_480 = arith.constant 6 : i32
      %dma_start3A_481 = tpu.memref_slice %arg2[%add3A_479] : memref<327680xi32, #tpu.memory_space<hbm>> -> memref<128xi32, #tpu.memory_space<hbm>>
      %dma_start3A_482 = tpu.memref_slice %arg15[%dma_start3A_480] : memref<8x!tpu.dma_semaphore, #tpu.memory_space<semaphore_mem>> -> memref<1x!tpu.dma_semaphore, #tpu.memory_space<semaphore_mem>>
      %dma_start3A_483 = tpu.memref_squeeze %dma_start3A_482 : memref<1x!tpu.dma_semaphore, #tpu.memory_space<semaphore_mem>> -> memref<!tpu.dma_semaphore, #tpu.memory_space<semaphore_mem>>
      %dma_start3A_484 = tpu.memref_slice %arg2[%add3A_479] : memref<327680xi32, #tpu.memory_space<hbm>> -> memref<128xi32, #tpu.memory_space<hbm>>
      tpu.enqueue_dma source(%dma_start3A_484 : memref<128xi32, #tpu.memory_space<hbm>>) target(%arg11 : memref<128xi32, #tpu.memory_space<vmem>>) target_semaphore(%dma_start3A_483 : memref<!tpu.dma_semaphore, #tpu.memory_space<semaphore_mem>>)
      %dma_wait3A_485 = arith.constant 7 : i32
      %dma_wait3A_486 = arith.constant 0 : i32
      %dma_wait3A_487 = tpu.memref_slice %arg4[%dma_wait3A_486] : memref<10240xf32, #tpu.memory_space<vmem_shared>> -> memref<10240xf32, #tpu.memory_space<vmem_shared>>
      %dma_wait3A_488 = tpu.memref_slice %arg16[%dma_wait3A_485] : memref<8x!tpu.dma_semaphore, #tpu.memory_space<semaphore_mem>> -> memref<1x!tpu.dma_semaphore, #tpu.memory_space<semaphore_mem>>
      %dma_wait3A_489 = tpu.memref_squeeze %dma_wait3A_488 : memref<1x!tpu.dma_semaphore, #tpu.memory_space<semaphore_mem>> -> memref<!tpu.dma_semaphore, #tpu.memory_space<semaphore_mem>>
      tpu.wait_indirect_dma semaphore(%dma_wait3A_489 : memref<!tpu.dma_semaphore, #tpu.memory_space<semaphore_mem>>) src(%arg13 : memref<128xf32, #tpu.memory_space<vmem>>) dst(%dma_wait3A_487 : memref<10240xf32, #tpu.memory_space<vmem_shared>>)
      %add3A_490 = arith.constant 1 : i32
      %add3A_491 = arith.addi %scan3A_271, %add3A_490 : i32
      %mul3A_492 = arith.constant 8 : i32
      %mul3A_493 = arith.muli %add3A_491, %mul3A_492 : i32
      %add3A_494 = arith.constant 7 : i32
      %add3A_495 = arith.addi %mul3A_493, %add3A_494 : i32
      %mul3A_496 = arith.constant 128 : i32
      %mul3A_497 = arith.muli %add3A_495, %mul3A_496 : i32
      %add3A_498 = arith.addi %add3A_88, %mul3A_497 : i32
      %dma_start3A_499 = arith.constant 7 : i32
      %dma_start3A_500 = tpu.memref_slice %arg2[%add3A_498] : memref<327680xi32, #tpu.memory_space<hbm>> -> memref<128xi32, #tpu.memory_space<hbm>>
      %dma_start3A_501 = tpu.memref_slice %arg15[%dma_start3A_499] : memref<8x!tpu.dma_semaphore, #tpu.memory_space<semaphore_mem>> -> memref<1x!tpu.dma_semaphore, #tpu.memory_space<semaphore_mem>>
      %dma_start3A_502 = tpu.memref_squeeze %dma_start3A_501 : memref<1x!tpu.dma_semaphore, #tpu.memory_space<semaphore_mem>> -> memref<!tpu.dma_semaphore, #tpu.memory_space<semaphore_mem>>
      %dma_start3A_503 = tpu.memref_slice %arg2[%add3A_498] : memref<327680xi32, #tpu.memory_space<hbm>> -> memref<128xi32, #tpu.memory_space<hbm>>
      tpu.enqueue_dma source(%dma_start3A_503 : memref<128xi32, #tpu.memory_space<hbm>>) target(%arg12 : memref<128xi32, #tpu.memory_space<vmem>>) target_semaphore(%dma_start3A_502 : memref<!tpu.dma_semaphore, #tpu.memory_space<semaphore_mem>>)
    }
    %scan3A_148 = arith.constant 9 : i32
    %dma_wait3A = arith.constant 0 : i32
    %dma_wait3A_149 = tpu.memref_slice %arg2[%add3A_88] : memref<327680xi32, #tpu.memory_space<hbm>> -> memref<128xi32, #tpu.memory_space<hbm>>
    %dma_wait3A_150 = tpu.memref_slice %arg15[%dma_wait3A] : memref<8x!tpu.dma_semaphore, #tpu.memory_space<semaphore_mem>> -> memref<1x!tpu.dma_semaphore, #tpu.memory_space<semaphore_mem>>
    %dma_wait3A_151 = tpu.memref_squeeze %dma_wait3A_150 : memref<1x!tpu.dma_semaphore, #tpu.memory_space<semaphore_mem>> -> memref<!tpu.dma_semaphore, #tpu.memory_space<semaphore_mem>>
    %dma_wait3A_152 = tpu.memref_slice %arg2[%add3A_88] : memref<327680xi32, #tpu.memory_space<hbm>> -> memref<128xi32, #tpu.memory_space<hbm>>
    tpu.wait_dma2 semaphore(%dma_wait3A_151 : memref<!tpu.dma_semaphore, #tpu.memory_space<semaphore_mem>>) src(%dma_wait3A_152 : memref<128xi32, #tpu.memory_space<hbm>>) dst(%arg5 : memref<128xi32, #tpu.memory_space<vmem>>)
    %dma_start3A_153 = arith.constant 0 : i32
    %dma_start3A_154 = arith.constant 0 : i32
    %dma_start3A_155 = tpu.memref_slice %arg4[%dma_start3A_154] : memref<10240xf32, #tpu.memory_space<vmem_shared>> -> memref<10240xf32, #tpu.memory_space<vmem_shared>>
    %dma_start3A_156 = tpu.memref_slice %arg16[%dma_start3A_153] : memref<8x!tpu.dma_semaphore, #tpu.memory_space<semaphore_mem>> -> memref<1x!tpu.dma_semaphore, #tpu.memory_space<semaphore_mem>>
    %dma_start3A_157 = tpu.memref_squeeze %dma_start3A_156 : memref<1x!tpu.dma_semaphore, #tpu.memory_space<semaphore_mem>> -> memref<!tpu.dma_semaphore, #tpu.memory_space<semaphore_mem>>
    tpu.enqueue_indirect_dma source(%arg13 : memref<128xf32, #tpu.memory_space<vmem>>) target(%dma_start3A_155 : memref<10240xf32, #tpu.memory_space<vmem_shared>>) offsets(%arg5 : memref<128xi32, #tpu.memory_space<vmem>>) semaphore(%dma_start3A_157 : memref<!tpu.dma_semaphore, #tpu.memory_space<semaphore_mem>>) {add = true}
    %dma_wait3A_158 = arith.constant 1 : i32
    %dma_wait3A_159 = tpu.memref_slice %arg2[%add3A_88] : memref<327680xi32, #tpu.memory_space<hbm>> -> memref<128xi32, #tpu.memory_space<hbm>>
    %dma_wait3A_160 = tpu.memref_slice %arg15[%dma_wait3A_158] : memref<8x!tpu.dma_semaphore, #tpu.memory_space<semaphore_mem>> -> memref<1x!tpu.dma_semaphore, #tpu.memory_space<semaphore_mem>>
    %dma_wait3A_161 = tpu.memref_squeeze %dma_wait3A_160 : memref<1x!tpu.dma_semaphore, #tpu.memory_space<semaphore_mem>> -> memref<!tpu.dma_semaphore, #tpu.memory_space<semaphore_mem>>
    %dma_wait3A_162 = tpu.memref_slice %arg2[%add3A_88] : memref<327680xi32, #tpu.memory_space<hbm>> -> memref<128xi32, #tpu.memory_space<hbm>>
    tpu.wait_dma2 semaphore(%dma_wait3A_161 : memref<!tpu.dma_semaphore, #tpu.memory_space<semaphore_mem>>) src(%dma_wait3A_162 : memref<128xi32, #tpu.memory_space<hbm>>) dst(%arg6 : memref<128xi32, #tpu.memory_space<vmem>>)
    %dma_start3A_163 = arith.constant 1 : i32
    %dma_start3A_164 = arith.constant 0 : i32
    %dma_start3A_165 = tpu.memref_slice %arg4[%dma_start3A_164] : memref<10240xf32, #tpu.memory_space<vmem_shared>> -> memref<10240xf32, #tpu.memory_space<vmem_shared>>
    %dma_start3A_166 = tpu.memref_slice %arg16[%dma_start3A_163] : memref<8x!tpu.dma_semaphore, #tpu.memory_space<semaphore_mem>> -> memref<1x!tpu.dma_semaphore, #tpu.memory_space<semaphore_mem>>
    %dma_start3A_167 = tpu.memref_squeeze %dma_start3A_166 : memref<1x!tpu.dma_semaphore, #tpu.memory_space<semaphore_mem>> -> memref<!tpu.dma_semaphore, #tpu.memory_space<semaphore_mem>>
    tpu.enqueue_indirect_dma source(%arg13 : memref<128xf32, #tpu.memory_space<vmem>>) target(%dma_start3A_165 : memref<10240xf32, #tpu.memory_space<vmem_shared>>) offsets(%arg6 : memref<128xi32, #tpu.memory_space<vmem>>) semaphore(%dma_start3A_167 : memref<!tpu.dma_semaphore, #tpu.memory_space<semaphore_mem>>) {add = true}
    %dma_wait3A_168 = arith.constant 2 : i32
    %dma_wait3A_169 = tpu.memref_slice %arg2[%add3A_88] : memref<327680xi32, #tpu.memory_space<hbm>> -> memref<128xi32, #tpu.memory_space<hbm>>
    %dma_wait3A_170 = tpu.memref_slice %arg15[%dma_wait3A_168] : memref<8x!tpu.dma_semaphore, #tpu.memory_space<semaphore_mem>> -> memref<1x!tpu.dma_semaphore, #tpu.memory_space<semaphore_mem>>
    %dma_wait3A_171 = tpu.memref_squeeze %dma_wait3A_170 : memref<1x!tpu.dma_semaphore, #tpu.memory_space<semaphore_mem>> -> memref<!tpu.dma_semaphore, #tpu.memory_space<semaphore_mem>>
    %dma_wait3A_172 = tpu.memref_slice %arg2[%add3A_88] : memref<327680xi32, #tpu.memory_space<hbm>> -> memref<128xi32, #tpu.memory_space<hbm>>
    tpu.wait_dma2 semaphore(%dma_wait3A_171 : memref<!tpu.dma_semaphore, #tpu.memory_space<semaphore_mem>>) src(%dma_wait3A_172 : memref<128xi32, #tpu.memory_space<hbm>>) dst(%arg7 : memref<128xi32, #tpu.memory_space<vmem>>)
    %dma_start3A_173 = arith.constant 2 : i32
    %dma_start3A_174 = arith.constant 0 : i32
    %dma_start3A_175 = tpu.memref_slice %arg4[%dma_start3A_174] : memref<10240xf32, #tpu.memory_space<vmem_shared>> -> memref<10240xf32, #tpu.memory_space<vmem_shared>>
    %dma_start3A_176 = tpu.memref_slice %arg16[%dma_start3A_173] : memref<8x!tpu.dma_semaphore, #tpu.memory_space<semaphore_mem>> -> memref<1x!tpu.dma_semaphore, #tpu.memory_space<semaphore_mem>>
    %dma_start3A_177 = tpu.memref_squeeze %dma_start3A_176 : memref<1x!tpu.dma_semaphore, #tpu.memory_space<semaphore_mem>> -> memref<!tpu.dma_semaphore, #tpu.memory_space<semaphore_mem>>
    tpu.enqueue_indirect_dma source(%arg13 : memref<128xf32, #tpu.memory_space<vmem>>) target(%dma_start3A_175 : memref<10240xf32, #tpu.memory_space<vmem_shared>>) offsets(%arg7 : memref<128xi32, #tpu.memory_space<vmem>>) semaphore(%dma_start3A_177 : memref<!tpu.dma_semaphore, #tpu.memory_space<semaphore_mem>>) {add = true}
    %dma_wait3A_178 = arith.constant 3 : i32
    %dma_wait3A_179 = tpu.memref_slice %arg2[%add3A_88] : memref<327680xi32, #tpu.memory_space<hbm>> -> memref<128xi32, #tpu.memory_space<hbm>>
    %dma_wait3A_180 = tpu.memref_slice %arg15[%dma_wait3A_178] : memref<8x!tpu.dma_semaphore, #tpu.memory_space<semaphore_mem>> -> memref<1x!tpu.dma_semaphore, #tpu.memory_space<semaphore_mem>>
    %dma_wait3A_181 = tpu.memref_squeeze %dma_wait3A_180 : memref<1x!tpu.dma_semaphore, #tpu.memory_space<semaphore_mem>> -> memref<!tpu.dma_semaphore, #tpu.memory_space<semaphore_mem>>
    %dma_wait3A_182 = tpu.memref_slice %arg2[%add3A_88] : memref<327680xi32, #tpu.memory_space<hbm>> -> memref<128xi32, #tpu.memory_space<hbm>>
    tpu.wait_dma2 semaphore(%dma_wait3A_181 : memref<!tpu.dma_semaphore, #tpu.memory_space<semaphore_mem>>) src(%dma_wait3A_182 : memref<128xi32, #tpu.memory_space<hbm>>) dst(%arg8 : memref<128xi32, #tpu.memory_space<vmem>>)
    %dma_start3A_183 = arith.constant 3 : i32
    %dma_start3A_184 = arith.constant 0 : i32
    %dma_start3A_185 = tpu.memref_slice %arg4[%dma_start3A_184] : memref<10240xf32, #tpu.memory_space<vmem_shared>> -> memref<10240xf32, #tpu.memory_space<vmem_shared>>
    %dma_start3A_186 = tpu.memref_slice %arg16[%dma_start3A_183] : memref<8x!tpu.dma_semaphore, #tpu.memory_space<semaphore_mem>> -> memref<1x!tpu.dma_semaphore, #tpu.memory_space<semaphore_mem>>
    %dma_start3A_187 = tpu.memref_squeeze %dma_start3A_186 : memref<1x!tpu.dma_semaphore, #tpu.memory_space<semaphore_mem>> -> memref<!tpu.dma_semaphore, #tpu.memory_space<semaphore_mem>>
    tpu.enqueue_indirect_dma source(%arg13 : memref<128xf32, #tpu.memory_space<vmem>>) target(%dma_start3A_185 : memref<10240xf32, #tpu.memory_space<vmem_shared>>) offsets(%arg8 : memref<128xi32, #tpu.memory_space<vmem>>) semaphore(%dma_start3A_187 : memref<!tpu.dma_semaphore, #tpu.memory_space<semaphore_mem>>) {add = true}
    %dma_wait3A_188 = arith.constant 4 : i32
    %dma_wait3A_189 = tpu.memref_slice %arg2[%add3A_88] : memref<327680xi32, #tpu.memory_space<hbm>> -> memref<128xi32, #tpu.memory_space<hbm>>
    %dma_wait3A_190 = tpu.memref_slice %arg15[%dma_wait3A_188] : memref<8x!tpu.dma_semaphore, #tpu.memory_space<semaphore_mem>> -> memref<1x!tpu.dma_semaphore, #tpu.memory_space<semaphore_mem>>
    %dma_wait3A_191 = tpu.memref_squeeze %dma_wait3A_190 : memref<1x!tpu.dma_semaphore, #tpu.memory_space<semaphore_mem>> -> memref<!tpu.dma_semaphore, #tpu.memory_space<semaphore_mem>>
    %dma_wait3A_192 = tpu.memref_slice %arg2[%add3A_88] : memref<327680xi32, #tpu.memory_space<hbm>> -> memref<128xi32, #tpu.memory_space<hbm>>
    tpu.wait_dma2 semaphore(%dma_wait3A_191 : memref<!tpu.dma_semaphore, #tpu.memory_space<semaphore_mem>>) src(%dma_wait3A_192 : memref<128xi32, #tpu.memory_space<hbm>>) dst(%arg9 : memref<128xi32, #tpu.memory_space<vmem>>)
    %dma_start3A_193 = arith.constant 4 : i32
    %dma_start3A_194 = arith.constant 0 : i32
    %dma_start3A_195 = tpu.memref_slice %arg4[%dma_start3A_194] : memref<10240xf32, #tpu.memory_space<vmem_shared>> -> memref<10240xf32, #tpu.memory_space<vmem_shared>>
    %dma_start3A_196 = tpu.memref_slice %arg16[%dma_start3A_193] : memref<8x!tpu.dma_semaphore, #tpu.memory_space<semaphore_mem>> -> memref<1x!tpu.dma_semaphore, #tpu.memory_space<semaphore_mem>>
    %dma_start3A_197 = tpu.memref_squeeze %dma_start3A_196 : memref<1x!tpu.dma_semaphore, #tpu.memory_space<semaphore_mem>> -> memref<!tpu.dma_semaphore, #tpu.memory_space<semaphore_mem>>
    tpu.enqueue_indirect_dma source(%arg13 : memref<128xf32, #tpu.memory_space<vmem>>) target(%dma_start3A_195 : memref<10240xf32, #tpu.memory_space<vmem_shared>>) offsets(%arg9 : memref<128xi32, #tpu.memory_space<vmem>>) semaphore(%dma_start3A_197 : memref<!tpu.dma_semaphore, #tpu.memory_space<semaphore_mem>>) {add = true}
    %dma_wait3A_198 = arith.constant 5 : i32
    %dma_wait3A_199 = tpu.memref_slice %arg2[%add3A_88] : memref<327680xi32, #tpu.memory_space<hbm>> -> memref<128xi32, #tpu.memory_space<hbm>>
    %dma_wait3A_200 = tpu.memref_slice %arg15[%dma_wait3A_198] : memref<8x!tpu.dma_semaphore, #tpu.memory_space<semaphore_mem>> -> memref<1x!tpu.dma_semaphore, #tpu.memory_space<semaphore_mem>>
    %dma_wait3A_201 = tpu.memref_squeeze %dma_wait3A_200 : memref<1x!tpu.dma_semaphore, #tpu.memory_space<semaphore_mem>> -> memref<!tpu.dma_semaphore, #tpu.memory_space<semaphore_mem>>
    %dma_wait3A_202 = tpu.memref_slice %arg2[%add3A_88] : memref<327680xi32, #tpu.memory_space<hbm>> -> memref<128xi32, #tpu.memory_space<hbm>>
    tpu.wait_dma2 semaphore(%dma_wait3A_201 : memref<!tpu.dma_semaphore, #tpu.memory_space<semaphore_mem>>) src(%dma_wait3A_202 : memref<128xi32, #tpu.memory_space<hbm>>) dst(%arg10 : memref<128xi32, #tpu.memory_space<vmem>>)
    %dma_start3A_203 = arith.constant 5 : i32
    %dma_start3A_204 = arith.constant 0 : i32
    %dma_start3A_205 = tpu.memref_slice %arg4[%dma_start3A_204] : memref<10240xf32, #tpu.memory_space<vmem_shared>> -> memref<10240xf32, #tpu.memory_space<vmem_shared>>
    %dma_start3A_206 = tpu.memref_slice %arg16[%dma_start3A_203] : memref<8x!tpu.dma_semaphore, #tpu.memory_space<semaphore_mem>> -> memref<1x!tpu.dma_semaphore, #tpu.memory_space<semaphore_mem>>
    %dma_start3A_207 = tpu.memref_squeeze %dma_start3A_206 : memref<1x!tpu.dma_semaphore, #tpu.memory_space<semaphore_mem>> -> memref<!tpu.dma_semaphore, #tpu.memory_space<semaphore_mem>>
    tpu.enqueue_indirect_dma source(%arg13 : memref<128xf32, #tpu.memory_space<vmem>>) target(%dma_start3A_205 : memref<10240xf32, #tpu.memory_space<vmem_shared>>) offsets(%arg10 : memref<128xi32, #tpu.memory_space<vmem>>) semaphore(%dma_start3A_207 : memref<!tpu.dma_semaphore, #tpu.memory_space<semaphore_mem>>) {add = true}
    %dma_wait3A_208 = arith.constant 6 : i32
    %dma_wait3A_209 = tpu.memref_slice %arg2[%add3A_88] : memref<327680xi32, #tpu.memory_space<hbm>> -> memref<128xi32, #tpu.memory_space<hbm>>
    %dma_wait3A_210 = tpu.memref_slice %arg15[%dma_wait3A_208] : memref<8x!tpu.dma_semaphore, #tpu.memory_space<semaphore_mem>> -> memref<1x!tpu.dma_semaphore, #tpu.memory_space<semaphore_mem>>
    %dma_wait3A_211 = tpu.memref_squeeze %dma_wait3A_210 : memref<1x!tpu.dma_semaphore, #tpu.memory_space<semaphore_mem>> -> memref<!tpu.dma_semaphore, #tpu.memory_space<semaphore_mem>>
    %dma_wait3A_212 = tpu.memref_slice %arg2[%add3A_88] : memref<327680xi32, #tpu.memory_space<hbm>> -> memref<128xi32, #tpu.memory_space<hbm>>
    tpu.wait_dma2 semaphore(%dma_wait3A_211 : memref<!tpu.dma_semaphore, #tpu.memory_space<semaphore_mem>>) src(%dma_wait3A_212 : memref<128xi32, #tpu.memory_space<hbm>>) dst(%arg11 : memref<128xi32, #tpu.memory_space<vmem>>)
    %dma_start3A_213 = arith.constant 6 : i32
    %dma_start3A_214 = arith.constant 0 : i32
    %dma_start3A_215 = tpu.memref_slice %arg4[%dma_start3A_214] : memref<10240xf32, #tpu.memory_space<vmem_shared>> -> memref<10240xf32, #tpu.memory_space<vmem_shared>>
    %dma_start3A_216 = tpu.memref_slice %arg16[%dma_start3A_213] : memref<8x!tpu.dma_semaphore, #tpu.memory_space<semaphore_mem>> -> memref<1x!tpu.dma_semaphore, #tpu.memory_space<semaphore_mem>>
    %dma_start3A_217 = tpu.memref_squeeze %dma_start3A_216 : memref<1x!tpu.dma_semaphore, #tpu.memory_space<semaphore_mem>> -> memref<!tpu.dma_semaphore, #tpu.memory_space<semaphore_mem>>
    tpu.enqueue_indirect_dma source(%arg13 : memref<128xf32, #tpu.memory_space<vmem>>) target(%dma_start3A_215 : memref<10240xf32, #tpu.memory_space<vmem_shared>>) offsets(%arg11 : memref<128xi32, #tpu.memory_space<vmem>>) semaphore(%dma_start3A_217 : memref<!tpu.dma_semaphore, #tpu.memory_space<semaphore_mem>>) {add = true}
    %dma_wait3A_218 = arith.constant 7 : i32
    %dma_wait3A_219 = tpu.memref_slice %arg2[%add3A_88] : memref<327680xi32, #tpu.memory_space<hbm>> -> memref<128xi32, #tpu.memory_space<hbm>>
    %dma_wait3A_220 = tpu.memref_slice %arg15[%dma_wait3A_218] : memref<8x!tpu.dma_semaphore, #tpu.memory_space<semaphore_mem>> -> memref<1x!tpu.dma_semaphore, #tpu.memory_space<semaphore_mem>>
    %dma_wait3A_221 = tpu.memref_squeeze %dma_wait3A_220 : memref<1x!tpu.dma_semaphore, #tpu.memory_space<semaphore_mem>> -> memref<!tpu.dma_semaphore, #tpu.memory_space<semaphore_mem>>
    %dma_wait3A_222 = tpu.memref_slice %arg2[%add3A_88] : memref<327680xi32, #tpu.memory_space<hbm>> -> memref<128xi32, #tpu.memory_space<hbm>>
    tpu.wait_dma2 semaphore(%dma_wait3A_221 : memref<!tpu.dma_semaphore, #tpu.memory_space<semaphore_mem>>) src(%dma_wait3A_222 : memref<128xi32, #tpu.memory_space<hbm>>) dst(%arg12 : memref<128xi32, #tpu.memory_space<vmem>>)
    %dma_start3A_223 = arith.constant 7 : i32
    %dma_start3A_224 = arith.constant 0 : i32
    %dma_start3A_225 = tpu.memref_slice %arg4[%dma_start3A_224] : memref<10240xf32, #tpu.memory_space<vmem_shared>> -> memref<10240xf32, #tpu.memory_space<vmem_shared>>
    %dma_start3A_226 = tpu.memref_slice %arg16[%dma_start3A_223] : memref<8x!tpu.dma_semaphore, #tpu.memory_space<semaphore_mem>> -> memref<1x!tpu.dma_semaphore, #tpu.memory_space<semaphore_mem>>
    %dma_start3A_227 = tpu.memref_squeeze %dma_start3A_226 : memref<1x!tpu.dma_semaphore, #tpu.memory_space<semaphore_mem>> -> memref<!tpu.dma_semaphore, #tpu.memory_space<semaphore_mem>>
    tpu.enqueue_indirect_dma source(%arg13 : memref<128xf32, #tpu.memory_space<vmem>>) target(%dma_start3A_225 : memref<10240xf32, #tpu.memory_space<vmem_shared>>) offsets(%arg12 : memref<128xi32, #tpu.memory_space<vmem>>) semaphore(%dma_start3A_227 : memref<!tpu.dma_semaphore, #tpu.memory_space<semaphore_mem>>) {add = true}
    %dma_wait3A_228 = arith.constant 0 : i32
    %dma_wait3A_229 = arith.constant 0 : i32
    %dma_wait3A_230 = tpu.memref_slice %arg4[%dma_wait3A_229] : memref<10240xf32, #tpu.memory_space<vmem_shared>> -> memref<10240xf32, #tpu.memory_space<vmem_shared>>
    %dma_wait3A_231 = tpu.memref_slice %arg16[%dma_wait3A_228] : memref<8x!tpu.dma_semaphore, #tpu.memory_space<semaphore_mem>> -> memref<1x!tpu.dma_semaphore, #tpu.memory_space<semaphore_mem>>
    %dma_wait3A_232 = tpu.memref_squeeze %dma_wait3A_231 : memref<1x!tpu.dma_semaphore, #tpu.memory_space<semaphore_mem>> -> memref<!tpu.dma_semaphore, #tpu.memory_space<semaphore_mem>>
    tpu.wait_indirect_dma semaphore(%dma_wait3A_232 : memref<!tpu.dma_semaphore, #tpu.memory_space<semaphore_mem>>) src(%arg13 : memref<128xf32, #tpu.memory_space<vmem>>) dst(%dma_wait3A_230 : memref<10240xf32, #tpu.memory_space<vmem_shared>>)
    %dma_wait3A_233 = arith.constant 1 : i32
    %dma_wait3A_234 = arith.constant 0 : i32
    %dma_wait3A_235 = tpu.memref_slice %arg4[%dma_wait3A_234] : memref<10240xf32, #tpu.memory_space<vmem_shared>> -> memref<10240xf32, #tpu.memory_space<vmem_shared>>
    %dma_wait3A_236 = tpu.memref_slice %arg16[%dma_wait3A_233] : memref<8x!tpu.dma_semaphore, #tpu.memory_space<semaphore_mem>> -> memref<1x!tpu.dma_semaphore, #tpu.memory_space<semaphore_mem>>
    %dma_wait3A_237 = tpu.memref_squeeze %dma_wait3A_236 : memref<1x!tpu.dma_semaphore, #tpu.memory_space<semaphore_mem>> -> memref<!tpu.dma_semaphore, #tpu.memory_space<semaphore_mem>>
    tpu.wait_indirect_dma semaphore(%dma_wait3A_237 : memref<!tpu.dma_semaphore, #tpu.memory_space<semaphore_mem>>) src(%arg13 : memref<128xf32, #tpu.memory_space<vmem>>) dst(%dma_wait3A_235 : memref<10240xf32, #tpu.memory_space<vmem_shared>>)
    %dma_wait3A_238 = arith.constant 2 : i32
    %dma_wait3A_239 = arith.constant 0 : i32
    %dma_wait3A_240 = tpu.memref_slice %arg4[%dma_wait3A_239] : memref<10240xf32, #tpu.memory_space<vmem_shared>> -> memref<10240xf32, #tpu.memory_space<vmem_shared>>
    %dma_wait3A_241 = tpu.memref_slice %arg16[%dma_wait3A_238] : memref<8x!tpu.dma_semaphore, #tpu.memory_space<semaphore_mem>> -> memref<1x!tpu.dma_semaphore, #tpu.memory_space<semaphore_mem>>
    %dma_wait3A_242 = tpu.memref_squeeze %dma_wait3A_241 : memref<1x!tpu.dma_semaphore, #tpu.memory_space<semaphore_mem>> -> memref<!tpu.dma_semaphore, #tpu.memory_space<semaphore_mem>>
    tpu.wait_indirect_dma semaphore(%dma_wait3A_242 : memref<!tpu.dma_semaphore, #tpu.memory_space<semaphore_mem>>) src(%arg13 : memref<128xf32, #tpu.memory_space<vmem>>) dst(%dma_wait3A_240 : memref<10240xf32, #tpu.memory_space<vmem_shared>>)
    %dma_wait3A_243 = arith.constant 3 : i32
    %dma_wait3A_244 = arith.constant 0 : i32
    %dma_wait3A_245 = tpu.memref_slice %arg4[%dma_wait3A_244] : memref<10240xf32, #tpu.memory_space<vmem_shared>> -> memref<10240xf32, #tpu.memory_space<vmem_shared>>
    %dma_wait3A_246 = tpu.memref_slice %arg16[%dma_wait3A_243] : memref<8x!tpu.dma_semaphore, #tpu.memory_space<semaphore_mem>> -> memref<1x!tpu.dma_semaphore, #tpu.memory_space<semaphore_mem>>
    %dma_wait3A_247 = tpu.memref_squeeze %dma_wait3A_246 : memref<1x!tpu.dma_semaphore, #tpu.memory_space<semaphore_mem>> -> memref<!tpu.dma_semaphore, #tpu.memory_space<semaphore_mem>>
    tpu.wait_indirect_dma semaphore(%dma_wait3A_247 : memref<!tpu.dma_semaphore, #tpu.memory_space<semaphore_mem>>) src(%arg13 : memref<128xf32, #tpu.memory_space<vmem>>) dst(%dma_wait3A_245 : memref<10240xf32, #tpu.memory_space<vmem_shared>>)
    %dma_wait3A_248 = arith.constant 4 : i32
    %dma_wait3A_249 = arith.constant 0 : i32
    %dma_wait3A_250 = tpu.memref_slice %arg4[%dma_wait3A_249] : memref<10240xf32, #tpu.memory_space<vmem_shared>> -> memref<10240xf32, #tpu.memory_space<vmem_shared>>
    %dma_wait3A_251 = tpu.memref_slice %arg16[%dma_wait3A_248] : memref<8x!tpu.dma_semaphore, #tpu.memory_space<semaphore_mem>> -> memref<1x!tpu.dma_semaphore, #tpu.memory_space<semaphore_mem>>
    %dma_wait3A_252 = tpu.memref_squeeze %dma_wait3A_251 : memref<1x!tpu.dma_semaphore, #tpu.memory_space<semaphore_mem>> -> memref<!tpu.dma_semaphore, #tpu.memory_space<semaphore_mem>>
    tpu.wait_indirect_dma semaphore(%dma_wait3A_252 : memref<!tpu.dma_semaphore, #tpu.memory_space<semaphore_mem>>) src(%arg13 : memref<128xf32, #tpu.memory_space<vmem>>) dst(%dma_wait3A_250 : memref<10240xf32, #tpu.memory_space<vmem_shared>>)
    %dma_wait3A_253 = arith.constant 5 : i32
    %dma_wait3A_254 = arith.constant 0 : i32
    %dma_wait3A_255 = tpu.memref_slice %arg4[%dma_wait3A_254] : memref<10240xf32, #tpu.memory_space<vmem_shared>> -> memref<10240xf32, #tpu.memory_space<vmem_shared>>
    %dma_wait3A_256 = tpu.memref_slice %arg16[%dma_wait3A_253] : memref<8x!tpu.dma_semaphore, #tpu.memory_space<semaphore_mem>> -> memref<1x!tpu.dma_semaphore, #tpu.memory_space<semaphore_mem>>
    %dma_wait3A_257 = tpu.memref_squeeze %dma_wait3A_256 : memref<1x!tpu.dma_semaphore, #tpu.memory_space<semaphore_mem>> -> memref<!tpu.dma_semaphore, #tpu.memory_space<semaphore_mem>>
    tpu.wait_indirect_dma semaphore(%dma_wait3A_257 : memref<!tpu.dma_semaphore, #tpu.memory_space<semaphore_mem>>) src(%arg13 : memref<128xf32, #tpu.memory_space<vmem>>) dst(%dma_wait3A_255 : memref<10240xf32, #tpu.memory_space<vmem_shared>>)
    %dma_wait3A_258 = arith.constant 6 : i32
    %dma_wait3A_259 = arith.constant 0 : i32
    %dma_wait3A_260 = tpu.memref_slice %arg4[%dma_wait3A_259] : memref<10240xf32, #tpu.memory_space<vmem_shared>> -> memref<10240xf32, #tpu.memory_space<vmem_shared>>
    %dma_wait3A_261 = tpu.memref_slice %arg16[%dma_wait3A_258] : memref<8x!tpu.dma_semaphore, #tpu.memory_space<semaphore_mem>> -> memref<1x!tpu.dma_semaphore, #tpu.memory_space<semaphore_mem>>
    %dma_wait3A_262 = tpu.memref_squeeze %dma_wait3A_261 : memref<1x!tpu.dma_semaphore, #tpu.memory_space<semaphore_mem>> -> memref<!tpu.dma_semaphore, #tpu.memory_space<semaphore_mem>>
    tpu.wait_indirect_dma semaphore(%dma_wait3A_262 : memref<!tpu.dma_semaphore, #tpu.memory_space<semaphore_mem>>) src(%arg13 : memref<128xf32, #tpu.memory_space<vmem>>) dst(%dma_wait3A_260 : memref<10240xf32, #tpu.memory_space<vmem_shared>>)
    %dma_wait3A_263 = arith.constant 7 : i32
    %dma_wait3A_264 = arith.constant 0 : i32
    %dma_wait3A_265 = tpu.memref_slice %arg4[%dma_wait3A_264] : memref<10240xf32, #tpu.memory_space<vmem_shared>> -> memref<10240xf32, #tpu.memory_space<vmem_shared>>
    %dma_wait3A_266 = tpu.memref_slice %arg16[%dma_wait3A_263] : memref<8x!tpu.dma_semaphore, #tpu.memory_space<semaphore_mem>> -> memref<1x!tpu.dma_semaphore, #tpu.memory_space<semaphore_mem>>
    %dma_wait3A_267 = tpu.memref_squeeze %dma_wait3A_266 : memref<1x!tpu.dma_semaphore, #tpu.memory_space<semaphore_mem>> -> memref<!tpu.dma_semaphore, #tpu.memory_space<semaphore_mem>>
    tpu.wait_indirect_dma semaphore(%dma_wait3A_267 : memref<!tpu.dma_semaphore, #tpu.memory_space<semaphore_mem>>) src(%arg13 : memref<128xf32, #tpu.memory_space<vmem>>) dst(%dma_wait3A_265 : memref<10240xf32, #tpu.memory_space<vmem_shared>>)
    %barrier3A_268 = arith.constant 0 : index
    tpu.barrier barrier_id(%barrier3A_268)
    %mul3A_269 = arith.constant 640 : i32
    %mul3A_270 = arith.muli %arg1, %mul3A_269 : i32
    "tpu.region"() ({
      %run_scoped3A = tpu.sem_alloc : memref<!tpu.dma_semaphore, #tpu.memory_space<semaphore_mem>>
      %dma_start3A_271 = tpu.memref_slice %arg3[%arg0, %mul3A_270] : memref<2x10240xf32, #tpu.memory_space<hbm>> -> memref<1x640xf32, #tpu.memory_space<hbm>>
      %dma_start3A_272 = tpu.memref_squeeze %dma_start3A_271 : memref<1x640xf32, #tpu.memory_space<hbm>> -> memref<640xf32, #tpu.memory_space<hbm>>
      %dma_start3A_273 = tpu.memref_slice %arg4[%mul3A_270] : memref<10240xf32, #tpu.memory_space<vmem_shared>> -> memref<640xf32, #tpu.memory_space<vmem_shared>>
      tpu.enqueue_dma source(%dma_start3A_273 : memref<640xf32, #tpu.memory_space<vmem_shared>>) target(%dma_start3A_272 : memref<640xf32, #tpu.memory_space<hbm>>) target_semaphore(%run_scoped3A : memref<!tpu.dma_semaphore, #tpu.memory_space<semaphore_mem>>)
      %dma_wait3A_274 = tpu.memref_slice %arg3[%arg0, %mul3A_270] : memref<2x10240xf32, #tpu.memory_space<hbm>> -> memref<1x640xf32, #tpu.memory_space<hbm>>
      %dma_wait3A_275 = tpu.memref_squeeze %dma_wait3A_274 : memref<1x640xf32, #tpu.memory_space<hbm>> -> memref<640xf32, #tpu.memory_space<hbm>>
      %dma_wait3A_276 = tpu.memref_slice %arg4[%mul3A_270] : memref<10240xf32, #tpu.memory_space<vmem_shared>> -> memref<640xf32, #tpu.memory_space<vmem_shared>>
      tpu.wait_dma2 semaphore(%run_scoped3A : memref<!tpu.dma_semaphore, #tpu.memory_space<semaphore_mem>>) src(%dma_wait3A_276 : memref<640xf32, #tpu.memory_space<vmem_shared>>) dst(%dma_wait3A_275 : memref<640xf32, #tpu.memory_space<hbm>>)
      tpu.yield
    }) : () -> ()
    return
  }
}

#map = affine_map<(d0, d1) -> (0, 0)>
#map1 = affine_map<(d0, d1) -> (0)>
#map2 = affine_map<(d0, d1) -> (0, 0, 0)>
module attributes {stable_mosaic.version = 14 : i64} {
  func.func @_agg_kernel(%arg0: i32, %arg1: i32, %arg2: memref<10000x128xf32, #tpu.memory_space<hbm>>, %arg3: memref<327680xi32, #tpu.memory_space<hbm>>, %arg4: memref<327680xi32, #tpu.memory_space<hbm>>, %arg5: memref<2x10240x128xf32, #tpu.memory_space<hbm>>, %arg6: memref<10240x128xf32, #tpu.memory_space<vmem_shared>>, %arg7: memref<10240xi32, #tpu.memory_space<vmem>>, %arg8: memref<64xi32, #tpu.memory_space<vmem>>, %arg9: memref<64xi32, #tpu.memory_space<vmem>>, %arg10: memref<64xi32, #tpu.memory_space<vmem>>, %arg11: memref<64xi32, #tpu.memory_space<vmem>>, %arg12: memref<4x64x128xf32, #tpu.memory_space<vmem>>, %arg13: memref<4x!tpu.dma_semaphore, #tpu.memory_space<semaphore_mem>>, %arg14: memref<4x!tpu.dma_semaphore, #tpu.memory_space<semaphore_mem>>, %arg15: memref<4x!tpu.dma_semaphore, #tpu.memory_space<semaphore_mem>>) attributes {dimension_semantics = [#tpu.dimension_semantics<core_parallel>, #tpu.dimension_semantics<subcore_parallel>], iteration_bounds = array<i64: 2, 16>, scalar_prefetch = 0 : i64, scratch_operands = 10 : i64, tpu.core_type = #tpu.core_type<sc_vector_subcore>, window_params = [{transform_indices = #map}, {transform_indices = #map1}, {transform_indices = #map1}, {transform_indices = #map2}]} {
    %broadcast_in_dim3A = arith.constant 0.000000e+00 : f32
    %broadcast_in_dim3A_0 = vector.broadcast %broadcast_in_dim3A : f32 to vector<16xf32>
    %swap3A = arith.constant 0 : i32
    %swap3A_1 = arith.constant 0 : i32
    %swap3A_2 = arith.index_cast %swap3A : i32 to index
    %swap3A_3 = arith.index_cast %swap3A_1 : i32 to index
    %swap3A_4 = arith.constant 0 : index
    %swap3A_5 = tpu.vector_load %arg12[%swap3A_2, %swap3A_3, %swap3A_4] {strides = array<i32>} : memref<4x64x128xf32, #tpu.memory_space<vmem>>, vector<1x1x16xf32>,
    %swap3A_6 = vector.shape_cast %swap3A_5 : vector<1x1x16xf32> to vector<16xf32>
    %swap3A_7 = vector.shape_cast %broadcast_in_dim3A_0 : vector<16xf32> to vector<1x1x16xf32>
    tpu.vector_store %arg12[%swap3A_2, %swap3A_3, %swap3A_4], %swap3A_7 {strides = array<i32>} : memref<4x64x128xf32, #tpu.memory_space<vmem>>, vector<1x1x16xf32>,
    %swap3A_8 = arith.constant 0 : i32
    %swap3A_9 = arith.constant 0 : i32
    %swap3A_10 = arith.index_cast %swap3A_8 : i32 to index
    %swap3A_11 = arith.index_cast %swap3A_9 : i32 to index
    %swap3A_12 = arith.constant 16 : index
    %swap3A_13 = tpu.vector_load %arg12[%swap3A_10, %swap3A_11, %swap3A_12] {strides = array<i32>} : memref<4x64x128xf32, #tpu.memory_space<vmem>>, vector<1x1x16xf32>,
    %swap3A_14 = vector.shape_cast %swap3A_13 : vector<1x1x16xf32> to vector<16xf32>
    %swap3A_15 = vector.shape_cast %broadcast_in_dim3A_0 : vector<16xf32> to vector<1x1x16xf32>
    tpu.vector_store %arg12[%swap3A_10, %swap3A_11, %swap3A_12], %swap3A_15 {strides = array<i32>} : memref<4x64x128xf32, #tpu.memory_space<vmem>>, vector<1x1x16xf32>,
    %swap3A_16 = arith.constant 0 : i32
    %swap3A_17 = arith.constant 0 : i32
    %swap3A_18 = arith.index_cast %swap3A_16 : i32 to index
    %swap3A_19 = arith.index_cast %swap3A_17 : i32 to index
    %swap3A_20 = arith.constant 32 : index
    %swap3A_21 = tpu.vector_load %arg12[%swap3A_18, %swap3A_19, %swap3A_20] {strides = array<i32>} : memref<4x64x128xf32, #tpu.memory_space<vmem>>, vector<1x1x16xf32>,
    %swap3A_22 = vector.shape_cast %swap3A_21 : vector<1x1x16xf32> to vector<16xf32>
    %swap3A_23 = vector.shape_cast %broadcast_in_dim3A_0 : vector<16xf32> to vector<1x1x16xf32>
    tpu.vector_store %arg12[%swap3A_18, %swap3A_19, %swap3A_20], %swap3A_23 {strides = array<i32>} : memref<4x64x128xf32, #tpu.memory_space<vmem>>, vector<1x1x16xf32>,
    %swap3A_24 = arith.constant 0 : i32
    %swap3A_25 = arith.constant 0 : i32
    %swap3A_26 = arith.index_cast %swap3A_24 : i32 to index
    %swap3A_27 = arith.index_cast %swap3A_25 : i32 to index
    %swap3A_28 = arith.constant 48 : index
    %swap3A_29 = tpu.vector_load %arg12[%swap3A_26, %swap3A_27, %swap3A_28] {strides = array<i32>} : memref<4x64x128xf32, #tpu.memory_space<vmem>>, vector<1x1x16xf32>,
    %swap3A_30 = vector.shape_cast %swap3A_29 : vector<1x1x16xf32> to vector<16xf32>
    %swap3A_31 = vector.shape_cast %broadcast_in_dim3A_0 : vector<16xf32> to vector<1x1x16xf32>
    tpu.vector_store %arg12[%swap3A_26, %swap3A_27, %swap3A_28], %swap3A_31 {strides = array<i32>} : memref<4x64x128xf32, #tpu.memory_space<vmem>>, vector<1x1x16xf32>,
    %swap3A_32 = arith.constant 0 : i32
    %swap3A_33 = arith.constant 0 : i32
    %swap3A_34 = arith.index_cast %swap3A_32 : i32 to index
    %swap3A_35 = arith.index_cast %swap3A_33 : i32 to index
    %swap3A_36 = arith.constant 64 : index
    %swap3A_37 = tpu.vector_load %arg12[%swap3A_34, %swap3A_35, %swap3A_36] {strides = array<i32>} : memref<4x64x128xf32, #tpu.memory_space<vmem>>, vector<1x1x16xf32>,
    %swap3A_38 = vector.shape_cast %swap3A_37 : vector<1x1x16xf32> to vector<16xf32>
    %swap3A_39 = vector.shape_cast %broadcast_in_dim3A_0 : vector<16xf32> to vector<1x1x16xf32>
    tpu.vector_store %arg12[%swap3A_34, %swap3A_35, %swap3A_36], %swap3A_39 {strides = array<i32>} : memref<4x64x128xf32, #tpu.memory_space<vmem>>, vector<1x1x16xf32>,
    %swap3A_40 = arith.constant 0 : i32
    %swap3A_41 = arith.constant 0 : i32
    %swap3A_42 = arith.index_cast %swap3A_40 : i32 to index
    %swap3A_43 = arith.index_cast %swap3A_41 : i32 to index
    %swap3A_44 = arith.constant 80 : index
    %swap3A_45 = tpu.vector_load %arg12[%swap3A_42, %swap3A_43, %swap3A_44] {strides = array<i32>} : memref<4x64x128xf32, #tpu.memory_space<vmem>>, vector<1x1x16xf32>,
    %swap3A_46 = vector.shape_cast %swap3A_45 : vector<1x1x16xf32> to vector<16xf32>
    %swap3A_47 = vector.shape_cast %broadcast_in_dim3A_0 : vector<16xf32> to vector<1x1x16xf32>
    tpu.vector_store %arg12[%swap3A_42, %swap3A_43, %swap3A_44], %swap3A_47 {strides = array<i32>} : memref<4x64x128xf32, #tpu.memory_space<vmem>>, vector<1x1x16xf32>,
    %swap3A_48 = arith.constant 0 : i32
    %swap3A_49 = arith.constant 0 : i32
    %swap3A_50 = arith.index_cast %swap3A_48 : i32 to index
    %swap3A_51 = arith.index_cast %swap3A_49 : i32 to index
    %swap3A_52 = arith.constant 96 : index
    %swap3A_53 = tpu.vector_load %arg12[%swap3A_50, %swap3A_51, %swap3A_52] {strides = array<i32>} : memref<4x64x128xf32, #tpu.memory_space<vmem>>, vector<1x1x16xf32>,
    %swap3A_54 = vector.shape_cast %swap3A_53 : vector<1x1x16xf32> to vector<16xf32>
    %swap3A_55 = vector.shape_cast %broadcast_in_dim3A_0 : vector<16xf32> to vector<1x1x16xf32>
    tpu.vector_store %arg12[%swap3A_50, %swap3A_51, %swap3A_52], %swap3A_55 {strides = array<i32>} : memref<4x64x128xf32, #tpu.memory_space<vmem>>, vector<1x1x16xf32>,
    %swap3A_56 = arith.constant 0 : i32
    %swap3A_57 = arith.constant 0 : i32
    %swap3A_58 = arith.index_cast %swap3A_56 : i32 to index
    %swap3A_59 = arith.index_cast %swap3A_57 : i32 to index
    %swap3A_60 = arith.constant 112 : index
    %swap3A_61 = tpu.vector_load %arg12[%swap3A_58, %swap3A_59, %swap3A_60] {strides = array<i32>} : memref<4x64x128xf32, #tpu.memory_space<vmem>>, vector<1x1x16xf32>,
    %swap3A_62 = vector.shape_cast %swap3A_61 : vector<1x1x16xf32> to vector<16xf32>
    %swap3A_63 = vector.shape_cast %broadcast_in_dim3A_0 : vector<16xf32> to vector<1x1x16xf32>
    tpu.vector_store %arg12[%swap3A_58, %swap3A_59, %swap3A_60], %swap3A_63 {strides = array<i32>} : memref<4x64x128xf32, #tpu.memory_space<vmem>>, vector<1x1x16xf32>,
    %swap3A_64 = arith.constant 0 : i32
    %swap3A_65 = arith.constant 1 : i32
    %swap3A_66 = arith.index_cast %swap3A_64 : i32 to index
    %swap3A_67 = arith.index_cast %swap3A_65 : i32 to index
    %swap3A_68 = arith.constant 0 : index
    %swap3A_69 = tpu.vector_load %arg12[%swap3A_66, %swap3A_67, %swap3A_68] {strides = array<i32>} : memref<4x64x128xf32, #tpu.memory_space<vmem>>, vector<1x1x16xf32>,
    %swap3A_70 = vector.shape_cast %swap3A_69 : vector<1x1x16xf32> to vector<16xf32>
    %swap3A_71 = vector.shape_cast %broadcast_in_dim3A_0 : vector<16xf32> to vector<1x1x16xf32>
    tpu.vector_store %arg12[%swap3A_66, %swap3A_67, %swap3A_68], %swap3A_71 {strides = array<i32>} : memref<4x64x128xf32, #tpu.memory_space<vmem>>, vector<1x1x16xf32>,
    %swap3A_72 = arith.constant 0 : i32
    %swap3A_73 = arith.constant 1 : i32
    %swap3A_74 = arith.index_cast %swap3A_72 : i32 to index
    %swap3A_75 = arith.index_cast %swap3A_73 : i32 to index
    %swap3A_76 = arith.constant 16 : index
    %swap3A_77 = tpu.vector_load %arg12[%swap3A_74, %swap3A_75, %swap3A_76] {strides = array<i32>} : memref<4x64x128xf32, #tpu.memory_space<vmem>>, vector<1x1x16xf32>,
    %swap3A_78 = vector.shape_cast %swap3A_77 : vector<1x1x16xf32> to vector<16xf32>
    %swap3A_79 = vector.shape_cast %broadcast_in_dim3A_0 : vector<16xf32> to vector<1x1x16xf32>
    tpu.vector_store %arg12[%swap3A_74, %swap3A_75, %swap3A_76], %swap3A_79 {strides = array<i32>} : memref<4x64x128xf32, #tpu.memory_space<vmem>>, vector<1x1x16xf32>,
    %swap3A_80 = arith.constant 0 : i32
    %swap3A_81 = arith.constant 1 : i32
    %swap3A_82 = arith.index_cast %swap3A_80 : i32 to index
    %swap3A_83 = arith.index_cast %swap3A_81 : i32 to index
    %swap3A_84 = arith.constant 32 : index
    %swap3A_85 = tpu.vector_load %arg12[%swap3A_82, %swap3A_83, %swap3A_84] {strides = array<i32>} : memref<4x64x128xf32, #tpu.memory_space<vmem>>, vector<1x1x16xf32>,
    %swap3A_86 = vector.shape_cast %swap3A_85 : vector<1x1x16xf32> to vector<16xf32>
    %swap3A_87 = vector.shape_cast %broadcast_in_dim3A_0 : vector<16xf32> to vector<1x1x16xf32>
    tpu.vector_store %arg12[%swap3A_82, %swap3A_83, %swap3A_84], %swap3A_87 {strides = array<i32>} : memref<4x64x128xf32, #tpu.memory_space<vmem>>, vector<1x1x16xf32>,
    %swap3A_88 = arith.constant 0 : i32
    %swap3A_89 = arith.constant 1 : i32
    %swap3A_90 = arith.index_cast %swap3A_88 : i32 to index
    %swap3A_91 = arith.index_cast %swap3A_89 : i32 to index
    %swap3A_92 = arith.constant 48 : index
    %swap3A_93 = tpu.vector_load %arg12[%swap3A_90, %swap3A_91, %swap3A_92] {strides = array<i32>} : memref<4x64x128xf32, #tpu.memory_space<vmem>>, vector<1x1x16xf32>,
    %swap3A_94 = vector.shape_cast %swap3A_93 : vector<1x1x16xf32> to vector<16xf32>
    %swap3A_95 = vector.shape_cast %broadcast_in_dim3A_0 : vector<16xf32> to vector<1x1x16xf32>
    tpu.vector_store %arg12[%swap3A_90, %swap3A_91, %swap3A_92], %swap3A_95 {strides = array<i32>} : memref<4x64x128xf32, #tpu.memory_space<vmem>>, vector<1x1x16xf32>,
    %swap3A_96 = arith.constant 0 : i32
    %swap3A_97 = arith.constant 1 : i32
    %swap3A_98 = arith.index_cast %swap3A_96 : i32 to index
    %swap3A_99 = arith.index_cast %swap3A_97 : i32 to index
    %swap3A_100 = arith.constant 64 : index
    %swap3A_101 = tpu.vector_load %arg12[%swap3A_98, %swap3A_99, %swap3A_100] {strides = array<i32>} : memref<4x64x128xf32, #tpu.memory_space<vmem>>, vector<1x1x16xf32>,
    %swap3A_102 = vector.shape_cast %swap3A_101 : vector<1x1x16xf32> to vector<16xf32>
    %swap3A_103 = vector.shape_cast %broadcast_in_dim3A_0 : vector<16xf32> to vector<1x1x16xf32>
    tpu.vector_store %arg12[%swap3A_98, %swap3A_99, %swap3A_100], %swap3A_103 {strides = array<i32>} : memref<4x64x128xf32, #tpu.memory_space<vmem>>, vector<1x1x16xf32>,
    %swap3A_104 = arith.constant 0 : i32
    %swap3A_105 = arith.constant 1 : i32
    %swap3A_106 = arith.index_cast %swap3A_104 : i32 to index
    %swap3A_107 = arith.index_cast %swap3A_105 : i32 to index
    %swap3A_108 = arith.constant 80 : index
    %swap3A_109 = tpu.vector_load %arg12[%swap3A_106, %swap3A_107, %swap3A_108] {strides = array<i32>} : memref<4x64x128xf32, #tpu.memory_space<vmem>>, vector<1x1x16xf32>,
    %swap3A_110 = vector.shape_cast %swap3A_109 : vector<1x1x16xf32> to vector<16xf32>
    %swap3A_111 = vector.shape_cast %broadcast_in_dim3A_0 : vector<16xf32> to vector<1x1x16xf32>
    tpu.vector_store %arg12[%swap3A_106, %swap3A_107, %swap3A_108], %swap3A_111 {strides = array<i32>} : memref<4x64x128xf32, #tpu.memory_space<vmem>>, vector<1x1x16xf32>,
    %swap3A_112 = arith.constant 0 : i32
    %swap3A_113 = arith.constant 1 : i32
    %swap3A_114 = arith.index_cast %swap3A_112 : i32 to index
    %swap3A_115 = arith.index_cast %swap3A_113 : i32 to index
    %swap3A_116 = arith.constant 96 : index
    %swap3A_117 = tpu.vector_load %arg12[%swap3A_114, %swap3A_115, %swap3A_116] {strides = array<i32>} : memref<4x64x128xf32, #tpu.memory_space<vmem>>, vector<1x1x16xf32>,
    %swap3A_118 = vector.shape_cast %swap3A_117 : vector<1x1x16xf32> to vector<16xf32>
    %swap3A_119 = vector.shape_cast %broadcast_in_dim3A_0 : vector<16xf32> to vector<1x1x16xf32>
    tpu.vector_store %arg12[%swap3A_114, %swap3A_115, %swap3A_116], %swap3A_119 {strides = array<i32>} : memref<4x64x128xf32, #tpu.memory_space<vmem>>, vector<1x1x16xf32>,
    %swap3A_120 = arith.constant 0 : i32
    %swap3A_121 = arith.constant 1 : i32
    %swap3A_122 = arith.index_cast %swap3A_120 : i32 to index
    %swap3A_123 = arith.index_cast %swap3A_121 : i32 to index
    %swap3A_124 = arith.constant 112 : index
    %swap3A_125 = tpu.vector_load %arg12[%swap3A_122, %swap3A_123, %swap3A_124] {strides = array<i32>} : memref<4x64x128xf32, #tpu.memory_space<vmem>>, vector<1x1x16xf32>,
    %swap3A_126 = vector.shape_cast %swap3A_125 : vector<1x1x16xf32> to vector<16xf32>
    %swap3A_127 = vector.shape_cast %broadcast_in_dim3A_0 : vector<16xf32> to vector<1x1x16xf32>
    tpu.vector_store %arg12[%swap3A_122, %swap3A_123, %swap3A_124], %swap3A_127 {strides = array<i32>} : memref<4x64x128xf32, #tpu.memory_space<vmem>>, vector<1x1x16xf32>,
    %swap3A_128 = arith.constant 0 : i32
    %swap3A_129 = arith.constant 2 : i32
    %swap3A_130 = arith.index_cast %swap3A_128 : i32 to index
    %swap3A_131 = arith.index_cast %swap3A_129 : i32 to index
    %swap3A_132 = arith.constant 0 : index
    %swap3A_133 = tpu.vector_load %arg12[%swap3A_130, %swap3A_131, %swap3A_132] {strides = array<i32>} : memref<4x64x128xf32, #tpu.memory_space<vmem>>, vector<1x1x16xf32>,
    %swap3A_134 = vector.shape_cast %swap3A_133 : vector<1x1x16xf32> to vector<16xf32>
    %swap3A_135 = vector.shape_cast %broadcast_in_dim3A_0 : vector<16xf32> to vector<1x1x16xf32>
    tpu.vector_store %arg12[%swap3A_130, %swap3A_131, %swap3A_132], %swap3A_135 {strides = array<i32>} : memref<4x64x128xf32, #tpu.memory_space<vmem>>, vector<1x1x16xf32>,
    %swap3A_136 = arith.constant 0 : i32
    %swap3A_137 = arith.constant 2 : i32
    %swap3A_138 = arith.index_cast %swap3A_136 : i32 to index
    %swap3A_139 = arith.index_cast %swap3A_137 : i32 to index
    %swap3A_140 = arith.constant 16 : index
    %swap3A_141 = tpu.vector_load %arg12[%swap3A_138, %swap3A_139, %swap3A_140] {strides = array<i32>} : memref<4x64x128xf32, #tpu.memory_space<vmem>>, vector<1x1x16xf32>,
    %swap3A_142 = vector.shape_cast %swap3A_141 : vector<1x1x16xf32> to vector<16xf32>
    %swap3A_143 = vector.shape_cast %broadcast_in_dim3A_0 : vector<16xf32> to vector<1x1x16xf32>
    tpu.vector_store %arg12[%swap3A_138, %swap3A_139, %swap3A_140], %swap3A_143 {strides = array<i32>} : memref<4x64x128xf32, #tpu.memory_space<vmem>>, vector<1x1x16xf32>,
    %swap3A_144 = arith.constant 0 : i32
    %swap3A_145 = arith.constant 2 : i32
    %swap3A_146 = arith.index_cast %swap3A_144 : i32 to index
    %swap3A_147 = arith.index_cast %swap3A_145 : i32 to index
    %swap3A_148 = arith.constant 32 : index
    %swap3A_149 = tpu.vector_load %arg12[%swap3A_146, %swap3A_147, %swap3A_148] {strides = array<i32>} : memref<4x64x128xf32, #tpu.memory_space<vmem>>, vector<1x1x16xf32>,
    %swap3A_150 = vector.shape_cast %swap3A_149 : vector<1x1x16xf32> to vector<16xf32>
    %swap3A_151 = vector.shape_cast %broadcast_in_dim3A_0 : vector<16xf32> to vector<1x1x16xf32>
    tpu.vector_store %arg12[%swap3A_146, %swap3A_147, %swap3A_148], %swap3A_151 {strides = array<i32>} : memref<4x64x128xf32, #tpu.memory_space<vmem>>, vector<1x1x16xf32>,
    %swap3A_152 = arith.constant 0 : i32
    %swap3A_153 = arith.constant 2 : i32
    %swap3A_154 = arith.index_cast %swap3A_152 : i32 to index
    %swap3A_155 = arith.index_cast %swap3A_153 : i32 to index
    %swap3A_156 = arith.constant 48 : index
    %swap3A_157 = tpu.vector_load %arg12[%swap3A_154, %swap3A_155, %swap3A_156] {strides = array<i32>} : memref<4x64x128xf32, #tpu.memory_space<vmem>>, vector<1x1x16xf32>,
    %swap3A_158 = vector.shape_cast %swap3A_157 : vector<1x1x16xf32> to vector<16xf32>
    %swap3A_159 = vector.shape_cast %broadcast_in_dim3A_0 : vector<16xf32> to vector<1x1x16xf32>
    tpu.vector_store %arg12[%swap3A_154, %swap3A_155, %swap3A_156], %swap3A_159 {strides = array<i32>} : memref<4x64x128xf32, #tpu.memory_space<vmem>>, vector<1x1x16xf32>,
    %swap3A_160 = arith.constant 0 : i32
    %swap3A_161 = arith.constant 2 : i32
    %swap3A_162 = arith.index_cast %swap3A_160 : i32 to index
    %swap3A_163 = arith.index_cast %swap3A_161 : i32 to index
    %swap3A_164 = arith.constant 64 : index
    %swap3A_165 = tpu.vector_load %arg12[%swap3A_162, %swap3A_163, %swap3A_164] {strides = array<i32>} : memref<4x64x128xf32, #tpu.memory_space<vmem>>, vector<1x1x16xf32>,
    %swap3A_166 = vector.shape_cast %swap3A_165 : vector<1x1x16xf32> to vector<16xf32>
    %swap3A_167 = vector.shape_cast %broadcast_in_dim3A_0 : vector<16xf32> to vector<1x1x16xf32>
    tpu.vector_store %arg12[%swap3A_162, %swap3A_163, %swap3A_164], %swap3A_167 {strides = array<i32>} : memref<4x64x128xf32, #tpu.memory_space<vmem>>, vector<1x1x16xf32>,
    %swap3A_168 = arith.constant 0 : i32
    %swap3A_169 = arith.constant 2 : i32
    %swap3A_170 = arith.index_cast %swap3A_168 : i32 to index
    %swap3A_171 = arith.index_cast %swap3A_169 : i32 to index
    %swap3A_172 = arith.constant 80 : index
    %swap3A_173 = tpu.vector_load %arg12[%swap3A_170, %swap3A_171, %swap3A_172] {strides = array<i32>} : memref<4x64x128xf32, #tpu.memory_space<vmem>>, vector<1x1x16xf32>,
    %swap3A_174 = vector.shape_cast %swap3A_173 : vector<1x1x16xf32> to vector<16xf32>
    %swap3A_175 = vector.shape_cast %broadcast_in_dim3A_0 : vector<16xf32> to vector<1x1x16xf32>
    tpu.vector_store %arg12[%swap3A_170, %swap3A_171, %swap3A_172], %swap3A_175 {strides = array<i32>} : memref<4x64x128xf32, #tpu.memory_space<vmem>>, vector<1x1x16xf32>,
    %swap3A_176 = arith.constant 0 : i32
    %swap3A_177 = arith.constant 2 : i32
    %swap3A_178 = arith.index_cast %swap3A_176 : i32 to index
    %swap3A_179 = arith.index_cast %swap3A_177 : i32 to index
    %swap3A_180 = arith.constant 96 : index
    %swap3A_181 = tpu.vector_load %arg12[%swap3A_178, %swap3A_179, %swap3A_180] {strides = array<i32>} : memref<4x64x128xf32, #tpu.memory_space<vmem>>, vector<1x1x16xf32>,
    %swap3A_182 = vector.shape_cast %swap3A_181 : vector<1x1x16xf32> to vector<16xf32>
    %swap3A_183 = vector.shape_cast %broadcast_in_dim3A_0 : vector<16xf32> to vector<1x1x16xf32>
    tpu.vector_store %arg12[%swap3A_178, %swap3A_179, %swap3A_180], %swap3A_183 {strides = array<i32>} : memref<4x64x128xf32, #tpu.memory_space<vmem>>, vector<1x1x16xf32>,
    %swap3A_184 = arith.constant 0 : i32
    %swap3A_185 = arith.constant 2 : i32
    %swap3A_186 = arith.index_cast %swap3A_184 : i32 to index
    %swap3A_187 = arith.index_cast %swap3A_185 : i32 to index
    %swap3A_188 = arith.constant 112 : index
    %swap3A_189 = tpu.vector_load %arg12[%swap3A_186, %swap3A_187, %swap3A_188] {strides = array<i32>} : memref<4x64x128xf32, #tpu.memory_space<vmem>>, vector<1x1x16xf32>,
    %swap3A_190 = vector.shape_cast %swap3A_189 : vector<1x1x16xf32> to vector<16xf32>
    %swap3A_191 = vector.shape_cast %broadcast_in_dim3A_0 : vector<16xf32> to vector<1x1x16xf32>
    tpu.vector_store %arg12[%swap3A_186, %swap3A_187, %swap3A_188], %swap3A_191 {strides = array<i32>} : memref<4x64x128xf32, #tpu.memory_space<vmem>>, vector<1x1x16xf32>,
    %swap3A_192 = arith.constant 0 : i32
    %swap3A_193 = arith.constant 3 : i32
    %swap3A_194 = arith.index_cast %swap3A_192 : i32 to index
    %swap3A_195 = arith.index_cast %swap3A_193 : i32 to index
    %swap3A_196 = arith.constant 0 : index
    %swap3A_197 = tpu.vector_load %arg12[%swap3A_194, %swap3A_195, %swap3A_196] {strides = array<i32>} : memref<4x64x128xf32, #tpu.memory_space<vmem>>, vector<1x1x16xf32>,
    %swap3A_198 = vector.shape_cast %swap3A_197 : vector<1x1x16xf32> to vector<16xf32>
    %swap3A_199 = vector.shape_cast %broadcast_in_dim3A_0 : vector<16xf32> to vector<1x1x16xf32>
    tpu.vector_store %arg12[%swap3A_194, %swap3A_195, %swap3A_196], %swap3A_199 {strides = array<i32>} : memref<4x64x128xf32, #tpu.memory_space<vmem>>, vector<1x1x16xf32>,
    %swap3A_200 = arith.constant 0 : i32
    %swap3A_201 = arith.constant 3 : i32
    %swap3A_202 = arith.index_cast %swap3A_200 : i32 to index
    %swap3A_203 = arith.index_cast %swap3A_201 : i32 to index
    %swap3A_204 = arith.constant 16 : index
    %swap3A_205 = tpu.vector_load %arg12[%swap3A_202, %swap3A_203, %swap3A_204] {strides = array<i32>} : memref<4x64x128xf32, #tpu.memory_space<vmem>>, vector<1x1x16xf32>,
    %swap3A_206 = vector.shape_cast %swap3A_205 : vector<1x1x16xf32> to vector<16xf32>
    %swap3A_207 = vector.shape_cast %broadcast_in_dim3A_0 : vector<16xf32> to vector<1x1x16xf32>
    tpu.vector_store %arg12[%swap3A_202, %swap3A_203, %swap3A_204], %swap3A_207 {strides = array<i32>} : memref<4x64x128xf32, #tpu.memory_space<vmem>>, vector<1x1x16xf32>,
    %swap3A_208 = arith.constant 0 : i32
    %swap3A_209 = arith.constant 3 : i32
    %swap3A_210 = arith.index_cast %swap3A_208 : i32 to index
    %swap3A_211 = arith.index_cast %swap3A_209 : i32 to index
    %swap3A_212 = arith.constant 32 : index
    %swap3A_213 = tpu.vector_load %arg12[%swap3A_210, %swap3A_211, %swap3A_212] {strides = array<i32>} : memref<4x64x128xf32, #tpu.memory_space<vmem>>, vector<1x1x16xf32>,
    %swap3A_214 = vector.shape_cast %swap3A_213 : vector<1x1x16xf32> to vector<16xf32>
    %swap3A_215 = vector.shape_cast %broadcast_in_dim3A_0 : vector<16xf32> to vector<1x1x16xf32>
    tpu.vector_store %arg12[%swap3A_210, %swap3A_211, %swap3A_212], %swap3A_215 {strides = array<i32>} : memref<4x64x128xf32, #tpu.memory_space<vmem>>, vector<1x1x16xf32>,
    %swap3A_216 = arith.constant 0 : i32
    %swap3A_217 = arith.constant 3 : i32
    %swap3A_218 = arith.index_cast %swap3A_216 : i32 to index
    %swap3A_219 = arith.index_cast %swap3A_217 : i32 to index
    %swap3A_220 = arith.constant 48 : index
    %swap3A_221 = tpu.vector_load %arg12[%swap3A_218, %swap3A_219, %swap3A_220] {strides = array<i32>} : memref<4x64x128xf32, #tpu.memory_space<vmem>>, vector<1x1x16xf32>,
    %swap3A_222 = vector.shape_cast %swap3A_221 : vector<1x1x16xf32> to vector<16xf32>
    %swap3A_223 = vector.shape_cast %broadcast_in_dim3A_0 : vector<16xf32> to vector<1x1x16xf32>
    tpu.vector_store %arg12[%swap3A_218, %swap3A_219, %swap3A_220], %swap3A_223 {strides = array<i32>} : memref<4x64x128xf32, #tpu.memory_space<vmem>>, vector<1x1x16xf32>,
    %swap3A_224 = arith.constant 0 : i32
    %swap3A_225 = arith.constant 3 : i32
    %swap3A_226 = arith.index_cast %swap3A_224 : i32 to index
    %swap3A_227 = arith.index_cast %swap3A_225 : i32 to index
    %swap3A_228 = arith.constant 64 : index
    %swap3A_229 = tpu.vector_load %arg12[%swap3A_226, %swap3A_227, %swap3A_228] {strides = array<i32>} : memref<4x64x128xf32, #tpu.memory_space<vmem>>, vector<1x1x16xf32>,
    %swap3A_230 = vector.shape_cast %swap3A_229 : vector<1x1x16xf32> to vector<16xf32>
    %swap3A_231 = vector.shape_cast %broadcast_in_dim3A_0 : vector<16xf32> to vector<1x1x16xf32>
    tpu.vector_store %arg12[%swap3A_226, %swap3A_227, %swap3A_228], %swap3A_231 {strides = array<i32>} : memref<4x64x128xf32, #tpu.memory_space<vmem>>, vector<1x1x16xf32>,
    %swap3A_232 = arith.constant 0 : i32
    %swap3A_233 = arith.constant 3 : i32
    %swap3A_234 = arith.index_cast %swap3A_232 : i32 to index
    %swap3A_235 = arith.index_cast %swap3A_233 : i32 to index
    %swap3A_236 = arith.constant 80 : index
    %swap3A_237 = tpu.vector_load %arg12[%swap3A_234, %swap3A_235, %swap3A_236] {strides = array<i32>} : memref<4x64x128xf32, #tpu.memory_space<vmem>>, vector<1x1x16xf32>,
    %swap3A_238 = vector.shape_cast %swap3A_237 : vector<1x1x16xf32> to vector<16xf32>
    %swap3A_239 = vector.shape_cast %broadcast_in_dim3A_0 : vector<16xf32> to vector<1x1x16xf32>
    tpu.vector_store %arg12[%swap3A_234, %swap3A_235, %swap3A_236], %swap3A_239 {strides = array<i32>} : memref<4x64x128xf32, #tpu.memory_space<vmem>>, vector<1x1x16xf32>,
    %swap3A_240 = arith.constant 0 : i32
    %swap3A_241 = arith.constant 3 : i32
    %swap3A_242 = arith.index_cast %swap3A_240 : i32 to index
    %swap3A_243 = arith.index_cast %swap3A_241 : i32 to index
    %swap3A_244 = arith.constant 96 : index
    %swap3A_245 = tpu.vector_load %arg12[%swap3A_242, %swap3A_243, %swap3A_244] {strides = array<i32>} : memref<4x64x128xf32, #tpu.memory_space<vmem>>, vector<1x1x16xf32>,
    %swap3A_246 = vector.shape_cast %swap3A_245 : vector<1x1x16xf32> to vector<16xf32>
    %swap3A_247 = vector.shape_cast %broadcast_in_dim3A_0 : vector<16xf32> to vector<1x1x16xf32>
    tpu.vector_store %arg12[%swap3A_242, %swap3A_243, %swap3A_244], %swap3A_247 {strides = array<i32>} : memref<4x64x128xf32, #tpu.memory_space<vmem>>, vector<1x1x16xf32>,
    %swap3A_248 = arith.constant 0 : i32
    %swap3A_249 = arith.constant 3 : i32
    %swap3A_250 = arith.index_cast %swap3A_248 : i32 to index
    %swap3A_251 = arith.index_cast %swap3A_249 : i32 to index
    %swap3A_252 = arith.constant 112 : index
    %swap3A_253 = tpu.vector_load %arg12[%swap3A_250, %swap3A_251, %swap3A_252] {strides = array<i32>} : memref<4x64x128xf32, #tpu.memory_space<vmem>>, vector<1x1x16xf32>,
    %swap3A_254 = vector.shape_cast %swap3A_253 : vector<1x1x16xf32> to vector<16xf32>
    %swap3A_255 = vector.shape_cast %broadcast_in_dim3A_0 : vector<16xf32> to vector<1x1x16xf32>
    tpu.vector_store %arg12[%swap3A_250, %swap3A_251, %swap3A_252], %swap3A_255 {strides = array<i32>} : memref<4x64x128xf32, #tpu.memory_space<vmem>>, vector<1x1x16xf32>,
    %swap3A_256 = arith.constant 0 : i32
    %swap3A_257 = arith.constant 4 : i32
    %swap3A_258 = arith.index_cast %swap3A_256 : i32 to index
    %swap3A_259 = arith.index_cast %swap3A_257 : i32 to index
    %swap3A_260 = arith.constant 0 : index
    %swap3A_261 = tpu.vector_load %arg12[%swap3A_258, %swap3A_259, %swap3A_260] {strides = array<i32>} : memref<4x64x128xf32, #tpu.memory_space<vmem>>, vector<1x1x16xf32>,
    %swap3A_262 = vector.shape_cast %swap3A_261 : vector<1x1x16xf32> to vector<16xf32>
    %swap3A_263 = vector.shape_cast %broadcast_in_dim3A_0 : vector<16xf32> to vector<1x1x16xf32>
    tpu.vector_store %arg12[%swap3A_258, %swap3A_259, %swap3A_260], %swap3A_263 {strides = array<i32>} : memref<4x64x128xf32, #tpu.memory_space<vmem>>, vector<1x1x16xf32>,
    %swap3A_264 = arith.constant 0 : i32
    %swap3A_265 = arith.constant 4 : i32
    %swap3A_266 = arith.index_cast %swap3A_264 : i32 to index
    %swap3A_267 = arith.index_cast %swap3A_265 : i32 to index
    %swap3A_268 = arith.constant 16 : index
    %swap3A_269 = tpu.vector_load %arg12[%swap3A_266, %swap3A_267, %swap3A_268] {strides = array<i32>} : memref<4x64x128xf32, #tpu.memory_space<vmem>>, vector<1x1x16xf32>,
    %swap3A_270 = vector.shape_cast %swap3A_269 : vector<1x1x16xf32> to vector<16xf32>
    %swap3A_271 = vector.shape_cast %broadcast_in_dim3A_0 : vector<16xf32> to vector<1x1x16xf32>
    tpu.vector_store %arg12[%swap3A_266, %swap3A_267, %swap3A_268], %swap3A_271 {strides = array<i32>} : memref<4x64x128xf32, #tpu.memory_space<vmem>>, vector<1x1x16xf32>,
    %swap3A_272 = arith.constant 0 : i32
    %swap3A_273 = arith.constant 4 : i32
    %swap3A_274 = arith.index_cast %swap3A_272 : i32 to index
    %swap3A_275 = arith.index_cast %swap3A_273 : i32 to index
    %swap3A_276 = arith.constant 32 : index
    %swap3A_277 = tpu.vector_load %arg12[%swap3A_274, %swap3A_275, %swap3A_276] {strides = array<i32>} : memref<4x64x128xf32, #tpu.memory_space<vmem>>, vector<1x1x16xf32>,
    %swap3A_278 = vector.shape_cast %swap3A_277 : vector<1x1x16xf32> to vector<16xf32>
    %swap3A_279 = vector.shape_cast %broadcast_in_dim3A_0 : vector<16xf32> to vector<1x1x16xf32>
    tpu.vector_store %arg12[%swap3A_274, %swap3A_275, %swap3A_276], %swap3A_279 {strides = array<i32>} : memref<4x64x128xf32, #tpu.memory_space<vmem>>, vector<1x1x16xf32>,
    %swap3A_280 = arith.constant 0 : i32
    %swap3A_281 = arith.constant 4 : i32
    %swap3A_282 = arith.index_cast %swap3A_280 : i32 to index
    %swap3A_283 = arith.index_cast %swap3A_281 : i32 to index
    %swap3A_284 = arith.constant 48 : index
    %swap3A_285 = tpu.vector_load %arg12[%swap3A_282, %swap3A_283, %swap3A_284] {strides = array<i32>} : memref<4x64x128xf32, #tpu.memory_space<vmem>>, vector<1x1x16xf32>,
    %swap3A_286 = vector.shape_cast %swap3A_285 : vector<1x1x16xf32> to vector<16xf32>
    %swap3A_287 = vector.shape_cast %broadcast_in_dim3A_0 : vector<16xf32> to vector<1x1x16xf32>
    tpu.vector_store %arg12[%swap3A_282, %swap3A_283, %swap3A_284], %swap3A_287 {strides = array<i32>} : memref<4x64x128xf32, #tpu.memory_space<vmem>>, vector<1x1x16xf32>,
    %swap3A_288 = arith.constant 0 : i32
    %swap3A_289 = arith.constant 4 : i32
    %swap3A_290 = arith.index_cast %swap3A_288 : i32 to index
    %swap3A_291 = arith.index_cast %swap3A_289 : i32 to index
    %swap3A_292 = arith.constant 64 : index
    %swap3A_293 = tpu.vector_load %arg12[%swap3A_290, %swap3A_291, %swap3A_292] {strides = array<i32>} : memref<4x64x128xf32, #tpu.memory_space<vmem>>, vector<1x1x16xf32>,
    %swap3A_294 = vector.shape_cast %swap3A_293 : vector<1x1x16xf32> to vector<16xf32>
    %swap3A_295 = vector.shape_cast %broadcast_in_dim3A_0 : vector<16xf32> to vector<1x1x16xf32>
    tpu.vector_store %arg12[%swap3A_290, %swap3A_291, %swap3A_292], %swap3A_295 {strides = array<i32>} : memref<4x64x128xf32, #tpu.memory_space<vmem>>, vector<1x1x16xf32>,
    %swap3A_296 = arith.constant 0 : i32
    %swap3A_297 = arith.constant 4 : i32
    %swap3A_298 = arith.index_cast %swap3A_296 : i32 to index
    %swap3A_299 = arith.index_cast %swap3A_297 : i32 to index
    %swap3A_300 = arith.constant 80 : index
    %swap3A_301 = tpu.vector_load %arg12[%swap3A_298, %swap3A_299, %swap3A_300] {strides = array<i32>} : memref<4x64x128xf32, #tpu.memory_space<vmem>>, vector<1x1x16xf32>,
    %swap3A_302 = vector.shape_cast %swap3A_301 : vector<1x1x16xf32> to vector<16xf32>
    %swap3A_303 = vector.shape_cast %broadcast_in_dim3A_0 : vector<16xf32> to vector<1x1x16xf32>
    tpu.vector_store %arg12[%swap3A_298, %swap3A_299, %swap3A_300], %swap3A_303 {strides = array<i32>} : memref<4x64x128xf32, #tpu.memory_space<vmem>>, vector<1x1x16xf32>,
    %swap3A_304 = arith.constant 0 : i32
    %swap3A_305 = arith.constant 4 : i32
    %swap3A_306 = arith.index_cast %swap3A_304 : i32 to index
    %swap3A_307 = arith.index_cast %swap3A_305 : i32 to index
    %swap3A_308 = arith.constant 96 : index
    %swap3A_309 = tpu.vector_load %arg12[%swap3A_306, %swap3A_307, %swap3A_308] {strides = array<i32>} : memref<4x64x128xf32, #tpu.memory_space<vmem>>, vector<1x1x16xf32>,
    %swap3A_310 = vector.shape_cast %swap3A_309 : vector<1x1x16xf32> to vector<16xf32>
    %swap3A_311 = vector.shape_cast %broadcast_in_dim3A_0 : vector<16xf32> to vector<1x1x16xf32>
    tpu.vector_store %arg12[%swap3A_306, %swap3A_307, %swap3A_308], %swap3A_311 {strides = array<i32>} : memref<4x64x128xf32, #tpu.memory_space<vmem>>, vector<1x1x16xf32>,
    %swap3A_312 = arith.constant 0 : i32
    %swap3A_313 = arith.constant 4 : i32
    %swap3A_314 = arith.index_cast %swap3A_312 : i32 to index
    %swap3A_315 = arith.index_cast %swap3A_313 : i32 to index
    %swap3A_316 = arith.constant 112 : index
    %swap3A_317 = tpu.vector_load %arg12[%swap3A_314, %swap3A_315, %swap3A_316] {strides = array<i32>} : memref<4x64x128xf32, #tpu.memory_space<vmem>>, vector<1x1x16xf32>,
    %swap3A_318 = vector.shape_cast %swap3A_317 : vector<1x1x16xf32> to vector<16xf32>
    %swap3A_319 = vector.shape_cast %broadcast_in_dim3A_0 : vector<16xf32> to vector<1x1x16xf32>
    tpu.vector_store %arg12[%swap3A_314, %swap3A_315, %swap3A_316], %swap3A_319 {strides = array<i32>} : memref<4x64x128xf32, #tpu.memory_space<vmem>>, vector<1x1x16xf32>,
    %swap3A_320 = arith.constant 0 : i32
    %swap3A_321 = arith.constant 5 : i32
    %swap3A_322 = arith.index_cast %swap3A_320 : i32 to index
    %swap3A_323 = arith.index_cast %swap3A_321 : i32 to index
    %swap3A_324 = arith.constant 0 : index
    %swap3A_325 = tpu.vector_load %arg12[%swap3A_322, %swap3A_323, %swap3A_324] {strides = array<i32>} : memref<4x64x128xf32, #tpu.memory_space<vmem>>, vector<1x1x16xf32>,
    %swap3A_326 = vector.shape_cast %swap3A_325 : vector<1x1x16xf32> to vector<16xf32>
    %swap3A_327 = vector.shape_cast %broadcast_in_dim3A_0 : vector<16xf32> to vector<1x1x16xf32>
    tpu.vector_store %arg12[%swap3A_322, %swap3A_323, %swap3A_324], %swap3A_327 {strides = array<i32>} : memref<4x64x128xf32, #tpu.memory_space<vmem>>, vector<1x1x16xf32>,
    %swap3A_328 = arith.constant 0 : i32
    %swap3A_329 = arith.constant 5 : i32
    %swap3A_330 = arith.index_cast %swap3A_328 : i32 to index
    %swap3A_331 = arith.index_cast %swap3A_329 : i32 to index
    %swap3A_332 = arith.constant 16 : index
    %swap3A_333 = tpu.vector_load %arg12[%swap3A_330, %swap3A_331, %swap3A_332] {strides = array<i32>} : memref<4x64x128xf32, #tpu.memory_space<vmem>>, vector<1x1x16xf32>,
    %swap3A_334 = vector.shape_cast %swap3A_333 : vector<1x1x16xf32> to vector<16xf32>
    %swap3A_335 = vector.shape_cast %broadcast_in_dim3A_0 : vector<16xf32> to vector<1x1x16xf32>
    tpu.vector_store %arg12[%swap3A_330, %swap3A_331, %swap3A_332], %swap3A_335 {strides = array<i32>} : memref<4x64x128xf32, #tpu.memory_space<vmem>>, vector<1x1x16xf32>,
    %swap3A_336 = arith.constant 0 : i32
    %swap3A_337 = arith.constant 5 : i32
    %swap3A_338 = arith.index_cast %swap3A_336 : i32 to index
    %swap3A_339 = arith.index_cast %swap3A_337 : i32 to index
    %swap3A_340 = arith.constant 32 : index
    %swap3A_341 = tpu.vector_load %arg12[%swap3A_338, %swap3A_339, %swap3A_340] {strides = array<i32>} : memref<4x64x128xf32, #tpu.memory_space<vmem>>, vector<1x1x16xf32>,
    %swap3A_342 = vector.shape_cast %swap3A_341 : vector<1x1x16xf32> to vector<16xf32>
    %swap3A_343 = vector.shape_cast %broadcast_in_dim3A_0 : vector<16xf32> to vector<1x1x16xf32>
    tpu.vector_store %arg12[%swap3A_338, %swap3A_339, %swap3A_340], %swap3A_343 {strides = array<i32>} : memref<4x64x128xf32, #tpu.memory_space<vmem>>, vector<1x1x16xf32>,
    %swap3A_344 = arith.constant 0 : i32
    %swap3A_345 = arith.constant 5 : i32
    %swap3A_346 = arith.index_cast %swap3A_344 : i32 to index
    %swap3A_347 = arith.index_cast %swap3A_345 : i32 to index
    %swap3A_348 = arith.constant 48 : index
    %swap3A_349 = tpu.vector_load %arg12[%swap3A_346, %swap3A_347, %swap3A_348] {strides = array<i32>} : memref<4x64x128xf32, #tpu.memory_space<vmem>>, vector<1x1x16xf32>,
    %swap3A_350 = vector.shape_cast %swap3A_349 : vector<1x1x16xf32> to vector<16xf32>
    %swap3A_351 = vector.shape_cast %broadcast_in_dim3A_0 : vector<16xf32> to vector<1x1x16xf32>
    tpu.vector_store %arg12[%swap3A_346, %swap3A_347, %swap3A_348], %swap3A_351 {strides = array<i32>} : memref<4x64x128xf32, #tpu.memory_space<vmem>>, vector<1x1x16xf32>,
    %swap3A_352 = arith.constant 0 : i32
    %swap3A_353 = arith.constant 5 : i32
    %swap3A_354 = arith.index_cast %swap3A_352 : i32 to index
    %swap3A_355 = arith.index_cast %swap3A_353 : i32 to index
    %swap3A_356 = arith.constant 64 : index
    %swap3A_357 = tpu.vector_load %arg12[%swap3A_354, %swap3A_355, %swap3A_356] {strides = array<i32>} : memref<4x64x128xf32, #tpu.memory_space<vmem>>, vector<1x1x16xf32>,
    %swap3A_358 = vector.shape_cast %swap3A_357 : vector<1x1x16xf32> to vector<16xf32>
    %swap3A_359 = vector.shape_cast %broadcast_in_dim3A_0 : vector<16xf32> to vector<1x1x16xf32>
    tpu.vector_store %arg12[%swap3A_354, %swap3A_355, %swap3A_356], %swap3A_359 {strides = array<i32>} : memref<4x64x128xf32, #tpu.memory_space<vmem>>, vector<1x1x16xf32>,
    %swap3A_360 = arith.constant 0 : i32
    %swap3A_361 = arith.constant 5 : i32
    %swap3A_362 = arith.index_cast %swap3A_360 : i32 to index
    %swap3A_363 = arith.index_cast %swap3A_361 : i32 to index
    %swap3A_364 = arith.constant 80 : index
    %swap3A_365 = tpu.vector_load %arg12[%swap3A_362, %swap3A_363, %swap3A_364] {strides = array<i32>} : memref<4x64x128xf32, #tpu.memory_space<vmem>>, vector<1x1x16xf32>,
    %swap3A_366 = vector.shape_cast %swap3A_365 : vector<1x1x16xf32> to vector<16xf32>
    %swap3A_367 = vector.shape_cast %broadcast_in_dim3A_0 : vector<16xf32> to vector<1x1x16xf32>
    tpu.vector_store %arg12[%swap3A_362, %swap3A_363, %swap3A_364], %swap3A_367 {strides = array<i32>} : memref<4x64x128xf32, #tpu.memory_space<vmem>>, vector<1x1x16xf32>,
    %swap3A_368 = arith.constant 0 : i32
    %swap3A_369 = arith.constant 5 : i32
    %swap3A_370 = arith.index_cast %swap3A_368 : i32 to index
    %swap3A_371 = arith.index_cast %swap3A_369 : i32 to index
    %swap3A_372 = arith.constant 96 : index
    %swap3A_373 = tpu.vector_load %arg12[%swap3A_370, %swap3A_371, %swap3A_372] {strides = array<i32>} : memref<4x64x128xf32, #tpu.memory_space<vmem>>, vector<1x1x16xf32>,
    %swap3A_374 = vector.shape_cast %swap3A_373 : vector<1x1x16xf32> to vector<16xf32>
    %swap3A_375 = vector.shape_cast %broadcast_in_dim3A_0 : vector<16xf32> to vector<1x1x16xf32>
    tpu.vector_store %arg12[%swap3A_370, %swap3A_371, %swap3A_372], %swap3A_375 {strides = array<i32>} : memref<4x64x128xf32, #tpu.memory_space<vmem>>, vector<1x1x16xf32>,
    %swap3A_376 = arith.constant 0 : i32
    %swap3A_377 = arith.constant 5 : i32
    %swap3A_378 = arith.index_cast %swap3A_376 : i32 to index
    %swap3A_379 = arith.index_cast %swap3A_377 : i32 to index
    %swap3A_380 = arith.constant 112 : index
    %swap3A_381 = tpu.vector_load %arg12[%swap3A_378, %swap3A_379, %swap3A_380] {strides = array<i32>} : memref<4x64x128xf32, #tpu.memory_space<vmem>>, vector<1x1x16xf32>,
    %swap3A_382 = vector.shape_cast %swap3A_381 : vector<1x1x16xf32> to vector<16xf32>
    %swap3A_383 = vector.shape_cast %broadcast_in_dim3A_0 : vector<16xf32> to vector<1x1x16xf32>
    tpu.vector_store %arg12[%swap3A_378, %swap3A_379, %swap3A_380], %swap3A_383 {strides = array<i32>} : memref<4x64x128xf32, #tpu.memory_space<vmem>>, vector<1x1x16xf32>,
    %swap3A_384 = arith.constant 0 : i32
    %swap3A_385 = arith.constant 6 : i32
    %swap3A_386 = arith.index_cast %swap3A_384 : i32 to index
    %swap3A_387 = arith.index_cast %swap3A_385 : i32 to index
    %swap3A_388 = arith.constant 0 : index
    %swap3A_389 = tpu.vector_load %arg12[%swap3A_386, %swap3A_387, %swap3A_388] {strides = array<i32>} : memref<4x64x128xf32, #tpu.memory_space<vmem>>, vector<1x1x16xf32>,
    %swap3A_390 = vector.shape_cast %swap3A_389 : vector<1x1x16xf32> to vector<16xf32>
    %swap3A_391 = vector.shape_cast %broadcast_in_dim3A_0 : vector<16xf32> to vector<1x1x16xf32>
    tpu.vector_store %arg12[%swap3A_386, %swap3A_387, %swap3A_388], %swap3A_391 {strides = array<i32>} : memref<4x64x128xf32, #tpu.memory_space<vmem>>, vector<1x1x16xf32>,
    %swap3A_392 = arith.constant 0 : i32
    %swap3A_393 = arith.constant 6 : i32
    %swap3A_394 = arith.index_cast %swap3A_392 : i32 to index
    %swap3A_395 = arith.index_cast %swap3A_393 : i32 to index
    %swap3A_396 = arith.constant 16 : index
    %swap3A_397 = tpu.vector_load %arg12[%swap3A_394, %swap3A_395, %swap3A_396] {strides = array<i32>} : memref<4x64x128xf32, #tpu.memory_space<vmem>>, vector<1x1x16xf32>,
    %swap3A_398 = vector.shape_cast %swap3A_397 : vector<1x1x16xf32> to vector<16xf32>
    %swap3A_399 = vector.shape_cast %broadcast_in_dim3A_0 : vector<16xf32> to vector<1x1x16xf32>
    tpu.vector_store %arg12[%swap3A_394, %swap3A_395, %swap3A_396], %swap3A_399 {strides = array<i32>} : memref<4x64x128xf32, #tpu.memory_space<vmem>>, vector<1x1x16xf32>,
    %swap3A_400 = arith.constant 0 : i32
    %swap3A_401 = arith.constant 6 : i32
    %swap3A_402 = arith.index_cast %swap3A_400 : i32 to index
    %swap3A_403 = arith.index_cast %swap3A_401 : i32 to index
    %swap3A_404 = arith.constant 32 : index
    %swap3A_405 = tpu.vector_load %arg12[%swap3A_402, %swap3A_403, %swap3A_404] {strides = array<i32>} : memref<4x64x128xf32, #tpu.memory_space<vmem>>, vector<1x1x16xf32>,
    %swap3A_406 = vector.shape_cast %swap3A_405 : vector<1x1x16xf32> to vector<16xf32>
    %swap3A_407 = vector.shape_cast %broadcast_in_dim3A_0 : vector<16xf32> to vector<1x1x16xf32>
    tpu.vector_store %arg12[%swap3A_402, %swap3A_403, %swap3A_404], %swap3A_407 {strides = array<i32>} : memref<4x64x128xf32, #tpu.memory_space<vmem>>, vector<1x1x16xf32>,
    %swap3A_408 = arith.constant 0 : i32
    %swap3A_409 = arith.constant 6 : i32
    %swap3A_410 = arith.index_cast %swap3A_408 : i32 to index
    %swap3A_411 = arith.index_cast %swap3A_409 : i32 to index
    %swap3A_412 = arith.constant 48 : index
    %swap3A_413 = tpu.vector_load %arg12[%swap3A_410, %swap3A_411, %swap3A_412] {strides = array<i32>} : memref<4x64x128xf32, #tpu.memory_space<vmem>>, vector<1x1x16xf32>,
    %swap3A_414 = vector.shape_cast %swap3A_413 : vector<1x1x16xf32> to vector<16xf32>
    %swap3A_415 = vector.shape_cast %broadcast_in_dim3A_0 : vector<16xf32> to vector<1x1x16xf32>
    tpu.vector_store %arg12[%swap3A_410, %swap3A_411, %swap3A_412], %swap3A_415 {strides = array<i32>} : memref<4x64x128xf32, #tpu.memory_space<vmem>>, vector<1x1x16xf32>,
    %swap3A_416 = arith.constant 0 : i32
    %swap3A_417 = arith.constant 6 : i32
    %swap3A_418 = arith.index_cast %swap3A_416 : i32 to index
    %swap3A_419 = arith.index_cast %swap3A_417 : i32 to index
    %swap3A_420 = arith.constant 64 : index
    %swap3A_421 = tpu.vector_load %arg12[%swap3A_418, %swap3A_419, %swap3A_420] {strides = array<i32>} : memref<4x64x128xf32, #tpu.memory_space<vmem>>, vector<1x1x16xf32>,
    %swap3A_422 = vector.shape_cast %swap3A_421 : vector<1x1x16xf32> to vector<16xf32>
    %swap3A_423 = vector.shape_cast %broadcast_in_dim3A_0 : vector<16xf32> to vector<1x1x16xf32>
    tpu.vector_store %arg12[%swap3A_418, %swap3A_419, %swap3A_420], %swap3A_423 {strides = array<i32>} : memref<4x64x128xf32, #tpu.memory_space<vmem>>, vector<1x1x16xf32>,
    %swap3A_424 = arith.constant 0 : i32
    %swap3A_425 = arith.constant 6 : i32
    %swap3A_426 = arith.index_cast %swap3A_424 : i32 to index
    %swap3A_427 = arith.index_cast %swap3A_425 : i32 to index
    %swap3A_428 = arith.constant 80 : index
    %swap3A_429 = tpu.vector_load %arg12[%swap3A_426, %swap3A_427, %swap3A_428] {strides = array<i32>} : memref<4x64x128xf32, #tpu.memory_space<vmem>>, vector<1x1x16xf32>,
    %swap3A_430 = vector.shape_cast %swap3A_429 : vector<1x1x16xf32> to vector<16xf32>
    %swap3A_431 = vector.shape_cast %broadcast_in_dim3A_0 : vector<16xf32> to vector<1x1x16xf32>
    tpu.vector_store %arg12[%swap3A_426, %swap3A_427, %swap3A_428], %swap3A_431 {strides = array<i32>} : memref<4x64x128xf32, #tpu.memory_space<vmem>>, vector<1x1x16xf32>,
    %swap3A_432 = arith.constant 0 : i32
    %swap3A_433 = arith.constant 6 : i32
    %swap3A_434 = arith.index_cast %swap3A_432 : i32 to index
    %swap3A_435 = arith.index_cast %swap3A_433 : i32 to index
    %swap3A_436 = arith.constant 96 : index
    %swap3A_437 = tpu.vector_load %arg12[%swap3A_434, %swap3A_435, %swap3A_436] {strides = array<i32>} : memref<4x64x128xf32, #tpu.memory_space<vmem>>, vector<1x1x16xf32>,
    %swap3A_438 = vector.shape_cast %swap3A_437 : vector<1x1x16xf32> to vector<16xf32>
    %swap3A_439 = vector.shape_cast %broadcast_in_dim3A_0 : vector<16xf32> to vector<1x1x16xf32>
    tpu.vector_store %arg12[%swap3A_434, %swap3A_435, %swap3A_436], %swap3A_439 {strides = array<i32>} : memref<4x64x128xf32, #tpu.memory_space<vmem>>, vector<1x1x16xf32>,
    %swap3A_440 = arith.constant 0 : i32
    %swap3A_441 = arith.constant 6 : i32
    %swap3A_442 = arith.index_cast %swap3A_440 : i32 to index
    %swap3A_443 = arith.index_cast %swap3A_441 : i32 to index
    %swap3A_444 = arith.constant 112 : index
    %swap3A_445 = tpu.vector_load %arg12[%swap3A_442, %swap3A_443, %swap3A_444] {strides = array<i32>} : memref<4x64x128xf32, #tpu.memory_space<vmem>>, vector<1x1x16xf32>,
    %swap3A_446 = vector.shape_cast %swap3A_445 : vector<1x1x16xf32> to vector<16xf32>
    %swap3A_447 = vector.shape_cast %broadcast_in_dim3A_0 : vector<16xf32> to vector<1x1x16xf32>
    tpu.vector_store %arg12[%swap3A_442, %swap3A_443, %swap3A_444], %swap3A_447 {strides = array<i32>} : memref<4x64x128xf32, #tpu.memory_space<vmem>>, vector<1x1x16xf32>,
    %swap3A_448 = arith.constant 0 : i32
    %swap3A_449 = arith.constant 7 : i32
    %swap3A_450 = arith.index_cast %swap3A_448 : i32 to index
    %swap3A_451 = arith.index_cast %swap3A_449 : i32 to index
    %swap3A_452 = arith.constant 0 : index
    %swap3A_453 = tpu.vector_load %arg12[%swap3A_450, %swap3A_451, %swap3A_452] {strides = array<i32>} : memref<4x64x128xf32, #tpu.memory_space<vmem>>, vector<1x1x16xf32>,
    %swap3A_454 = vector.shape_cast %swap3A_453 : vector<1x1x16xf32> to vector<16xf32>
    %swap3A_455 = vector.shape_cast %broadcast_in_dim3A_0 : vector<16xf32> to vector<1x1x16xf32>
    tpu.vector_store %arg12[%swap3A_450, %swap3A_451, %swap3A_452], %swap3A_455 {strides = array<i32>} : memref<4x64x128xf32, #tpu.memory_space<vmem>>, vector<1x1x16xf32>,
    %swap3A_456 = arith.constant 0 : i32
    %swap3A_457 = arith.constant 7 : i32
    %swap3A_458 = arith.index_cast %swap3A_456 : i32 to index
    %swap3A_459 = arith.index_cast %swap3A_457 : i32 to index
    %swap3A_460 = arith.constant 16 : index
    %swap3A_461 = tpu.vector_load %arg12[%swap3A_458, %swap3A_459, %swap3A_460] {strides = array<i32>} : memref<4x64x128xf32, #tpu.memory_space<vmem>>, vector<1x1x16xf32>,
    %swap3A_462 = vector.shape_cast %swap3A_461 : vector<1x1x16xf32> to vector<16xf32>
    %swap3A_463 = vector.shape_cast %broadcast_in_dim3A_0 : vector<16xf32> to vector<1x1x16xf32>
    tpu.vector_store %arg12[%swap3A_458, %swap3A_459, %swap3A_460], %swap3A_463 {strides = array<i32>} : memref<4x64x128xf32, #tpu.memory_space<vmem>>, vector<1x1x16xf32>,
    %swap3A_464 = arith.constant 0 : i32
    %swap3A_465 = arith.constant 7 : i32
    %swap3A_466 = arith.index_cast %swap3A_464 : i32 to index
    %swap3A_467 = arith.index_cast %swap3A_465 : i32 to index
    %swap3A_468 = arith.constant 32 : index
    %swap3A_469 = tpu.vector_load %arg12[%swap3A_466, %swap3A_467, %swap3A_468] {strides = array<i32>} : memref<4x64x128xf32, #tpu.memory_space<vmem>>, vector<1x1x16xf32>,
    %swap3A_470 = vector.shape_cast %swap3A_469 : vector<1x1x16xf32> to vector<16xf32>
    %swap3A_471 = vector.shape_cast %broadcast_in_dim3A_0 : vector<16xf32> to vector<1x1x16xf32>
    tpu.vector_store %arg12[%swap3A_466, %swap3A_467, %swap3A_468], %swap3A_471 {strides = array<i32>} : memref<4x64x128xf32, #tpu.memory_space<vmem>>, vector<1x1x16xf32>,
    %swap3A_472 = arith.constant 0 : i32
    %swap3A_473 = arith.constant 7 : i32
    %swap3A_474 = arith.index_cast %swap3A_472 : i32 to index
    %swap3A_475 = arith.index_cast %swap3A_473 : i32 to index
    %swap3A_476 = arith.constant 48 : index
    %swap3A_477 = tpu.vector_load %arg12[%swap3A_474, %swap3A_475, %swap3A_476] {strides = array<i32>} : memref<4x64x128xf32, #tpu.memory_space<vmem>>, vector<1x1x16xf32>,
    %swap3A_478 = vector.shape_cast %swap3A_477 : vector<1x1x16xf32> to vector<16xf32>
    %swap3A_479 = vector.shape_cast %broadcast_in_dim3A_0 : vector<16xf32> to vector<1x1x16xf32>
    tpu.vector_store %arg12[%swap3A_474, %swap3A_475, %swap3A_476], %swap3A_479 {strides = array<i32>} : memref<4x64x128xf32, #tpu.memory_space<vmem>>, vector<1x1x16xf32>,
    %swap3A_480 = arith.constant 0 : i32
    %swap3A_481 = arith.constant 7 : i32
    %swap3A_482 = arith.index_cast %swap3A_480 : i32 to index
    %swap3A_483 = arith.index_cast %swap3A_481 : i32 to index
    %swap3A_484 = arith.constant 64 : index
    %swap3A_485 = tpu.vector_load %arg12[%swap3A_482, %swap3A_483, %swap3A_484] {strides = array<i32>} : memref<4x64x128xf32, #tpu.memory_space<vmem>>, vector<1x1x16xf32>,
    %swap3A_486 = vector.shape_cast %swap3A_485 : vector<1x1x16xf32> to vector<16xf32>
    %swap3A_487 = vector.shape_cast %broadcast_in_dim3A_0 : vector<16xf32> to vector<1x1x16xf32>
    tpu.vector_store %arg12[%swap3A_482, %swap3A_483, %swap3A_484], %swap3A_487 {strides = array<i32>} : memref<4x64x128xf32, #tpu.memory_space<vmem>>, vector<1x1x16xf32>,
    %swap3A_488 = arith.constant 0 : i32
    %swap3A_489 = arith.constant 7 : i32
    %swap3A_490 = arith.index_cast %swap3A_488 : i32 to index
    %swap3A_491 = arith.index_cast %swap3A_489 : i32 to index
    %swap3A_492 = arith.constant 80 : index
    %swap3A_493 = tpu.vector_load %arg12[%swap3A_490, %swap3A_491, %swap3A_492] {strides = array<i32>} : memref<4x64x128xf32, #tpu.memory_space<vmem>>, vector<1x1x16xf32>,
    %swap3A_494 = vector.shape_cast %swap3A_493 : vector<1x1x16xf32> to vector<16xf32>
    %swap3A_495 = vector.shape_cast %broadcast_in_dim3A_0 : vector<16xf32> to vector<1x1x16xf32>
    tpu.vector_store %arg12[%swap3A_490, %swap3A_491, %swap3A_492], %swap3A_495 {strides = array<i32>} : memref<4x64x128xf32, #tpu.memory_space<vmem>>, vector<1x1x16xf32>,
    %swap3A_496 = arith.constant 0 : i32
    %swap3A_497 = arith.constant 7 : i32
    %swap3A_498 = arith.index_cast %swap3A_496 : i32 to index
    %swap3A_499 = arith.index_cast %swap3A_497 : i32 to index
    %swap3A_500 = arith.constant 96 : index
    %swap3A_501 = tpu.vector_load %arg12[%swap3A_498, %swap3A_499, %swap3A_500] {strides = array<i32>} : memref<4x64x128xf32, #tpu.memory_space<vmem>>, vector<1x1x16xf32>,
    %swap3A_502 = vector.shape_cast %swap3A_501 : vector<1x1x16xf32> to vector<16xf32>
    %swap3A_503 = vector.shape_cast %broadcast_in_dim3A_0 : vector<16xf32> to vector<1x1x16xf32>
    tpu.vector_store %arg12[%swap3A_498, %swap3A_499, %swap3A_500], %swap3A_503 {strides = array<i32>} : memref<4x64x128xf32, #tpu.memory_space<vmem>>, vector<1x1x16xf32>,
    %swap3A_504 = arith.constant 0 : i32
    %swap3A_505 = arith.constant 7 : i32
    %swap3A_506 = arith.index_cast %swap3A_504 : i32 to index
    %swap3A_507 = arith.index_cast %swap3A_505 : i32 to index
    %swap3A_508 = arith.constant 112 : index
    %swap3A_509 = tpu.vector_load %arg12[%swap3A_506, %swap3A_507, %swap3A_508] {strides = array<i32>} : memref<4x64x128xf32, #tpu.memory_space<vmem>>, vector<1x1x16xf32>,
    %swap3A_510 = vector.shape_cast %swap3A_509 : vector<1x1x16xf32> to vector<16xf32>
    %swap3A_511 = vector.shape_cast %broadcast_in_dim3A_0 : vector<16xf32> to vector<1x1x16xf32>
    tpu.vector_store %arg12[%swap3A_506, %swap3A_507, %swap3A_508], %swap3A_511 {strides = array<i32>} : memref<4x64x128xf32, #tpu.memory_space<vmem>>, vector<1x1x16xf32>,
    %swap3A_512 = arith.constant 0 : i32
    %swap3A_513 = arith.constant 8 : i32
    %swap3A_514 = arith.index_cast %swap3A_512 : i32 to index
    %swap3A_515 = arith.index_cast %swap3A_513 : i32 to index
    %swap3A_516 = arith.constant 0 : index
    %swap3A_517 = tpu.vector_load %arg12[%swap3A_514, %swap3A_515, %swap3A_516] {strides = array<i32>} : memref<4x64x128xf32, #tpu.memory_space<vmem>>, vector<1x1x16xf32>,
    %swap3A_518 = vector.shape_cast %swap3A_517 : vector<1x1x16xf32> to vector<16xf32>
    %swap3A_519 = vector.shape_cast %broadcast_in_dim3A_0 : vector<16xf32> to vector<1x1x16xf32>
    tpu.vector_store %arg12[%swap3A_514, %swap3A_515, %swap3A_516], %swap3A_519 {strides = array<i32>} : memref<4x64x128xf32, #tpu.memory_space<vmem>>, vector<1x1x16xf32>,
    %swap3A_520 = arith.constant 0 : i32
    %swap3A_521 = arith.constant 8 : i32
    %swap3A_522 = arith.index_cast %swap3A_520 : i32 to index
    %swap3A_523 = arith.index_cast %swap3A_521 : i32 to index
    %swap3A_524 = arith.constant 16 : index
    %swap3A_525 = tpu.vector_load %arg12[%swap3A_522, %swap3A_523, %swap3A_524] {strides = array<i32>} : memref<4x64x128xf32, #tpu.memory_space<vmem>>, vector<1x1x16xf32>,
    %swap3A_526 = vector.shape_cast %swap3A_525 : vector<1x1x16xf32> to vector<16xf32>
    %swap3A_527 = vector.shape_cast %broadcast_in_dim3A_0 : vector<16xf32> to vector<1x1x16xf32>
    tpu.vector_store %arg12[%swap3A_522, %swap3A_523, %swap3A_524], %swap3A_527 {strides = array<i32>} : memref<4x64x128xf32, #tpu.memory_space<vmem>>, vector<1x1x16xf32>,
    %swap3A_528 = arith.constant 0 : i32
    %swap3A_529 = arith.constant 8 : i32
    %swap3A_530 = arith.index_cast %swap3A_528 : i32 to index
    %swap3A_531 = arith.index_cast %swap3A_529 : i32 to index
    %swap3A_532 = arith.constant 32 : index
    %swap3A_533 = tpu.vector_load %arg12[%swap3A_530, %swap3A_531, %swap3A_532] {strides = array<i32>} : memref<4x64x128xf32, #tpu.memory_space<vmem>>, vector<1x1x16xf32>,
    %swap3A_534 = vector.shape_cast %swap3A_533 : vector<1x1x16xf32> to vector<16xf32>
    %swap3A_535 = vector.shape_cast %broadcast_in_dim3A_0 : vector<16xf32> to vector<1x1x16xf32>
    tpu.vector_store %arg12[%swap3A_530, %swap3A_531, %swap3A_532], %swap3A_535 {strides = array<i32>} : memref<4x64x128xf32, #tpu.memory_space<vmem>>, vector<1x1x16xf32>,
    %swap3A_536 = arith.constant 0 : i32
    %swap3A_537 = arith.constant 8 : i32
    %swap3A_538 = arith.index_cast %swap3A_536 : i32 to index
    %swap3A_539 = arith.index_cast %swap3A_537 : i32 to index
    %swap3A_540 = arith.constant 48 : index
    %swap3A_541 = tpu.vector_load %arg12[%swap3A_538, %swap3A_539, %swap3A_540] {strides = array<i32>} : memref<4x64x128xf32, #tpu.memory_space<vmem>>, vector<1x1x16xf32>,
    %swap3A_542 = vector.shape_cast %swap3A_541 : vector<1x1x16xf32> to vector<16xf32>
    %swap3A_543 = vector.shape_cast %broadcast_in_dim3A_0 : vector<16xf32> to vector<1x1x16xf32>
    tpu.vector_store %arg12[%swap3A_538, %swap3A_539, %swap3A_540], %swap3A_543 {strides = array<i32>} : memref<4x64x128xf32, #tpu.memory_space<vmem>>, vector<1x1x16xf32>,
    %swap3A_544 = arith.constant 0 : i32
    %swap3A_545 = arith.constant 8 : i32
    %swap3A_546 = arith.index_cast %swap3A_544 : i32 to index
    %swap3A_547 = arith.index_cast %swap3A_545 : i32 to index
    %swap3A_548 = arith.constant 64 : index
    %swap3A_549 = tpu.vector_load %arg12[%swap3A_546, %swap3A_547, %swap3A_548] {strides = array<i32>} : memref<4x64x128xf32, #tpu.memory_space<vmem>>, vector<1x1x16xf32>,
    %swap3A_550 = vector.shape_cast %swap3A_549 : vector<1x1x16xf32> to vector<16xf32>
    %swap3A_551 = vector.shape_cast %broadcast_in_dim3A_0 : vector<16xf32> to vector<1x1x16xf32>
    tpu.vector_store %arg12[%swap3A_546, %swap3A_547, %swap3A_548], %swap3A_551 {strides = array<i32>} : memref<4x64x128xf32, #tpu.memory_space<vmem>>, vector<1x1x16xf32>,
    %swap3A_552 = arith.constant 0 : i32
    %swap3A_553 = arith.constant 8 : i32
    %swap3A_554 = arith.index_cast %swap3A_552 : i32 to index
    %swap3A_555 = arith.index_cast %swap3A_553 : i32 to index
    %swap3A_556 = arith.constant 80 : index
    %swap3A_557 = tpu.vector_load %arg12[%swap3A_554, %swap3A_555, %swap3A_556] {strides = array<i32>} : memref<4x64x128xf32, #tpu.memory_space<vmem>>, vector<1x1x16xf32>,
    %swap3A_558 = vector.shape_cast %swap3A_557 : vector<1x1x16xf32> to vector<16xf32>
    %swap3A_559 = vector.shape_cast %broadcast_in_dim3A_0 : vector<16xf32> to vector<1x1x16xf32>
    tpu.vector_store %arg12[%swap3A_554, %swap3A_555, %swap3A_556], %swap3A_559 {strides = array<i32>} : memref<4x64x128xf32, #tpu.memory_space<vmem>>, vector<1x1x16xf32>,
    %swap3A_560 = arith.constant 0 : i32
    %swap3A_561 = arith.constant 8 : i32
    %swap3A_562 = arith.index_cast %swap3A_560 : i32 to index
    %swap3A_563 = arith.index_cast %swap3A_561 : i32 to index
    %swap3A_564 = arith.constant 96 : index
    %swap3A_565 = tpu.vector_load %arg12[%swap3A_562, %swap3A_563, %swap3A_564] {strides = array<i32>} : memref<4x64x128xf32, #tpu.memory_space<vmem>>, vector<1x1x16xf32>,
    %swap3A_566 = vector.shape_cast %swap3A_565 : vector<1x1x16xf32> to vector<16xf32>
    %swap3A_567 = vector.shape_cast %broadcast_in_dim3A_0 : vector<16xf32> to vector<1x1x16xf32>
    tpu.vector_store %arg12[%swap3A_562, %swap3A_563, %swap3A_564], %swap3A_567 {strides = array<i32>} : memref<4x64x128xf32, #tpu.memory_space<vmem>>, vector<1x1x16xf32>,
    %swap3A_568 = arith.constant 0 : i32
    %swap3A_569 = arith.constant 8 : i32
    %swap3A_570 = arith.index_cast %swap3A_568 : i32 to index
    %swap3A_571 = arith.index_cast %swap3A_569 : i32 to index
    %swap3A_572 = arith.constant 112 : index
    %swap3A_573 = tpu.vector_load %arg12[%swap3A_570, %swap3A_571, %swap3A_572] {strides = array<i32>} : memref<4x64x128xf32, #tpu.memory_space<vmem>>, vector<1x1x16xf32>,
    %swap3A_574 = vector.shape_cast %swap3A_573 : vector<1x1x16xf32> to vector<16xf32>
    %swap3A_575 = vector.shape_cast %broadcast_in_dim3A_0 : vector<16xf32> to vector<1x1x16xf32>
    tpu.vector_store %arg12[%swap3A_570, %swap3A_571, %swap3A_572], %swap3A_575 {strides = array<i32>} : memref<4x64x128xf32, #tpu.memory_space<vmem>>, vector<1x1x16xf32>,
    %swap3A_576 = arith.constant 0 : i32
    %swap3A_577 = arith.constant 9 : i32
    %swap3A_578 = arith.index_cast %swap3A_576 : i32 to index
    %swap3A_579 = arith.index_cast %swap3A_577 : i32 to index
    %swap3A_580 = arith.constant 0 : index
    %swap3A_581 = tpu.vector_load %arg12[%swap3A_578, %swap3A_579, %swap3A_580] {strides = array<i32>} : memref<4x64x128xf32, #tpu.memory_space<vmem>>, vector<1x1x16xf32>,
    %swap3A_582 = vector.shape_cast %swap3A_581 : vector<1x1x16xf32> to vector<16xf32>
    %swap3A_583 = vector.shape_cast %broadcast_in_dim3A_0 : vector<16xf32> to vector<1x1x16xf32>
    tpu.vector_store %arg12[%swap3A_578, %swap3A_579, %swap3A_580], %swap3A_583 {strides = array<i32>} : memref<4x64x128xf32, #tpu.memory_space<vmem>>, vector<1x1x16xf32>,
    %swap3A_584 = arith.constant 0 : i32
    %swap3A_585 = arith.constant 9 : i32
    %swap3A_586 = arith.index_cast %swap3A_584 : i32 to index
    %swap3A_587 = arith.index_cast %swap3A_585 : i32 to index
    %swap3A_588 = arith.constant 16 : index
    %swap3A_589 = tpu.vector_load %arg12[%swap3A_586, %swap3A_587, %swap3A_588] {strides = array<i32>} : memref<4x64x128xf32, #tpu.memory_space<vmem>>, vector<1x1x16xf32>,
    %swap3A_590 = vector.shape_cast %swap3A_589 : vector<1x1x16xf32> to vector<16xf32>
    %swap3A_591 = vector.shape_cast %broadcast_in_dim3A_0 : vector<16xf32> to vector<1x1x16xf32>
    tpu.vector_store %arg12[%swap3A_586, %swap3A_587, %swap3A_588], %swap3A_591 {strides = array<i32>} : memref<4x64x128xf32, #tpu.memory_space<vmem>>, vector<1x1x16xf32>,
    %swap3A_592 = arith.constant 0 : i32
    %swap3A_593 = arith.constant 9 : i32
    %swap3A_594 = arith.index_cast %swap3A_592 : i32 to index
    %swap3A_595 = arith.index_cast %swap3A_593 : i32 to index
    %swap3A_596 = arith.constant 32 : index
    %swap3A_597 = tpu.vector_load %arg12[%swap3A_594, %swap3A_595, %swap3A_596] {strides = array<i32>} : memref<4x64x128xf32, #tpu.memory_space<vmem>>, vector<1x1x16xf32>,
    %swap3A_598 = vector.shape_cast %swap3A_597 : vector<1x1x16xf32> to vector<16xf32>
    %swap3A_599 = vector.shape_cast %broadcast_in_dim3A_0 : vector<16xf32> to vector<1x1x16xf32>
    tpu.vector_store %arg12[%swap3A_594, %swap3A_595, %swap3A_596], %swap3A_599 {strides = array<i32>} : memref<4x64x128xf32, #tpu.memory_space<vmem>>, vector<1x1x16xf32>,
    %swap3A_600 = arith.constant 0 : i32
    %swap3A_601 = arith.constant 9 : i32
    %swap3A_602 = arith.index_cast %swap3A_600 : i32 to index
    %swap3A_603 = arith.index_cast %swap3A_601 : i32 to index
    %swap3A_604 = arith.constant 48 : index
    %swap3A_605 = tpu.vector_load %arg12[%swap3A_602, %swap3A_603, %swap3A_604] {strides = array<i32>} : memref<4x64x128xf32, #tpu.memory_space<vmem>>, vector<1x1x16xf32>,
    %swap3A_606 = vector.shape_cast %swap3A_605 : vector<1x1x16xf32> to vector<16xf32>
    %swap3A_607 = vector.shape_cast %broadcast_in_dim3A_0 : vector<16xf32> to vector<1x1x16xf32>
    tpu.vector_store %arg12[%swap3A_602, %swap3A_603, %swap3A_604], %swap3A_607 {strides = array<i32>} : memref<4x64x128xf32, #tpu.memory_space<vmem>>, vector<1x1x16xf32>,
    %swap3A_608 = arith.constant 0 : i32
    %swap3A_609 = arith.constant 9 : i32
    %swap3A_610 = arith.index_cast %swap3A_608 : i32 to index
    %swap3A_611 = arith.index_cast %swap3A_609 : i32 to index
    %swap3A_612 = arith.constant 64 : index
    %swap3A_613 = tpu.vector_load %arg12[%swap3A_610, %swap3A_611, %swap3A_612] {strides = array<i32>} : memref<4x64x128xf32, #tpu.memory_space<vmem>>, vector<1x1x16xf32>,
    %swap3A_614 = vector.shape_cast %swap3A_613 : vector<1x1x16xf32> to vector<16xf32>
    %swap3A_615 = vector.shape_cast %broadcast_in_dim3A_0 : vector<16xf32> to vector<1x1x16xf32>
    tpu.vector_store %arg12[%swap3A_610, %swap3A_611, %swap3A_612], %swap3A_615 {strides = array<i32>} : memref<4x64x128xf32, #tpu.memory_space<vmem>>, vector<1x1x16xf32>,
    %swap3A_616 = arith.constant 0 : i32
    %swap3A_617 = arith.constant 9 : i32
    %swap3A_618 = arith.index_cast %swap3A_616 : i32 to index
    %swap3A_619 = arith.index_cast %swap3A_617 : i32 to index
    %swap3A_620 = arith.constant 80 : index
    %swap3A_621 = tpu.vector_load %arg12[%swap3A_618, %swap3A_619, %swap3A_620] {strides = array<i32>} : memref<4x64x128xf32, #tpu.memory_space<vmem>>, vector<1x1x16xf32>,
    %swap3A_622 = vector.shape_cast %swap3A_621 : vector<1x1x16xf32> to vector<16xf32>
    %swap3A_623 = vector.shape_cast %broadcast_in_dim3A_0 : vector<16xf32> to vector<1x1x16xf32>
    tpu.vector_store %arg12[%swap3A_618, %swap3A_619, %swap3A_620], %swap3A_623 {strides = array<i32>} : memref<4x64x128xf32, #tpu.memory_space<vmem>>, vector<1x1x16xf32>,
    %swap3A_624 = arith.constant 0 : i32
    %swap3A_625 = arith.constant 9 : i32
    %swap3A_626 = arith.index_cast %swap3A_624 : i32 to index
    %swap3A_627 = arith.index_cast %swap3A_625 : i32 to index
    %swap3A_628 = arith.constant 96 : index
    %swap3A_629 = tpu.vector_load %arg12[%swap3A_626, %swap3A_627, %swap3A_628] {strides = array<i32>} : memref<4x64x128xf32, #tpu.memory_space<vmem>>, vector<1x1x16xf32>,
    %swap3A_630 = vector.shape_cast %swap3A_629 : vector<1x1x16xf32> to vector<16xf32>
    %swap3A_631 = vector.shape_cast %broadcast_in_dim3A_0 : vector<16xf32> to vector<1x1x16xf32>
    tpu.vector_store %arg12[%swap3A_626, %swap3A_627, %swap3A_628], %swap3A_631 {strides = array<i32>} : memref<4x64x128xf32, #tpu.memory_space<vmem>>, vector<1x1x16xf32>,
    %swap3A_632 = arith.constant 0 : i32
    %swap3A_633 = arith.constant 9 : i32
    %swap3A_634 = arith.index_cast %swap3A_632 : i32 to index
    %swap3A_635 = arith.index_cast %swap3A_633 : i32 to index
    %swap3A_636 = arith.constant 112 : index
    %swap3A_637 = tpu.vector_load %arg12[%swap3A_634, %swap3A_635, %swap3A_636] {strides = array<i32>} : memref<4x64x128xf32, #tpu.memory_space<vmem>>, vector<1x1x16xf32>,
    %swap3A_638 = vector.shape_cast %swap3A_637 : vector<1x1x16xf32> to vector<16xf32>
    %swap3A_639 = vector.shape_cast %broadcast_in_dim3A_0 : vector<16xf32> to vector<1x1x16xf32>
    tpu.vector_store %arg12[%swap3A_634, %swap3A_635, %swap3A_636], %swap3A_639 {strides = array<i32>} : memref<4x64x128xf32, #tpu.memory_space<vmem>>, vector<1x1x16xf32>,
    %swap3A_640 = arith.constant 0 : i32
    %swap3A_641 = arith.constant 10 : i32
    %swap3A_642 = arith.index_cast %swap3A_640 : i32 to index
    %swap3A_643 = arith.index_cast %swap3A_641 : i32 to index
    %swap3A_644 = arith.constant 0 : index
    %swap3A_645 = tpu.vector_load %arg12[%swap3A_642, %swap3A_643, %swap3A_644] {strides = array<i32>} : memref<4x64x128xf32, #tpu.memory_space<vmem>>, vector<1x1x16xf32>,
    %swap3A_646 = vector.shape_cast %swap3A_645 : vector<1x1x16xf32> to vector<16xf32>
    %swap3A_647 = vector.shape_cast %broadcast_in_dim3A_0 : vector<16xf32> to vector<1x1x16xf32>
    tpu.vector_store %arg12[%swap3A_642, %swap3A_643, %swap3A_644], %swap3A_647 {strides = array<i32>} : memref<4x64x128xf32, #tpu.memory_space<vmem>>, vector<1x1x16xf32>,
    %swap3A_648 = arith.constant 0 : i32
    %swap3A_649 = arith.constant 10 : i32
    %swap3A_650 = arith.index_cast %swap3A_648 : i32 to index
    %swap3A_651 = arith.index_cast %swap3A_649 : i32 to index
    %swap3A_652 = arith.constant 16 : index
    %swap3A_653 = tpu.vector_load %arg12[%swap3A_650, %swap3A_651, %swap3A_652] {strides = array<i32>} : memref<4x64x128xf32, #tpu.memory_space<vmem>>, vector<1x1x16xf32>,
    %swap3A_654 = vector.shape_cast %swap3A_653 : vector<1x1x16xf32> to vector<16xf32>
    %swap3A_655 = vector.shape_cast %broadcast_in_dim3A_0 : vector<16xf32> to vector<1x1x16xf32>
    tpu.vector_store %arg12[%swap3A_650, %swap3A_651, %swap3A_652], %swap3A_655 {strides = array<i32>} : memref<4x64x128xf32, #tpu.memory_space<vmem>>, vector<1x1x16xf32>,
    %swap3A_656 = arith.constant 0 : i32
    %swap3A_657 = arith.constant 10 : i32
    %swap3A_658 = arith.index_cast %swap3A_656 : i32 to index
    %swap3A_659 = arith.index_cast %swap3A_657 : i32 to index
    %swap3A_660 = arith.constant 32 : index
    %swap3A_661 = tpu.vector_load %arg12[%swap3A_658, %swap3A_659, %swap3A_660] {strides = array<i32>} : memref<4x64x128xf32, #tpu.memory_space<vmem>>, vector<1x1x16xf32>,
    %swap3A_662 = vector.shape_cast %swap3A_661 : vector<1x1x16xf32> to vector<16xf32>
    %swap3A_663 = vector.shape_cast %broadcast_in_dim3A_0 : vector<16xf32> to vector<1x1x16xf32>
    tpu.vector_store %arg12[%swap3A_658, %swap3A_659, %swap3A_660], %swap3A_663 {strides = array<i32>} : memref<4x64x128xf32, #tpu.memory_space<vmem>>, vector<1x1x16xf32>,
    %swap3A_664 = arith.constant 0 : i32
    %swap3A_665 = arith.constant 10 : i32
    %swap3A_666 = arith.index_cast %swap3A_664 : i32 to index
    %swap3A_667 = arith.index_cast %swap3A_665 : i32 to index
    %swap3A_668 = arith.constant 48 : index
    %swap3A_669 = tpu.vector_load %arg12[%swap3A_666, %swap3A_667, %swap3A_668] {strides = array<i32>} : memref<4x64x128xf32, #tpu.memory_space<vmem>>, vector<1x1x16xf32>,
    %swap3A_670 = vector.shape_cast %swap3A_669 : vector<1x1x16xf32> to vector<16xf32>
    %swap3A_671 = vector.shape_cast %broadcast_in_dim3A_0 : vector<16xf32> to vector<1x1x16xf32>
    tpu.vector_store %arg12[%swap3A_666, %swap3A_667, %swap3A_668], %swap3A_671 {strides = array<i32>} : memref<4x64x128xf32, #tpu.memory_space<vmem>>, vector<1x1x16xf32>,
    %swap3A_672 = arith.constant 0 : i32
    %swap3A_673 = arith.constant 10 : i32
    %swap3A_674 = arith.index_cast %swap3A_672 : i32 to index
    %swap3A_675 = arith.index_cast %swap3A_673 : i32 to index
    %swap3A_676 = arith.constant 64 : index
    %swap3A_677 = tpu.vector_load %arg12[%swap3A_674, %swap3A_675, %swap3A_676] {strides = array<i32>} : memref<4x64x128xf32, #tpu.memory_space<vmem>>, vector<1x1x16xf32>,
    %swap3A_678 = vector.shape_cast %swap3A_677 : vector<1x1x16xf32> to vector<16xf32>
    %swap3A_679 = vector.shape_cast %broadcast_in_dim3A_0 : vector<16xf32> to vector<1x1x16xf32>
    tpu.vector_store %arg12[%swap3A_674, %swap3A_675, %swap3A_676], %swap3A_679 {strides = array<i32>} : memref<4x64x128xf32, #tpu.memory_space<vmem>>, vector<1x1x16xf32>,
    %swap3A_680 = arith.constant 0 : i32
    %swap3A_681 = arith.constant 10 : i32
    %swap3A_682 = arith.index_cast %swap3A_680 : i32 to index
    %swap3A_683 = arith.index_cast %swap3A_681 : i32 to index
    %swap3A_684 = arith.constant 80 : index
    %swap3A_685 = tpu.vector_load %arg12[%swap3A_682, %swap3A_683, %swap3A_684] {strides = array<i32>} : memref<4x64x128xf32, #tpu.memory_space<vmem>>, vector<1x1x16xf32>,
    %swap3A_686 = vector.shape_cast %swap3A_685 : vector<1x1x16xf32> to vector<16xf32>
    %swap3A_687 = vector.shape_cast %broadcast_in_dim3A_0 : vector<16xf32> to vector<1x1x16xf32>
    tpu.vector_store %arg12[%swap3A_682, %swap3A_683, %swap3A_684], %swap3A_687 {strides = array<i32>} : memref<4x64x128xf32, #tpu.memory_space<vmem>>, vector<1x1x16xf32>,
    %swap3A_688 = arith.constant 0 : i32
    %swap3A_689 = arith.constant 10 : i32
    %swap3A_690 = arith.index_cast %swap3A_688 : i32 to index
    %swap3A_691 = arith.index_cast %swap3A_689 : i32 to index
    %swap3A_692 = arith.constant 96 : index
    %swap3A_693 = tpu.vector_load %arg12[%swap3A_690, %swap3A_691, %swap3A_692] {strides = array<i32>} : memref<4x64x128xf32, #tpu.memory_space<vmem>>, vector<1x1x16xf32>,
    %swap3A_694 = vector.shape_cast %swap3A_693 : vector<1x1x16xf32> to vector<16xf32>
    %swap3A_695 = vector.shape_cast %broadcast_in_dim3A_0 : vector<16xf32> to vector<1x1x16xf32>
    tpu.vector_store %arg12[%swap3A_690, %swap3A_691, %swap3A_692], %swap3A_695 {strides = array<i32>} : memref<4x64x128xf32, #tpu.memory_space<vmem>>, vector<1x1x16xf32>,
    %swap3A_696 = arith.constant 0 : i32
    %swap3A_697 = arith.constant 10 : i32
    %swap3A_698 = arith.index_cast %swap3A_696 : i32 to index
    %swap3A_699 = arith.index_cast %swap3A_697 : i32 to index
    %swap3A_700 = arith.constant 112 : index
    %swap3A_701 = tpu.vector_load %arg12[%swap3A_698, %swap3A_699, %swap3A_700] {strides = array<i32>} : memref<4x64x128xf32, #tpu.memory_space<vmem>>, vector<1x1x16xf32>,
    %swap3A_702 = vector.shape_cast %swap3A_701 : vector<1x1x16xf32> to vector<16xf32>
    %swap3A_703 = vector.shape_cast %broadcast_in_dim3A_0 : vector<16xf32> to vector<1x1x16xf32>
    tpu.vector_store %arg12[%swap3A_698, %swap3A_699, %swap3A_700], %swap3A_703 {strides = array<i32>} : memref<4x64x128xf32, #tpu.memory_space<vmem>>, vector<1x1x16xf32>,
    %swap3A_704 = arith.constant 0 : i32
    %swap3A_705 = arith.constant 11 : i32
    %swap3A_706 = arith.index_cast %swap3A_704 : i32 to index
    %swap3A_707 = arith.index_cast %swap3A_705 : i32 to index
    %swap3A_708 = arith.constant 0 : index
    %swap3A_709 = tpu.vector_load %arg12[%swap3A_706, %swap3A_707, %swap3A_708] {strides = array<i32>} : memref<4x64x128xf32, #tpu.memory_space<vmem>>, vector<1x1x16xf32>,
    %swap3A_710 = vector.shape_cast %swap3A_709 : vector<1x1x16xf32> to vector<16xf32>
    %swap3A_711 = vector.shape_cast %broadcast_in_dim3A_0 : vector<16xf32> to vector<1x1x16xf32>
    tpu.vector_store %arg12[%swap3A_706, %swap3A_707, %swap3A_708], %swap3A_711 {strides = array<i32>} : memref<4x64x128xf32, #tpu.memory_space<vmem>>, vector<1x1x16xf32>,
    %swap3A_712 = arith.constant 0 : i32
    %swap3A_713 = arith.constant 11 : i32
    %swap3A_714 = arith.index_cast %swap3A_712 : i32 to index
    %swap3A_715 = arith.index_cast %swap3A_713 : i32 to index
    %swap3A_716 = arith.constant 16 : index
    %swap3A_717 = tpu.vector_load %arg12[%swap3A_714, %swap3A_715, %swap3A_716] {strides = array<i32>} : memref<4x64x128xf32, #tpu.memory_space<vmem>>, vector<1x1x16xf32>,
    %swap3A_718 = vector.shape_cast %swap3A_717 : vector<1x1x16xf32> to vector<16xf32>
    %swap3A_719 = vector.shape_cast %broadcast_in_dim3A_0 : vector<16xf32> to vector<1x1x16xf32>
    tpu.vector_store %arg12[%swap3A_714, %swap3A_715, %swap3A_716], %swap3A_719 {strides = array<i32>} : memref<4x64x128xf32, #tpu.memory_space<vmem>>, vector<1x1x16xf32>,
    %swap3A_720 = arith.constant 0 : i32
    %swap3A_721 = arith.constant 11 : i32
    %swap3A_722 = arith.index_cast %swap3A_720 : i32 to index
    %swap3A_723 = arith.index_cast %swap3A_721 : i32 to index
    %swap3A_724 = arith.constant 32 : index
    %swap3A_725 = tpu.vector_load %arg12[%swap3A_722, %swap3A_723, %swap3A_724] {strides = array<i32>} : memref<4x64x128xf32, #tpu.memory_space<vmem>>, vector<1x1x16xf32>,
    %swap3A_726 = vector.shape_cast %swap3A_725 : vector<1x1x16xf32> to vector<16xf32>
    %swap3A_727 = vector.shape_cast %broadcast_in_dim3A_0 : vector<16xf32> to vector<1x1x16xf32>
    tpu.vector_store %arg12[%swap3A_722, %swap3A_723, %swap3A_724], %swap3A_727 {strides = array<i32>} : memref<4x64x128xf32, #tpu.memory_space<vmem>>, vector<1x1x16xf32>,
    %swap3A_728 = arith.constant 0 : i32
    %swap3A_729 = arith.constant 11 : i32
    %swap3A_730 = arith.index_cast %swap3A_728 : i32 to index
    %swap3A_731 = arith.index_cast %swap3A_729 : i32 to index
    %swap3A_732 = arith.constant 48 : index
    %swap3A_733 = tpu.vector_load %arg12[%swap3A_730, %swap3A_731, %swap3A_732] {strides = array<i32>} : memref<4x64x128xf32, #tpu.memory_space<vmem>>, vector<1x1x16xf32>,
    %swap3A_734 = vector.shape_cast %swap3A_733 : vector<1x1x16xf32> to vector<16xf32>
    %swap3A_735 = vector.shape_cast %broadcast_in_dim3A_0 : vector<16xf32> to vector<1x1x16xf32>
    tpu.vector_store %arg12[%swap3A_730, %swap3A_731, %swap3A_732], %swap3A_735 {strides = array<i32>} : memref<4x64x128xf32, #tpu.memory_space<vmem>>, vector<1x1x16xf32>,
    %swap3A_736 = arith.constant 0 : i32
    %swap3A_737 = arith.constant 11 : i32
    %swap3A_738 = arith.index_cast %swap3A_736 : i32 to index
    %swap3A_739 = arith.index_cast %swap3A_737 : i32 to index
    %swap3A_740 = arith.constant 64 : index
    %swap3A_741 = tpu.vector_load %arg12[%swap3A_738, %swap3A_739, %swap3A_740] {strides = array<i32>} : memref<4x64x128xf32, #tpu.memory_space<vmem>>, vector<1x1x16xf32>,
    %swap3A_742 = vector.shape_cast %swap3A_741 : vector<1x1x16xf32> to vector<16xf32>
    %swap3A_743 = vector.shape_cast %broadcast_in_dim3A_0 : vector<16xf32> to vector<1x1x16xf32>
    tpu.vector_store %arg12[%swap3A_738, %swap3A_739, %swap3A_740], %swap3A_743 {strides = array<i32>} : memref<4x64x128xf32, #tpu.memory_space<vmem>>, vector<1x1x16xf32>,
    %swap3A_744 = arith.constant 0 : i32
    %swap3A_745 = arith.constant 11 : i32
    %swap3A_746 = arith.index_cast %swap3A_744 : i32 to index
    %swap3A_747 = arith.index_cast %swap3A_745 : i32 to index
    %swap3A_748 = arith.constant 80 : index
    %swap3A_749 = tpu.vector_load %arg12[%swap3A_746, %swap3A_747, %swap3A_748] {strides = array<i32>} : memref<4x64x128xf32, #tpu.memory_space<vmem>>, vector<1x1x16xf32>,
    %swap3A_750 = vector.shape_cast %swap3A_749 : vector<1x1x16xf32> to vector<16xf32>
    %swap3A_751 = vector.shape_cast %broadcast_in_dim3A_0 : vector<16xf32> to vector<1x1x16xf32>
    tpu.vector_store %arg12[%swap3A_746, %swap3A_747, %swap3A_748], %swap3A_751 {strides = array<i32>} : memref<4x64x128xf32, #tpu.memory_space<vmem>>, vector<1x1x16xf32>,
    %swap3A_752 = arith.constant 0 : i32
    %swap3A_753 = arith.constant 11 : i32
    %swap3A_754 = arith.index_cast %swap3A_752 : i32 to index
    %swap3A_755 = arith.index_cast %swap3A_753 : i32 to index
    %swap3A_756 = arith.constant 96 : index
    %swap3A_757 = tpu.vector_load %arg12[%swap3A_754, %swap3A_755, %swap3A_756] {strides = array<i32>} : memref<4x64x128xf32, #tpu.memory_space<vmem>>, vector<1x1x16xf32>,
    %swap3A_758 = vector.shape_cast %swap3A_757 : vector<1x1x16xf32> to vector<16xf32>
    %swap3A_759 = vector.shape_cast %broadcast_in_dim3A_0 : vector<16xf32> to vector<1x1x16xf32>
    tpu.vector_store %arg12[%swap3A_754, %swap3A_755, %swap3A_756], %swap3A_759 {strides = array<i32>} : memref<4x64x128xf32, #tpu.memory_space<vmem>>, vector<1x1x16xf32>,
    %swap3A_760 = arith.constant 0 : i32
    %swap3A_761 = arith.constant 11 : i32
    %swap3A_762 = arith.index_cast %swap3A_760 : i32 to index
    %swap3A_763 = arith.index_cast %swap3A_761 : i32 to index
    %swap3A_764 = arith.constant 112 : index
    %swap3A_765 = tpu.vector_load %arg12[%swap3A_762, %swap3A_763, %swap3A_764] {strides = array<i32>} : memref<4x64x128xf32, #tpu.memory_space<vmem>>, vector<1x1x16xf32>,
    %swap3A_766 = vector.shape_cast %swap3A_765 : vector<1x1x16xf32> to vector<16xf32>
    %swap3A_767 = vector.shape_cast %broadcast_in_dim3A_0 : vector<16xf32> to vector<1x1x16xf32>
    tpu.vector_store %arg12[%swap3A_762, %swap3A_763, %swap3A_764], %swap3A_767 {strides = array<i32>} : memref<4x64x128xf32, #tpu.memory_space<vmem>>, vector<1x1x16xf32>,
    %swap3A_768 = arith.constant 0 : i32
    %swap3A_769 = arith.constant 12 : i32
    %swap3A_770 = arith.index_cast %swap3A_768 : i32 to index
    %swap3A_771 = arith.index_cast %swap3A_769 : i32 to index
    %swap3A_772 = arith.constant 0 : index
    %swap3A_773 = tpu.vector_load %arg12[%swap3A_770, %swap3A_771, %swap3A_772] {strides = array<i32>} : memref<4x64x128xf32, #tpu.memory_space<vmem>>, vector<1x1x16xf32>,
    %swap3A_774 = vector.shape_cast %swap3A_773 : vector<1x1x16xf32> to vector<16xf32>
    %swap3A_775 = vector.shape_cast %broadcast_in_dim3A_0 : vector<16xf32> to vector<1x1x16xf32>
    tpu.vector_store %arg12[%swap3A_770, %swap3A_771, %swap3A_772], %swap3A_775 {strides = array<i32>} : memref<4x64x128xf32, #tpu.memory_space<vmem>>, vector<1x1x16xf32>,
    %swap3A_776 = arith.constant 0 : i32
    %swap3A_777 = arith.constant 12 : i32
    %swap3A_778 = arith.index_cast %swap3A_776 : i32 to index
    %swap3A_779 = arith.index_cast %swap3A_777 : i32 to index
    %swap3A_780 = arith.constant 16 : index
    %swap3A_781 = tpu.vector_load %arg12[%swap3A_778, %swap3A_779, %swap3A_780] {strides = array<i32>} : memref<4x64x128xf32, #tpu.memory_space<vmem>>, vector<1x1x16xf32>,
    %swap3A_782 = vector.shape_cast %swap3A_781 : vector<1x1x16xf32> to vector<16xf32>
    %swap3A_783 = vector.shape_cast %broadcast_in_dim3A_0 : vector<16xf32> to vector<1x1x16xf32>
    tpu.vector_store %arg12[%swap3A_778, %swap3A_779, %swap3A_780], %swap3A_783 {strides = array<i32>} : memref<4x64x128xf32, #tpu.memory_space<vmem>>, vector<1x1x16xf32>,
    %swap3A_784 = arith.constant 0 : i32
    %swap3A_785 = arith.constant 12 : i32
    %swap3A_786 = arith.index_cast %swap3A_784 : i32 to index
    %swap3A_787 = arith.index_cast %swap3A_785 : i32 to index
    %swap3A_788 = arith.constant 32 : index
    %swap3A_789 = tpu.vector_load %arg12[%swap3A_786, %swap3A_787, %swap3A_788] {strides = array<i32>} : memref<4x64x128xf32, #tpu.memory_space<vmem>>, vector<1x1x16xf32>,
    %swap3A_790 = vector.shape_cast %swap3A_789 : vector<1x1x16xf32> to vector<16xf32>
    %swap3A_791 = vector.shape_cast %broadcast_in_dim3A_0 : vector<16xf32> to vector<1x1x16xf32>
    tpu.vector_store %arg12[%swap3A_786, %swap3A_787, %swap3A_788], %swap3A_791 {strides = array<i32>} : memref<4x64x128xf32, #tpu.memory_space<vmem>>, vector<1x1x16xf32>,
    %swap3A_792 = arith.constant 0 : i32
    %swap3A_793 = arith.constant 12 : i32
    %swap3A_794 = arith.index_cast %swap3A_792 : i32 to index
    %swap3A_795 = arith.index_cast %swap3A_793 : i32 to index
    %swap3A_796 = arith.constant 48 : index
    %swap3A_797 = tpu.vector_load %arg12[%swap3A_794, %swap3A_795, %swap3A_796] {strides = array<i32>} : memref<4x64x128xf32, #tpu.memory_space<vmem>>, vector<1x1x16xf32>,
    %swap3A_798 = vector.shape_cast %swap3A_797 : vector<1x1x16xf32> to vector<16xf32>
    %swap3A_799 = vector.shape_cast %broadcast_in_dim3A_0 : vector<16xf32> to vector<1x1x16xf32>
    tpu.vector_store %arg12[%swap3A_794, %swap3A_795, %swap3A_796], %swap3A_799 {strides = array<i32>} : memref<4x64x128xf32, #tpu.memory_space<vmem>>, vector<1x1x16xf32>,
    %swap3A_800 = arith.constant 0 : i32
    %swap3A_801 = arith.constant 12 : i32
    %swap3A_802 = arith.index_cast %swap3A_800 : i32 to index
    %swap3A_803 = arith.index_cast %swap3A_801 : i32 to index
    %swap3A_804 = arith.constant 64 : index
    %swap3A_805 = tpu.vector_load %arg12[%swap3A_802, %swap3A_803, %swap3A_804] {strides = array<i32>} : memref<4x64x128xf32, #tpu.memory_space<vmem>>, vector<1x1x16xf32>,
    %swap3A_806 = vector.shape_cast %swap3A_805 : vector<1x1x16xf32> to vector<16xf32>
    %swap3A_807 = vector.shape_cast %broadcast_in_dim3A_0 : vector<16xf32> to vector<1x1x16xf32>
    tpu.vector_store %arg12[%swap3A_802, %swap3A_803, %swap3A_804], %swap3A_807 {strides = array<i32>} : memref<4x64x128xf32, #tpu.memory_space<vmem>>, vector<1x1x16xf32>,
    %swap3A_808 = arith.constant 0 : i32
    %swap3A_809 = arith.constant 12 : i32
    %swap3A_810 = arith.index_cast %swap3A_808 : i32 to index
    %swap3A_811 = arith.index_cast %swap3A_809 : i32 to index
    %swap3A_812 = arith.constant 80 : index
    %swap3A_813 = tpu.vector_load %arg12[%swap3A_810, %swap3A_811, %swap3A_812] {strides = array<i32>} : memref<4x64x128xf32, #tpu.memory_space<vmem>>, vector<1x1x16xf32>,
    %swap3A_814 = vector.shape_cast %swap3A_813 : vector<1x1x16xf32> to vector<16xf32>
    %swap3A_815 = vector.shape_cast %broadcast_in_dim3A_0 : vector<16xf32> to vector<1x1x16xf32>
    tpu.vector_store %arg12[%swap3A_810, %swap3A_811, %swap3A_812], %swap3A_815 {strides = array<i32>} : memref<4x64x128xf32, #tpu.memory_space<vmem>>, vector<1x1x16xf32>,
    %swap3A_816 = arith.constant 0 : i32
    %swap3A_817 = arith.constant 12 : i32
    %swap3A_818 = arith.index_cast %swap3A_816 : i32 to index
    %swap3A_819 = arith.index_cast %swap3A_817 : i32 to index
    %swap3A_820 = arith.constant 96 : index
    %swap3A_821 = tpu.vector_load %arg12[%swap3A_818, %swap3A_819, %swap3A_820] {strides = array<i32>} : memref<4x64x128xf32, #tpu.memory_space<vmem>>, vector<1x1x16xf32>,
    %swap3A_822 = vector.shape_cast %swap3A_821 : vector<1x1x16xf32> to vector<16xf32>
    %swap3A_823 = vector.shape_cast %broadcast_in_dim3A_0 : vector<16xf32> to vector<1x1x16xf32>
    tpu.vector_store %arg12[%swap3A_818, %swap3A_819, %swap3A_820], %swap3A_823 {strides = array<i32>} : memref<4x64x128xf32, #tpu.memory_space<vmem>>, vector<1x1x16xf32>,
    %swap3A_824 = arith.constant 0 : i32
    %swap3A_825 = arith.constant 12 : i32
    %swap3A_826 = arith.index_cast %swap3A_824 : i32 to index
    %swap3A_827 = arith.index_cast %swap3A_825 : i32 to index
    %swap3A_828 = arith.constant 112 : index
    %swap3A_829 = tpu.vector_load %arg12[%swap3A_826, %swap3A_827, %swap3A_828] {strides = array<i32>} : memref<4x64x128xf32, #tpu.memory_space<vmem>>, vector<1x1x16xf32>,
    %swap3A_830 = vector.shape_cast %swap3A_829 : vector<1x1x16xf32> to vector<16xf32>
    %swap3A_831 = vector.shape_cast %broadcast_in_dim3A_0 : vector<16xf32> to vector<1x1x16xf32>
    tpu.vector_store %arg12[%swap3A_826, %swap3A_827, %swap3A_828], %swap3A_831 {strides = array<i32>} : memref<4x64x128xf32, #tpu.memory_space<vmem>>, vector<1x1x16xf32>,
    %swap3A_832 = arith.constant 0 : i32
    %swap3A_833 = arith.constant 13 : i32
    %swap3A_834 = arith.index_cast %swap3A_832 : i32 to index
    %swap3A_835 = arith.index_cast %swap3A_833 : i32 to index
    %swap3A_836 = arith.constant 0 : index
    %swap3A_837 = tpu.vector_load %arg12[%swap3A_834, %swap3A_835, %swap3A_836] {strides = array<i32>} : memref<4x64x128xf32, #tpu.memory_space<vmem>>, vector<1x1x16xf32>,
    %swap3A_838 = vector.shape_cast %swap3A_837 : vector<1x1x16xf32> to vector<16xf32>
    %swap3A_839 = vector.shape_cast %broadcast_in_dim3A_0 : vector<16xf32> to vector<1x1x16xf32>
    tpu.vector_store %arg12[%swap3A_834, %swap3A_835, %swap3A_836], %swap3A_839 {strides = array<i32>} : memref<4x64x128xf32, #tpu.memory_space<vmem>>, vector<1x1x16xf32>,
    %swap3A_840 = arith.constant 0 : i32
    %swap3A_841 = arith.constant 13 : i32
    %swap3A_842 = arith.index_cast %swap3A_840 : i32 to index
    %swap3A_843 = arith.index_cast %swap3A_841 : i32 to index
    %swap3A_844 = arith.constant 16 : index
    %swap3A_845 = tpu.vector_load %arg12[%swap3A_842, %swap3A_843, %swap3A_844] {strides = array<i32>} : memref<4x64x128xf32, #tpu.memory_space<vmem>>, vector<1x1x16xf32>,
    %swap3A_846 = vector.shape_cast %swap3A_845 : vector<1x1x16xf32> to vector<16xf32>
    %swap3A_847 = vector.shape_cast %broadcast_in_dim3A_0 : vector<16xf32> to vector<1x1x16xf32>
    tpu.vector_store %arg12[%swap3A_842, %swap3A_843, %swap3A_844], %swap3A_847 {strides = array<i32>} : memref<4x64x128xf32, #tpu.memory_space<vmem>>, vector<1x1x16xf32>,
    %swap3A_848 = arith.constant 0 : i32
    %swap3A_849 = arith.constant 13 : i32
    %swap3A_850 = arith.index_cast %swap3A_848 : i32 to index
    %swap3A_851 = arith.index_cast %swap3A_849 : i32 to index
    %swap3A_852 = arith.constant 32 : index
    %swap3A_853 = tpu.vector_load %arg12[%swap3A_850, %swap3A_851, %swap3A_852] {strides = array<i32>} : memref<4x64x128xf32, #tpu.memory_space<vmem>>, vector<1x1x16xf32>,
    %swap3A_854 = vector.shape_cast %swap3A_853 : vector<1x1x16xf32> to vector<16xf32>
    %swap3A_855 = vector.shape_cast %broadcast_in_dim3A_0 : vector<16xf32> to vector<1x1x16xf32>
    tpu.vector_store %arg12[%swap3A_850, %swap3A_851, %swap3A_852], %swap3A_855 {strides = array<i32>} : memref<4x64x128xf32, #tpu.memory_space<vmem>>, vector<1x1x16xf32>,
    %swap3A_856 = arith.constant 0 : i32
    %swap3A_857 = arith.constant 13 : i32
    %swap3A_858 = arith.index_cast %swap3A_856 : i32 to index
    %swap3A_859 = arith.index_cast %swap3A_857 : i32 to index
    %swap3A_860 = arith.constant 48 : index
    %swap3A_861 = tpu.vector_load %arg12[%swap3A_858, %swap3A_859, %swap3A_860] {strides = array<i32>} : memref<4x64x128xf32, #tpu.memory_space<vmem>>, vector<1x1x16xf32>,
    %swap3A_862 = vector.shape_cast %swap3A_861 : vector<1x1x16xf32> to vector<16xf32>
    %swap3A_863 = vector.shape_cast %broadcast_in_dim3A_0 : vector<16xf32> to vector<1x1x16xf32>
    tpu.vector_store %arg12[%swap3A_858, %swap3A_859, %swap3A_860], %swap3A_863 {strides = array<i32>} : memref<4x64x128xf32, #tpu.memory_space<vmem>>, vector<1x1x16xf32>,
    %swap3A_864 = arith.constant 0 : i32
    %swap3A_865 = arith.constant 13 : i32
    %swap3A_866 = arith.index_cast %swap3A_864 : i32 to index
    %swap3A_867 = arith.index_cast %swap3A_865 : i32 to index
    %swap3A_868 = arith.constant 64 : index
    %swap3A_869 = tpu.vector_load %arg12[%swap3A_866, %swap3A_867, %swap3A_868] {strides = array<i32>} : memref<4x64x128xf32, #tpu.memory_space<vmem>>, vector<1x1x16xf32>,
    %swap3A_870 = vector.shape_cast %swap3A_869 : vector<1x1x16xf32> to vector<16xf32>
    %swap3A_871 = vector.shape_cast %broadcast_in_dim3A_0 : vector<16xf32> to vector<1x1x16xf32>
    tpu.vector_store %arg12[%swap3A_866, %swap3A_867, %swap3A_868], %swap3A_871 {strides = array<i32>} : memref<4x64x128xf32, #tpu.memory_space<vmem>>, vector<1x1x16xf32>,
    %swap3A_872 = arith.constant 0 : i32
    %swap3A_873 = arith.constant 13 : i32
    %swap3A_874 = arith.index_cast %swap3A_872 : i32 to index
    %swap3A_875 = arith.index_cast %swap3A_873 : i32 to index
    %swap3A_876 = arith.constant 80 : index
    %swap3A_877 = tpu.vector_load %arg12[%swap3A_874, %swap3A_875, %swap3A_876] {strides = array<i32>} : memref<4x64x128xf32, #tpu.memory_space<vmem>>, vector<1x1x16xf32>,
    %swap3A_878 = vector.shape_cast %swap3A_877 : vector<1x1x16xf32> to vector<16xf32>
    %swap3A_879 = vector.shape_cast %broadcast_in_dim3A_0 : vector<16xf32> to vector<1x1x16xf32>
    tpu.vector_store %arg12[%swap3A_874, %swap3A_875, %swap3A_876], %swap3A_879 {strides = array<i32>} : memref<4x64x128xf32, #tpu.memory_space<vmem>>, vector<1x1x16xf32>,
    %swap3A_880 = arith.constant 0 : i32
    %swap3A_881 = arith.constant 13 : i32
    %swap3A_882 = arith.index_cast %swap3A_880 : i32 to index
    %swap3A_883 = arith.index_cast %swap3A_881 : i32 to index
    %swap3A_884 = arith.constant 96 : index
    %swap3A_885 = tpu.vector_load %arg12[%swap3A_882, %swap3A_883, %swap3A_884] {strides = array<i32>} : memref<4x64x128xf32, #tpu.memory_space<vmem>>, vector<1x1x16xf32>,
    %swap3A_886 = vector.shape_cast %swap3A_885 : vector<1x1x16xf32> to vector<16xf32>
    %swap3A_887 = vector.shape_cast %broadcast_in_dim3A_0 : vector<16xf32> to vector<1x1x16xf32>
    tpu.vector_store %arg12[%swap3A_882, %swap3A_883, %swap3A_884], %swap3A_887 {strides = array<i32>} : memref<4x64x128xf32, #tpu.memory_space<vmem>>, vector<1x1x16xf32>,
    %swap3A_888 = arith.constant 0 : i32
    %swap3A_889 = arith.constant 13 : i32
    %swap3A_890 = arith.index_cast %swap3A_888 : i32 to index
    %swap3A_891 = arith.index_cast %swap3A_889 : i32 to index
    %swap3A_892 = arith.constant 112 : index
    %swap3A_893 = tpu.vector_load %arg12[%swap3A_890, %swap3A_891, %swap3A_892] {strides = array<i32>} : memref<4x64x128xf32, #tpu.memory_space<vmem>>, vector<1x1x16xf32>,
    %swap3A_894 = vector.shape_cast %swap3A_893 : vector<1x1x16xf32> to vector<16xf32>
    %swap3A_895 = vector.shape_cast %broadcast_in_dim3A_0 : vector<16xf32> to vector<1x1x16xf32>
    tpu.vector_store %arg12[%swap3A_890, %swap3A_891, %swap3A_892], %swap3A_895 {strides = array<i32>} : memref<4x64x128xf32, #tpu.memory_space<vmem>>, vector<1x1x16xf32>,
    %swap3A_896 = arith.constant 0 : i32
    %swap3A_897 = arith.constant 14 : i32
    %swap3A_898 = arith.index_cast %swap3A_896 : i32 to index
    %swap3A_899 = arith.index_cast %swap3A_897 : i32 to index
    %swap3A_900 = arith.constant 0 : index
    %swap3A_901 = tpu.vector_load %arg12[%swap3A_898, %swap3A_899, %swap3A_900] {strides = array<i32>} : memref<4x64x128xf32, #tpu.memory_space<vmem>>, vector<1x1x16xf32>,
    %swap3A_902 = vector.shape_cast %swap3A_901 : vector<1x1x16xf32> to vector<16xf32>
    %swap3A_903 = vector.shape_cast %broadcast_in_dim3A_0 : vector<16xf32> to vector<1x1x16xf32>
    tpu.vector_store %arg12[%swap3A_898, %swap3A_899, %swap3A_900], %swap3A_903 {strides = array<i32>} : memref<4x64x128xf32, #tpu.memory_space<vmem>>, vector<1x1x16xf32>,
    %swap3A_904 = arith.constant 0 : i32
    %swap3A_905 = arith.constant 14 : i32
    %swap3A_906 = arith.index_cast %swap3A_904 : i32 to index
    %swap3A_907 = arith.index_cast %swap3A_905 : i32 to index
    %swap3A_908 = arith.constant 16 : index
    %swap3A_909 = tpu.vector_load %arg12[%swap3A_906, %swap3A_907, %swap3A_908] {strides = array<i32>} : memref<4x64x128xf32, #tpu.memory_space<vmem>>, vector<1x1x16xf32>,
    %swap3A_910 = vector.shape_cast %swap3A_909 : vector<1x1x16xf32> to vector<16xf32>
    %swap3A_911 = vector.shape_cast %broadcast_in_dim3A_0 : vector<16xf32> to vector<1x1x16xf32>
    tpu.vector_store %arg12[%swap3A_906, %swap3A_907, %swap3A_908], %swap3A_911 {strides = array<i32>} : memref<4x64x128xf32, #tpu.memory_space<vmem>>, vector<1x1x16xf32>,
    %swap3A_912 = arith.constant 0 : i32
    %swap3A_913 = arith.constant 14 : i32
    %swap3A_914 = arith.index_cast %swap3A_912 : i32 to index
    %swap3A_915 = arith.index_cast %swap3A_913 : i32 to index
    %swap3A_916 = arith.constant 32 : index
    %swap3A_917 = tpu.vector_load %arg12[%swap3A_914, %swap3A_915, %swap3A_916] {strides = array<i32>} : memref<4x64x128xf32, #tpu.memory_space<vmem>>, vector<1x1x16xf32>,
    %swap3A_918 = vector.shape_cast %swap3A_917 : vector<1x1x16xf32> to vector<16xf32>
    %swap3A_919 = vector.shape_cast %broadcast_in_dim3A_0 : vector<16xf32> to vector<1x1x16xf32>
    tpu.vector_store %arg12[%swap3A_914, %swap3A_915, %swap3A_916], %swap3A_919 {strides = array<i32>} : memref<4x64x128xf32, #tpu.memory_space<vmem>>, vector<1x1x16xf32>,
    %swap3A_920 = arith.constant 0 : i32
    %swap3A_921 = arith.constant 14 : i32
    %swap3A_922 = arith.index_cast %swap3A_920 : i32 to index
    %swap3A_923 = arith.index_cast %swap3A_921 : i32 to index
    %swap3A_924 = arith.constant 48 : index
    %swap3A_925 = tpu.vector_load %arg12[%swap3A_922, %swap3A_923, %swap3A_924] {strides = array<i32>} : memref<4x64x128xf32, #tpu.memory_space<vmem>>, vector<1x1x16xf32>,
    %swap3A_926 = vector.shape_cast %swap3A_925 : vector<1x1x16xf32> to vector<16xf32>
    %swap3A_927 = vector.shape_cast %broadcast_in_dim3A_0 : vector<16xf32> to vector<1x1x16xf32>
    tpu.vector_store %arg12[%swap3A_922, %swap3A_923, %swap3A_924], %swap3A_927 {strides = array<i32>} : memref<4x64x128xf32, #tpu.memory_space<vmem>>, vector<1x1x16xf32>,
    %swap3A_928 = arith.constant 0 : i32
    %swap3A_929 = arith.constant 14 : i32
    %swap3A_930 = arith.index_cast %swap3A_928 : i32 to index
    %swap3A_931 = arith.index_cast %swap3A_929 : i32 to index
    %swap3A_932 = arith.constant 64 : index
    %swap3A_933 = tpu.vector_load %arg12[%swap3A_930, %swap3A_931, %swap3A_932] {strides = array<i32>} : memref<4x64x128xf32, #tpu.memory_space<vmem>>, vector<1x1x16xf32>,
    %swap3A_934 = vector.shape_cast %swap3A_933 : vector<1x1x16xf32> to vector<16xf32>
    %swap3A_935 = vector.shape_cast %broadcast_in_dim3A_0 : vector<16xf32> to vector<1x1x16xf32>
    tpu.vector_store %arg12[%swap3A_930, %swap3A_931, %swap3A_932], %swap3A_935 {strides = array<i32>} : memref<4x64x128xf32, #tpu.memory_space<vmem>>, vector<1x1x16xf32>,
    %swap3A_936 = arith.constant 0 : i32
    %swap3A_937 = arith.constant 14 : i32
    %swap3A_938 = arith.index_cast %swap3A_936 : i32 to index
    %swap3A_939 = arith.index_cast %swap3A_937 : i32 to index
    %swap3A_940 = arith.constant 80 : index
    %swap3A_941 = tpu.vector_load %arg12[%swap3A_938, %swap3A_939, %swap3A_940] {strides = array<i32>} : memref<4x64x128xf32, #tpu.memory_space<vmem>>, vector<1x1x16xf32>,
    %swap3A_942 = vector.shape_cast %swap3A_941 : vector<1x1x16xf32> to vector<16xf32>
    %swap3A_943 = vector.shape_cast %broadcast_in_dim3A_0 : vector<16xf32> to vector<1x1x16xf32>
    tpu.vector_store %arg12[%swap3A_938, %swap3A_939, %swap3A_940], %swap3A_943 {strides = array<i32>} : memref<4x64x128xf32, #tpu.memory_space<vmem>>, vector<1x1x16xf32>,
    %swap3A_944 = arith.constant 0 : i32
    %swap3A_945 = arith.constant 14 : i32
    %swap3A_946 = arith.index_cast %swap3A_944 : i32 to index
    %swap3A_947 = arith.index_cast %swap3A_945 : i32 to index
    %swap3A_948 = arith.constant 96 : index
    %swap3A_949 = tpu.vector_load %arg12[%swap3A_946, %swap3A_947, %swap3A_948] {strides = array<i32>} : memref<4x64x128xf32, #tpu.memory_space<vmem>>, vector<1x1x16xf32>,
    %swap3A_950 = vector.shape_cast %swap3A_949 : vector<1x1x16xf32> to vector<16xf32>
    %swap3A_951 = vector.shape_cast %broadcast_in_dim3A_0 : vector<16xf32> to vector<1x1x16xf32>
    tpu.vector_store %arg12[%swap3A_946, %swap3A_947, %swap3A_948], %swap3A_951 {strides = array<i32>} : memref<4x64x128xf32, #tpu.memory_space<vmem>>, vector<1x1x16xf32>,
    %swap3A_952 = arith.constant 0 : i32
    %swap3A_953 = arith.constant 14 : i32
    %swap3A_954 = arith.index_cast %swap3A_952 : i32 to index
    %swap3A_955 = arith.index_cast %swap3A_953 : i32 to index
    %swap3A_956 = arith.constant 112 : index
    %swap3A_957 = tpu.vector_load %arg12[%swap3A_954, %swap3A_955, %swap3A_956] {strides = array<i32>} : memref<4x64x128xf32, #tpu.memory_space<vmem>>, vector<1x1x16xf32>,
    %swap3A_958 = vector.shape_cast %swap3A_957 : vector<1x1x16xf32> to vector<16xf32>
    %swap3A_959 = vector.shape_cast %broadcast_in_dim3A_0 : vector<16xf32> to vector<1x1x16xf32>
    tpu.vector_store %arg12[%swap3A_954, %swap3A_955, %swap3A_956], %swap3A_959 {strides = array<i32>} : memref<4x64x128xf32, #tpu.memory_space<vmem>>, vector<1x1x16xf32>,
    %swap3A_960 = arith.constant 0 : i32
    %swap3A_961 = arith.constant 15 : i32
    %swap3A_962 = arith.index_cast %swap3A_960 : i32 to index
    %swap3A_963 = arith.index_cast %swap3A_961 : i32 to index
    %swap3A_964 = arith.constant 0 : index
    %swap3A_965 = tpu.vector_load %arg12[%swap3A_962, %swap3A_963, %swap3A_964] {strides = array<i32>} : memref<4x64x128xf32, #tpu.memory_space<vmem>>, vector<1x1x16xf32>,
    %swap3A_966 = vector.shape_cast %swap3A_965 : vector<1x1x16xf32> to vector<16xf32>
    %swap3A_967 = vector.shape_cast %broadcast_in_dim3A_0 : vector<16xf32> to vector<1x1x16xf32>
    tpu.vector_store %arg12[%swap3A_962, %swap3A_963, %swap3A_964], %swap3A_967 {strides = array<i32>} : memref<4x64x128xf32, #tpu.memory_space<vmem>>, vector<1x1x16xf32>,
    %swap3A_968 = arith.constant 0 : i32
    %swap3A_969 = arith.constant 15 : i32
    %swap3A_970 = arith.index_cast %swap3A_968 : i32 to index
    %swap3A_971 = arith.index_cast %swap3A_969 : i32 to index
    %swap3A_972 = arith.constant 16 : index
    %swap3A_973 = tpu.vector_load %arg12[%swap3A_970, %swap3A_971, %swap3A_972] {strides = array<i32>} : memref<4x64x128xf32, #tpu.memory_space<vmem>>, vector<1x1x16xf32>,
    %swap3A_974 = vector.shape_cast %swap3A_973 : vector<1x1x16xf32> to vector<16xf32>
    %swap3A_975 = vector.shape_cast %broadcast_in_dim3A_0 : vector<16xf32> to vector<1x1x16xf32>
    tpu.vector_store %arg12[%swap3A_970, %swap3A_971, %swap3A_972], %swap3A_975 {strides = array<i32>} : memref<4x64x128xf32, #tpu.memory_space<vmem>>, vector<1x1x16xf32>,
    %swap3A_976 = arith.constant 0 : i32
    %swap3A_977 = arith.constant 15 : i32
    %swap3A_978 = arith.index_cast %swap3A_976 : i32 to index
    %swap3A_979 = arith.index_cast %swap3A_977 : i32 to index
    %swap3A_980 = arith.constant 32 : index
    %swap3A_981 = tpu.vector_load %arg12[%swap3A_978, %swap3A_979, %swap3A_980] {strides = array<i32>} : memref<4x64x128xf32, #tpu.memory_space<vmem>>, vector<1x1x16xf32>,
    %swap3A_982 = vector.shape_cast %swap3A_981 : vector<1x1x16xf32> to vector<16xf32>
    %swap3A_983 = vector.shape_cast %broadcast_in_dim3A_0 : vector<16xf32> to vector<1x1x16xf32>
    tpu.vector_store %arg12[%swap3A_978, %swap3A_979, %swap3A_980], %swap3A_983 {strides = array<i32>} : memref<4x64x128xf32, #tpu.memory_space<vmem>>, vector<1x1x16xf32>,
    %swap3A_984 = arith.constant 0 : i32
    %swap3A_985 = arith.constant 15 : i32
    %swap3A_986 = arith.index_cast %swap3A_984 : i32 to index
    %swap3A_987 = arith.index_cast %swap3A_985 : i32 to index
    %swap3A_988 = arith.constant 48 : index
    %swap3A_989 = tpu.vector_load %arg12[%swap3A_986, %swap3A_987, %swap3A_988] {strides = array<i32>} : memref<4x64x128xf32, #tpu.memory_space<vmem>>, vector<1x1x16xf32>,
    %swap3A_990 = vector.shape_cast %swap3A_989 : vector<1x1x16xf32> to vector<16xf32>
    %swap3A_991 = vector.shape_cast %broadcast_in_dim3A_0 : vector<16xf32> to vector<1x1x16xf32>
    tpu.vector_store %arg12[%swap3A_986, %swap3A_987, %swap3A_988], %swap3A_991 {strides = array<i32>} : memref<4x64x128xf32, #tpu.memory_space<vmem>>, vector<1x1x16xf32>,
    %swap3A_992 = arith.constant 0 : i32
    %swap3A_993 = arith.constant 15 : i32
    %swap3A_994 = arith.index_cast %swap3A_992 : i32 to index
    %swap3A_995 = arith.index_cast %swap3A_993 : i32 to index
    %swap3A_996 = arith.constant 64 : index
    %swap3A_997 = tpu.vector_load %arg12[%swap3A_994, %swap3A_995, %swap3A_996] {strides = array<i32>} : memref<4x64x128xf32, #tpu.memory_space<vmem>>, vector<1x1x16xf32>,
    %swap3A_998 = vector.shape_cast %swap3A_997 : vector<1x1x16xf32> to vector<16xf32>
    %swap3A_999 = vector.shape_cast %broadcast_in_dim3A_0 : vector<16xf32> to vector<1x1x16xf32>
    tpu.vector_store %arg12[%swap3A_994, %swap3A_995, %swap3A_996], %swap3A_999 {strides = array<i32>} : memref<4x64x128xf32, #tpu.memory_space<vmem>>, vector<1x1x16xf32>,
    %swap3A_1000 = arith.constant 0 : i32
    %swap3A_1001 = arith.constant 15 : i32
    %swap3A_1002 = arith.index_cast %swap3A_1000 : i32 to index
    %swap3A_1003 = arith.index_cast %swap3A_1001 : i32 to index
    %swap3A_1004 = arith.constant 80 : index
    %swap3A_1005 = tpu.vector_load %arg12[%swap3A_1002, %swap3A_1003, %swap3A_1004] {strides = array<i32>} : memref<4x64x128xf32, #tpu.memory_space<vmem>>, vector<1x1x16xf32>,
    %swap3A_1006 = vector.shape_cast %swap3A_1005 : vector<1x1x16xf32> to vector<16xf32>
    %swap3A_1007 = vector.shape_cast %broadcast_in_dim3A_0 : vector<16xf32> to vector<1x1x16xf32>
    tpu.vector_store %arg12[%swap3A_1002, %swap3A_1003, %swap3A_1004], %swap3A_1007 {strides = array<i32>} : memref<4x64x128xf32, #tpu.memory_space<vmem>>, vector<1x1x16xf32>,
    %swap3A_1008 = arith.constant 0 : i32
    %swap3A_1009 = arith.constant 15 : i32
    %swap3A_1010 = arith.index_cast %swap3A_1008 : i32 to index
    %swap3A_1011 = arith.index_cast %swap3A_1009 : i32 to index
    %swap3A_1012 = arith.constant 96 : index
    %swap3A_1013 = tpu.vector_load %arg12[%swap3A_1010, %swap3A_1011, %swap3A_1012] {strides = array<i32>} : memref<4x64x128xf32, #tpu.memory_space<vmem>>, vector<1x1x16xf32>,
    %swap3A_1014 = vector.shape_cast %swap3A_1013 : vector<1x1x16xf32> to vector<16xf32>
    %swap3A_1015 = vector.shape_cast %broadcast_in_dim3A_0 : vector<16xf32> to vector<1x1x16xf32>
    tpu.vector_store %arg12[%swap3A_1010, %swap3A_1011, %swap3A_1012], %swap3A_1015 {strides = array<i32>} : memref<4x64x128xf32, #tpu.memory_space<vmem>>, vector<1x1x16xf32>,
    %swap3A_1016 = arith.constant 0 : i32
    %swap3A_1017 = arith.constant 15 : i32
    %swap3A_1018 = arith.index_cast %swap3A_1016 : i32 to index
    %swap3A_1019 = arith.index_cast %swap3A_1017 : i32 to index
    %swap3A_1020 = arith.constant 112 : index
    %swap3A_1021 = tpu.vector_load %arg12[%swap3A_1018, %swap3A_1019, %swap3A_1020] {strides = array<i32>} : memref<4x64x128xf32, #tpu.memory_space<vmem>>, vector<1x1x16xf32>,
    %swap3A_1022 = vector.shape_cast %swap3A_1021 : vector<1x1x16xf32> to vector<16xf32>
    %swap3A_1023 = vector.shape_cast %broadcast_in_dim3A_0 : vector<16xf32> to vector<1x1x16xf32>
    tpu.vector_store %arg12[%swap3A_1018, %swap3A_1019, %swap3A_1020], %swap3A_1023 {strides = array<i32>} : memref<4x64x128xf32, #tpu.memory_space<vmem>>, vector<1x1x16xf32>,
    %mul3A = arith.constant 163840 : i32
    %mul3A_1024 = arith.muli %arg0, %mul3A : i32
    %mul3A_1025 = arith.constant 10240 : i32
    %mul3A_1026 = arith.muli %arg1, %mul3A_1025 : i32
    %add3A = arith.addi %mul3A_1024, %mul3A_1026 : i32
    %dma_start3A = arith.constant 0 : i32
    %dma_start3A_1027 = tpu.memref_slice %arg3[%add3A] : memref<327680xi32, #tpu.memory_space<hbm>> -> memref<10240xi32, #tpu.memory_space<hbm>>
    %dma_start3A_1028 = tpu.memref_slice %arg14[%dma_start3A] : memref<4x!tpu.dma_semaphore, #tpu.memory_space<semaphore_mem>> -> memref<1x!tpu.dma_semaphore, #tpu.memory_space<semaphore_mem>>
    %dma_start3A_1029 = tpu.memref_squeeze %dma_start3A_1028 : memref<1x!tpu.dma_semaphore, #tpu.memory_space<semaphore_mem>> -> memref<!tpu.dma_semaphore, #tpu.memory_space<semaphore_mem>>
    %dma_start3A_1030 = tpu.memref_slice %arg3[%add3A] : memref<327680xi32, #tpu.memory_space<hbm>> -> memref<10240xi32, #tpu.memory_space<hbm>>
    tpu.enqueue_dma source(%dma_start3A_1030 : memref<10240xi32, #tpu.memory_space<hbm>>) target(%arg7 : memref<10240xi32, #tpu.memory_space<vmem>>) target_semaphore(%dma_start3A_1029 : memref<!tpu.dma_semaphore, #tpu.memory_space<semaphore_mem>>)
    %scan3A = arith.constant 0 : i32
    %scan3A_1031 = arith.constant 0 : i32
    %scan3A_1032 = arith.constant 40 : i32
    %scan3A_1033 = arith.addi %scan3A_1031, %scan3A_1032 : i32
    %scan3A_1034 = arith.constant 1 : i32
    scf.for %scan3A_1295 = %scan3A_1031 to %scan3A_1033 step %scan3A_1034  : i32 {
      %mul3A_1296 = arith.constant 640 : i32
      %mul3A_1297 = arith.muli %arg1, %mul3A_1296 : i32
      %mul3A_1298 = arith.constant 16 : i32
      %mul3A_1299 = arith.muli %scan3A_1295, %mul3A_1298 : i32
      %add3A_1300 = arith.addi %mul3A_1297, %mul3A_1299 : i32
      %dma_start3A_1301 = arith.constant 0 : i32
      %dma_start3A_1302 = arith.constant 0 : i32
      %dma_start3A_1303 = arith.constant 0 : i32
      %dma_start3A_1304 = arith.constant 0 : i32
      %dma_start3A_1305 = tpu.memref_slice %arg12[%dma_start3A_1301, %dma_start3A_1303, %dma_start3A_1304] : memref<4x64x128xf32, #tpu.memory_space<vmem>> -> memref<1x64x128xf32, #tpu.memory_space<vmem>>
      %dma_start3A_1306 = tpu.memref_squeeze %dma_start3A_1305 : memref<1x64x128xf32, #tpu.memory_space<vmem>> -> memref<64x128xf32, #tpu.memory_space<vmem>>
      %dma_start3A_1307 = arith.constant 0 : i32
      %dma_start3A_1308 = arith.constant 0 : i32
      %dma_start3A_1309 = tpu.memref_slice %dma_start3A_1306[%dma_start3A_1307, %dma_start3A_1308] : memref<64x128xf32, #tpu.memory_space<vmem>> -> memref<16x128xf32, #tpu.memory_space<vmem>>
      %dma_start3A_1310 = arith.constant 0 : i32
      %dma_start3A_1311 = tpu.memref_slice %arg6[%add3A_1300, %dma_start3A_1310] : memref<10240x128xf32, #tpu.memory_space<vmem_shared>> -> memref<16x128xf32, #tpu.memory_space<vmem_shared>>
      %dma_start3A_1312 = tpu.memref_slice %arg15[%dma_start3A_1302] : memref<4x!tpu.dma_semaphore, #tpu.memory_space<semaphore_mem>> -> memref<1x!tpu.dma_semaphore, #tpu.memory_space<semaphore_mem>>
      %dma_start3A_1313 = tpu.memref_squeeze %dma_start3A_1312 : memref<1x!tpu.dma_semaphore, #tpu.memory_space<semaphore_mem>> -> memref<!tpu.dma_semaphore, #tpu.memory_space<semaphore_mem>>
      %dma_start3A_1314 = arith.constant 0 : i32
      %dma_start3A_1315 = tpu.memref_slice %arg6[%add3A_1300, %dma_start3A_1314] : memref<10240x128xf32, #tpu.memory_space<vmem_shared>> -> memref<16x128xf32, #tpu.memory_space<vmem_shared>>
      %dma_start3A_1316 = arith.constant 0 : i32
      %dma_start3A_1317 = arith.constant 0 : i32
      %dma_start3A_1318 = tpu.memref_slice %arg12[%dma_start3A_1301, %dma_start3A_1316, %dma_start3A_1317] : memref<4x64x128xf32, #tpu.memory_space<vmem>> -> memref<1x64x128xf32, #tpu.memory_space<vmem>>
      %dma_start3A_1319 = tpu.memref_squeeze %dma_start3A_1318 : memref<1x64x128xf32, #tpu.memory_space<vmem>> -> memref<64x128xf32, #tpu.memory_space<vmem>>
      %dma_start3A_1320 = arith.constant 0 : i32
      %dma_start3A_1321 = arith.constant 0 : i32
      %dma_start3A_1322 = tpu.memref_slice %dma_start3A_1319[%dma_start3A_1320, %dma_start3A_1321] : memref<64x128xf32, #tpu.memory_space<vmem>> -> memref<16x128xf32, #tpu.memory_space<vmem>>
      tpu.enqueue_dma source(%dma_start3A_1322 : memref<16x128xf32, #tpu.memory_space<vmem>>) target(%dma_start3A_1315 : memref<16x128xf32, #tpu.memory_space<vmem_shared>>) target_semaphore(%dma_start3A_1313 : memref<!tpu.dma_semaphore, #tpu.memory_space<semaphore_mem>>)
    }
    %scan3A_1035 = arith.constant 40 : i32
    %scan3A_1036 = arith.constant 0 : i32
    %scan3A_1037 = arith.constant 0 : i32
    %scan3A_1038 = arith.constant 40 : i32
    %scan3A_1039 = arith.addi %scan3A_1037, %scan3A_1038 : i32
    %scan3A_1040 = arith.constant 1 : i32
    scf.for %scan3A_1295 = %scan3A_1037 to %scan3A_1039 step %scan3A_1040  : i32 {
      %mul3A_1296 = arith.constant 640 : i32
      %mul3A_1297 = arith.muli %arg1, %mul3A_1296 : i32
      %dma_wait3A_1298 = arith.constant 0 : i32
      %dma_wait3A_1299 = arith.constant 0 : i32
      %dma_wait3A_1300 = arith.constant 0 : i32
      %dma_wait3A_1301 = arith.constant 0 : i32
      %dma_wait3A_1302 = tpu.memref_slice %arg12[%dma_wait3A_1298, %dma_wait3A_1300, %dma_wait3A_1301] : memref<4x64x128xf32, #tpu.memory_space<vmem>> -> memref<1x64x128xf32, #tpu.memory_space<vmem>>
      %dma_wait3A_1303 = tpu.memref_squeeze %dma_wait3A_1302 : memref<1x64x128xf32, #tpu.memory_space<vmem>> -> memref<64x128xf32, #tpu.memory_space<vmem>>
      %dma_wait3A_1304 = arith.constant 0 : i32
      %dma_wait3A_1305 = arith.constant 0 : i32
      %dma_wait3A_1306 = tpu.memref_slice %dma_wait3A_1303[%dma_wait3A_1304, %dma_wait3A_1305] : memref<64x128xf32, #tpu.memory_space<vmem>> -> memref<16x128xf32, #tpu.memory_space<vmem>>
      %dma_wait3A_1307 = arith.constant 0 : i32
      %dma_wait3A_1308 = tpu.memref_slice %arg6[%mul3A_1297, %dma_wait3A_1307] : memref<10240x128xf32, #tpu.memory_space<vmem_shared>> -> memref<16x128xf32, #tpu.memory_space<vmem_shared>>
      %dma_wait3A_1309 = tpu.memref_slice %arg15[%dma_wait3A_1299] : memref<4x!tpu.dma_semaphore, #tpu.memory_space<semaphore_mem>> -> memref<1x!tpu.dma_semaphore, #tpu.memory_space<semaphore_mem>>
      %dma_wait3A_1310 = tpu.memref_squeeze %dma_wait3A_1309 : memref<1x!tpu.dma_semaphore, #tpu.memory_space<semaphore_mem>> -> memref<!tpu.dma_semaphore, #tpu.memory_space<semaphore_mem>>
      %dma_wait3A_1311 = arith.constant 0 : i32
      %dma_wait3A_1312 = tpu.memref_slice %arg6[%mul3A_1297, %dma_wait3A_1311] : memref<10240x128xf32, #tpu.memory_space<vmem_shared>> -> memref<16x128xf32, #tpu.memory_space<vmem_shared>>
      %dma_wait3A_1313 = arith.constant 0 : i32
      %dma_wait3A_1314 = arith.constant 0 : i32
      %dma_wait3A_1315 = tpu.memref_slice %arg12[%dma_wait3A_1298, %dma_wait3A_1313, %dma_wait3A_1314] : memref<4x64x128xf32, #tpu.memory_space<vmem>> -> memref<1x64x128xf32, #tpu.memory_space<vmem>>
      %dma_wait3A_1316 = tpu.memref_squeeze %dma_wait3A_1315 : memref<1x64x128xf32, #tpu.memory_space<vmem>> -> memref<64x128xf32, #tpu.memory_space<vmem>>
      %dma_wait3A_1317 = arith.constant 0 : i32
      %dma_wait3A_1318 = arith.constant 0 : i32
      %dma_wait3A_1319 = tpu.memref_slice %dma_wait3A_1316[%dma_wait3A_1317, %dma_wait3A_1318] : memref<64x128xf32, #tpu.memory_space<vmem>> -> memref<16x128xf32, #tpu.memory_space<vmem>>
      tpu.wait_dma2 semaphore(%dma_wait3A_1310 : memref<!tpu.dma_semaphore, #tpu.memory_space<semaphore_mem>>) src(%dma_wait3A_1319 : memref<16x128xf32, #tpu.memory_space<vmem>>) dst(%dma_wait3A_1312 : memref<16x128xf32, #tpu.memory_space<vmem_shared>>)
    }
    %scan3A_1041 = arith.constant 40 : i32
    %dma_wait3A = arith.constant 0 : i32
    %dma_wait3A_1042 = tpu.memref_slice %arg3[%add3A] : memref<327680xi32, #tpu.memory_space<hbm>> -> memref<10240xi32, #tpu.memory_space<hbm>>
    %dma_wait3A_1043 = tpu.memref_slice %arg14[%dma_wait3A] : memref<4x!tpu.dma_semaphore, #tpu.memory_space<semaphore_mem>> -> memref<1x!tpu.dma_semaphore, #tpu.memory_space<semaphore_mem>>
    %dma_wait3A_1044 = tpu.memref_squeeze %dma_wait3A_1043 : memref<1x!tpu.dma_semaphore, #tpu.memory_space<semaphore_mem>> -> memref<!tpu.dma_semaphore, #tpu.memory_space<semaphore_mem>>
    %dma_wait3A_1045 = tpu.memref_slice %arg3[%add3A] : memref<327680xi32, #tpu.memory_space<hbm>> -> memref<10240xi32, #tpu.memory_space<hbm>>
    tpu.wait_dma2 semaphore(%dma_wait3A_1044 : memref<!tpu.dma_semaphore, #tpu.memory_space<semaphore_mem>>) src(%dma_wait3A_1045 : memref<10240xi32, #tpu.memory_space<hbm>>) dst(%arg7 : memref<10240xi32, #tpu.memory_space<vmem>>)
    %barrier3A = arith.constant 0 : index
    tpu.barrier barrier_id(%barrier3A)
    %add3A_1046 = arith.constant 0 : i32
    %add3A_1047 = arith.addi %add3A, %add3A_1046 : i32
    %dma_start3A_1048 = arith.constant 0 : i32
    %dma_start3A_1049 = tpu.memref_slice %arg4[%add3A_1047] : memref<327680xi32, #tpu.memory_space<hbm>> -> memref<64xi32, #tpu.memory_space<hbm>>
    %dma_start3A_1050 = tpu.memref_slice %arg13[%dma_start3A_1048] : memref<4x!tpu.dma_semaphore, #tpu.memory_space<semaphore_mem>> -> memref<1x!tpu.dma_semaphore, #tpu.memory_space<semaphore_mem>>
    %dma_start3A_1051 = tpu.memref_squeeze %dma_start3A_1050 : memref<1x!tpu.dma_semaphore, #tpu.memory_space<semaphore_mem>> -> memref<!tpu.dma_semaphore, #tpu.memory_space<semaphore_mem>>
    %dma_start3A_1052 = tpu.memref_slice %arg4[%add3A_1047] : memref<327680xi32, #tpu.memory_space<hbm>> -> memref<64xi32, #tpu.memory_space<hbm>>
    tpu.enqueue_dma source(%dma_start3A_1052 : memref<64xi32, #tpu.memory_space<hbm>>) target(%arg8 : memref<64xi32, #tpu.memory_space<vmem>>) target_semaphore(%dma_start3A_1051 : memref<!tpu.dma_semaphore, #tpu.memory_space<semaphore_mem>>)
    %dma_start3A_1053 = arith.constant 0 : i32
    %dma_start3A_1054 = arith.constant 0 : i32
    %dma_start3A_1055 = arith.constant 0 : i32
    %dma_start3A_1056 = arith.constant 0 : i32
    %dma_start3A_1057 = tpu.memref_slice %arg12[%dma_start3A_1053, %dma_start3A_1055, %dma_start3A_1056] : memref<4x64x128xf32, #tpu.memory_space<vmem>> -> memref<1x64x128xf32, #tpu.memory_space<vmem>>
    %dma_start3A_1058 = tpu.memref_squeeze %dma_start3A_1057 : memref<1x64x128xf32, #tpu.memory_space<vmem>> -> memref<64x128xf32, #tpu.memory_space<vmem>>
    %dma_start3A_1059 = arith.constant 0 : i32
    %dma_start3A_1060 = tpu.memref_slice %arg7[%dma_start3A_1059] : memref<10240xi32, #tpu.memory_space<vmem>> -> memref<64xi32, #tpu.memory_space<vmem>>
    %dma_start3A_1061 = arith.constant 0 : i32
    %dma_start3A_1062 = arith.constant 0 : i32
    %dma_start3A_1063 = tpu.memref_slice %arg2[%dma_start3A_1061, %dma_start3A_1062] : memref<10000x128xf32, #tpu.memory_space<hbm>> -> memref<10000x128xf32, #tpu.memory_space<hbm>>
    %dma_start3A_1064 = tpu.memref_slice %arg14[%dma_start3A_1054] : memref<4x!tpu.dma_semaphore, #tpu.memory_space<semaphore_mem>> -> memref<1x!tpu.dma_semaphore, #tpu.memory_space<semaphore_mem>>
    %dma_start3A_1065 = tpu.memref_squeeze %dma_start3A_1064 : memref<1x!tpu.dma_semaphore, #tpu.memory_space<semaphore_mem>> -> memref<!tpu.dma_semaphore, #tpu.memory_space<semaphore_mem>>
    tpu.enqueue_indirect_dma source(%dma_start3A_1063 : memref<10000x128xf32, #tpu.memory_space<hbm>>) target(%dma_start3A_1058 : memref<64x128xf32, #tpu.memory_space<vmem>>) offsets(%dma_start3A_1060 : memref<64xi32, #tpu.memory_space<vmem>>) semaphore(%dma_start3A_1065 : memref<!tpu.dma_semaphore, #tpu.memory_space<semaphore_mem>>)
    %add3A_1066 = arith.constant 64 : i32
    %add3A_1067 = arith.addi %add3A, %add3A_1066 : i32
    %dma_start3A_1068 = arith.constant 1 : i32
    %dma_start3A_1069 = tpu.memref_slice %arg4[%add3A_1067] : memref<327680xi32, #tpu.memory_space<hbm>> -> memref<64xi32, #tpu.memory_space<hbm>>
    %dma_start3A_1070 = tpu.memref_slice %arg13[%dma_start3A_1068] : memref<4x!tpu.dma_semaphore, #tpu.memory_space<semaphore_mem>> -> memref<1x!tpu.dma_semaphore, #tpu.memory_space<semaphore_mem>>
    %dma_start3A_1071 = tpu.memref_squeeze %dma_start3A_1070 : memref<1x!tpu.dma_semaphore, #tpu.memory_space<semaphore_mem>> -> memref<!tpu.dma_semaphore, #tpu.memory_space<semaphore_mem>>
    %dma_start3A_1072 = tpu.memref_slice %arg4[%add3A_1067] : memref<327680xi32, #tpu.memory_space<hbm>> -> memref<64xi32, #tpu.memory_space<hbm>>
    tpu.enqueue_dma source(%dma_start3A_1072 : memref<64xi32, #tpu.memory_space<hbm>>) target(%arg9 : memref<64xi32, #tpu.memory_space<vmem>>) target_semaphore(%dma_start3A_1071 : memref<!tpu.dma_semaphore, #tpu.memory_space<semaphore_mem>>)
    %dma_start3A_1073 = arith.constant 1 : i32
    %dma_start3A_1074 = arith.constant 1 : i32
    %dma_start3A_1075 = arith.constant 0 : i32
    %dma_start3A_1076 = arith.constant 0 : i32
    %dma_start3A_1077 = tpu.memref_slice %arg12[%dma_start3A_1073, %dma_start3A_1075, %dma_start3A_1076] : memref<4x64x128xf32, #tpu.memory_space<vmem>> -> memref<1x64x128xf32, #tpu.memory_space<vmem>>
    %dma_start3A_1078 = tpu.memref_squeeze %dma_start3A_1077 : memref<1x64x128xf32, #tpu.memory_space<vmem>> -> memref<64x128xf32, #tpu.memory_space<vmem>>
    %dma_start3A_1079 = arith.constant 64 : i32
    %dma_start3A_1080 = tpu.memref_slice %arg7[%dma_start3A_1079] : memref<10240xi32, #tpu.memory_space<vmem>> -> memref<64xi32, #tpu.memory_space<vmem>>
    %dma_start3A_1081 = arith.constant 0 : i32
    %dma_start3A_1082 = arith.constant 0 : i32
    %dma_start3A_1083 = tpu.memref_slice %arg2[%dma_start3A_1081, %dma_start3A_1082] : memref<10000x128xf32, #tpu.memory_space<hbm>> -> memref<10000x128xf32, #tpu.memory_space<hbm>>
    %dma_start3A_1084 = tpu.memref_slice %arg14[%dma_start3A_1074] : memref<4x!tpu.dma_semaphore, #tpu.memory_space<semaphore_mem>> -> memref<1x!tpu.dma_semaphore, #tpu.memory_space<semaphore_mem>>
    %dma_start3A_1085 = tpu.memref_squeeze %dma_start3A_1084 : memref<1x!tpu.dma_semaphore, #tpu.memory_space<semaphore_mem>> -> memref<!tpu.dma_semaphore, #tpu.memory_space<semaphore_mem>>
    tpu.enqueue_indirect_dma source(%dma_start3A_1083 : memref<10000x128xf32, #tpu.memory_space<hbm>>) target(%dma_start3A_1078 : memref<64x128xf32, #tpu.memory_space<vmem>>) offsets(%dma_start3A_1080 : memref<64xi32, #tpu.memory_space<vmem>>) semaphore(%dma_start3A_1085 : memref<!tpu.dma_semaphore, #tpu.memory_space<semaphore_mem>>)
    %add3A_1086 = arith.constant 128 : i32
    %add3A_1087 = arith.addi %add3A, %add3A_1086 : i32
    %dma_start3A_1088 = arith.constant 2 : i32
    %dma_start3A_1089 = tpu.memref_slice %arg4[%add3A_1087] : memref<327680xi32, #tpu.memory_space<hbm>> -> memref<64xi32, #tpu.memory_space<hbm>>
    %dma_start3A_1090 = tpu.memref_slice %arg13[%dma_start3A_1088] : memref<4x!tpu.dma_semaphore, #tpu.memory_space<semaphore_mem>> -> memref<1x!tpu.dma_semaphore, #tpu.memory_space<semaphore_mem>>
    %dma_start3A_1091 = tpu.memref_squeeze %dma_start3A_1090 : memref<1x!tpu.dma_semaphore, #tpu.memory_space<semaphore_mem>> -> memref<!tpu.dma_semaphore, #tpu.memory_space<semaphore_mem>>
    %dma_start3A_1092 = tpu.memref_slice %arg4[%add3A_1087] : memref<327680xi32, #tpu.memory_space<hbm>> -> memref<64xi32, #tpu.memory_space<hbm>>
    tpu.enqueue_dma source(%dma_start3A_1092 : memref<64xi32, #tpu.memory_space<hbm>>) target(%arg10 : memref<64xi32, #tpu.memory_space<vmem>>) target_semaphore(%dma_start3A_1091 : memref<!tpu.dma_semaphore, #tpu.memory_space<semaphore_mem>>)
    %dma_start3A_1093 = arith.constant 2 : i32
    %dma_start3A_1094 = arith.constant 2 : i32
    %dma_start3A_1095 = arith.constant 0 : i32
    %dma_start3A_1096 = arith.constant 0 : i32
    %dma_start3A_1097 = tpu.memref_slice %arg12[%dma_start3A_1093, %dma_start3A_1095, %dma_start3A_1096] : memref<4x64x128xf32, #tpu.memory_space<vmem>> -> memref<1x64x128xf32, #tpu.memory_space<vmem>>
    %dma_start3A_1098 = tpu.memref_squeeze %dma_start3A_1097 : memref<1x64x128xf32, #tpu.memory_space<vmem>> -> memref<64x128xf32, #tpu.memory_space<vmem>>
    %dma_start3A_1099 = arith.constant 128 : i32
    %dma_start3A_1100 = tpu.memref_slice %arg7[%dma_start3A_1099] : memref<10240xi32, #tpu.memory_space<vmem>> -> memref<64xi32, #tpu.memory_space<vmem>>
    %dma_start3A_1101 = arith.constant 0 : i32
    %dma_start3A_1102 = arith.constant 0 : i32
    %dma_start3A_1103 = tpu.memref_slice %arg2[%dma_start3A_1101, %dma_start3A_1102] : memref<10000x128xf32, #tpu.memory_space<hbm>> -> memref<10000x128xf32, #tpu.memory_space<hbm>>
    %dma_start3A_1104 = tpu.memref_slice %arg14[%dma_start3A_1094] : memref<4x!tpu.dma_semaphore, #tpu.memory_space<semaphore_mem>> -> memref<1x!tpu.dma_semaphore, #tpu.memory_space<semaphore_mem>>
    %dma_start3A_1105 = tpu.memref_squeeze %dma_start3A_1104 : memref<1x!tpu.dma_semaphore, #tpu.memory_space<semaphore_mem>> -> memref<!tpu.dma_semaphore, #tpu.memory_space<semaphore_mem>>
    tpu.enqueue_indirect_dma source(%dma_start3A_1103 : memref<10000x128xf32, #tpu.memory_space<hbm>>) target(%dma_start3A_1098 : memref<64x128xf32, #tpu.memory_space<vmem>>) offsets(%dma_start3A_1100 : memref<64xi32, #tpu.memory_space<vmem>>) semaphore(%dma_start3A_1105 : memref<!tpu.dma_semaphore, #tpu.memory_space<semaphore_mem>>)
    %add3A_1106 = arith.constant 192 : i32
    %add3A_1107 = arith.addi %add3A, %add3A_1106 : i32
    %dma_start3A_1108 = arith.constant 3 : i32
    %dma_start3A_1109 = tpu.memref_slice %arg4[%add3A_1107] : memref<327680xi32, #tpu.memory_space<hbm>> -> memref<64xi32, #tpu.memory_space<hbm>>
    %dma_start3A_1110 = tpu.memref_slice %arg13[%dma_start3A_1108] : memref<4x!tpu.dma_semaphore, #tpu.memory_space<semaphore_mem>> -> memref<1x!tpu.dma_semaphore, #tpu.memory_space<semaphore_mem>>
    %dma_start3A_1111 = tpu.memref_squeeze %dma_start3A_1110 : memref<1x!tpu.dma_semaphore, #tpu.memory_space<semaphore_mem>> -> memref<!tpu.dma_semaphore, #tpu.memory_space<semaphore_mem>>
    %dma_start3A_1112 = tpu.memref_slice %arg4[%add3A_1107] : memref<327680xi32, #tpu.memory_space<hbm>> -> memref<64xi32, #tpu.memory_space<hbm>>
    tpu.enqueue_dma source(%dma_start3A_1112 : memref<64xi32, #tpu.memory_space<hbm>>) target(%arg11 : memref<64xi32, #tpu.memory_space<vmem>>) target_semaphore(%dma_start3A_1111 : memref<!tpu.dma_semaphore, #tpu.memory_space<semaphore_mem>>)
    %dma_start3A_1113 = arith.constant 3 : i32
    %dma_start3A_1114 = arith.constant 3 : i32
    %dma_start3A_1115 = arith.constant 0 : i32
    %dma_start3A_1116 = arith.constant 0 : i32
    %dma_start3A_1117 = tpu.memref_slice %arg12[%dma_start3A_1113, %dma_start3A_1115, %dma_start3A_1116] : memref<4x64x128xf32, #tpu.memory_space<vmem>> -> memref<1x64x128xf32, #tpu.memory_space<vmem>>
    %dma_start3A_1118 = tpu.memref_squeeze %dma_start3A_1117 : memref<1x64x128xf32, #tpu.memory_space<vmem>> -> memref<64x128xf32, #tpu.memory_space<vmem>>
    %dma_start3A_1119 = arith.constant 192 : i32
    %dma_start3A_1120 = tpu.memref_slice %arg7[%dma_start3A_1119] : memref<10240xi32, #tpu.memory_space<vmem>> -> memref<64xi32, #tpu.memory_space<vmem>>
    %dma_start3A_1121 = arith.constant 0 : i32
    %dma_start3A_1122 = arith.constant 0 : i32
    %dma_start3A_1123 = tpu.memref_slice %arg2[%dma_start3A_1121, %dma_start3A_1122] : memref<10000x128xf32, #tpu.memory_space<hbm>> -> memref<10000x128xf32, #tpu.memory_space<hbm>>
    %dma_start3A_1124 = tpu.memref_slice %arg14[%dma_start3A_1114] : memref<4x!tpu.dma_semaphore, #tpu.memory_space<semaphore_mem>> -> memref<1x!tpu.dma_semaphore, #tpu.memory_space<semaphore_mem>>
    %dma_start3A_1125 = tpu.memref_squeeze %dma_start3A_1124 : memref<1x!tpu.dma_semaphore, #tpu.memory_space<semaphore_mem>> -> memref<!tpu.dma_semaphore, #tpu.memory_space<semaphore_mem>>
    tpu.enqueue_indirect_dma source(%dma_start3A_1123 : memref<10000x128xf32, #tpu.memory_space<hbm>>) target(%dma_start3A_1118 : memref<64x128xf32, #tpu.memory_space<vmem>>) offsets(%dma_start3A_1120 : memref<64xi32, #tpu.memory_space<vmem>>) semaphore(%dma_start3A_1125 : memref<!tpu.dma_semaphore, #tpu.memory_space<semaphore_mem>>)
    %scan3A_1126 = arith.constant 0 : i32
    %scan3A_1127 = arith.constant 0 : i32
    %scan3A_1128 = arith.constant 39 : i32
    %scan3A_1129 = arith.addi %scan3A_1127, %scan3A_1128 : i32
    %scan3A_1130 = arith.constant 1 : i32
    scf.for %scan3A_1295 = %scan3A_1127 to %scan3A_1129 step %scan3A_1130  : i32 {
      %dma_wait3A_1296 = arith.constant 0 : i32
      %dma_wait3A_1297 = arith.constant 0 : i32
      %dma_wait3A_1298 = arith.constant 0 : i32
      %dma_wait3A_1299 = arith.constant 0 : i32
      %dma_wait3A_1300 = tpu.memref_slice %arg12[%dma_wait3A_1296, %dma_wait3A_1298, %dma_wait3A_1299] : memref<4x64x128xf32, #tpu.memory_space<vmem>> -> memref<1x64x128xf32, #tpu.memory_space<vmem>>
      %dma_wait3A_1301 = tpu.memref_squeeze %dma_wait3A_1300 : memref<1x64x128xf32, #tpu.memory_space<vmem>> -> memref<64x128xf32, #tpu.memory_space<vmem>>
      %dma_wait3A_1302 = arith.constant 0 : i32
      %dma_wait3A_1303 = tpu.memref_slice %arg7[%dma_wait3A_1302] : memref<10240xi32, #tpu.memory_space<vmem>> -> memref<64xi32, #tpu.memory_space<vmem>>
      %dma_wait3A_1304 = arith.constant 0 : i32
      %dma_wait3A_1305 = arith.constant 0 : i32
      %dma_wait3A_1306 = tpu.memref_slice %arg2[%dma_wait3A_1304, %dma_wait3A_1305] : memref<10000x128xf32, #tpu.memory_space<hbm>> -> memref<10000x128xf32, #tpu.memory_space<hbm>>
      %dma_wait3A_1307 = tpu.memref_slice %arg14[%dma_wait3A_1297] : memref<4x!tpu.dma_semaphore, #tpu.memory_space<semaphore_mem>> -> memref<1x!tpu.dma_semaphore, #tpu.memory_space<semaphore_mem>>
      %dma_wait3A_1308 = tpu.memref_squeeze %dma_wait3A_1307 : memref<1x!tpu.dma_semaphore, #tpu.memory_space<semaphore_mem>> -> memref<!tpu.dma_semaphore, #tpu.memory_space<semaphore_mem>>
      tpu.wait_indirect_dma semaphore(%dma_wait3A_1308 : memref<!tpu.dma_semaphore, #tpu.memory_space<semaphore_mem>>) src(%dma_wait3A_1306 : memref<10000x128xf32, #tpu.memory_space<hbm>>) dst(%dma_wait3A_1301 : memref<64x128xf32, #tpu.memory_space<vmem>>)
      %dma_wait3A_1309 = arith.constant 0 : i32
      %dma_wait3A_1310 = tpu.memref_slice %arg4[%add3A] : memref<327680xi32, #tpu.memory_space<hbm>> -> memref<64xi32, #tpu.memory_space<hbm>>
      %dma_wait3A_1311 = tpu.memref_slice %arg13[%dma_wait3A_1309] : memref<4x!tpu.dma_semaphore, #tpu.memory_space<semaphore_mem>> -> memref<1x!tpu.dma_semaphore, #tpu.memory_space<semaphore_mem>>
      %dma_wait3A_1312 = tpu.memref_squeeze %dma_wait3A_1311 : memref<1x!tpu.dma_semaphore, #tpu.memory_space<semaphore_mem>> -> memref<!tpu.dma_semaphore, #tpu.memory_space<semaphore_mem>>
      %dma_wait3A_1313 = tpu.memref_slice %arg4[%add3A] : memref<327680xi32, #tpu.memory_space<hbm>> -> memref<64xi32, #tpu.memory_space<hbm>>
      tpu.wait_dma2 semaphore(%dma_wait3A_1312 : memref<!tpu.dma_semaphore, #tpu.memory_space<semaphore_mem>>) src(%dma_wait3A_1313 : memref<64xi32, #tpu.memory_space<hbm>>) dst(%arg8 : memref<64xi32, #tpu.memory_space<vmem>>)
      %dma_start3A_1314 = arith.constant 0 : i32
      %dma_start3A_1315 = arith.constant 0 : i32
      %dma_start3A_1316 = arith.constant 0 : i32
      %dma_start3A_1317 = arith.constant 0 : i32
      %dma_start3A_1318 = tpu.memref_slice %arg12[%dma_start3A_1314, %dma_start3A_1316, %dma_start3A_1317] : memref<4x64x128xf32, #tpu.memory_space<vmem>> -> memref<1x64x128xf32, #tpu.memory_space<vmem>>
      %dma_start3A_1319 = tpu.memref_squeeze %dma_start3A_1318 : memref<1x64x128xf32, #tpu.memory_space<vmem>> -> memref<64x128xf32, #tpu.memory_space<vmem>>
      %dma_start3A_1320 = arith.constant 0 : i32
      %dma_start3A_1321 = arith.constant 0 : i32
      %dma_start3A_1322 = tpu.memref_slice %arg6[%dma_start3A_1320, %dma_start3A_1321] : memref<10240x128xf32, #tpu.memory_space<vmem_shared>> -> memref<10240x128xf32, #tpu.memory_space<vmem_shared>>
      %dma_start3A_1323 = tpu.memref_slice %arg15[%dma_start3A_1315] : memref<4x!tpu.dma_semaphore, #tpu.memory_space<semaphore_mem>> -> memref<1x!tpu.dma_semaphore, #tpu.memory_space<semaphore_mem>>
      %dma_start3A_1324 = tpu.memref_squeeze %dma_start3A_1323 : memref<1x!tpu.dma_semaphore, #tpu.memory_space<semaphore_mem>> -> memref<!tpu.dma_semaphore, #tpu.memory_space<semaphore_mem>>
      tpu.enqueue_indirect_dma source(%dma_start3A_1319 : memref<64x128xf32, #tpu.memory_space<vmem>>) target(%dma_start3A_1322 : memref<10240x128xf32, #tpu.memory_space<vmem_shared>>) offsets(%arg8 : memref<64xi32, #tpu.memory_space<vmem>>) semaphore(%dma_start3A_1324 : memref<!tpu.dma_semaphore, #tpu.memory_space<semaphore_mem>>) {add = true}
      %dma_wait3A_1325 = arith.constant 1 : i32
      %dma_wait3A_1326 = arith.constant 1 : i32
      %dma_wait3A_1327 = arith.constant 0 : i32
      %dma_wait3A_1328 = arith.constant 0 : i32
      %dma_wait3A_1329 = tpu.memref_slice %arg12[%dma_wait3A_1325, %dma_wait3A_1327, %dma_wait3A_1328] : memref<4x64x128xf32, #tpu.memory_space<vmem>> -> memref<1x64x128xf32, #tpu.memory_space<vmem>>
      %dma_wait3A_1330 = tpu.memref_squeeze %dma_wait3A_1329 : memref<1x64x128xf32, #tpu.memory_space<vmem>> -> memref<64x128xf32, #tpu.memory_space<vmem>>
      %dma_wait3A_1331 = arith.constant 0 : i32
      %dma_wait3A_1332 = tpu.memref_slice %arg7[%dma_wait3A_1331] : memref<10240xi32, #tpu.memory_space<vmem>> -> memref<64xi32, #tpu.memory_space<vmem>>
      %dma_wait3A_1333 = arith.constant 0 : i32
      %dma_wait3A_1334 = arith.constant 0 : i32
      %dma_wait3A_1335 = tpu.memref_slice %arg2[%dma_wait3A_1333, %dma_wait3A_1334] : memref<10000x128xf32, #tpu.memory_space<hbm>> -> memref<10000x128xf32, #tpu.memory_space<hbm>>
      %dma_wait3A_1336 = tpu.memref_slice %arg14[%dma_wait3A_1326] : memref<4x!tpu.dma_semaphore, #tpu.memory_space<semaphore_mem>> -> memref<1x!tpu.dma_semaphore, #tpu.memory_space<semaphore_mem>>
      %dma_wait3A_1337 = tpu.memref_squeeze %dma_wait3A_1336 : memref<1x!tpu.dma_semaphore, #tpu.memory_space<semaphore_mem>> -> memref<!tpu.dma_semaphore, #tpu.memory_space<semaphore_mem>>
      tpu.wait_indirect_dma semaphore(%dma_wait3A_1337 : memref<!tpu.dma_semaphore, #tpu.memory_space<semaphore_mem>>) src(%dma_wait3A_1335 : memref<10000x128xf32, #tpu.memory_space<hbm>>) dst(%dma_wait3A_1330 : memref<64x128xf32, #tpu.memory_space<vmem>>)
      %dma_wait3A_1338 = arith.constant 1 : i32
      %dma_wait3A_1339 = tpu.memref_slice %arg4[%add3A] : memref<327680xi32, #tpu.memory_space<hbm>> -> memref<64xi32, #tpu.memory_space<hbm>>
      %dma_wait3A_1340 = tpu.memref_slice %arg13[%dma_wait3A_1338] : memref<4x!tpu.dma_semaphore, #tpu.memory_space<semaphore_mem>> -> memref<1x!tpu.dma_semaphore, #tpu.memory_space<semaphore_mem>>
      %dma_wait3A_1341 = tpu.memref_squeeze %dma_wait3A_1340 : memref<1x!tpu.dma_semaphore, #tpu.memory_space<semaphore_mem>> -> memref<!tpu.dma_semaphore, #tpu.memory_space<semaphore_mem>>
      %dma_wait3A_1342 = tpu.memref_slice %arg4[%add3A] : memref<327680xi32, #tpu.memory_space<hbm>> -> memref<64xi32, #tpu.memory_space<hbm>>
      tpu.wait_dma2 semaphore(%dma_wait3A_1341 : memref<!tpu.dma_semaphore, #tpu.memory_space<semaphore_mem>>) src(%dma_wait3A_1342 : memref<64xi32, #tpu.memory_space<hbm>>) dst(%arg9 : memref<64xi32, #tpu.memory_space<vmem>>)
      %dma_start3A_1343 = arith.constant 1 : i32
      %dma_start3A_1344 = arith.constant 1 : i32
      %dma_start3A_1345 = arith.constant 0 : i32
      %dma_start3A_1346 = arith.constant 0 : i32
      %dma_start3A_1347 = tpu.memref_slice %arg12[%dma_start3A_1343, %dma_start3A_1345, %dma_start3A_1346] : memref<4x64x128xf32, #tpu.memory_space<vmem>> -> memref<1x64x128xf32, #tpu.memory_space<vmem>>
      %dma_start3A_1348 = tpu.memref_squeeze %dma_start3A_1347 : memref<1x64x128xf32, #tpu.memory_space<vmem>> -> memref<64x128xf32, #tpu.memory_space<vmem>>
      %dma_start3A_1349 = arith.constant 0 : i32
      %dma_start3A_1350 = arith.constant 0 : i32
      %dma_start3A_1351 = tpu.memref_slice %arg6[%dma_start3A_1349, %dma_start3A_1350] : memref<10240x128xf32, #tpu.memory_space<vmem_shared>> -> memref<10240x128xf32, #tpu.memory_space<vmem_shared>>
      %dma_start3A_1352 = tpu.memref_slice %arg15[%dma_start3A_1344] : memref<4x!tpu.dma_semaphore, #tpu.memory_space<semaphore_mem>> -> memref<1x!tpu.dma_semaphore, #tpu.memory_space<semaphore_mem>>
      %dma_start3A_1353 = tpu.memref_squeeze %dma_start3A_1352 : memref<1x!tpu.dma_semaphore, #tpu.memory_space<semaphore_mem>> -> memref<!tpu.dma_semaphore, #tpu.memory_space<semaphore_mem>>
      tpu.enqueue_indirect_dma source(%dma_start3A_1348 : memref<64x128xf32, #tpu.memory_space<vmem>>) target(%dma_start3A_1351 : memref<10240x128xf32, #tpu.memory_space<vmem_shared>>) offsets(%arg9 : memref<64xi32, #tpu.memory_space<vmem>>) semaphore(%dma_start3A_1353 : memref<!tpu.dma_semaphore, #tpu.memory_space<semaphore_mem>>) {add = true}
      %dma_wait3A_1354 = arith.constant 2 : i32
      %dma_wait3A_1355 = arith.constant 2 : i32
      %dma_wait3A_1356 = arith.constant 0 : i32
      %dma_wait3A_1357 = arith.constant 0 : i32
      %dma_wait3A_1358 = tpu.memref_slice %arg12[%dma_wait3A_1354, %dma_wait3A_1356, %dma_wait3A_1357] : memref<4x64x128xf32, #tpu.memory_space<vmem>> -> memref<1x64x128xf32, #tpu.memory_space<vmem>>
      %dma_wait3A_1359 = tpu.memref_squeeze %dma_wait3A_1358 : memref<1x64x128xf32, #tpu.memory_space<vmem>> -> memref<64x128xf32, #tpu.memory_space<vmem>>
      %dma_wait3A_1360 = arith.constant 0 : i32
      %dma_wait3A_1361 = tpu.memref_slice %arg7[%dma_wait3A_1360] : memref<10240xi32, #tpu.memory_space<vmem>> -> memref<64xi32, #tpu.memory_space<vmem>>
      %dma_wait3A_1362 = arith.constant 0 : i32
      %dma_wait3A_1363 = arith.constant 0 : i32
      %dma_wait3A_1364 = tpu.memref_slice %arg2[%dma_wait3A_1362, %dma_wait3A_1363] : memref<10000x128xf32, #tpu.memory_space<hbm>> -> memref<10000x128xf32, #tpu.memory_space<hbm>>
      %dma_wait3A_1365 = tpu.memref_slice %arg14[%dma_wait3A_1355] : memref<4x!tpu.dma_semaphore, #tpu.memory_space<semaphore_mem>> -> memref<1x!tpu.dma_semaphore, #tpu.memory_space<semaphore_mem>>
      %dma_wait3A_1366 = tpu.memref_squeeze %dma_wait3A_1365 : memref<1x!tpu.dma_semaphore, #tpu.memory_space<semaphore_mem>> -> memref<!tpu.dma_semaphore, #tpu.memory_space<semaphore_mem>>
      tpu.wait_indirect_dma semaphore(%dma_wait3A_1366 : memref<!tpu.dma_semaphore, #tpu.memory_space<semaphore_mem>>) src(%dma_wait3A_1364 : memref<10000x128xf32, #tpu.memory_space<hbm>>) dst(%dma_wait3A_1359 : memref<64x128xf32, #tpu.memory_space<vmem>>)
      %dma_wait3A_1367 = arith.constant 2 : i32
      %dma_wait3A_1368 = tpu.memref_slice %arg4[%add3A] : memref<327680xi32, #tpu.memory_space<hbm>> -> memref<64xi32, #tpu.memory_space<hbm>>
      %dma_wait3A_1369 = tpu.memref_slice %arg13[%dma_wait3A_1367] : memref<4x!tpu.dma_semaphore, #tpu.memory_space<semaphore_mem>> -> memref<1x!tpu.dma_semaphore, #tpu.memory_space<semaphore_mem>>
      %dma_wait3A_1370 = tpu.memref_squeeze %dma_wait3A_1369 : memref<1x!tpu.dma_semaphore, #tpu.memory_space<semaphore_mem>> -> memref<!tpu.dma_semaphore, #tpu.memory_space<semaphore_mem>>
      %dma_wait3A_1371 = tpu.memref_slice %arg4[%add3A] : memref<327680xi32, #tpu.memory_space<hbm>> -> memref<64xi32, #tpu.memory_space<hbm>>
      tpu.wait_dma2 semaphore(%dma_wait3A_1370 : memref<!tpu.dma_semaphore, #tpu.memory_space<semaphore_mem>>) src(%dma_wait3A_1371 : memref<64xi32, #tpu.memory_space<hbm>>) dst(%arg10 : memref<64xi32, #tpu.memory_space<vmem>>)
      %dma_start3A_1372 = arith.constant 2 : i32
      %dma_start3A_1373 = arith.constant 2 : i32
      %dma_start3A_1374 = arith.constant 0 : i32
      %dma_start3A_1375 = arith.constant 0 : i32
      %dma_start3A_1376 = tpu.memref_slice %arg12[%dma_start3A_1372, %dma_start3A_1374, %dma_start3A_1375] : memref<4x64x128xf32, #tpu.memory_space<vmem>> -> memref<1x64x128xf32, #tpu.memory_space<vmem>>
      %dma_start3A_1377 = tpu.memref_squeeze %dma_start3A_1376 : memref<1x64x128xf32, #tpu.memory_space<vmem>> -> memref<64x128xf32, #tpu.memory_space<vmem>>
      %dma_start3A_1378 = arith.constant 0 : i32
      %dma_start3A_1379 = arith.constant 0 : i32
      %dma_start3A_1380 = tpu.memref_slice %arg6[%dma_start3A_1378, %dma_start3A_1379] : memref<10240x128xf32, #tpu.memory_space<vmem_shared>> -> memref<10240x128xf32, #tpu.memory_space<vmem_shared>>
      %dma_start3A_1381 = tpu.memref_slice %arg15[%dma_start3A_1373] : memref<4x!tpu.dma_semaphore, #tpu.memory_space<semaphore_mem>> -> memref<1x!tpu.dma_semaphore, #tpu.memory_space<semaphore_mem>>
      %dma_start3A_1382 = tpu.memref_squeeze %dma_start3A_1381 : memref<1x!tpu.dma_semaphore, #tpu.memory_space<semaphore_mem>> -> memref<!tpu.dma_semaphore, #tpu.memory_space<semaphore_mem>>
      tpu.enqueue_indirect_dma source(%dma_start3A_1377 : memref<64x128xf32, #tpu.memory_space<vmem>>) target(%dma_start3A_1380 : memref<10240x128xf32, #tpu.memory_space<vmem_shared>>) offsets(%arg10 : memref<64xi32, #tpu.memory_space<vmem>>) semaphore(%dma_start3A_1382 : memref<!tpu.dma_semaphore, #tpu.memory_space<semaphore_mem>>) {add = true}
      %dma_wait3A_1383 = arith.constant 3 : i32
      %dma_wait3A_1384 = arith.constant 3 : i32
      %dma_wait3A_1385 = arith.constant 0 : i32
      %dma_wait3A_1386 = arith.constant 0 : i32
      %dma_wait3A_1387 = tpu.memref_slice %arg12[%dma_wait3A_1383, %dma_wait3A_1385, %dma_wait3A_1386] : memref<4x64x128xf32, #tpu.memory_space<vmem>> -> memref<1x64x128xf32, #tpu.memory_space<vmem>>
      %dma_wait3A_1388 = tpu.memref_squeeze %dma_wait3A_1387 : memref<1x64x128xf32, #tpu.memory_space<vmem>> -> memref<64x128xf32, #tpu.memory_space<vmem>>
      %dma_wait3A_1389 = arith.constant 0 : i32
      %dma_wait3A_1390 = tpu.memref_slice %arg7[%dma_wait3A_1389] : memref<10240xi32, #tpu.memory_space<vmem>> -> memref<64xi32, #tpu.memory_space<vmem>>
      %dma_wait3A_1391 = arith.constant 0 : i32
      %dma_wait3A_1392 = arith.constant 0 : i32
      %dma_wait3A_1393 = tpu.memref_slice %arg2[%dma_wait3A_1391, %dma_wait3A_1392] : memref<10000x128xf32, #tpu.memory_space<hbm>> -> memref<10000x128xf32, #tpu.memory_space<hbm>>
      %dma_wait3A_1394 = tpu.memref_slice %arg14[%dma_wait3A_1384] : memref<4x!tpu.dma_semaphore, #tpu.memory_space<semaphore_mem>> -> memref<1x!tpu.dma_semaphore, #tpu.memory_space<semaphore_mem>>
      %dma_wait3A_1395 = tpu.memref_squeeze %dma_wait3A_1394 : memref<1x!tpu.dma_semaphore, #tpu.memory_space<semaphore_mem>> -> memref<!tpu.dma_semaphore, #tpu.memory_space<semaphore_mem>>
      tpu.wait_indirect_dma semaphore(%dma_wait3A_1395 : memref<!tpu.dma_semaphore, #tpu.memory_space<semaphore_mem>>) src(%dma_wait3A_1393 : memref<10000x128xf32, #tpu.memory_space<hbm>>) dst(%dma_wait3A_1388 : memref<64x128xf32, #tpu.memory_space<vmem>>)
      %dma_wait3A_1396 = arith.constant 3 : i32
      %dma_wait3A_1397 = tpu.memref_slice %arg4[%add3A] : memref<327680xi32, #tpu.memory_space<hbm>> -> memref<64xi32, #tpu.memory_space<hbm>>
      %dma_wait3A_1398 = tpu.memref_slice %arg13[%dma_wait3A_1396] : memref<4x!tpu.dma_semaphore, #tpu.memory_space<semaphore_mem>> -> memref<1x!tpu.dma_semaphore, #tpu.memory_space<semaphore_mem>>
      %dma_wait3A_1399 = tpu.memref_squeeze %dma_wait3A_1398 : memref<1x!tpu.dma_semaphore, #tpu.memory_space<semaphore_mem>> -> memref<!tpu.dma_semaphore, #tpu.memory_space<semaphore_mem>>
      %dma_wait3A_1400 = tpu.memref_slice %arg4[%add3A] : memref<327680xi32, #tpu.memory_space<hbm>> -> memref<64xi32, #tpu.memory_space<hbm>>
      tpu.wait_dma2 semaphore(%dma_wait3A_1399 : memref<!tpu.dma_semaphore, #tpu.memory_space<semaphore_mem>>) src(%dma_wait3A_1400 : memref<64xi32, #tpu.memory_space<hbm>>) dst(%arg11 : memref<64xi32, #tpu.memory_space<vmem>>)
      %dma_start3A_1401 = arith.constant 3 : i32
      %dma_start3A_1402 = arith.constant 3 : i32
      %dma_start3A_1403 = arith.constant 0 : i32
      %dma_start3A_1404 = arith.constant 0 : i32
      %dma_start3A_1405 = tpu.memref_slice %arg12[%dma_start3A_1401, %dma_start3A_1403, %dma_start3A_1404] : memref<4x64x128xf32, #tpu.memory_space<vmem>> -> memref<1x64x128xf32, #tpu.memory_space<vmem>>
      %dma_start3A_1406 = tpu.memref_squeeze %dma_start3A_1405 : memref<1x64x128xf32, #tpu.memory_space<vmem>> -> memref<64x128xf32, #tpu.memory_space<vmem>>
      %dma_start3A_1407 = arith.constant 0 : i32
      %dma_start3A_1408 = arith.constant 0 : i32
      %dma_start3A_1409 = tpu.memref_slice %arg6[%dma_start3A_1407, %dma_start3A_1408] : memref<10240x128xf32, #tpu.memory_space<vmem_shared>> -> memref<10240x128xf32, #tpu.memory_space<vmem_shared>>
      %dma_start3A_1410 = tpu.memref_slice %arg15[%dma_start3A_1402] : memref<4x!tpu.dma_semaphore, #tpu.memory_space<semaphore_mem>> -> memref<1x!tpu.dma_semaphore, #tpu.memory_space<semaphore_mem>>
      %dma_start3A_1411 = tpu.memref_squeeze %dma_start3A_1410 : memref<1x!tpu.dma_semaphore, #tpu.memory_space<semaphore_mem>> -> memref<!tpu.dma_semaphore, #tpu.memory_space<semaphore_mem>>
      tpu.enqueue_indirect_dma source(%dma_start3A_1406 : memref<64x128xf32, #tpu.memory_space<vmem>>) target(%dma_start3A_1409 : memref<10240x128xf32, #tpu.memory_space<vmem_shared>>) offsets(%arg11 : memref<64xi32, #tpu.memory_space<vmem>>) semaphore(%dma_start3A_1411 : memref<!tpu.dma_semaphore, #tpu.memory_space<semaphore_mem>>) {add = true}
      %add3A_1412 = arith.constant 1 : i32
      %add3A_1413 = arith.addi %scan3A_1295, %add3A_1412 : i32
      %mul3A_1414 = arith.constant 4 : i32
      %mul3A_1415 = arith.muli %add3A_1413, %mul3A_1414 : i32
      %add3A_1416 = arith.constant 0 : i32
      %add3A_1417 = arith.addi %mul3A_1415, %add3A_1416 : i32
      %dma_wait3A_1418 = arith.constant 0 : i32
      %dma_wait3A_1419 = arith.constant 0 : i32
      %dma_wait3A_1420 = arith.constant 0 : i32
      %dma_wait3A_1421 = arith.constant 0 : i32
      %dma_wait3A_1422 = tpu.memref_slice %arg12[%dma_wait3A_1418, %dma_wait3A_1420, %dma_wait3A_1421] : memref<4x64x128xf32, #tpu.memory_space<vmem>> -> memref<1x64x128xf32, #tpu.memory_space<vmem>>
      %dma_wait3A_1423 = tpu.memref_squeeze %dma_wait3A_1422 : memref<1x64x128xf32, #tpu.memory_space<vmem>> -> memref<64x128xf32, #tpu.memory_space<vmem>>
      %dma_wait3A_1424 = arith.constant 0 : i32
      %dma_wait3A_1425 = arith.constant 0 : i32
      %dma_wait3A_1426 = tpu.memref_slice %arg6[%dma_wait3A_1424, %dma_wait3A_1425] : memref<10240x128xf32, #tpu.memory_space<vmem_shared>> -> memref<10240x128xf32, #tpu.memory_space<vmem_shared>>
      %dma_wait3A_1427 = tpu.memref_slice %arg15[%dma_wait3A_1419] : memref<4x!tpu.dma_semaphore, #tpu.memory_space<semaphore_mem>> -> memref<1x!tpu.dma_semaphore, #tpu.memory_space<semaphore_mem>>
      %dma_wait3A_1428 = tpu.memref_squeeze %dma_wait3A_1427 : memref<1x!tpu.dma_semaphore, #tpu.memory_space<semaphore_mem>> -> memref<!tpu.dma_semaphore, #tpu.memory_space<semaphore_mem>>
      tpu.wait_indirect_dma semaphore(%dma_wait3A_1428 : memref<!tpu.dma_semaphore, #tpu.memory_space<semaphore_mem>>) src(%dma_wait3A_1423 : memref<64x128xf32, #tpu.memory_space<vmem>>) dst(%dma_wait3A_1426 : memref<10240x128xf32, #tpu.memory_space<vmem_shared>>)
      %mul3A_1429 = arith.constant 64 : i32
      %mul3A_1430 = arith.muli %add3A_1417, %mul3A_1429 : i32
      %dma_start3A_1431 = arith.constant 0 : i32
      %dma_start3A_1432 = arith.constant 0 : i32
      %dma_start3A_1433 = arith.constant 0 : i32
      %dma_start3A_1434 = arith.constant 0 : i32
      %dma_start3A_1435 = tpu.memref_slice %arg12[%dma_start3A_1431, %dma_start3A_1433, %dma_start3A_1434] : memref<4x64x128xf32, #tpu.memory_space<vmem>> -> memref<1x64x128xf32, #tpu.memory_space<vmem>>
      %dma_start3A_1436 = tpu.memref_squeeze %dma_start3A_1435 : memref<1x64x128xf32, #tpu.memory_space<vmem>> -> memref<64x128xf32, #tpu.memory_space<vmem>>
      %dma_start3A_1437 = tpu.memref_slice %arg7[%mul3A_1430] : memref<10240xi32, #tpu.memory_space<vmem>> -> memref<64xi32, #tpu.memory_space<vmem>>
      %dma_start3A_1438 = arith.constant 0 : i32
      %dma_start3A_1439 = arith.constant 0 : i32
      %dma_start3A_1440 = tpu.memref_slice %arg2[%dma_start3A_1438, %dma_start3A_1439] : memref<10000x128xf32, #tpu.memory_space<hbm>> -> memref<10000x128xf32, #tpu.memory_space<hbm>>
      %dma_start3A_1441 = tpu.memref_slice %arg14[%dma_start3A_1432] : memref<4x!tpu.dma_semaphore, #tpu.memory_space<semaphore_mem>> -> memref<1x!tpu.dma_semaphore, #tpu.memory_space<semaphore_mem>>
      %dma_start3A_1442 = tpu.memref_squeeze %dma_start3A_1441 : memref<1x!tpu.dma_semaphore, #tpu.memory_space<semaphore_mem>> -> memref<!tpu.dma_semaphore, #tpu.memory_space<semaphore_mem>>
      tpu.enqueue_indirect_dma source(%dma_start3A_1440 : memref<10000x128xf32, #tpu.memory_space<hbm>>) target(%dma_start3A_1436 : memref<64x128xf32, #tpu.memory_space<vmem>>) offsets(%dma_start3A_1437 : memref<64xi32, #tpu.memory_space<vmem>>) semaphore(%dma_start3A_1442 : memref<!tpu.dma_semaphore, #tpu.memory_space<semaphore_mem>>)
      %mul3A_1443 = arith.constant 64 : i32
      %mul3A_1444 = arith.muli %add3A_1417, %mul3A_1443 : i32
      %add3A_1445 = arith.addi %add3A, %mul3A_1444 : i32
      %dma_start3A_1446 = arith.constant 0 : i32
      %dma_start3A_1447 = tpu.memref_slice %arg4[%add3A_1445] : memref<327680xi32, #tpu.memory_space<hbm>> -> memref<64xi32, #tpu.memory_space<hbm>>
      %dma_start3A_1448 = tpu.memref_slice %arg13[%dma_start3A_1446] : memref<4x!tpu.dma_semaphore, #tpu.memory_space<semaphore_mem>> -> memref<1x!tpu.dma_semaphore, #tpu.memory_space<semaphore_mem>>
      %dma_start3A_1449 = tpu.memref_squeeze %dma_start3A_1448 : memref<1x!tpu.dma_semaphore, #tpu.memory_space<semaphore_mem>> -> memref<!tpu.dma_semaphore, #tpu.memory_space<semaphore_mem>>
      %dma_start3A_1450 = tpu.memref_slice %arg4[%add3A_1445] : memref<327680xi32, #tpu.memory_space<hbm>> -> memref<64xi32, #tpu.memory_space<hbm>>
      tpu.enqueue_dma source(%dma_start3A_1450 : memref<64xi32, #tpu.memory_space<hbm>>) target(%arg8 : memref<64xi32, #tpu.memory_space<vmem>>) target_semaphore(%dma_start3A_1449 : memref<!tpu.dma_semaphore, #tpu.memory_space<semaphore_mem>>)
      %add3A_1451 = arith.constant 1 : i32
      %add3A_1452 = arith.addi %scan3A_1295, %add3A_1451 : i32
      %mul3A_1453 = arith.constant 4 : i32
      %mul3A_1454 = arith.muli %add3A_1452, %mul3A_1453 : i32
      %add3A_1455 = arith.constant 1 : i32
      %add3A_1456 = arith.addi %mul3A_1454, %add3A_1455 : i32
      %dma_wait3A_1457 = arith.constant 1 : i32
      %dma_wait3A_1458 = arith.constant 1 : i32
      %dma_wait3A_1459 = arith.constant 0 : i32
      %dma_wait3A_1460 = arith.constant 0 : i32
      %dma_wait3A_1461 = tpu.memref_slice %arg12[%dma_wait3A_1457, %dma_wait3A_1459, %dma_wait3A_1460] : memref<4x64x128xf32, #tpu.memory_space<vmem>> -> memref<1x64x128xf32, #tpu.memory_space<vmem>>
      %dma_wait3A_1462 = tpu.memref_squeeze %dma_wait3A_1461 : memref<1x64x128xf32, #tpu.memory_space<vmem>> -> memref<64x128xf32, #tpu.memory_space<vmem>>
      %dma_wait3A_1463 = arith.constant 0 : i32
      %dma_wait3A_1464 = arith.constant 0 : i32
      %dma_wait3A_1465 = tpu.memref_slice %arg6[%dma_wait3A_1463, %dma_wait3A_1464] : memref<10240x128xf32, #tpu.memory_space<vmem_shared>> -> memref<10240x128xf32, #tpu.memory_space<vmem_shared>>
      %dma_wait3A_1466 = tpu.memref_slice %arg15[%dma_wait3A_1458] : memref<4x!tpu.dma_semaphore, #tpu.memory_space<semaphore_mem>> -> memref<1x!tpu.dma_semaphore, #tpu.memory_space<semaphore_mem>>
      %dma_wait3A_1467 = tpu.memref_squeeze %dma_wait3A_1466 : memref<1x!tpu.dma_semaphore, #tpu.memory_space<semaphore_mem>> -> memref<!tpu.dma_semaphore, #tpu.memory_space<semaphore_mem>>
      tpu.wait_indirect_dma semaphore(%dma_wait3A_1467 : memref<!tpu.dma_semaphore, #tpu.memory_space<semaphore_mem>>) src(%dma_wait3A_1462 : memref<64x128xf32, #tpu.memory_space<vmem>>) dst(%dma_wait3A_1465 : memref<10240x128xf32, #tpu.memory_space<vmem_shared>>)
      %mul3A_1468 = arith.constant 64 : i32
      %mul3A_1469 = arith.muli %add3A_1456, %mul3A_1468 : i32
      %dma_start3A_1470 = arith.constant 1 : i32
      %dma_start3A_1471 = arith.constant 1 : i32
      %dma_start3A_1472 = arith.constant 0 : i32
      %dma_start3A_1473 = arith.constant 0 : i32
      %dma_start3A_1474 = tpu.memref_slice %arg12[%dma_start3A_1470, %dma_start3A_1472, %dma_start3A_1473] : memref<4x64x128xf32, #tpu.memory_space<vmem>> -> memref<1x64x128xf32, #tpu.memory_space<vmem>>
      %dma_start3A_1475 = tpu.memref_squeeze %dma_start3A_1474 : memref<1x64x128xf32, #tpu.memory_space<vmem>> -> memref<64x128xf32, #tpu.memory_space<vmem>>
      %dma_start3A_1476 = tpu.memref_slice %arg7[%mul3A_1469] : memref<10240xi32, #tpu.memory_space<vmem>> -> memref<64xi32, #tpu.memory_space<vmem>>
      %dma_start3A_1477 = arith.constant 0 : i32
      %dma_start3A_1478 = arith.constant 0 : i32
      %dma_start3A_1479 = tpu.memref_slice %arg2[%dma_start3A_1477, %dma_start3A_1478] : memref<10000x128xf32, #tpu.memory_space<hbm>> -> memref<10000x128xf32, #tpu.memory_space<hbm>>
      %dma_start3A_1480 = tpu.memref_slice %arg14[%dma_start3A_1471] : memref<4x!tpu.dma_semaphore, #tpu.memory_space<semaphore_mem>> -> memref<1x!tpu.dma_semaphore, #tpu.memory_space<semaphore_mem>>
      %dma_start3A_1481 = tpu.memref_squeeze %dma_start3A_1480 : memref<1x!tpu.dma_semaphore, #tpu.memory_space<semaphore_mem>> -> memref<!tpu.dma_semaphore, #tpu.memory_space<semaphore_mem>>
      tpu.enqueue_indirect_dma source(%dma_start3A_1479 : memref<10000x128xf32, #tpu.memory_space<hbm>>) target(%dma_start3A_1475 : memref<64x128xf32, #tpu.memory_space<vmem>>) offsets(%dma_start3A_1476 : memref<64xi32, #tpu.memory_space<vmem>>) semaphore(%dma_start3A_1481 : memref<!tpu.dma_semaphore, #tpu.memory_space<semaphore_mem>>)
      %mul3A_1482 = arith.constant 64 : i32
      %mul3A_1483 = arith.muli %add3A_1456, %mul3A_1482 : i32
      %add3A_1484 = arith.addi %add3A, %mul3A_1483 : i32
      %dma_start3A_1485 = arith.constant 1 : i32
      %dma_start3A_1486 = tpu.memref_slice %arg4[%add3A_1484] : memref<327680xi32, #tpu.memory_space<hbm>> -> memref<64xi32, #tpu.memory_space<hbm>>
      %dma_start3A_1487 = tpu.memref_slice %arg13[%dma_start3A_1485] : memref<4x!tpu.dma_semaphore, #tpu.memory_space<semaphore_mem>> -> memref<1x!tpu.dma_semaphore, #tpu.memory_space<semaphore_mem>>
      %dma_start3A_1488 = tpu.memref_squeeze %dma_start3A_1487 : memref<1x!tpu.dma_semaphore, #tpu.memory_space<semaphore_mem>> -> memref<!tpu.dma_semaphore, #tpu.memory_space<semaphore_mem>>
      %dma_start3A_1489 = tpu.memref_slice %arg4[%add3A_1484] : memref<327680xi32, #tpu.memory_space<hbm>> -> memref<64xi32, #tpu.memory_space<hbm>>
      tpu.enqueue_dma source(%dma_start3A_1489 : memref<64xi32, #tpu.memory_space<hbm>>) target(%arg9 : memref<64xi32, #tpu.memory_space<vmem>>) target_semaphore(%dma_start3A_1488 : memref<!tpu.dma_semaphore, #tpu.memory_space<semaphore_mem>>)
      %add3A_1490 = arith.constant 1 : i32
      %add3A_1491 = arith.addi %scan3A_1295, %add3A_1490 : i32
      %mul3A_1492 = arith.constant 4 : i32
      %mul3A_1493 = arith.muli %add3A_1491, %mul3A_1492 : i32
      %add3A_1494 = arith.constant 2 : i32
      %add3A_1495 = arith.addi %mul3A_1493, %add3A_1494 : i32
      %dma_wait3A_1496 = arith.constant 2 : i32
      %dma_wait3A_1497 = arith.constant 2 : i32
      %dma_wait3A_1498 = arith.constant 0 : i32
      %dma_wait3A_1499 = arith.constant 0 : i32
      %dma_wait3A_1500 = tpu.memref_slice %arg12[%dma_wait3A_1496, %dma_wait3A_1498, %dma_wait3A_1499] : memref<4x64x128xf32, #tpu.memory_space<vmem>> -> memref<1x64x128xf32, #tpu.memory_space<vmem>>
      %dma_wait3A_1501 = tpu.memref_squeeze %dma_wait3A_1500 : memref<1x64x128xf32, #tpu.memory_space<vmem>> -> memref<64x128xf32, #tpu.memory_space<vmem>>
      %dma_wait3A_1502 = arith.constant 0 : i32
      %dma_wait3A_1503 = arith.constant 0 : i32
      %dma_wait3A_1504 = tpu.memref_slice %arg6[%dma_wait3A_1502, %dma_wait3A_1503] : memref<10240x128xf32, #tpu.memory_space<vmem_shared>> -> memref<10240x128xf32, #tpu.memory_space<vmem_shared>>
      %dma_wait3A_1505 = tpu.memref_slice %arg15[%dma_wait3A_1497] : memref<4x!tpu.dma_semaphore, #tpu.memory_space<semaphore_mem>> -> memref<1x!tpu.dma_semaphore, #tpu.memory_space<semaphore_mem>>
      %dma_wait3A_1506 = tpu.memref_squeeze %dma_wait3A_1505 : memref<1x!tpu.dma_semaphore, #tpu.memory_space<semaphore_mem>> -> memref<!tpu.dma_semaphore, #tpu.memory_space<semaphore_mem>>
      tpu.wait_indirect_dma semaphore(%dma_wait3A_1506 : memref<!tpu.dma_semaphore, #tpu.memory_space<semaphore_mem>>) src(%dma_wait3A_1501 : memref<64x128xf32, #tpu.memory_space<vmem>>) dst(%dma_wait3A_1504 : memref<10240x128xf32, #tpu.memory_space<vmem_shared>>)
      %mul3A_1507 = arith.constant 64 : i32
      %mul3A_1508 = arith.muli %add3A_1495, %mul3A_1507 : i32
      %dma_start3A_1509 = arith.constant 2 : i32
      %dma_start3A_1510 = arith.constant 2 : i32
      %dma_start3A_1511 = arith.constant 0 : i32
      %dma_start3A_1512 = arith.constant 0 : i32
      %dma_start3A_1513 = tpu.memref_slice %arg12[%dma_start3A_1509, %dma_start3A_1511, %dma_start3A_1512] : memref<4x64x128xf32, #tpu.memory_space<vmem>> -> memref<1x64x128xf32, #tpu.memory_space<vmem>>
      %dma_start3A_1514 = tpu.memref_squeeze %dma_start3A_1513 : memref<1x64x128xf32, #tpu.memory_space<vmem>> -> memref<64x128xf32, #tpu.memory_space<vmem>>
      %dma_start3A_1515 = tpu.memref_slice %arg7[%mul3A_1508] : memref<10240xi32, #tpu.memory_space<vmem>> -> memref<64xi32, #tpu.memory_space<vmem>>
      %dma_start3A_1516 = arith.constant 0 : i32
      %dma_start3A_1517 = arith.constant 0 : i32
      %dma_start3A_1518 = tpu.memref_slice %arg2[%dma_start3A_1516, %dma_start3A_1517] : memref<10000x128xf32, #tpu.memory_space<hbm>> -> memref<10000x128xf32, #tpu.memory_space<hbm>>
      %dma_start3A_1519 = tpu.memref_slice %arg14[%dma_start3A_1510] : memref<4x!tpu.dma_semaphore, #tpu.memory_space<semaphore_mem>> -> memref<1x!tpu.dma_semaphore, #tpu.memory_space<semaphore_mem>>
      %dma_start3A_1520 = tpu.memref_squeeze %dma_start3A_1519 : memref<1x!tpu.dma_semaphore, #tpu.memory_space<semaphore_mem>> -> memref<!tpu.dma_semaphore, #tpu.memory_space<semaphore_mem>>
      tpu.enqueue_indirect_dma source(%dma_start3A_1518 : memref<10000x128xf32, #tpu.memory_space<hbm>>) target(%dma_start3A_1514 : memref<64x128xf32, #tpu.memory_space<vmem>>) offsets(%dma_start3A_1515 : memref<64xi32, #tpu.memory_space<vmem>>) semaphore(%dma_start3A_1520 : memref<!tpu.dma_semaphore, #tpu.memory_space<semaphore_mem>>)
      %mul3A_1521 = arith.constant 64 : i32
      %mul3A_1522 = arith.muli %add3A_1495, %mul3A_1521 : i32
      %add3A_1523 = arith.addi %add3A, %mul3A_1522 : i32
      %dma_start3A_1524 = arith.constant 2 : i32
      %dma_start3A_1525 = tpu.memref_slice %arg4[%add3A_1523] : memref<327680xi32, #tpu.memory_space<hbm>> -> memref<64xi32, #tpu.memory_space<hbm>>
      %dma_start3A_1526 = tpu.memref_slice %arg13[%dma_start3A_1524] : memref<4x!tpu.dma_semaphore, #tpu.memory_space<semaphore_mem>> -> memref<1x!tpu.dma_semaphore, #tpu.memory_space<semaphore_mem>>
      %dma_start3A_1527 = tpu.memref_squeeze %dma_start3A_1526 : memref<1x!tpu.dma_semaphore, #tpu.memory_space<semaphore_mem>> -> memref<!tpu.dma_semaphore, #tpu.memory_space<semaphore_mem>>
      %dma_start3A_1528 = tpu.memref_slice %arg4[%add3A_1523] : memref<327680xi32, #tpu.memory_space<hbm>> -> memref<64xi32, #tpu.memory_space<hbm>>
      tpu.enqueue_dma source(%dma_start3A_1528 : memref<64xi32, #tpu.memory_space<hbm>>) target(%arg10 : memref<64xi32, #tpu.memory_space<vmem>>) target_semaphore(%dma_start3A_1527 : memref<!tpu.dma_semaphore, #tpu.memory_space<semaphore_mem>>)
      %add3A_1529 = arith.constant 1 : i32
      %add3A_1530 = arith.addi %scan3A_1295, %add3A_1529 : i32
      %mul3A_1531 = arith.constant 4 : i32
      %mul3A_1532 = arith.muli %add3A_1530, %mul3A_1531 : i32
      %add3A_1533 = arith.constant 3 : i32
      %add3A_1534 = arith.addi %mul3A_1532, %add3A_1533 : i32
      %dma_wait3A_1535 = arith.constant 3 : i32
      %dma_wait3A_1536 = arith.constant 3 : i32
      %dma_wait3A_1537 = arith.constant 0 : i32
      %dma_wait3A_1538 = arith.constant 0 : i32
      %dma_wait3A_1539 = tpu.memref_slice %arg12[%dma_wait3A_1535, %dma_wait3A_1537, %dma_wait3A_1538] : memref<4x64x128xf32, #tpu.memory_space<vmem>> -> memref<1x64x128xf32, #tpu.memory_space<vmem>>
      %dma_wait3A_1540 = tpu.memref_squeeze %dma_wait3A_1539 : memref<1x64x128xf32, #tpu.memory_space<vmem>> -> memref<64x128xf32, #tpu.memory_space<vmem>>
      %dma_wait3A_1541 = arith.constant 0 : i32
      %dma_wait3A_1542 = arith.constant 0 : i32
      %dma_wait3A_1543 = tpu.memref_slice %arg6[%dma_wait3A_1541, %dma_wait3A_1542] : memref<10240x128xf32, #tpu.memory_space<vmem_shared>> -> memref<10240x128xf32, #tpu.memory_space<vmem_shared>>
      %dma_wait3A_1544 = tpu.memref_slice %arg15[%dma_wait3A_1536] : memref<4x!tpu.dma_semaphore, #tpu.memory_space<semaphore_mem>> -> memref<1x!tpu.dma_semaphore, #tpu.memory_space<semaphore_mem>>
      %dma_wait3A_1545 = tpu.memref_squeeze %dma_wait3A_1544 : memref<1x!tpu.dma_semaphore, #tpu.memory_space<semaphore_mem>> -> memref<!tpu.dma_semaphore, #tpu.memory_space<semaphore_mem>>
      tpu.wait_indirect_dma semaphore(%dma_wait3A_1545 : memref<!tpu.dma_semaphore, #tpu.memory_space<semaphore_mem>>) src(%dma_wait3A_1540 : memref<64x128xf32, #tpu.memory_space<vmem>>) dst(%dma_wait3A_1543 : memref<10240x128xf32, #tpu.memory_space<vmem_shared>>)
      %mul3A_1546 = arith.constant 64 : i32
      %mul3A_1547 = arith.muli %add3A_1534, %mul3A_1546 : i32
      %dma_start3A_1548 = arith.constant 3 : i32
      %dma_start3A_1549 = arith.constant 3 : i32
      %dma_start3A_1550 = arith.constant 0 : i32
      %dma_start3A_1551 = arith.constant 0 : i32
      %dma_start3A_1552 = tpu.memref_slice %arg12[%dma_start3A_1548, %dma_start3A_1550, %dma_start3A_1551] : memref<4x64x128xf32, #tpu.memory_space<vmem>> -> memref<1x64x128xf32, #tpu.memory_space<vmem>>
      %dma_start3A_1553 = tpu.memref_squeeze %dma_start3A_1552 : memref<1x64x128xf32, #tpu.memory_space<vmem>> -> memref<64x128xf32, #tpu.memory_space<vmem>>
      %dma_start3A_1554 = tpu.memref_slice %arg7[%mul3A_1547] : memref<10240xi32, #tpu.memory_space<vmem>> -> memref<64xi32, #tpu.memory_space<vmem>>
      %dma_start3A_1555 = arith.constant 0 : i32
      %dma_start3A_1556 = arith.constant 0 : i32
      %dma_start3A_1557 = tpu.memref_slice %arg2[%dma_start3A_1555, %dma_start3A_1556] : memref<10000x128xf32, #tpu.memory_space<hbm>> -> memref<10000x128xf32, #tpu.memory_space<hbm>>
      %dma_start3A_1558 = tpu.memref_slice %arg14[%dma_start3A_1549] : memref<4x!tpu.dma_semaphore, #tpu.memory_space<semaphore_mem>> -> memref<1x!tpu.dma_semaphore, #tpu.memory_space<semaphore_mem>>
      %dma_start3A_1559 = tpu.memref_squeeze %dma_start3A_1558 : memref<1x!tpu.dma_semaphore, #tpu.memory_space<semaphore_mem>> -> memref<!tpu.dma_semaphore, #tpu.memory_space<semaphore_mem>>
      tpu.enqueue_indirect_dma source(%dma_start3A_1557 : memref<10000x128xf32, #tpu.memory_space<hbm>>) target(%dma_start3A_1553 : memref<64x128xf32, #tpu.memory_space<vmem>>) offsets(%dma_start3A_1554 : memref<64xi32, #tpu.memory_space<vmem>>) semaphore(%dma_start3A_1559 : memref<!tpu.dma_semaphore, #tpu.memory_space<semaphore_mem>>)
      %mul3A_1560 = arith.constant 64 : i32
      %mul3A_1561 = arith.muli %add3A_1534, %mul3A_1560 : i32
      %add3A_1562 = arith.addi %add3A, %mul3A_1561 : i32
      %dma_start3A_1563 = arith.constant 3 : i32
      %dma_start3A_1564 = tpu.memref_slice %arg4[%add3A_1562] : memref<327680xi32, #tpu.memory_space<hbm>> -> memref<64xi32, #tpu.memory_space<hbm>>
      %dma_start3A_1565 = tpu.memref_slice %arg13[%dma_start3A_1563] : memref<4x!tpu.dma_semaphore, #tpu.memory_space<semaphore_mem>> -> memref<1x!tpu.dma_semaphore, #tpu.memory_space<semaphore_mem>>
      %dma_start3A_1566 = tpu.memref_squeeze %dma_start3A_1565 : memref<1x!tpu.dma_semaphore, #tpu.memory_space<semaphore_mem>> -> memref<!tpu.dma_semaphore, #tpu.memory_space<semaphore_mem>>
      %dma_start3A_1567 = tpu.memref_slice %arg4[%add3A_1562] : memref<327680xi32, #tpu.memory_space<hbm>> -> memref<64xi32, #tpu.memory_space<hbm>>
      tpu.enqueue_dma source(%dma_start3A_1567 : memref<64xi32, #tpu.memory_space<hbm>>) target(%arg11 : memref<64xi32, #tpu.memory_space<vmem>>) target_semaphore(%dma_start3A_1566 : memref<!tpu.dma_semaphore, #tpu.memory_space<semaphore_mem>>)
    }
    %scan3A_1131 = arith.constant 39 : i32
    %dma_wait3A_1132 = arith.constant 0 : i32
    %dma_wait3A_1133 = arith.constant 0 : i32
    %dma_wait3A_1134 = arith.constant 0 : i32
    %dma_wait3A_1135 = arith.constant 0 : i32
    %dma_wait3A_1136 = tpu.memref_slice %arg12[%dma_wait3A_1132, %dma_wait3A_1134, %dma_wait3A_1135] : memref<4x64x128xf32, #tpu.memory_space<vmem>> -> memref<1x64x128xf32, #tpu.memory_space<vmem>>
    %dma_wait3A_1137 = tpu.memref_squeeze %dma_wait3A_1136 : memref<1x64x128xf32, #tpu.memory_space<vmem>> -> memref<64x128xf32, #tpu.memory_space<vmem>>
    %dma_wait3A_1138 = arith.constant 0 : i32
    %dma_wait3A_1139 = tpu.memref_slice %arg7[%dma_wait3A_1138] : memref<10240xi32, #tpu.memory_space<vmem>> -> memref<64xi32, #tpu.memory_space<vmem>>
    %dma_wait3A_1140 = arith.constant 0 : i32
    %dma_wait3A_1141 = arith.constant 0 : i32
    %dma_wait3A_1142 = tpu.memref_slice %arg2[%dma_wait3A_1140, %dma_wait3A_1141] : memref<10000x128xf32, #tpu.memory_space<hbm>> -> memref<10000x128xf32, #tpu.memory_space<hbm>>
    %dma_wait3A_1143 = tpu.memref_slice %arg14[%dma_wait3A_1133] : memref<4x!tpu.dma_semaphore, #tpu.memory_space<semaphore_mem>> -> memref<1x!tpu.dma_semaphore, #tpu.memory_space<semaphore_mem>>
    %dma_wait3A_1144 = tpu.memref_squeeze %dma_wait3A_1143 : memref<1x!tpu.dma_semaphore, #tpu.memory_space<semaphore_mem>> -> memref<!tpu.dma_semaphore, #tpu.memory_space<semaphore_mem>>
    tpu.wait_indirect_dma semaphore(%dma_wait3A_1144 : memref<!tpu.dma_semaphore, #tpu.memory_space<semaphore_mem>>) src(%dma_wait3A_1142 : memref<10000x128xf32, #tpu.memory_space<hbm>>) dst(%dma_wait3A_1137 : memref<64x128xf32, #tpu.memory_space<vmem>>)
    %dma_wait3A_1145 = arith.constant 0 : i32
    %dma_wait3A_1146 = tpu.memref_slice %arg4[%add3A] : memref<327680xi32, #tpu.memory_space<hbm>> -> memref<64xi32, #tpu.memory_space<hbm>>
    %dma_wait3A_1147 = tpu.memref_slice %arg13[%dma_wait3A_1145] : memref<4x!tpu.dma_semaphore, #tpu.memory_space<semaphore_mem>> -> memref<1x!tpu.dma_semaphore, #tpu.memory_space<semaphore_mem>>
    %dma_wait3A_1148 = tpu.memref_squeeze %dma_wait3A_1147 : memref<1x!tpu.dma_semaphore, #tpu.memory_space<semaphore_mem>> -> memref<!tpu.dma_semaphore, #tpu.memory_space<semaphore_mem>>
    %dma_wait3A_1149 = tpu.memref_slice %arg4[%add3A] : memref<327680xi32, #tpu.memory_space<hbm>> -> memref<64xi32, #tpu.memory_space<hbm>>
    tpu.wait_dma2 semaphore(%dma_wait3A_1148 : memref<!tpu.dma_semaphore, #tpu.memory_space<semaphore_mem>>) src(%dma_wait3A_1149 : memref<64xi32, #tpu.memory_space<hbm>>) dst(%arg8 : memref<64xi32, #tpu.memory_space<vmem>>)
    %dma_start3A_1150 = arith.constant 0 : i32
    %dma_start3A_1151 = arith.constant 0 : i32
    %dma_start3A_1152 = arith.constant 0 : i32
    %dma_start3A_1153 = arith.constant 0 : i32
    %dma_start3A_1154 = tpu.memref_slice %arg12[%dma_start3A_1150, %dma_start3A_1152, %dma_start3A_1153] : memref<4x64x128xf32, #tpu.memory_space<vmem>> -> memref<1x64x128xf32, #tpu.memory_space<vmem>>
    %dma_start3A_1155 = tpu.memref_squeeze %dma_start3A_1154 : memref<1x64x128xf32, #tpu.memory_space<vmem>> -> memref<64x128xf32, #tpu.memory_space<vmem>>
    %dma_start3A_1156 = arith.constant 0 : i32
    %dma_start3A_1157 = arith.constant 0 : i32
    %dma_start3A_1158 = tpu.memref_slice %arg6[%dma_start3A_1156, %dma_start3A_1157] : memref<10240x128xf32, #tpu.memory_space<vmem_shared>> -> memref<10240x128xf32, #tpu.memory_space<vmem_shared>>
    %dma_start3A_1159 = tpu.memref_slice %arg15[%dma_start3A_1151] : memref<4x!tpu.dma_semaphore, #tpu.memory_space<semaphore_mem>> -> memref<1x!tpu.dma_semaphore, #tpu.memory_space<semaphore_mem>>
    %dma_start3A_1160 = tpu.memref_squeeze %dma_start3A_1159 : memref<1x!tpu.dma_semaphore, #tpu.memory_space<semaphore_mem>> -> memref<!tpu.dma_semaphore, #tpu.memory_space<semaphore_mem>>
    tpu.enqueue_indirect_dma source(%dma_start3A_1155 : memref<64x128xf32, #tpu.memory_space<vmem>>) target(%dma_start3A_1158 : memref<10240x128xf32, #tpu.memory_space<vmem_shared>>) offsets(%arg8 : memref<64xi32, #tpu.memory_space<vmem>>) semaphore(%dma_start3A_1160 : memref<!tpu.dma_semaphore, #tpu.memory_space<semaphore_mem>>) {add = true}
    %dma_wait3A_1161 = arith.constant 1 : i32
    %dma_wait3A_1162 = arith.constant 1 : i32
    %dma_wait3A_1163 = arith.constant 0 : i32
    %dma_wait3A_1164 = arith.constant 0 : i32
    %dma_wait3A_1165 = tpu.memref_slice %arg12[%dma_wait3A_1161, %dma_wait3A_1163, %dma_wait3A_1164] : memref<4x64x128xf32, #tpu.memory_space<vmem>> -> memref<1x64x128xf32, #tpu.memory_space<vmem>>
    %dma_wait3A_1166 = tpu.memref_squeeze %dma_wait3A_1165 : memref<1x64x128xf32, #tpu.memory_space<vmem>> -> memref<64x128xf32, #tpu.memory_space<vmem>>
    %dma_wait3A_1167 = arith.constant 0 : i32
    %dma_wait3A_1168 = tpu.memref_slice %arg7[%dma_wait3A_1167] : memref<10240xi32, #tpu.memory_space<vmem>> -> memref<64xi32, #tpu.memory_space<vmem>>
    %dma_wait3A_1169 = arith.constant 0 : i32
    %dma_wait3A_1170 = arith.constant 0 : i32
    %dma_wait3A_1171 = tpu.memref_slice %arg2[%dma_wait3A_1169, %dma_wait3A_1170] : memref<10000x128xf32, #tpu.memory_space<hbm>> -> memref<10000x128xf32, #tpu.memory_space<hbm>>
    %dma_wait3A_1172 = tpu.memref_slice %arg14[%dma_wait3A_1162] : memref<4x!tpu.dma_semaphore, #tpu.memory_space<semaphore_mem>> -> memref<1x!tpu.dma_semaphore, #tpu.memory_space<semaphore_mem>>
    %dma_wait3A_1173 = tpu.memref_squeeze %dma_wait3A_1172 : memref<1x!tpu.dma_semaphore, #tpu.memory_space<semaphore_mem>> -> memref<!tpu.dma_semaphore, #tpu.memory_space<semaphore_mem>>
    tpu.wait_indirect_dma semaphore(%dma_wait3A_1173 : memref<!tpu.dma_semaphore, #tpu.memory_space<semaphore_mem>>) src(%dma_wait3A_1171 : memref<10000x128xf32, #tpu.memory_space<hbm>>) dst(%dma_wait3A_1166 : memref<64x128xf32, #tpu.memory_space<vmem>>)
    %dma_wait3A_1174 = arith.constant 1 : i32
    %dma_wait3A_1175 = tpu.memref_slice %arg4[%add3A] : memref<327680xi32, #tpu.memory_space<hbm>> -> memref<64xi32, #tpu.memory_space<hbm>>
    %dma_wait3A_1176 = tpu.memref_slice %arg13[%dma_wait3A_1174] : memref<4x!tpu.dma_semaphore, #tpu.memory_space<semaphore_mem>> -> memref<1x!tpu.dma_semaphore, #tpu.memory_space<semaphore_mem>>
    %dma_wait3A_1177 = tpu.memref_squeeze %dma_wait3A_1176 : memref<1x!tpu.dma_semaphore, #tpu.memory_space<semaphore_mem>> -> memref<!tpu.dma_semaphore, #tpu.memory_space<semaphore_mem>>
    %dma_wait3A_1178 = tpu.memref_slice %arg4[%add3A] : memref<327680xi32, #tpu.memory_space<hbm>> -> memref<64xi32, #tpu.memory_space<hbm>>
    tpu.wait_dma2 semaphore(%dma_wait3A_1177 : memref<!tpu.dma_semaphore, #tpu.memory_space<semaphore_mem>>) src(%dma_wait3A_1178 : memref<64xi32, #tpu.memory_space<hbm>>) dst(%arg9 : memref<64xi32, #tpu.memory_space<vmem>>)
    %dma_start3A_1179 = arith.constant 1 : i32
    %dma_start3A_1180 = arith.constant 1 : i32
    %dma_start3A_1181 = arith.constant 0 : i32
    %dma_start3A_1182 = arith.constant 0 : i32
    %dma_start3A_1183 = tpu.memref_slice %arg12[%dma_start3A_1179, %dma_start3A_1181, %dma_start3A_1182] : memref<4x64x128xf32, #tpu.memory_space<vmem>> -> memref<1x64x128xf32, #tpu.memory_space<vmem>>
    %dma_start3A_1184 = tpu.memref_squeeze %dma_start3A_1183 : memref<1x64x128xf32, #tpu.memory_space<vmem>> -> memref<64x128xf32, #tpu.memory_space<vmem>>
    %dma_start3A_1185 = arith.constant 0 : i32
    %dma_start3A_1186 = arith.constant 0 : i32
    %dma_start3A_1187 = tpu.memref_slice %arg6[%dma_start3A_1185, %dma_start3A_1186] : memref<10240x128xf32, #tpu.memory_space<vmem_shared>> -> memref<10240x128xf32, #tpu.memory_space<vmem_shared>>
    %dma_start3A_1188 = tpu.memref_slice %arg15[%dma_start3A_1180] : memref<4x!tpu.dma_semaphore, #tpu.memory_space<semaphore_mem>> -> memref<1x!tpu.dma_semaphore, #tpu.memory_space<semaphore_mem>>
    %dma_start3A_1189 = tpu.memref_squeeze %dma_start3A_1188 : memref<1x!tpu.dma_semaphore, #tpu.memory_space<semaphore_mem>> -> memref<!tpu.dma_semaphore, #tpu.memory_space<semaphore_mem>>
    tpu.enqueue_indirect_dma source(%dma_start3A_1184 : memref<64x128xf32, #tpu.memory_space<vmem>>) target(%dma_start3A_1187 : memref<10240x128xf32, #tpu.memory_space<vmem_shared>>) offsets(%arg9 : memref<64xi32, #tpu.memory_space<vmem>>) semaphore(%dma_start3A_1189 : memref<!tpu.dma_semaphore, #tpu.memory_space<semaphore_mem>>) {add = true}
    %dma_wait3A_1190 = arith.constant 2 : i32
    %dma_wait3A_1191 = arith.constant 2 : i32
    %dma_wait3A_1192 = arith.constant 0 : i32
    %dma_wait3A_1193 = arith.constant 0 : i32
    %dma_wait3A_1194 = tpu.memref_slice %arg12[%dma_wait3A_1190, %dma_wait3A_1192, %dma_wait3A_1193] : memref<4x64x128xf32, #tpu.memory_space<vmem>> -> memref<1x64x128xf32, #tpu.memory_space<vmem>>
    %dma_wait3A_1195 = tpu.memref_squeeze %dma_wait3A_1194 : memref<1x64x128xf32, #tpu.memory_space<vmem>> -> memref<64x128xf32, #tpu.memory_space<vmem>>
    %dma_wait3A_1196 = arith.constant 0 : i32
    %dma_wait3A_1197 = tpu.memref_slice %arg7[%dma_wait3A_1196] : memref<10240xi32, #tpu.memory_space<vmem>> -> memref<64xi32, #tpu.memory_space<vmem>>
    %dma_wait3A_1198 = arith.constant 0 : i32
    %dma_wait3A_1199 = arith.constant 0 : i32
    %dma_wait3A_1200 = tpu.memref_slice %arg2[%dma_wait3A_1198, %dma_wait3A_1199] : memref<10000x128xf32, #tpu.memory_space<hbm>> -> memref<10000x128xf32, #tpu.memory_space<hbm>>
    %dma_wait3A_1201 = tpu.memref_slice %arg14[%dma_wait3A_1191] : memref<4x!tpu.dma_semaphore, #tpu.memory_space<semaphore_mem>> -> memref<1x!tpu.dma_semaphore, #tpu.memory_space<semaphore_mem>>
    %dma_wait3A_1202 = tpu.memref_squeeze %dma_wait3A_1201 : memref<1x!tpu.dma_semaphore, #tpu.memory_space<semaphore_mem>> -> memref<!tpu.dma_semaphore, #tpu.memory_space<semaphore_mem>>
    tpu.wait_indirect_dma semaphore(%dma_wait3A_1202 : memref<!tpu.dma_semaphore, #tpu.memory_space<semaphore_mem>>) src(%dma_wait3A_1200 : memref<10000x128xf32, #tpu.memory_space<hbm>>) dst(%dma_wait3A_1195 : memref<64x128xf32, #tpu.memory_space<vmem>>)
    %dma_wait3A_1203 = arith.constant 2 : i32
    %dma_wait3A_1204 = tpu.memref_slice %arg4[%add3A] : memref<327680xi32, #tpu.memory_space<hbm>> -> memref<64xi32, #tpu.memory_space<hbm>>
    %dma_wait3A_1205 = tpu.memref_slice %arg13[%dma_wait3A_1203] : memref<4x!tpu.dma_semaphore, #tpu.memory_space<semaphore_mem>> -> memref<1x!tpu.dma_semaphore, #tpu.memory_space<semaphore_mem>>
    %dma_wait3A_1206 = tpu.memref_squeeze %dma_wait3A_1205 : memref<1x!tpu.dma_semaphore, #tpu.memory_space<semaphore_mem>> -> memref<!tpu.dma_semaphore, #tpu.memory_space<semaphore_mem>>
    %dma_wait3A_1207 = tpu.memref_slice %arg4[%add3A] : memref<327680xi32, #tpu.memory_space<hbm>> -> memref<64xi32, #tpu.memory_space<hbm>>
    tpu.wait_dma2 semaphore(%dma_wait3A_1206 : memref<!tpu.dma_semaphore, #tpu.memory_space<semaphore_mem>>) src(%dma_wait3A_1207 : memref<64xi32, #tpu.memory_space<hbm>>) dst(%arg10 : memref<64xi32, #tpu.memory_space<vmem>>)
    %dma_start3A_1208 = arith.constant 2 : i32
    %dma_start3A_1209 = arith.constant 2 : i32
    %dma_start3A_1210 = arith.constant 0 : i32
    %dma_start3A_1211 = arith.constant 0 : i32
    %dma_start3A_1212 = tpu.memref_slice %arg12[%dma_start3A_1208, %dma_start3A_1210, %dma_start3A_1211] : memref<4x64x128xf32, #tpu.memory_space<vmem>> -> memref<1x64x128xf32, #tpu.memory_space<vmem>>
    %dma_start3A_1213 = tpu.memref_squeeze %dma_start3A_1212 : memref<1x64x128xf32, #tpu.memory_space<vmem>> -> memref<64x128xf32, #tpu.memory_space<vmem>>
    %dma_start3A_1214 = arith.constant 0 : i32
    %dma_start3A_1215 = arith.constant 0 : i32
    %dma_start3A_1216 = tpu.memref_slice %arg6[%dma_start3A_1214, %dma_start3A_1215] : memref<10240x128xf32, #tpu.memory_space<vmem_shared>> -> memref<10240x128xf32, #tpu.memory_space<vmem_shared>>
    %dma_start3A_1217 = tpu.memref_slice %arg15[%dma_start3A_1209] : memref<4x!tpu.dma_semaphore, #tpu.memory_space<semaphore_mem>> -> memref<1x!tpu.dma_semaphore, #tpu.memory_space<semaphore_mem>>
    %dma_start3A_1218 = tpu.memref_squeeze %dma_start3A_1217 : memref<1x!tpu.dma_semaphore, #tpu.memory_space<semaphore_mem>> -> memref<!tpu.dma_semaphore, #tpu.memory_space<semaphore_mem>>
    tpu.enqueue_indirect_dma source(%dma_start3A_1213 : memref<64x128xf32, #tpu.memory_space<vmem>>) target(%dma_start3A_1216 : memref<10240x128xf32, #tpu.memory_space<vmem_shared>>) offsets(%arg10 : memref<64xi32, #tpu.memory_space<vmem>>) semaphore(%dma_start3A_1218 : memref<!tpu.dma_semaphore, #tpu.memory_space<semaphore_mem>>) {add = true}
    %dma_wait3A_1219 = arith.constant 3 : i32
    %dma_wait3A_1220 = arith.constant 3 : i32
    %dma_wait3A_1221 = arith.constant 0 : i32
    %dma_wait3A_1222 = arith.constant 0 : i32
    %dma_wait3A_1223 = tpu.memref_slice %arg12[%dma_wait3A_1219, %dma_wait3A_1221, %dma_wait3A_1222] : memref<4x64x128xf32, #tpu.memory_space<vmem>> -> memref<1x64x128xf32, #tpu.memory_space<vmem>>
    %dma_wait3A_1224 = tpu.memref_squeeze %dma_wait3A_1223 : memref<1x64x128xf32, #tpu.memory_space<vmem>> -> memref<64x128xf32, #tpu.memory_space<vmem>>
    %dma_wait3A_1225 = arith.constant 0 : i32
    %dma_wait3A_1226 = tpu.memref_slice %arg7[%dma_wait3A_1225] : memref<10240xi32, #tpu.memory_space<vmem>> -> memref<64xi32, #tpu.memory_space<vmem>>
    %dma_wait3A_1227 = arith.constant 0 : i32
    %dma_wait3A_1228 = arith.constant 0 : i32
    %dma_wait3A_1229 = tpu.memref_slice %arg2[%dma_wait3A_1227, %dma_wait3A_1228] : memref<10000x128xf32, #tpu.memory_space<hbm>> -> memref<10000x128xf32, #tpu.memory_space<hbm>>
    %dma_wait3A_1230 = tpu.memref_slice %arg14[%dma_wait3A_1220] : memref<4x!tpu.dma_semaphore, #tpu.memory_space<semaphore_mem>> -> memref<1x!tpu.dma_semaphore, #tpu.memory_space<semaphore_mem>>
    %dma_wait3A_1231 = tpu.memref_squeeze %dma_wait3A_1230 : memref<1x!tpu.dma_semaphore, #tpu.memory_space<semaphore_mem>> -> memref<!tpu.dma_semaphore, #tpu.memory_space<semaphore_mem>>
    tpu.wait_indirect_dma semaphore(%dma_wait3A_1231 : memref<!tpu.dma_semaphore, #tpu.memory_space<semaphore_mem>>) src(%dma_wait3A_1229 : memref<10000x128xf32, #tpu.memory_space<hbm>>) dst(%dma_wait3A_1224 : memref<64x128xf32, #tpu.memory_space<vmem>>)
    %dma_wait3A_1232 = arith.constant 3 : i32
    %dma_wait3A_1233 = tpu.memref_slice %arg4[%add3A] : memref<327680xi32, #tpu.memory_space<hbm>> -> memref<64xi32, #tpu.memory_space<hbm>>
    %dma_wait3A_1234 = tpu.memref_slice %arg13[%dma_wait3A_1232] : memref<4x!tpu.dma_semaphore, #tpu.memory_space<semaphore_mem>> -> memref<1x!tpu.dma_semaphore, #tpu.memory_space<semaphore_mem>>
    %dma_wait3A_1235 = tpu.memref_squeeze %dma_wait3A_1234 : memref<1x!tpu.dma_semaphore, #tpu.memory_space<semaphore_mem>> -> memref<!tpu.dma_semaphore, #tpu.memory_space<semaphore_mem>>
    %dma_wait3A_1236 = tpu.memref_slice %arg4[%add3A] : memref<327680xi32, #tpu.memory_space<hbm>> -> memref<64xi32, #tpu.memory_space<hbm>>
    tpu.wait_dma2 semaphore(%dma_wait3A_1235 : memref<!tpu.dma_semaphore, #tpu.memory_space<semaphore_mem>>) src(%dma_wait3A_1236 : memref<64xi32, #tpu.memory_space<hbm>>) dst(%arg11 : memref<64xi32, #tpu.memory_space<vmem>>)
    %dma_start3A_1237 = arith.constant 3 : i32
    %dma_start3A_1238 = arith.constant 3 : i32
    %dma_start3A_1239 = arith.constant 0 : i32
    %dma_start3A_1240 = arith.constant 0 : i32
    %dma_start3A_1241 = tpu.memref_slice %arg12[%dma_start3A_1237, %dma_start3A_1239, %dma_start3A_1240] : memref<4x64x128xf32, #tpu.memory_space<vmem>> -> memref<1x64x128xf32, #tpu.memory_space<vmem>>
    %dma_start3A_1242 = tpu.memref_squeeze %dma_start3A_1241 : memref<1x64x128xf32, #tpu.memory_space<vmem>> -> memref<64x128xf32, #tpu.memory_space<vmem>>
    %dma_start3A_1243 = arith.constant 0 : i32
    %dma_start3A_1244 = arith.constant 0 : i32
    %dma_start3A_1245 = tpu.memref_slice %arg6[%dma_start3A_1243, %dma_start3A_1244] : memref<10240x128xf32, #tpu.memory_space<vmem_shared>> -> memref<10240x128xf32, #tpu.memory_space<vmem_shared>>
    %dma_start3A_1246 = tpu.memref_slice %arg15[%dma_start3A_1238] : memref<4x!tpu.dma_semaphore, #tpu.memory_space<semaphore_mem>> -> memref<1x!tpu.dma_semaphore, #tpu.memory_space<semaphore_mem>>
    %dma_start3A_1247 = tpu.memref_squeeze %dma_start3A_1246 : memref<1x!tpu.dma_semaphore, #tpu.memory_space<semaphore_mem>> -> memref<!tpu.dma_semaphore, #tpu.memory_space<semaphore_mem>>
    tpu.enqueue_indirect_dma source(%dma_start3A_1242 : memref<64x128xf32, #tpu.memory_space<vmem>>) target(%dma_start3A_1245 : memref<10240x128xf32, #tpu.memory_space<vmem_shared>>) offsets(%arg11 : memref<64xi32, #tpu.memory_space<vmem>>) semaphore(%dma_start3A_1247 : memref<!tpu.dma_semaphore, #tpu.memory_space<semaphore_mem>>) {add = true}
    %dma_wait3A_1248 = arith.constant 0 : i32
    %dma_wait3A_1249 = arith.constant 0 : i32
    %dma_wait3A_1250 = arith.constant 0 : i32
    %dma_wait3A_1251 = arith.constant 0 : i32
    %dma_wait3A_1252 = tpu.memref_slice %arg12[%dma_wait3A_1248, %dma_wait3A_1250, %dma_wait3A_1251] : memref<4x64x128xf32, #tpu.memory_space<vmem>> -> memref<1x64x128xf32, #tpu.memory_space<vmem>>
    %dma_wait3A_1253 = tpu.memref_squeeze %dma_wait3A_1252 : memref<1x64x128xf32, #tpu.memory_space<vmem>> -> memref<64x128xf32, #tpu.memory_space<vmem>>
    %dma_wait3A_1254 = arith.constant 0 : i32
    %dma_wait3A_1255 = arith.constant 0 : i32
    %dma_wait3A_1256 = tpu.memref_slice %arg6[%dma_wait3A_1254, %dma_wait3A_1255] : memref<10240x128xf32, #tpu.memory_space<vmem_shared>> -> memref<10240x128xf32, #tpu.memory_space<vmem_shared>>
    %dma_wait3A_1257 = tpu.memref_slice %arg15[%dma_wait3A_1249] : memref<4x!tpu.dma_semaphore, #tpu.memory_space<semaphore_mem>> -> memref<1x!tpu.dma_semaphore, #tpu.memory_space<semaphore_mem>>
    %dma_wait3A_1258 = tpu.memref_squeeze %dma_wait3A_1257 : memref<1x!tpu.dma_semaphore, #tpu.memory_space<semaphore_mem>> -> memref<!tpu.dma_semaphore, #tpu.memory_space<semaphore_mem>>
    tpu.wait_indirect_dma semaphore(%dma_wait3A_1258 : memref<!tpu.dma_semaphore, #tpu.memory_space<semaphore_mem>>) src(%dma_wait3A_1253 : memref<64x128xf32, #tpu.memory_space<vmem>>) dst(%dma_wait3A_1256 : memref<10240x128xf32, #tpu.memory_space<vmem_shared>>)
    %dma_wait3A_1259 = arith.constant 1 : i32
    %dma_wait3A_1260 = arith.constant 1 : i32
    %dma_wait3A_1261 = arith.constant 0 : i32
    %dma_wait3A_1262 = arith.constant 0 : i32
    %dma_wait3A_1263 = tpu.memref_slice %arg12[%dma_wait3A_1259, %dma_wait3A_1261, %dma_wait3A_1262] : memref<4x64x128xf32, #tpu.memory_space<vmem>> -> memref<1x64x128xf32, #tpu.memory_space<vmem>>
    %dma_wait3A_1264 = tpu.memref_squeeze %dma_wait3A_1263 : memref<1x64x128xf32, #tpu.memory_space<vmem>> -> memref<64x128xf32, #tpu.memory_space<vmem>>
    %dma_wait3A_1265 = arith.constant 0 : i32
    %dma_wait3A_1266 = arith.constant 0 : i32
    %dma_wait3A_1267 = tpu.memref_slice %arg6[%dma_wait3A_1265, %dma_wait3A_1266] : memref<10240x128xf32, #tpu.memory_space<vmem_shared>> -> memref<10240x128xf32, #tpu.memory_space<vmem_shared>>
    %dma_wait3A_1268 = tpu.memref_slice %arg15[%dma_wait3A_1260] : memref<4x!tpu.dma_semaphore, #tpu.memory_space<semaphore_mem>> -> memref<1x!tpu.dma_semaphore, #tpu.memory_space<semaphore_mem>>
    %dma_wait3A_1269 = tpu.memref_squeeze %dma_wait3A_1268 : memref<1x!tpu.dma_semaphore, #tpu.memory_space<semaphore_mem>> -> memref<!tpu.dma_semaphore, #tpu.memory_space<semaphore_mem>>
    tpu.wait_indirect_dma semaphore(%dma_wait3A_1269 : memref<!tpu.dma_semaphore, #tpu.memory_space<semaphore_mem>>) src(%dma_wait3A_1264 : memref<64x128xf32, #tpu.memory_space<vmem>>) dst(%dma_wait3A_1267 : memref<10240x128xf32, #tpu.memory_space<vmem_shared>>)
    %dma_wait3A_1270 = arith.constant 2 : i32
    %dma_wait3A_1271 = arith.constant 2 : i32
    %dma_wait3A_1272 = arith.constant 0 : i32
    %dma_wait3A_1273 = arith.constant 0 : i32
    %dma_wait3A_1274 = tpu.memref_slice %arg12[%dma_wait3A_1270, %dma_wait3A_1272, %dma_wait3A_1273] : memref<4x64x128xf32, #tpu.memory_space<vmem>> -> memref<1x64x128xf32, #tpu.memory_space<vmem>>
    %dma_wait3A_1275 = tpu.memref_squeeze %dma_wait3A_1274 : memref<1x64x128xf32, #tpu.memory_space<vmem>> -> memref<64x128xf32, #tpu.memory_space<vmem>>
    %dma_wait3A_1276 = arith.constant 0 : i32
    %dma_wait3A_1277 = arith.constant 0 : i32
    %dma_wait3A_1278 = tpu.memref_slice %arg6[%dma_wait3A_1276, %dma_wait3A_1277] : memref<10240x128xf32, #tpu.memory_space<vmem_shared>> -> memref<10240x128xf32, #tpu.memory_space<vmem_shared>>
    %dma_wait3A_1279 = tpu.memref_slice %arg15[%dma_wait3A_1271] : memref<4x!tpu.dma_semaphore, #tpu.memory_space<semaphore_mem>> -> memref<1x!tpu.dma_semaphore, #tpu.memory_space<semaphore_mem>>
    %dma_wait3A_1280 = tpu.memref_squeeze %dma_wait3A_1279 : memref<1x!tpu.dma_semaphore, #tpu.memory_space<semaphore_mem>> -> memref<!tpu.dma_semaphore, #tpu.memory_space<semaphore_mem>>
    tpu.wait_indirect_dma semaphore(%dma_wait3A_1280 : memref<!tpu.dma_semaphore, #tpu.memory_space<semaphore_mem>>) src(%dma_wait3A_1275 : memref<64x128xf32, #tpu.memory_space<vmem>>) dst(%dma_wait3A_1278 : memref<10240x128xf32, #tpu.memory_space<vmem_shared>>)
    %dma_wait3A_1281 = arith.constant 3 : i32
    %dma_wait3A_1282 = arith.constant 3 : i32
    %dma_wait3A_1283 = arith.constant 0 : i32
    %dma_wait3A_1284 = arith.constant 0 : i32
    %dma_wait3A_1285 = tpu.memref_slice %arg12[%dma_wait3A_1281, %dma_wait3A_1283, %dma_wait3A_1284] : memref<4x64x128xf32, #tpu.memory_space<vmem>> -> memref<1x64x128xf32, #tpu.memory_space<vmem>>
    %dma_wait3A_1286 = tpu.memref_squeeze %dma_wait3A_1285 : memref<1x64x128xf32, #tpu.memory_space<vmem>> -> memref<64x128xf32, #tpu.memory_space<vmem>>
    %dma_wait3A_1287 = arith.constant 0 : i32
    %dma_wait3A_1288 = arith.constant 0 : i32
    %dma_wait3A_1289 = tpu.memref_slice %arg6[%dma_wait3A_1287, %dma_wait3A_1288] : memref<10240x128xf32, #tpu.memory_space<vmem_shared>> -> memref<10240x128xf32, #tpu.memory_space<vmem_shared>>
    %dma_wait3A_1290 = tpu.memref_slice %arg15[%dma_wait3A_1282] : memref<4x!tpu.dma_semaphore, #tpu.memory_space<semaphore_mem>> -> memref<1x!tpu.dma_semaphore, #tpu.memory_space<semaphore_mem>>
    %dma_wait3A_1291 = tpu.memref_squeeze %dma_wait3A_1290 : memref<1x!tpu.dma_semaphore, #tpu.memory_space<semaphore_mem>> -> memref<!tpu.dma_semaphore, #tpu.memory_space<semaphore_mem>>
    tpu.wait_indirect_dma semaphore(%dma_wait3A_1291 : memref<!tpu.dma_semaphore, #tpu.memory_space<semaphore_mem>>) src(%dma_wait3A_1286 : memref<64x128xf32, #tpu.memory_space<vmem>>) dst(%dma_wait3A_1289 : memref<10240x128xf32, #tpu.memory_space<vmem_shared>>)
    %barrier3A_1292 = arith.constant 0 : index
    tpu.barrier barrier_id(%barrier3A_1292)
    %mul3A_1293 = arith.constant 640 : i32
    %mul3A_1294 = arith.muli %arg1, %mul3A_1293 : i32
    "tpu.region"() ({
      %run_scoped3A = tpu.sem_alloc : memref<!tpu.dma_semaphore, #tpu.memory_space<semaphore_mem>>
      %dma_start3A_1295 = arith.constant 0 : i32
      %dma_start3A_1296 = tpu.memref_slice %arg5[%arg0, %mul3A_1294, %dma_start3A_1295] : memref<2x10240x128xf32, #tpu.memory_space<hbm>> -> memref<1x640x128xf32, #tpu.memory_space<hbm>>
      %dma_start3A_1297 = tpu.memref_squeeze %dma_start3A_1296 : memref<1x640x128xf32, #tpu.memory_space<hbm>> -> memref<640x128xf32, #tpu.memory_space<hbm>>
      %dma_start3A_1298 = arith.constant 0 : i32
      %dma_start3A_1299 = tpu.memref_slice %arg6[%mul3A_1294, %dma_start3A_1298] : memref<10240x128xf32, #tpu.memory_space<vmem_shared>> -> memref<640x128xf32, #tpu.memory_space<vmem_shared>>
      tpu.enqueue_dma source(%dma_start3A_1299 : memref<640x128xf32, #tpu.memory_space<vmem_shared>>) target(%dma_start3A_1297 : memref<640x128xf32, #tpu.memory_space<hbm>>) target_semaphore(%run_scoped3A : memref<!tpu.dma_semaphore, #tpu.memory_space<semaphore_mem>>)
      %dma_wait3A_1300 = arith.constant 0 : i32
      %dma_wait3A_1301 = tpu.memref_slice %arg5[%arg0, %mul3A_1294, %dma_wait3A_1300] : memref<2x10240x128xf32, #tpu.memory_space<hbm>> -> memref<1x640x128xf32, #tpu.memory_space<hbm>>
      %dma_wait3A_1302 = tpu.memref_squeeze %dma_wait3A_1301 : memref<1x640x128xf32, #tpu.memory_space<hbm>> -> memref<640x128xf32, #tpu.memory_space<hbm>>
      %dma_wait3A_1303 = arith.constant 0 : i32
      %dma_wait3A_1304 = tpu.memref_slice %arg6[%mul3A_1294, %dma_wait3A_1303] : memref<10240x128xf32, #tpu.memory_space<vmem_shared>> -> memref<640x128xf32, #tpu.memory_space<vmem_shared>>
      tpu.wait_dma2 semaphore(%run_scoped3A : memref<!tpu.dma_semaphore, #tpu.memory_space<semaphore_mem>>) src(%dma_wait3A_1304 : memref<640x128xf32, #tpu.memory_space<vmem_shared>>) dst(%dma_wait3A_1302 : memref<640x128xf32, #tpu.memory_space<hbm>>)
      tpu.yield
    }) : () -> ()
    return
  }
}

module attributes {stable_mosaic.version = 14 : i64} {
  func.func @_matmul_body(%arg0: i32, %arg1: memref<10000x128xf32, #tpu.memory_space<vmem>>, %arg2: memref<128x128xf32, #tpu.memory_space<vmem>>, %arg3: memref<10000x128xf32, #tpu.memory_space<vmem>>, %arg4: memref<1x128xf32, #tpu.memory_space<vmem>>, %arg5: memref<10000x128xf32, #tpu.memory_space<vmem>>, %arg6: memref<10000x128xf32, #tpu.memory_space<vmem>>) attributes {dimension_semantics = [#tpu.dimension_semantics<arbitrary>], iteration_bounds = array<i64: 1>, scalar_prefetch = 0 : i64, scratch_operands = 0 : i64, tpu.core_type = #tpu.core_type<tc>, window_params = [{transform_indices = @transform_0, window_bounds = array<i64: 10000, 128>}, {pipeline_mode = #tpu.pipeline_mode<synchronous>, transform_indices = @transform_1, window_bounds = array<i64: 128, 128>}, {transform_indices = @transform_2, window_bounds = array<i64: 10000, 128>}, {pipeline_mode = #tpu.pipeline_mode<synchronous>, transform_indices = @transform_3, window_bounds = array<i64: 1, 128>}, {transform_indices = @transform_4, window_bounds = array<i64: 10000, 128>}, {transform_indices = @transform_5, window_bounds = array<i64: 10000, 128>}]} {
    %get3A = arith.constant 0 : index
    %get3A_0 = arith.constant 0 : index
    %get3A_1 = vector.load %arg1[%get3A, %get3A_0] : memref<10000x128xf32, #tpu.memory_space<vmem>>, vector<10000x128xf32>
    %get3A_2 = arith.constant 0 : index
    %get3A_3 = arith.constant 0 : index
    %get3A_4 = vector.load %arg2[%get3A_2, %get3A_3] : memref<128x128xf32, #tpu.memory_space<vmem>>, vector<128x128xf32>
    %dot_general3A = arith.constant dense<0.000000e+00> : vector<10000x128xf32>
    %dot_general3A_5 = tpu.matmul %get3A_1, %get3A_4, %dot_general3A {dimension_numbers = #tpu.dot_dimension_numbers<[1], [0], [0], [1], [0, 0, 1, 1], [], []>, transpose_lhs_hint = false} : vector<10000x128xf32>, vector<128x128xf32>, vector<10000x128xf32> -> vector<10000x128xf32>
    %get3A_6 = arith.constant 0 : index
    %get3A_7 = arith.constant 0 : index
    %get3A_8 = vector.load %arg3[%get3A_6, %get3A_7] : memref<10000x128xf32, #tpu.memory_space<vmem>>, vector<10000x128xf32>
    %mul3A = arith.mulf %dot_general3A_5, %get3A_8 : vector<10000x128xf32>
    %swap3A = arith.constant 0 : index
    %swap3A_9 = arith.constant 0 : index
    %swap3A_10 = vector.load %arg5[%swap3A, %swap3A_9] : memref<10000x128xf32, #tpu.memory_space<vmem>>, vector<10000x128xf32>
    tpu.vector_store %arg5[%swap3A, %swap3A_9], %mul3A {strides = array<i32>} : memref<10000x128xf32, #tpu.memory_space<vmem>>, vector<10000x128xf32>,
    %get3A_11 = arith.constant 0 : index
    %get3A_12 = arith.constant 0 : index
    %get3A_13 = vector.load %arg1[%get3A_11, %get3A_12] : memref<10000x128xf32, #tpu.memory_space<vmem>>, vector<10000x128xf32>
    %get3A_14 = arith.constant 0 : index
    %get3A_15 = arith.constant 0 : index
    %get3A_16 = vector.load %arg4[%get3A_14, %get3A_15] : memref<1x128xf32, #tpu.memory_space<vmem>>, vector<1x128xf32>
    %add3A = vector.broadcast %get3A_16 : vector<1x128xf32> to vector<10000x128xf32>
    %add3A_17 = arith.addf %get3A_13, %add3A : vector<10000x128xf32>
    %get3A_18 = arith.constant 0 : index
    %get3A_19 = arith.constant 0 : index
    %get3A_20 = vector.load %arg3[%get3A_18, %get3A_19] : memref<10000x128xf32, #tpu.memory_space<vmem>>, vector<10000x128xf32>
    %mul3A_21 = arith.mulf %get3A_20, %mul3A : vector<10000x128xf32>
    %add3A_22 = arith.addf %add3A_17, %mul3A_21 : vector<10000x128xf32>
    %swap3A_23 = arith.constant 0 : index
    %swap3A_24 = arith.constant 0 : index
    %swap3A_25 = vector.load %arg6[%swap3A_23, %swap3A_24] : memref<10000x128xf32, #tpu.memory_space<vmem>>, vector<10000x128xf32>
    tpu.vector_store %arg6[%swap3A_23, %swap3A_24], %add3A_22 {strides = array<i32>} : memref<10000x128xf32, #tpu.memory_space<vmem>>, vector<10000x128xf32>,
    return
  }
  func.func @transform_0(%arg0: i32) -> (i32, i32) {
    %c0_i32 = arith.constant 0 : i32
    %c0_i32_0 = arith.constant 0 : i32
    return %arg0, %c0_i32 : i32, i32
  }
  func.func @transform_1(%arg0: i32) -> (i32, i32) {
    %c0_i32 = arith.constant 0 : i32
    %c0_i32_0 = arith.constant 0 : i32
    %c0_i32_1 = arith.constant 0 : i32
    return %c0_i32, %c0_i32_0 : i32, i32
  }
  func.func @transform_2(%arg0: i32) -> (i32, i32) {
    %c0_i32 = arith.constant 0 : i32
    %c0_i32_0 = arith.constant 0 : i32
    return %arg0, %c0_i32 : i32, i32
  }
  func.func @transform_3(%arg0: i32) -> (i32, i32) {
    %c0_i32 = arith.constant 0 : i32
    %c0_i32_0 = arith.constant 0 : i32
    %c0_i32_1 = arith.constant 0 : i32
    return %c0_i32, %c0_i32_0 : i32, i32
  }
  func.func @transform_4(%arg0: i32) -> (i32, i32) {
    %c0_i32 = arith.constant 0 : i32
    %c0_i32_0 = arith.constant 0 : i32
    return %arg0, %c0_i32 : i32, i32
  }
  func.func @transform_5(%arg0: i32) -> (i32, i32) {
    %c0_i32 = arith.constant 0 : i32
    %c0_i32_0 = arith.constant 0 : i32
    return %arg0, %c0_i32 : i32, i32
  }
}

module attributes {stable_mosaic.version = 14 : i64} {
  func.func @_out_body(%arg0: i32, %arg1: memref<400x128xf32, #tpu.memory_space<vmem>>, %arg2: memref<400x128xf32, #tpu.memory_space<vmem>>, %arg3: memref<1x400x128xf32, #tpu.memory_space<vmem>>, %arg4: memref<1x400x128xf32, #tpu.memory_space<vmem>>, %arg5: memref<400x128xf32, #tpu.memory_space<vmem>>) attributes {dimension_semantics = [#tpu.dimension_semantics<arbitrary>], iteration_bounds = array<i64: 25>, scalar_prefetch = 0 : i64, scratch_operands = 0 : i64, tpu.core_type = #tpu.core_type<tc>, window_params = [{transform_indices = @transform_0, window_bounds = array<i64: 400, 128>}, {transform_indices = @transform_1, window_bounds = array<i64: 400, 128>}, {transform_indices = @transform_2, window_bounds = array<i64: 1, 400, 128>}, {transform_indices = @transform_3, window_bounds = array<i64: 1, 400, 128>}, {transform_indices = @transform_4, window_bounds = array<i64: 400, 128>}]} {
    %get3A = arith.constant 0 : index
    %get3A_0 = arith.constant 0 : index
    %get3A_1 = vector.load %arg1[%get3A, %get3A_0] : memref<400x128xf32, #tpu.memory_space<vmem>>, vector<400x128xf32>
    %get3A_2 = arith.constant 0 : index
    %get3A_3 = arith.constant 0 : index
    %get3A_4 = vector.load %arg2[%get3A_2, %get3A_3] : memref<400x128xf32, #tpu.memory_space<vmem>>, vector<400x128xf32>
    %get3A_5 = arith.constant 0 : index
    %get3A_6 = arith.constant 0 : index
    %get3A_7 = arith.constant 0 : index
    %get3A_8 = vector.load %arg3[%get3A_5, %get3A_6, %get3A_7] : memref<1x400x128xf32, #tpu.memory_space<vmem>>, vector<1x400x128xf32>
    %get3A_9 = vector.shape_cast %get3A_8 : vector<1x400x128xf32> to vector<400x128xf32>
    %get3A_10 = arith.constant 0 : index
    %get3A_11 = arith.constant 0 : index
    %get3A_12 = arith.constant 0 : index
    %get3A_13 = vector.load %arg4[%get3A_10, %get3A_11, %get3A_12] : memref<1x400x128xf32, #tpu.memory_space<vmem>>, vector<1x400x128xf32>
    %get3A_14 = vector.shape_cast %get3A_13 : vector<1x400x128xf32> to vector<400x128xf32>
    %add3A = arith.addf %get3A_9, %get3A_14 : vector<400x128xf32>
    %mul3A = arith.mulf %get3A_4, %add3A : vector<400x128xf32>
    %add3A_15 = arith.addf %get3A_1, %mul3A : vector<400x128xf32>
    %swap3A = arith.constant 0 : index
    %swap3A_16 = arith.constant 0 : index
    %swap3A_17 = vector.load %arg5[%swap3A, %swap3A_16] : memref<400x128xf32, #tpu.memory_space<vmem>>, vector<400x128xf32>
    tpu.vector_store %arg5[%swap3A, %swap3A_16], %add3A_15 {strides = array<i32>} : memref<400x128xf32, #tpu.memory_space<vmem>>, vector<400x128xf32>,
    return
  }
  func.func @transform_0(%arg0: i32) -> (i32, i32) {
    %c0_i32 = arith.constant 0 : i32
    %c0_i32_0 = arith.constant 0 : i32
    return %arg0, %c0_i32 : i32, i32
  }
  func.func @transform_1(%arg0: i32) -> (i32, i32) {
    %c0_i32 = arith.constant 0 : i32
    %c0_i32_0 = arith.constant 0 : i32
    return %arg0, %c0_i32 : i32, i32
  }
  func.func @transform_2(%arg0: i32) -> (i32, i32, i32) {
    %c0_i32 = arith.constant 0 : i32
    %c0_i32_0 = arith.constant 0 : i32
    %c0_i32_1 = arith.constant 0 : i32
    return %c0_i32, %arg0, %c0_i32_0 : i32, i32, i32
  }
  func.func @transform_3(%arg0: i32) -> (i32, i32, i32) {
    %c1_i32 = arith.constant 1 : i32
    %c0_i32 = arith.constant 0 : i32
    %c0_i32_0 = arith.constant 0 : i32
    return %c1_i32, %arg0, %c0_i32 : i32, i32, i32
  }
  func.func @transform_4(%arg0: i32) -> (i32, i32) {
    %c0_i32 = arith.constant 0 : i32
    %c0_i32_0 = arith.constant 0 : i32
    return %arg0, %c0_i32 : i32, i32
  }
}

</mosaic_0001>

<sc_bundles>
// kernel: kernel.6.cloned.1.call-start
scs
__scs_entry_jumppad:
0x0: {  	(pc) =	sbr.rel $0x88, $3  }
0x1: {  	(tag) =	ssettag $0x0;
	lr =	simm.s32 $0x1  }
0x2: {  	[smem:$0x3F9D] =	sst lr;
	_ =	strace $0xD0000000  }
0x3: {  	_ = 	snop  }
0x4: {  	_ = 	snop  }
0x5: {  	_ = 	snop  }
0x6: {  	_ = 	snop  }
0x7: {  	_ = 	snop  }
__scs_overlays_trampoline_lowered:
0x8: {  	[smem:$0x3FAC] =	sst s0  }
0x9: {  	[smem:$0x3FAD] =	sst s1  }
0xa: {  	[smem:$0x3FAE] =	sst s2  }
0xb: {  	[smem:$0x3FAF] =	sst s3  }
0xc: {  	[smem:$0x3FB0] =	sst s4  }
0xd: {  	[smem:$0x3FB1] =	sst s5  }
0xe: {  	[smem:$0x3FB2] =	sst s6  }
0xf: {  	[smem:$0x3FB3] =	sst s7  }
0x10: {  	[smem:$0x3FB4] =	sst s8  }
0x11: {  	[smem:$0x3FB5] =	sst s9;
	s0 =	simm.s32 @!p0 $0x0  }
0x12: {  	s1 =	sld [smem:$0x3F9B];
	s0 =	simm.s32 @p0 $0x1  }
0x13: {  	[smem:$0x3FB6] =	sst s0;
	s0 =	simm.s32 @!p1 $0x0  }
0x14: {  	s2 =	sld [smem:$0x3F9A];
	s0 =	simm.s32 @p1 $0x1  }
0x15: {  	[smem:$0x3FB7] =	sst s0;
	s0 =	simm.s32 @!p2 $0x0  }
0x16: {  	s3 =	sld [smem:$0x3FDB];
	s0 =	simm.s32 @p2 $0x1  }
0x17: {  	s4 =	simm.s32 $0x1BF5;
	[smem:$0x3FB9] =	sst s0  }
0x18: {  	s0 =	sld [smem:$0x3F9C];
	_ =	swait.ge [sflag:s4], $0x0  }
0x19: {  	s7 =	sld [smem:$0x3F9D]  }
0x1a: {  	s8 =	sadd.s32 $0xFFFFE003, lr  }
0x1b: {  	s9 =	sadd.s32 $0xFFFFFEF7, lr;
	s5 =	simm.s32 $0xFFFFFFFF;
	p2 =	slt.u32 s8, $0xFFFFF086  }
0x1c: {  	p1 =	slt.u32 s9, $0xF7A;
	s5 =	simm.s32 @!p2 $0x0  }
0x1d: {  	s5 =	simm.s32 @p1 $0x1;
	p0 =	seq.s32 s7, s2  }
0x1e: {  	s7 =	smul.u32 @!p0 $0xF7A, s2;
	p2 =	seq.s32 @!p0 s5, $0x0  }
0x1f: {  	s9 =	smul.u32 $0xF7A, s1;
	s8 =	simm.s32 @!p0 $0x1BF5;
	p2 =	por !p2, p0  }
0x20: {  	[sflag:s8] =	ssyncset.s32 @!p0 $0xFFFFF086;
	s6 =	sadd.s32 @!p0 s3, s7;
	s7 =	simm.s32 @!p0 $0x108  }
0x21: {  	s3 =	sadd.s32 s3, s9;
	s6 =	sadd.s32 @!p0 $0x88, s6;
	s7 =	simm.s32 @p2 $0x1082  }
0x22: {  	[simem:s7], [sflag:s8] =	dma.local @!p0 [hbm:s6], $0xF7A  }
0x23: {  	s9 =	sor.u32 $0xD0000000, s2;
	s6 =	simm.s32 $0x108;
	_ =	swait.ge @!p0 [sflag:s8], $0x0  }
0x24: {  	s3 =	sadd.s32 $0x88, s3;
	s6 =	simm.s32 @!p1 $0x1082;
	[sflag:s4] =	ssyncset.s32 $0xFFFFF086  }
0x25: {  	[simem:s6], [sflag:s4] =	dma.local [hbm:s3], $0xF7A  }
0x26: {  	[smem:$0x3F9D] =	sst s1;
	(tag) =	ssettag s2;
	_ =	strace s9  }
0x27: {  	s1 =	sld [smem:$0x3FAD]  }
0x28: {  	s2 =	sld [smem:$0x3FAE]  }
0x29: {  	s4 =	sld [smem:$0x3FB0]  }
0x2a: {  	p0 =	seq.s32 s5, $0x0;
	s5 =	sld [smem:$0x3FB1]  }
0x2b: {  	s6 =	sld [smem:$0x3FB2]  }
0x2c: {  	s7 =	sld [smem:$0x3FB3]  }
0x2d: {  	s3 =	simm.s32 $0x108;
	s8 =	sld [smem:$0x3FB4]  }
0x2e: {  	s3 =	simm.s32 @!p0 $0x1082;
	s9 =	sld [smem:$0x3FB5]  }
0x2f: {  	lr =	sadd.s32 s0, s3;
	s0 =	sld [smem:$0x3FAC]  }
0x30: {  	s3 =	sld [smem:$0x3FAF]  }
0x31: {  	[smem:$0x3FB8] =	sst s10  }
0x32: {  	s10 =	sld [smem:$0x3FB6];
	_ =	sdelay $0x3  }
0x33: {  	p0 =	seq.s32 s10, $0x1;
	s10 =	sld [smem:$0x3FB8];
	_ =	sdelay $0x3  }
0x34: {  	[smem:$0x3FB8] =	sst s10  }
0x35: {  	s10 =	sld [smem:$0x3FB7];
	_ =	sdelay $0x3  }
0x36: {  	p1 =	seq.s32 s10, $0x1;
	s10 =	sld [smem:$0x3FB8];
	_ =	sdelay $0x3  }
0x37: {  	[smem:$0x3FB8] =	sst s10  }
0x38: {  	s10 =	sld [smem:$0x3FB9]  }
0x39: {  	_ = 	snop;
	(pc) =	sbr.ind lr, $3  }
0x3a: {  	_ = 	snop  }
0x3b: {  	_ = 	snop  }
0x3c: {  	p2 =	seq.s32 s10, $0x1;
	s10 =	sld [smem:$0x3FB8]  }
0x3d: {  	_ =	shalt  }
0x3e: {  	_ =	shalt  }
0x3f: {  	_ =	shalt  }
0x40: {  	_ =	shalt  }
0x41: {  	_ =	shalt  }
0x42: {  	_ =	shalt  }
0x43: {  	_ =	shalt  }
0x44: {  	_ =	shalt  }
0x45: {  	_ =	shalt  }
0x46: {  	_ =	shalt  }
0x47: {  	_ =	shalt  }
0x48: {  	_ =	shalt  }
0x49: {  	_ =	shalt  }
0x4a: {  	_ =	shalt  }
0x4b: {  	_ =	shalt  }
0x4c: {  	_ =	shalt  }
0x4d: {  	_ =	shalt  }
0x4e: {  	_ =	shalt  }
0x4f: {  	_ =	shalt  }
0x50: {  	_ =	shalt  }
0x51: {  	_ =	shalt  }
0x52: {  	_ =	shalt  }
0x53: {  	_ =	shalt  }
0x54: {  	_ =	shalt  }
0x55: {  	_ =	shalt  }
0x56: {  	_ =	shalt  }
0x57: {  	_ =	shalt  }
0x58: {  	_ =	shalt  }
0x59: {  	_ =	shalt  }
0x5a: {  	_ =	shalt  }
0x5b: {  	_ =	shalt  }
0x5c: {  	_ =	shalt  }
0x5d: {  	_ =	shalt  }
0x5e: {  	_ =	shalt  }
0x5f: {  	_ =	shalt  }
0x60: {  	_ =	shalt  }
0x61: {  	_ =	shalt  }
0x62: {  	_ =	shalt  }
0x63: {  	_ =	shalt  }
0x64: {  	_ =	shalt  }
0x65: {  	_ =	shalt  }
0x66: {  	_ =	shalt  }
0x67: {  	_ =	shalt  }
0x68: {  	_ =	shalt  }
0x69: {  	_ =	shalt  }
0x6a: {  	_ =	shalt  }
0x6b: {  	_ =	shalt  }
0x6c: {  	_ =	shalt  }
0x6d: {  	_ =	shalt  }
0x6e: {  	_ =	shalt  }
0x6f: {  	_ =	shalt  }
0x70: {  	_ =	shalt  }
0x71: {  	_ =	shalt  }
0x72: {  	_ =	shalt  }
0x73: {  	_ =	shalt  }
0x74: {  	_ =	shalt  }
0x75: {  	_ =	shalt  }
0x76: {  	_ =	shalt  }
0x77: {  	_ =	shalt  }
0x78: {  	_ =	shalt  }
0x79: {  	_ =	shalt  }
0x7a: {  	_ =	shalt  }
0x7b: {  	_ =	shalt  }
0x7c: {  	_ =	shalt  }
0x7d: {  	_ =	shalt  }
0x7e: {  	_ =	shalt  }
0x7f: {  	_ =	shalt  }
0x80: {  	_ =	shalt  }
0x81: {  	_ =	shalt  }
0x82: {  	_ =	shalt  }
0x83: {  	_ =	shalt  }
0x84: {  	_ =	shalt  }
0x85: {  	_ =	shalt  }
0x86: {  	_ =	shalt  }
0x87: {  	_ =	shalt  }
.Lfunc_end0:
.L_simem_size_0:
called_computation_lowered:
.L_overlay_start_0:
0x88: {  	s2 =	sld [smem:$0x3FD9]  }
0x89: {  	s3 =	sld [smem:$0x3FFE];
	_ =	sdelay $0x1  }
0x8a: {  	s1 =	srdreg.scid  }
0x8b: {  	s0 =	sand.u32 $0x1, s1  }
0x8c: {  	s17 =	sshll.u32 s0, $0xA;
	s2 =	sadd.s32 s3, s2  }
0x8d: {  	s2 =	sadd.s32 s2, s17  }
0x8e: {  	[smem:$0x3FC4] =	sst s2  }
0x8f: {  	_ = 	snop  }
0x90: {  	s2 =	sld [smem:$0x3FD0];
	(tm) =	ssettm $0x1  }
0x91: {  	s18 =	sld [smem:$0x3FFB];
	_ =	sdelay $0x3  }
0x92: {  	_ =	strace s18  }
0x93: {  	s3 =	sld [smem:$0x3FFC];
	_ =	sdelay $0x3  }
0x94: {  	_ =	strace s3  }
0x95: {  	s3 =	sld [smem:$0x3FFD];
	_ =	sdelay $0x3  }
0x96: {  	_ =	strace s3  }
0x97: {  	_ =	strace $0x8FFFFFFF  }
0x98: {  	s19 =	sld [smem:$0x3FDB];
	_ =	sdelay $0x1  }
0x99: {  	s4 =	simm.s32 $_scs_section_size  }
0x9a: {  	s5 =	simm.s32 $_size__tile_overlayer_lowered;
	s6 =	simm.s32 $_tile_overlayer_lowered  }
0x9b: {  	s22 =	simm.s32 $0x1BFF;
	s21 =	sshll.u32 s6, $0x1;
	s3 =	sadd.s32 s4, s19  }
0x9c: {  	s7 =	simm.s32 $0x0;
	s20 =	sshll.u32 s5, $0x1;
	s5 =	sadd.s32 s21, s3  }
0x9d: {  	[timem:s7], [sflag:s22] =	dma.local [hbm:s5], s20  }
0x9e: {  	_ =	swait.ge [sflag:s22], s20  }
0x9f: {  	s4 =	ssub.s32 $0x0, s20;
	[sflag:s22] =	ssyncset.done $0x0  }
0xa0: {  	[sflag:s22] =	ssyncadd.s32 s4;
	_ =	sdelay $0x1  }
0xa1: {  	s23 =	simm.s32 $0x1B8B  }
0xa2: {  	_ =	swait.ge [sflag:s23], $0x1  }
0xa3: {  	[sflag:s23] =	ssyncset.done $0x0  }
0xa4: {  	s25 =	simm.s32 $0x1B8E;
	s24 =	sld [smem:$0x3FFE];
	[sflag:s23] =	ssyncadd.s32 $0xFFFFFFFF  }
0xa5: {  	s26 =	simm.s32 $execute0_lowered;
	[smem:$0x3FD2] =	sst s25  }
0xa6: {  	s5 =	sshll.u32 s26, $0x1;
	_ =	strace $0x80000046;
	[dreg:$0x1] =	wrdreg $0xFFFFFFFF  }
0xa7: {  	s28 =	simm.s32 $_size_execute0_lowered;
	s3 =	sadd.s32 s3, s5;
	[dreg:$0x0] =	wrdreg $0x0  }
0xa8: {  	s5 =	sshll.u32 s28, $0x1;
	[dreg:$0x2] =	wrdreg s3  }
0xa9: {  	[dreg:$0x3] =	wrdreg s5  }
0xaa: {  	[dreg:$0x4] =	wrdreg $0xC0  }
0xab: {  	_ =	task [dreg:s7], $0x5FFFF  }
0xac: {  	[dreg:$0x1] =	wrdreg $0xFFFFFFFF  }
0xad: {  	[dreg:$0x0] =	wrdreg $0x60  }
0xae: {  	[dreg:$0x2] =	wrdreg s24  }
0xaf: {  	[dreg:$0x3] =	wrdreg s2  }
0xb0: {  	[dreg:$0x4] =	wrdreg $0x0  }
0xb1: {  	[dreg:$0x5] =	wrdreg $0x9  }
0xb2: {  	_ =	task.clear_ibuf [dreg:s7], $0x6FFFF;
	_ =	strace $0x90000046  }
0xb3: {  	s29 =	simm.s32 $0x9;
	_ =	strace $0x80000048  }
0xb4: {  	_ =	swait.ge [sflag:s29], $0x1  }
0xb5: {  	[sflag:s29] =	ssyncadd.s32 $0xFFFFFFFF  }
0xb6: {  	_ =	strace $0x90000048  }
0xb7: {  	_ =	sfence  }
0xb8: {  	s30 =	sld [smem:$0x0];
	_ =	sdelay $0x2  }
0xb9: {  	s31 =	sshll.u32 s1, $0xD;
	s1 =	sshrl.u32 s1, $0x2  }
0xba: {  	s3 =	sand.u32 $0x4000, s31;
	s1 =	sadd.s32 s1, s30  }
0xbb: {  	s0 =	sor.u32 s3, s0;
	s1 =	sshll.u32 s1, $0x11  }
0xbc: {  	s0 =	sor.u32 s1, s0  }
0xbd: {  	s0 =	sadd.s32 $0x8F2B, s0  }
0xbe: {  	[sflag:s0] =	ssyncadd.remote.s32 $0x1  }
0xbf: {  	_ =	sfence.sel $0xFFFF  }
0xc0: {  	[dreg:$0x0] =	wrdreg $0xFFFFFFFF;
	(pc) =	sbr.abs _section_cstart, $3  }
0xc1: {  	[dreg:$0x1] =	wrdreg $0xFFFFFFFF  }
0xc2: {  	_ =	task.clear_ibuf [dreg:s7], $0x2FFFF;
	_ =	strace $0x9FFFFFFF  }
0xc3: {  	(tm) =	ssettm $0x7FFFFFFF  }
tec
execute0_lowered:
.L_overlay_start_1:
0x0: {  	(tag) =	ssettag $0x1  }
0x1: {  	s1 =	rddreg [dreg:$0x0]  }
0x2: {  	s0 =	rddreg [dreg:$0x1]  }
0x3: {  	s2 =	rddreg [dreg:$0x2]  }
0x4: {  	s4 =	srdreg.scid;
	s10 =	stileid.u32  }
0x5: {  	s3 =	simm.s32 $0x0;
	s28 =	simm.s32 $0x580;
	s29 =	simm.s32 $0x600  }
0x6: {  	s30 =	simm.s32 $0x1;
	s31 =	simm.s32 $0x80;
	s5 =	smul.u32 $0xA00, s10  }
0x7: {  	s4 =	sand.u32 $0x1, s4;
	[smem:$0x7FF] =	sst s3;
	s8 =	smul.u32 $0x2800, s10  }
0x8: {  	s1 =	sadd.s32 $0xE00, s1;
	s6 =	smul.u32 $0x28000, s4;
	s7 =	ssub.s32 $0x2, s4  }
0x9: {  	_ =	strace $0x80000047;
	s9 =	sshrl.u32 s7, $0x1;
	s5 =	sshrl.u32 s5, $0x2  }
0xa: {  	s4 =	sshll.u32 s4, $0x7;
	s7 =	ssub.s32 s7, s9;
	s15 =	sadd.s32 s5, s2  }
0xb: {  	s5 =	sadd.s32 s8, s6;
	s16 =	sadd.s32 $0x80, s15;
	[dreg:$0xc] =	wrdreg s15  }
0xc: {  	s9 =	smul.u32 $0x500, s10;
	s17 =	sadd.s32 $0x100, s15;
	[dreg:$0xd] =	wrdreg s16  }
0xd: {  	s18 =	sshrl.u32 s5, $0x3;
	s19 =	sadd.s32 $0x180, s15;
	[dreg:$0xe] =	wrdreg s17  }
0xe: {  	s20 =	sadd.s32 $0x200, s15;
	s10 =	sor.u32 $0x780, s5;
	[dreg:$0xf] =	wrdreg s19  }
0xf: {  	s11 =	sor.u32 $0x700, s5;
	s15 =	sor.u32 $0x680, s5;
	[dreg:$0x10] =	wrdreg s20  }
0x10: {  	s6 =	sadd.s32 s1, s18;
	s8 =	sshrl.u32 s10, $0x3;
	s4 =	sor.u32 s4, s9  }
0x11: {  	s13 =	sshrl.u32 s11, $0x3;
	s16 =	sshrl.u32 s15, $0x3;
	s17 =	sor.u32 $0x600, s5  }
0x12: {  	s18 =	sor.u32 $0x580, s5;
	s21 =	sadd.s32 $0x10, s6;
	[dreg:$0x11] =	wrdreg s6  }
0x13: {  	s10 =	simm.s32 $0x7;
	s22 =	sadd.s32 $0x20, s6;
	[dreg:$0x12] =	wrdreg s21  }
0x14: {  	s11 =	simm.s32 $0x8;
	s23 =	sadd.s32 $0x30, s6;
	[dreg:$0x13] =	wrdreg s22  }
0x15: {  	s15 =	simm.s32 $0xC;
	s24 =	sadd.s32 $0x40, s6;
	[dreg:$0x14] =	wrdreg s23  }
0x16: {  	s9 =	simm.s32 $0x10;
	s25 =	sadd.s32 $0x50, s6;
	[dreg:$0x15] =	wrdreg s24  }
0x17: {  	s26 =	sadd.s32 $0x60, s6;
	s6 =	sadd.s32 $0x70, s6;
	[dreg:$0x16] =	wrdreg s25  }
0x18: {  	s12 =	sadd.s32 s8, s1;
	s14 =	sadd.s32 s13, s1;
	[dreg:$0x17] =	wrdreg s26  }
0x19: {  	s8 =	sshrl.u32 s17, $0x3;
	s20 =	sshrl.u32 s18, $0x3;
	[dreg:$0x18] =	wrdreg s6  }
0x1a: {  	s4 =	sshrl.u32 s4, $0x3;
	s13 =	simm.s32 $0xA;
	[dreg:$0x4] =	wrdreg s12  }
0x1b: {  	s17 =	simm.s32 $0xE;
	s18 =	simm.s32 $0xF;
	[dreg:$0x5] =	wrdreg s14  }
0x1c: {  	s6 =	sadd.s32 s16, s1;
	s19 =	sadd.s32 s8, s1;
	s21 =	sadd.s32 s20, s1  }
0x1d: {  	s22 =	sor.u32 $0x500, s5;
	s24 =	sor.u32 $0x480, s5;
	s5 =	sor.u32 $0x400, s5  }
0x1e: {  	s0 =	sadd.s32 s0, s4;
	s26 =	smax.u32 s7, $0x1;
	[dreg:$0x6] =	wrdreg s6  }
0x1f: {  	s20 =	simm.s32 $0x11;
	s7 =	simm.s32 $0x5;
	[dreg:$0x7] =	wrdreg s19  }
0x20: {  	s12 =	simm.s32 $0x9;
	s14 =	simm.s32 $0xB;
	[dreg:$0x8] =	wrdreg s21  }
0x21: {  	s16 =	simm.s32 $0xD;
	s23 =	sshrl.u32 s22, $0x3;
	[dreg:$0x19] =	wrdreg s0  }
0x22: {  	s8 =	sshrl.u32 s24, $0x3;
	s5 =	sshrl.u32 s5, $0x3;
	[dreg:$0x1a] =	wrdreg s26  }
0x23: {  	s21 =	simm.s32 $0x280;
	s22 =	simm.s32 $0x300;
	s24 =	simm.s32 $0x400  }
0x24: {  	s26 =	simm.s32 $0x500;
	s0 =	simm.s32 $0x680;
	s6 =	sadd.s32 s23, s1  }
0x25: {  	s19 =	simm.s32 $0x0;
	s25 =	sadd.s32 s8, s1;
	[dreg:$0x9] =	wrdreg s6  }
0x26: {  	s1 =	sadd.s32 s5, s1;
	s23 =	simm.s32 $0x380;
	[dreg:$0xa] =	wrdreg s25  }
0x27: {  	s5 =	simm.s32 $0x3;
	s8 =	simm.s32 $0x6;
	[dreg:$0xb] =	wrdreg s1  }
0x28: {  	v0 =	vimm.f32 $1.000000000e+00;
	v1 =	vimm.f32 $0.0e+00;
	s25 =	simm.s32 $0x480;
	s1 =	simm.s32 $0x2;
	s6 =	simm.s32 $0x4  }
.LBB2_1:
0x29: {  	[tilespmem:$0x680] =	vst v0  }
0x2a: {  	[tilespmem:$0x700] =	vst v1  }
0x2b: {  	[tilespmem:$0x690] =	vst v0  }
0x2c: {  	[tilespmem:$0x710] =	vst v1  }
0x2d: {  	[tilespmem:$0x6A0] =	vst v0  }
0x2e: {  	[tilespmem:$0x720] =	vst v1  }
0x2f: {  	[tilespmem:$0x6B0] =	vst v0  }
0x30: {  	[tilespmem:$0x730] =	vst v1  }
0x31: {  	[tilespmem:$0x6C0] =	vst v0  }
0x32: {  	[tilespmem:$0x740] =	vst v1  }
0x33: {  	[tilespmem:$0x6D0] =	vst v0  }
0x34: {  	[tilespmem:$0x750] =	vst v1  }
0x35: {  	[tilespmem:$0x6E0] =	vst v0  }
0x36: {  	[tilespmem:$0x760] =	vst v1  }
0x37: {  	[dreg:$0x1b] =	wrdreg s19;
	[tilespmem:$0x6F0] =	vst v0  }
0x38: {  	[tilespmem:$0x770] =	vst v1;
	s4 =	rddreg [dreg:$0xc];
	s19 =	simm.s32 $0x700  }
0x39: {  	[spmem:s4] =	stream.linear.scatter [tilespmem:s19], [sflag:$0x11], $0x80, $0x38;
	[tilespmem:$0x780] =	vst v63  }
0x3a: {  	_ =	swait.ge [sflag:s20], $0x80  }
0x3b: {  	[sflag:s20] =	ssyncset.done $0x0  }
0x3c: {  	s4 =	rddreg [dreg:$0xd];
	[sflag:s20] =	ssyncadd.s32 $0xFFFFFF80  }
0x3d: {  	[spmem:s4] =	stream.linear.scatter [tilespmem:s19], [sflag:$0x11], $0x80, $0x38;
	[tilespmem:$0x780] =	vst v63  }
0x3e: {  	_ =	swait.ge [sflag:s20], $0x80  }
0x3f: {  	[sflag:s20] =	ssyncset.done $0x0  }
0x40: {  	s4 =	rddreg [dreg:$0xe];
	[sflag:s20] =	ssyncadd.s32 $0xFFFFFF80  }
0x41: {  	[spmem:s4] =	stream.linear.scatter [tilespmem:s19], [sflag:$0x11], $0x80, $0x38;
	[tilespmem:$0x780] =	vst v63  }
0x42: {  	_ =	swait.ge [sflag:s20], $0x80  }
0x43: {  	[sflag:s20] =	ssyncset.done $0x0  }
0x44: {  	s4 =	rddreg [dreg:$0xf];
	[sflag:s20] =	ssyncadd.s32 $0xFFFFFF80  }
0x45: {  	[spmem:s4] =	stream.linear.scatter [tilespmem:s19], [sflag:$0x11], $0x80, $0x38;
	[tilespmem:$0x780] =	vst v63  }
0x46: {  	_ =	swait.ge [sflag:s20], $0x80  }
0x47: {  	[sflag:s20] =	ssyncset.done $0x0  }
0x48: {  	s4 =	rddreg [dreg:$0x10];
	[sflag:s20] =	ssyncadd.s32 $0xFFFFFF80  }
0x49: {  	[spmem:s4] =	stream.linear.scatter [tilespmem:s19], [sflag:$0x11], $0x80, $0x38;
	[tilespmem:$0x780] =	vst v63  }
0x4a: {  	_ =	swait.ge [sflag:s20], $0x80  }
0x4b: {  	[sflag:s20] =	ssyncset.done $0x0  }
0x4c: {  	[sflag:s20] =	ssyncadd.s32 $0xFFFFFF80  }
0x4d: {  	[bflag:$0x0] =	sbarrier.arrive $0xFFFF  }
0x4e: {  	s19 =	rddreg [dreg:$0x11]  }
0x4f: {  	[tilespmem:s21], [sflag:$0x1] =	stream.linear.gather [hbm4b:s19+s3], $0x80, $0x38;
	[tilespmem:$0x780] =	vst v63  }
0x50: {  	s20 =	rddreg [dreg:$0x12]  }
0x51: {  	[tilespmem:s22], [sflag:$0x2] =	stream.linear.gather [hbm4b:s20+s3], $0x80, $0x38;
	[tilespmem:$0x780] =	vst v63  }
0x52: {  	s19 =	rddreg [dreg:$0x13]  }
0x53: {  	[tilespmem:s23], [sflag:$0x3] =	stream.linear.gather [hbm4b:s19+s3], $0x80, $0x38;
	[tilespmem:$0x780] =	vst v63  }
0x54: {  	s20 =	rddreg [dreg:$0x14]  }
0x55: {  	[tilespmem:s24], [sflag:$0x4] =	stream.linear.gather [hbm4b:s20+s3], $0x80, $0x38;
	[tilespmem:$0x780] =	vst v63  }
0x56: {  	s19 =	rddreg [dreg:$0x15]  }
0x57: {  	[tilespmem:s25], [sflag:$0x5] =	stream.linear.gather [hbm4b:s19+s3], $0x80, $0x38;
	[tilespmem:$0x780] =	vst v63  }
0x58: {  	s20 =	rddreg [dreg:$0x16]  }
0x59: {  	[tilespmem:s26], [sflag:$0x6] =	stream.linear.gather [hbm4b:s20+s3], $0x80, $0x38;
	[tilespmem:$0x780] =	vst v63  }
0x5a: {  	s19 =	rddreg [dreg:$0x17]  }
0x5b: {  	[tilespmem:s28], [sflag:$0x7] =	stream.linear.gather [hbm4b:s19+s3], $0x80, $0x38;
	[tilespmem:$0x780] =	vst v63  }
0x5c: {  	s20 =	rddreg [dreg:$0x18]  }
0x5d: {  	[tilespmem:s29], [sflag:$0x8] =	stream.linear.gather [hbm4b:s20+s3], $0x80, $0x38;
	[tilespmem:$0x780] =	vst v63  }
0x5e: {  	_ =	swait.ge [sflag:s30], $0x80  }
0x5f: {  	[sflag:s30] =	ssyncset.done $0x0  }
0x60: {  	[sflag:s30] =	ssyncadd.s32 $0xFFFFFF80  }
0x61: {  	[spmem:s2] =	stream.indirect.scatter.add.f32 [tilespmem:s0], [sflag:$0x9], $0x1, s21, s31, $0xb8;
	[tilespmem:$0x780] =	vst v63  }
0x62: {  	_ =	swait.ge [sflag:s1], $0x80  }
0x63: {  	[sflag:s1] =	ssyncset.done $0x0  }
0x64: {  	[sflag:s1] =	ssyncadd.s32 $0xFFFFFF80  }
0x65: {  	[spmem:s2] =	stream.indirect.scatter.add.f32 [tilespmem:s0], [sflag:$0xA], $0x1, s22, s31, $0xb8;
	[tilespmem:$0x780] =	vst v63  }
0x66: {  	_ =	swait.ge [sflag:s5], $0x80  }
0x67: {  	[sflag:s5] =	ssyncset.done $0x0  }
0x68: {  	[sflag:s5] =	ssyncadd.s32 $0xFFFFFF80  }
0x69: {  	[spmem:s2] =	stream.indirect.scatter.add.f32 [tilespmem:s0], [sflag:$0xB], $0x1, s23, s31, $0xb8;
	[tilespmem:$0x780] =	vst v63  }
0x6a: {  	_ =	swait.ge [sflag:s6], $0x80  }
0x6b: {  	[sflag:s6] =	ssyncset.done $0x0  }
0x6c: {  	[sflag:s6] =	ssyncadd.s32 $0xFFFFFF80  }
0x6d: {  	[spmem:s2] =	stream.indirect.scatter.add.f32 [tilespmem:s0], [sflag:$0xC], $0x1, s24, s31, $0xb8;
	[tilespmem:$0x780] =	vst v63  }
0x6e: {  	_ =	swait.ge [sflag:s7], $0x80  }
0x6f: {  	[sflag:s7] =	ssyncset.done $0x0  }
0x70: {  	[sflag:s7] =	ssyncadd.s32 $0xFFFFFF80  }
0x71: {  	[spmem:s2] =	stream.indirect.scatter.add.f32 [tilespmem:s0], [sflag:$0xD], $0x1, s25, s31, $0xb8;
	[tilespmem:$0x780] =	vst v63  }
0x72: {  	_ =	swait.ge [sflag:s8], $0x80  }
0x73: {  	[sflag:s8] =	ssyncset.done $0x0  }
0x74: {  	[sflag:s8] =	ssyncadd.s32 $0xFFFFFF80  }
0x75: {  	[spmem:s2] =	stream.indirect.scatter.add.f32 [tilespmem:s0], [sflag:$0xE], $0x1, s26, s31, $0xb8;
	[tilespmem:$0x780] =	vst v63  }
0x76: {  	_ =	swait.ge [sflag:s10], $0x80  }
0x77: {  	[sflag:s10] =	ssyncset.done $0x0  }
0x78: {  	[sflag:s10] =	ssyncadd.s32 $0xFFFFFF80  }
0x79: {  	[spmem:s2] =	stream.indirect.scatter.add.f32 [tilespmem:s0], [sflag:$0xF], $0x1, s28, s31, $0xb8;
	[tilespmem:$0x780] =	vst v63  }
0x7a: {  	_ =	swait.ge [sflag:s11], $0x80  }
0x7b: {  	[sflag:s11] =	ssyncset.done $0x0  }
0x7c: {  	[sflag:s11] =	ssyncadd.s32 $0xFFFFFF80  }
0x7d: {  	[spmem:s2] =	stream.indirect.scatter.add.f32 [tilespmem:s0], [sflag:$0x10], $0x1, s29, s31, $0xb8;
	[tilespmem:$0x780] =	vst v63  }
0x7e: {  	_ =	swait.ge [sflag:s12], $0x80  }
0x7f: {  	s19 =	rddreg [dreg:$0xb];
	[sflag:s12] =	ssyncset.done $0x0  }
0x80: {  	[sflag:s12] =	ssyncadd.s32 $0xFFFFFF80;
	s4 =	sadd.s32 $0x0, s19  }
0x81: {  	[tilespmem:s21], [sflag:$0x1] =	stream.linear.gather [hbm4b:s4+s3], $0x80, $0x38;
	[tilespmem:$0x780] =	vst v63  }
0x82: {  	_ =	swait.ge [sflag:s13], $0x80  }
0x83: {  	s20 =	rddreg [dreg:$0xa];
	[sflag:s13] =	ssyncset.done $0x0  }
0x84: {  	[sflag:s13] =	ssyncadd.s32 $0xFFFFFF80;
	s4 =	sadd.s32 $0x0, s20  }
0x85: {  	[tilespmem:s22], [sflag:$0x2] =	stream.linear.gather [hbm4b:s4+s3], $0x80, $0x38;
	[tilespmem:$0x780] =	vst v63  }
0x86: {  	_ =	swait.ge [sflag:s14], $0x80  }
0x87: {  	s19 =	rddreg [dreg:$0x9];
	[sflag:s14] =	ssyncset.done $0x0  }
0x88: {  	[sflag:s14] =	ssyncadd.s32 $0xFFFFFF80;
	s4 =	sadd.s32 $0x0, s19  }
0x89: {  	[tilespmem:s23], [sflag:$0x3] =	stream.linear.gather [hbm4b:s4+s3], $0x80, $0x38;
	[tilespmem:$0x780] =	vst v63  }
0x8a: {  	_ =	swait.ge [sflag:s15], $0x80  }
0x8b: {  	s20 =	rddreg [dreg:$0x8];
	[sflag:s15] =	ssyncset.done $0x0  }
0x8c: {  	[sflag:s15] =	ssyncadd.s32 $0xFFFFFF80;
	s4 =	sadd.s32 $0x0, s20  }
0x8d: {  	[tilespmem:s24], [sflag:$0x4] =	stream.linear.gather [hbm4b:s4+s3], $0x80, $0x38;
	[tilespmem:$0x780] =	vst v63  }
0x8e: {  	_ =	swait.ge [sflag:s16], $0x80  }
0x8f: {  	s19 =	rddreg [dreg:$0x7];
	[sflag:s16] =	ssyncset.done $0x0  }
0x90: {  	[sflag:s16] =	ssyncadd.s32 $0xFFFFFF80;
	s4 =	sadd.s32 $0x0, s19  }
0x91: {  	[tilespmem:s25], [sflag:$0x5] =	stream.linear.gather [hbm4b:s4+s3], $0x80, $0x38;
	[tilespmem:$0x780] =	vst v63  }
0x92: {  	_ =	swait.ge [sflag:s17], $0x80  }
0x93: {  	s20 =	rddreg [dreg:$0x6];
	[sflag:s17] =	ssyncset.done $0x0  }
0x94: {  	[sflag:s17] =	ssyncadd.s32 $0xFFFFFF80;
	s4 =	sadd.s32 $0x0, s20  }
0x95: {  	[tilespmem:s26], [sflag:$0x6] =	stream.linear.gather [hbm4b:s4+s3], $0x80, $0x38;
	[tilespmem:$0x780] =	vst v63  }
0x96: {  	_ =	swait.ge [sflag:s18], $0x80  }
0x97: {  	s19 =	rddreg [dreg:$0x5];
	[sflag:s18] =	ssyncset.done $0x0  }
0x98: {  	[sflag:s18] =	ssyncadd.s32 $0xFFFFFF80;
	s4 =	sadd.s32 $0x0, s19  }
0x99: {  	[tilespmem:s28], [sflag:$0x7] =	stream.linear.gather [hbm4b:s4+s3], $0x80, $0x38;
	[tilespmem:$0x780] =	vst v63  }
0x9a: {  	_ =	swait.ge [sflag:s9], $0x80  }
0x9b: {  	s20 =	rddreg [dreg:$0x4];
	[sflag:s9] =	ssyncset.done $0x0  }
0x9c: {  	s19 =	simm.s32 $0x80;
	[sflag:s9] =	ssyncadd.s32 $0xFFFFFF80;
	s4 =	sadd.s32 $0x0, s20  }
.LBB2_2:
0x9d: {  	[tilespmem:s29], [sflag:$0x8] =	stream.linear.gather [hbm4b:s4+s3], $0x80, $0x38;
	[tilespmem:$0x780] =	vst v63  }
0x9e: {  	_ =	swait.ge [sflag:s30], $0x80  }
0x9f: {  	[sflag:s30] =	ssyncset.done $0x0  }
0xa0: {  	[sflag:s30] =	ssyncadd.s32 $0xFFFFFF80  }
0xa1: {  	[spmem:s2] =	stream.indirect.scatter.add.f32 [tilespmem:s0], [sflag:$0x9], $0x1, s21, s31, $0xb8;
	[tilespmem:$0x780] =	vst v63  }
0xa2: {  	_ =	swait.ge [sflag:s1], $0x80  }
0xa3: {  	[sflag:s1] =	ssyncset.done $0x0  }
0xa4: {  	[sflag:s1] =	ssyncadd.s32 $0xFFFFFF80  }
0xa5: {  	[spmem:s2] =	stream.indirect.scatter.add.f32 [tilespmem:s0], [sflag:$0xA], $0x1, s22, s31, $0xb8;
	[tilespmem:$0x780] =	vst v63  }
0xa6: {  	_ =	swait.ge [sflag:s5], $0x80  }
0xa7: {  	[sflag:s5] =	ssyncset.done $0x0  }
0xa8: {  	[sflag:s5] =	ssyncadd.s32 $0xFFFFFF80  }
0xa9: {  	[spmem:s2] =	stream.indirect.scatter.add.f32 [tilespmem:s0], [sflag:$0xB], $0x1, s23, s31, $0xb8;
	[tilespmem:$0x780] =	vst v63  }
0xaa: {  	_ =	swait.ge [sflag:s6], $0x80  }
0xab: {  	[sflag:s6] =	ssyncset.done $0x0  }
0xac: {  	[sflag:s6] =	ssyncadd.s32 $0xFFFFFF80  }
0xad: {  	[spmem:s2] =	stream.indirect.scatter.add.f32 [tilespmem:s0], [sflag:$0xC], $0x1, s24, s31, $0xb8;
	[tilespmem:$0x780] =	vst v63  }
0xae: {  	_ =	swait.ge [sflag:s7], $0x80  }
0xaf: {  	[sflag:s7] =	ssyncset.done $0x0  }
0xb0: {  	[sflag:s7] =	ssyncadd.s32 $0xFFFFFF80  }
0xb1: {  	[spmem:s2] =	stream.indirect.scatter.add.f32 [tilespmem:s0], [sflag:$0xD], $0x1, s25, s31, $0xb8;
	[tilespmem:$0x780] =	vst v63  }
0xb2: {  	_ =	swait.ge [sflag:s8], $0x80  }
0xb3: {  	[sflag:s8] =	ssyncset.done $0x0  }
0xb4: {  	[sflag:s8] =	ssyncadd.s32 $0xFFFFFF80  }
0xb5: {  	[spmem:s2] =	stream.indirect.scatter.add.f32 [tilespmem:s0], [sflag:$0xE], $0x1, s26, s31, $0xb8;
	[tilespmem:$0x780] =	vst v63  }
0xb6: {  	_ =	swait.ge [sflag:s10], $0x80  }
0xb7: {  	[sflag:s10] =	ssyncset.done $0x0  }
0xb8: {  	[sflag:s10] =	ssyncadd.s32 $0xFFFFFF80  }
0xb9: {  	[spmem:s2] =	stream.indirect.scatter.add.f32 [tilespmem:s0], [sflag:$0xF], $0x1, s28, s31, $0xb8;
	[tilespmem:$0x780] =	vst v63  }
0xba: {  	_ =	swait.ge [sflag:s11], $0x80  }
0xbb: {  	[sflag:s11] =	ssyncset.done $0x0  }
0xbc: {  	[sflag:s11] =	ssyncadd.s32 $0xFFFFFF80  }
0xbd: {  	[spmem:s2] =	stream.indirect.scatter.add.f32 [tilespmem:s0], [sflag:$0x10], $0x1, s29, s31, $0xb8;
	[tilespmem:$0x780] =	vst v63  }
0xbe: {  	_ =	swait.ge [sflag:s12], $0x80  }
0xbf: {  	s4 =	smov.u32 s19;
	s20 =	rddreg [dreg:$0xb];
	[sflag:s12] =	ssyncset.done $0x0  }
0xc0: {  	[sflag:s12] =	ssyncadd.s32 $0xFFFFFF80;
	s20 =	sadd.s32 s4, s20  }
0xc1: {  	[tilespmem:s21], [sflag:$0x1] =	stream.linear.gather [hbm4b:s20+s3], $0x80, $0x38;
	[tilespmem:$0x780] =	vst v63  }
0xc2: {  	_ =	swait.ge [sflag:s13], $0x80  }
0xc3: {  	s20 =	rddreg [dreg:$0xa];
	[sflag:s13] =	ssyncset.done $0x0  }
0xc4: {  	[sflag:s13] =	ssyncadd.s32 $0xFFFFFF80;
	s20 =	sadd.s32 s4, s20  }
0xc5: {  	[tilespmem:s22], [sflag:$0x2] =	stream.linear.gather [hbm4b:s20+s3], $0x80, $0x38;
	[tilespmem:$0x780] =	vst v63  }
0xc6: {  	_ =	swait.ge [sflag:s14], $0x80  }
0xc7: {  	s20 =	rddreg [dreg:$0x9];
	[sflag:s14] =	ssyncset.done $0x0  }
0xc8: {  	[sflag:s14] =	ssyncadd.s32 $0xFFFFFF80;
	s20 =	sadd.s32 s4, s20  }
0xc9: {  	[tilespmem:s23], [sflag:$0x3] =	stream.linear.gather [hbm4b:s20+s3], $0x80, $0x38;
	[tilespmem:$0x780] =	vst v63  }
0xca: {  	_ =	swait.ge [sflag:s15], $0x80  }
0xcb: {  	s20 =	rddreg [dreg:$0x8];
	[sflag:s15] =	ssyncset.done $0x0  }
0xcc: {  	[sflag:s15] =	ssyncadd.s32 $0xFFFFFF80;
	s20 =	sadd.s32 s4, s20  }
0xcd: {  	[tilespmem:s24], [sflag:$0x4] =	stream.linear.gather [hbm4b:s20+s3], $0x80, $0x38;
	[tilespmem:$0x780] =	vst v63  }
0xce: {  	_ =	swait.ge [sflag:s16], $0x80  }
0xcf: {  	s20 =	rddreg [dreg:$0x7];
	[sflag:s16] =	ssyncset.done $0x0  }
0xd0: {  	[sflag:s16] =	ssyncadd.s32 $0xFFFFFF80;
	s20 =	sadd.s32 s4, s20  }
0xd1: {  	[tilespmem:s25], [sflag:$0x5] =	stream.linear.gather [hbm4b:s20+s3], $0x80, $0x38;
	[tilespmem:$0x780] =	vst v63  }
0xd2: {  	_ =	swait.ge [sflag:s17], $0x80  }
0xd3: {  	s20 =	rddreg [dreg:$0x6];
	[sflag:s17] =	ssyncset.done $0x0  }
0xd4: {  	[sflag:s17] =	ssyncadd.s32 $0xFFFFFF80;
	s20 =	sadd.s32 s4, s20  }
0xd5: {  	[tilespmem:s26], [sflag:$0x6] =	stream.linear.gather [hbm4b:s20+s3], $0x80, $0x38;
	[tilespmem:$0x780] =	vst v63  }
0xd6: {  	_ =	swait.ge [sflag:s18], $0x80  }
0xd7: {  	p0 =	sne.s32 s19, $0x400;
	s20 =	rddreg [dreg:$0x5];
	[sflag:s18] =	ssyncset.done $0x0  }
.Ltmp0:
0xd8: {  	[sflag:s18] =	ssyncadd.s32 $0xFFFFFF80;
	s20 =	sadd.s32 s4, s20;
	(pc) =	sbr.rel @p0 .LBB2_2-.Ltmp0, $4  }
0xd9: {  	[tilespmem:s28], [sflag:$0x7] =	stream.linear.gather [hbm4b:s20+s3], $0x80, $0x38;
	[tilespmem:$0x780] =	vst v63  }
0xda: {  	_ =	swait.ge [sflag:s9], $0x80  }
0xdb: {  	[sflag:s9] =	ssyncset.done $0x0;
	s20 =	rddreg [dreg:$0x4]  }
0xdc: {  	s19 =	sadd.s32 $0x80, s19;
	[sflag:s9] =	ssyncadd.s32 $0xFFFFFF80;
	s4 =	sadd.s32 s4, s20  }
0xdd: {  	[tilespmem:s29], [sflag:$0x8] =	stream.linear.gather [hbm4b:s4+s3], $0x80, $0x38;
	[tilespmem:$0x780] =	vst v63  }
0xde: {  	_ =	swait.ge [sflag:s30], $0x80  }
0xdf: {  	[sflag:s30] =	ssyncset.done $0x0  }
0xe0: {  	[sflag:s30] =	ssyncadd.s32 $0xFFFFFF80  }
0xe1: {  	[spmem:s2] =	stream.indirect.scatter.add.f32 [tilespmem:s0], [sflag:$0x9], $0x1, s21, s31, $0xb8;
	[tilespmem:$0x780] =	vst v63  }
0xe2: {  	_ =	swait.ge [sflag:s1], $0x80  }
0xe3: {  	[sflag:s1] =	ssyncset.done $0x0  }
0xe4: {  	[sflag:s1] =	ssyncadd.s32 $0xFFFFFF80  }
0xe5: {  	[spmem:s2] =	stream.indirect.scatter.add.f32 [tilespmem:s0], [sflag:$0xA], $0x1, s22, s31, $0xb8;
	[tilespmem:$0x780] =	vst v63  }
0xe6: {  	_ =	swait.ge [sflag:s5], $0x80  }
0xe7: {  	[sflag:s5] =	ssyncset.done $0x0  }
0xe8: {  	[sflag:s5] =	ssyncadd.s32 $0xFFFFFF80  }
0xe9: {  	[spmem:s2] =	stream.indirect.scatter.add.f32 [tilespmem:s0], [sflag:$0xB], $0x1, s23, s31, $0xb8;
	[tilespmem:$0x780] =	vst v63  }
0xea: {  	_ =	swait.ge [sflag:s6], $0x80  }
0xeb: {  	[sflag:s6] =	ssyncset.done $0x0  }
0xec: {  	[sflag:s6] =	ssyncadd.s32 $0xFFFFFF80  }
0xed: {  	[spmem:s2] =	stream.indirect.scatter.add.f32 [tilespmem:s0], [sflag:$0xC], $0x1, s24, s31, $0xb8;
	[tilespmem:$0x780] =	vst v63  }
0xee: {  	_ =	swait.ge [sflag:s7], $0x80  }
0xef: {  	[sflag:s7] =	ssyncset.done $0x0  }
0xf0: {  	[sflag:s7] =	ssyncadd.s32 $0xFFFFFF80  }
0xf1: {  	[spmem:s2] =	stream.indirect.scatter.add.f32 [tilespmem:s0], [sflag:$0xD], $0x1, s25, s31, $0xb8;
	[tilespmem:$0x780] =	vst v63  }
0xf2: {  	_ =	swait.ge [sflag:s8], $0x80  }
0xf3: {  	[sflag:s8] =	ssyncset.done $0x0  }
0xf4: {  	[sflag:s8] =	ssyncadd.s32 $0xFFFFFF80  }
0xf5: {  	[spmem:s2] =	stream.indirect.scatter.add.f32 [tilespmem:s0], [sflag:$0xE], $0x1, s26, s31, $0xb8;
	[tilespmem:$0x780] =	vst v63  }
0xf6: {  	_ =	swait.ge [sflag:s10], $0x80  }
0xf7: {  	[sflag:s10] =	ssyncset.done $0x0  }
0xf8: {  	[sflag:s10] =	ssyncadd.s32 $0xFFFFFF80  }
0xf9: {  	[spmem:s2] =	stream.indirect.scatter.add.f32 [tilespmem:s0], [sflag:$0xF], $0x1, s28, s31, $0xb8;
	[tilespmem:$0x780] =	vst v63  }
0xfa: {  	_ =	swait.ge [sflag:s11], $0x80  }
0xfb: {  	[sflag:s11] =	ssyncset.done $0x0  }
0xfc: {  	[sflag:s11] =	ssyncadd.s32 $0xFFFFFF80  }
0xfd: {  	[spmem:s2] =	stream.indirect.scatter.add.f32 [tilespmem:s0], [sflag:$0x10], $0x1, s29, s31, $0xb8;
	[tilespmem:$0x780] =	vst v63  }
0xfe: {  	_ =	swait.ge [sflag:s12], $0x80  }
0xff: {  	[sflag:s12] =	ssyncset.done $0x0  }
0x100: {  	[sflag:s12] =	ssyncadd.s32 $0xFFFFFF80  }
0x101: {  	_ =	swait.ge [sflag:s13], $0x80  }
0x102: {  	[sflag:s13] =	ssyncset.done $0x0  }
0x103: {  	[sflag:s13] =	ssyncadd.s32 $0xFFFFFF80  }
0x104: {  	_ =	swait.ge [sflag:s14], $0x80  }
0x105: {  	[sflag:s14] =	ssyncset.done $0x0  }
0x106: {  	[sflag:s14] =	ssyncadd.s32 $0xFFFFFF80  }
0x107: {  	_ =	swait.ge [sflag:s15], $0x80  }
0x108: {  	[sflag:s15] =	ssyncset.done $0x0  }
0x109: {  	[sflag:s15] =	ssyncadd.s32 $0xFFFFFF80  }
0x10a: {  	_ =	swait.ge [sflag:s16], $0x80  }
0x10b: {  	[sflag:s16] =	ssyncset.done $0x0  }
0x10c: {  	[sflag:s16] =	ssyncadd.s32 $0xFFFFFF80  }
0x10d: {  	_ =	swait.ge [sflag:s17], $0x80  }
0x10e: {  	[sflag:s17] =	ssyncset.done $0x0  }
0x10f: {  	[sflag:s17] =	ssyncadd.s32 $0xFFFFFF80  }
0x110: {  	_ =	swait.ge [sflag:s18], $0x80  }
0x111: {  	[sflag:s18] =	ssyncset.done $0x0  }
0x112: {  	[sflag:s18] =	ssyncadd.s32 $0xFFFFFF80  }
0x113: {  	_ =	swait.ge [sflag:s9], $0x80  }
0x114: {  	s20 =	stileid.u32;
	[sflag:s9] =	ssyncset.done $0x0  }
0x115: {  	s4 =	sshll.u32 s20, $0x6;
	[sflag:s9] =	ssyncadd.s32 $0xFFFFFF80  }
0x116: {  	s4 =	sor.u32 $0x1C11, s4;
	[bflag:$0x0] =	sbarrier.arrive $0xFFFF  }
0x117: {  	[dreg:$0x1c] =	wrdreg s4  }
0x118: {  	s21 =	rddreg [dreg:$0xc]  }
0x119: {  	s20 =	rddreg [dreg:$0x19]  }
0x11a: {  	s4 =	simm.s32 $0x20;
	s19 =	sshrl.u32 s21, $0x3;
	s21 =	rddreg [dreg:$0x1c]  }
0x11b: {  	[hbm:s20@s4], [sflag:s21] =	dma.strided [spmem:s19@s9], $0x50, s30, $0x10   }
0x11c: {  	s20 =	simm.s32 $0x11  }
0x11d: {  	_ =	swait.ge [sflag:s20], $0x50  }
0x11e: {  	s4 =	rddreg [dreg:$0x1b]  }
0x11f: {  	s19 =	sadd.s32 $0x1, s4;
	s4 =	rddreg [dreg:$0x1a]  }
0x120: {  	p0 =	sne.s32 s19, s4  }
.Ltmp1:
0x121: {  	_ = 	snop;
	(pc) =	sbr.rel @p0 .LBB2_1-.Ltmp1, $3  }
0x122: {  	_ =	sdelay $0x1  }
0x123: {  	[sflag:s20] =	ssyncset.done $0x0  }
0x124: {  	s21 =	simm.s32 $0x280;
	[sflag:s20] =	ssyncadd.s32 $0xFFFFFFB0  }
0x125: {  	_ =	sfence.sel $0x180000  }
0x126: {  	[bflag:$0x0] =	sbarrier.arrive $0xFFFF  }
0x127: {  	_ =	strace $0x90000047  }
0x128: {  	s0 =	stileid.u32;
	[bflag:$0x2] =	sbarrier.arrive $0xFFFF  }
0x129: {  	p0 =	sne.s32 s0, $0x0;
	s0 =	rddreg [dreg:$0x3]  }
0x12a: {  	s0 =	sadd.s32 @!p0 $0x100000, s0  }
0x12b: {  	[sflag:s0] =	ssyncadd.tile.s32 @!p0 $0x1;
	_ =	shalt  }
.Lfunc_end2:
_tile_overlayer_lowered:
.L_overlay_start_2:
0x12c: {  	(tag) =	ssettag $0x2  }
0x12d: {  	s0 =	rddreg [dreg:$0x0];
	s2 =	stileid.u32  }
0x12e: {  	s1 =	rddreg [dreg:$0x1];
	p0 =	sne.s32 s2, $0x0  }
0x12f: {  	s3 =	rddreg [dreg:$0x2];
	[bflag:$0x3] =	sbarrier.arrive $0xFFFF;
	s2 =	simm.s32 @!p0 $0x1C11  }
0x130: {  	[timem:s3], [sflag:s2] =	dma.local @!p0 [hbm:s0], s1  }
0x131: {  	s0 =	simm.s32 @!p0 $0x11  }
0x132: {  	_ =	swait.ge @!p0 [sflag:s0], s1  }
0x133: {  	s1 =	ssub.s32 @!p0 $0x0, s1;
	[sflag:s0] =	ssyncset.done @!p0 $0x0  }
0x134: {  	[sflag:s0] =	ssyncadd.s32 @!p0 s1  }
0x135: {  	[bflag:$0x3] =	sbarrier.arrive $0xFFFF  }
0x136: {  	_ =	shalt  }

// kernel: kernel.9.cloned.1.call-start
scs
__scs_entry_jumppad:
0x0: {  	(pc) =	sbr.rel $0x88, $3  }
0x1: {  	(tag) =	ssettag $0x0;
	lr =	simm.s32 $0x1  }
0x2: {  	[smem:$0x3F9D] =	sst lr;
	_ =	strace $0xD0000000  }
0x3: {  	_ = 	snop  }
0x4: {  	_ = 	snop  }
0x5: {  	_ = 	snop  }
0x6: {  	_ = 	snop  }
0x7: {  	_ = 	snop  }
__scs_overlays_trampoline_lowered:
0x8: {  	[smem:$0x3FAC] =	sst s0  }
0x9: {  	[smem:$0x3FAD] =	sst s1  }
0xa: {  	[smem:$0x3FAE] =	sst s2  }
0xb: {  	[smem:$0x3FAF] =	sst s3  }
0xc: {  	[smem:$0x3FB0] =	sst s4  }
0xd: {  	[smem:$0x3FB1] =	sst s5  }
0xe: {  	[smem:$0x3FB2] =	sst s6  }
0xf: {  	[smem:$0x3FB3] =	sst s7  }
0x10: {  	[smem:$0x3FB4] =	sst s8  }
0x11: {  	[smem:$0x3FB5] =	sst s9;
	s0 =	simm.s32 @!p0 $0x0  }
0x12: {  	s1 =	sld [smem:$0x3F9B];
	s0 =	simm.s32 @p0 $0x1  }
0x13: {  	[smem:$0x3FB6] =	sst s0;
	s0 =	simm.s32 @!p1 $0x0  }
0x14: {  	s2 =	sld [smem:$0x3F9A];
	s0 =	simm.s32 @p1 $0x1  }
0x15: {  	[smem:$0x3FB7] =	sst s0;
	s0 =	simm.s32 @!p2 $0x0  }
0x16: {  	s3 =	sld [smem:$0x3FDB];
	s0 =	simm.s32 @p2 $0x1  }
0x17: {  	s4 =	simm.s32 $0x1BF5;
	[smem:$0x3FB9] =	sst s0  }
0x18: {  	s0 =	sld [smem:$0x3F9C];
	_ =	swait.ge [sflag:s4], $0x0  }
0x19: {  	s7 =	sld [smem:$0x3F9D]  }
0x1a: {  	s8 =	sadd.s32 $0xFFFFE003, lr  }
0x1b: {  	s9 =	sadd.s32 $0xFFFFFEF7, lr;
	s5 =	simm.s32 $0xFFFFFFFF;
	p2 =	slt.u32 s8, $0xFFFFF086  }
0x1c: {  	p1 =	slt.u32 s9, $0xF7A;
	s5 =	simm.s32 @!p2 $0x0  }
0x1d: {  	s5 =	simm.s32 @p1 $0x1;
	p0 =	seq.s32 s7, s2  }
0x1e: {  	s7 =	smul.u32 @!p0 $0xF7A, s2;
	p2 =	seq.s32 @!p0 s5, $0x0  }
0x1f: {  	s9 =	smul.u32 $0xF7A, s1;
	s8 =	simm.s32 @!p0 $0x1BF5;
	p2 =	por !p2, p0  }
0x20: {  	[sflag:s8] =	ssyncset.s32 @!p0 $0xFFFFF086;
	s6 =	sadd.s32 @!p0 s3, s7;
	s7 =	simm.s32 @!p0 $0x108  }
0x21: {  	s3 =	sadd.s32 s3, s9;
	s6 =	sadd.s32 @!p0 $0x88, s6;
	s7 =	simm.s32 @p2 $0x1082  }
0x22: {  	[simem:s7], [sflag:s8] =	dma.local @!p0 [hbm:s6], $0xF7A  }
0x23: {  	s9 =	sor.u32 $0xD0000000, s2;
	s6 =	simm.s32 $0x108;
	_ =	swait.ge @!p0 [sflag:s8], $0x0  }
0x24: {  	s3 =	sadd.s32 $0x88, s3;
	s6 =	simm.s32 @!p1 $0x1082;
	[sflag:s4] =	ssyncset.s32 $0xFFFFF086  }
0x25: {  	[simem:s6], [sflag:s4] =	dma.local [hbm:s3], $0xF7A  }
0x26: {  	[smem:$0x3F9D] =	sst s1;
	(tag) =	ssettag s2;
	_ =	strace s9  }
0x27: {  	s1 =	sld [smem:$0x3FAD]  }
0x28: {  	s2 =	sld [smem:$0x3FAE]  }
0x29: {  	s4 =	sld [smem:$0x3FB0]  }
0x2a: {  	p0 =	seq.s32 s5, $0x0;
	s5 =	sld [smem:$0x3FB1]  }
0x2b: {  	s6 =	sld [smem:$0x3FB2]  }
0x2c: {  	s7 =	sld [smem:$0x3FB3]  }
0x2d: {  	s3 =	simm.s32 $0x108;
	s8 =	sld [smem:$0x3FB4]  }
0x2e: {  	s3 =	simm.s32 @!p0 $0x1082;
	s9 =	sld [smem:$0x3FB5]  }
0x2f: {  	lr =	sadd.s32 s0, s3;
	s0 =	sld [smem:$0x3FAC]  }
0x30: {  	s3 =	sld [smem:$0x3FAF]  }
0x31: {  	[smem:$0x3FB8] =	sst s10  }
0x32: {  	s10 =	sld [smem:$0x3FB6];
	_ =	sdelay $0x3  }
0x33: {  	p0 =	seq.s32 s10, $0x1;
	s10 =	sld [smem:$0x3FB8];
	_ =	sdelay $0x3  }
0x34: {  	[smem:$0x3FB8] =	sst s10  }
0x35: {  	s10 =	sld [smem:$0x3FB7];
	_ =	sdelay $0x3  }
0x36: {  	p1 =	seq.s32 s10, $0x1;
	s10 =	sld [smem:$0x3FB8];
	_ =	sdelay $0x3  }
0x37: {  	[smem:$0x3FB8] =	sst s10  }
0x38: {  	s10 =	sld [smem:$0x3FB9]  }
0x39: {  	_ = 	snop;
	(pc) =	sbr.ind lr, $3  }
0x3a: {  	_ = 	snop  }
0x3b: {  	_ = 	snop  }
0x3c: {  	p2 =	seq.s32 s10, $0x1;
	s10 =	sld [smem:$0x3FB8]  }
0x3d: {  	_ =	shalt  }
0x3e: {  	_ =	shalt  }
0x3f: {  	_ =	shalt  }
0x40: {  	_ =	shalt  }
0x41: {  	_ =	shalt  }
0x42: {  	_ =	shalt  }
0x43: {  	_ =	shalt  }
0x44: {  	_ =	shalt  }
0x45: {  	_ =	shalt  }
0x46: {  	_ =	shalt  }
0x47: {  	_ =	shalt  }
0x48: {  	_ =	shalt  }
0x49: {  	_ =	shalt  }
0x4a: {  	_ =	shalt  }
0x4b: {  	_ =	shalt  }
0x4c: {  	_ =	shalt  }
0x4d: {  	_ =	shalt  }
0x4e: {  	_ =	shalt  }
0x4f: {  	_ =	shalt  }
0x50: {  	_ =	shalt  }
0x51: {  	_ =	shalt  }
0x52: {  	_ =	shalt  }
0x53: {  	_ =	shalt  }
0x54: {  	_ =	shalt  }
0x55: {  	_ =	shalt  }
0x56: {  	_ =	shalt  }
0x57: {  	_ =	shalt  }
0x58: {  	_ =	shalt  }
0x59: {  	_ =	shalt  }
0x5a: {  	_ =	shalt  }
0x5b: {  	_ =	shalt  }
0x5c: {  	_ =	shalt  }
0x5d: {  	_ =	shalt  }
0x5e: {  	_ =	shalt  }
0x5f: {  	_ =	shalt  }
0x60: {  	_ =	shalt  }
0x61: {  	_ =	shalt  }
0x62: {  	_ =	shalt  }
0x63: {  	_ =	shalt  }
0x64: {  	_ =	shalt  }
0x65: {  	_ =	shalt  }
0x66: {  	_ =	shalt  }
0x67: {  	_ =	shalt  }
0x68: {  	_ =	shalt  }
0x69: {  	_ =	shalt  }
0x6a: {  	_ =	shalt  }
0x6b: {  	_ =	shalt  }
0x6c: {  	_ =	shalt  }
0x6d: {  	_ =	shalt  }
0x6e: {  	_ =	shalt  }
0x6f: {  	_ =	shalt  }
0x70: {  	_ =	shalt  }
0x71: {  	_ =	shalt  }
0x72: {  	_ =	shalt  }
0x73: {  	_ =	shalt  }
0x74: {  	_ =	shalt  }
0x75: {  	_ =	shalt  }
0x76: {  	_ =	shalt  }
0x77: {  	_ =	shalt  }
0x78: {  	_ =	shalt  }
0x79: {  	_ =	shalt  }
0x7a: {  	_ =	shalt  }
0x7b: {  	_ =	shalt  }
0x7c: {  	_ =	shalt  }
0x7d: {  	_ =	shalt  }
0x7e: {  	_ =	shalt  }
0x7f: {  	_ =	shalt  }
0x80: {  	_ =	shalt  }
0x81: {  	_ =	shalt  }
0x82: {  	_ =	shalt  }
0x83: {  	_ =	shalt  }
0x84: {  	_ =	shalt  }
0x85: {  	_ =	shalt  }
0x86: {  	_ =	shalt  }
0x87: {  	_ =	shalt  }
.Lfunc_end0:
.L_simem_size_0:
called_computation.1_lowered:
.L_overlay_start_0:
0x88: {  	s2 =	sld [smem:$0x3FD9]  }
0x89: {  	s3 =	sld [smem:$0x3FFE];
	_ =	sdelay $0x1  }
0x8a: {  	s1 =	srdreg.scid  }
0x8b: {  	s0 =	sand.u32 $0x1, s1  }
0x8c: {  	s17 =	sshll.u32 s0, $0xA;
	s2 =	sadd.s32 s3, s2  }
0x8d: {  	s2 =	sadd.s32 s2, s17  }
0x8e: {  	[smem:$0x3FC4] =	sst s2  }
0x8f: {  	_ = 	snop  }
0x90: {  	s2 =	sld [smem:$0x3FD0];
	(tm) =	ssettm $0x1  }
0x91: {  	s18 =	sld [smem:$0x3FFB];
	_ =	sdelay $0x3  }
0x92: {  	_ =	strace s18  }
0x93: {  	s3 =	sld [smem:$0x3FFC];
	_ =	sdelay $0x3  }
0x94: {  	_ =	strace s3  }
0x95: {  	s3 =	sld [smem:$0x3FFD];
	_ =	sdelay $0x3  }
0x96: {  	_ =	strace s3  }
0x97: {  	_ =	strace $0x8FFFFFFF  }
0x98: {  	s19 =	sld [smem:$0x3FDB];
	_ =	sdelay $0x1  }
0x99: {  	s4 =	simm.s32 $_scs_section_size  }
0x9a: {  	s5 =	simm.s32 $_size__tile_overlayer_lowered;
	s6 =	simm.s32 $_tile_overlayer_lowered  }
0x9b: {  	s22 =	simm.s32 $0x1BFF;
	s21 =	sshll.u32 s6, $0x1;
	s3 =	sadd.s32 s4, s19  }
0x9c: {  	s7 =	simm.s32 $0x0;
	s20 =	sshll.u32 s5, $0x1;
	s5 =	sadd.s32 s21, s3  }
0x9d: {  	[timem:s7], [sflag:s22] =	dma.local [hbm:s5], s20  }
0x9e: {  	_ =	swait.ge [sflag:s22], s20  }
0x9f: {  	s4 =	ssub.s32 $0x0, s20;
	[sflag:s22] =	ssyncset.done $0x0  }
0xa0: {  	[sflag:s22] =	ssyncadd.s32 s4;
	_ =	sdelay $0x1  }
0xa1: {  	s23 =	simm.s32 $0x1B8B  }
0xa2: {  	_ =	swait.ge [sflag:s23], $0x1  }
0xa3: {  	[sflag:s23] =	ssyncset.done $0x0  }
0xa4: {  	s25 =	simm.s32 $0x1B8E;
	s24 =	sld [smem:$0x3FFE];
	[sflag:s23] =	ssyncadd.s32 $0xFFFFFFFF  }
0xa5: {  	s26 =	simm.s32 $execute0_lowered;
	[smem:$0x3FD2] =	sst s25  }
0xa6: {  	s5 =	sshll.u32 s26, $0x1;
	_ =	strace $0x80000049;
	[dreg:$0x1] =	wrdreg $0xFFFFFFFF  }
0xa7: {  	s28 =	simm.s32 $_size_execute0_lowered;
	s3 =	sadd.s32 s3, s5;
	[dreg:$0x0] =	wrdreg $0x0  }
0xa8: {  	s5 =	sshll.u32 s28, $0x1;
	[dreg:$0x2] =	wrdreg s3  }
0xa9: {  	[dreg:$0x3] =	wrdreg s5  }
0xaa: {  	[dreg:$0x4] =	wrdreg $0xC0  }
0xab: {  	_ =	task [dreg:s7], $0x5FFFF  }
0xac: {  	[dreg:$0x1] =	wrdreg $0xFFFFFFFF  }
0xad: {  	[dreg:$0x0] =	wrdreg $0x60  }
0xae: {  	[dreg:$0x2] =	wrdreg s2  }
0xaf: {  	[dreg:$0x3] =	wrdreg s24  }
0xb0: {  	[dreg:$0x4] =	wrdreg $0x0  }
0xb1: {  	[dreg:$0x5] =	wrdreg $0x9  }
0xb2: {  	_ =	task.clear_ibuf [dreg:s7], $0x6FFFF;
	_ =	strace $0x90000049  }
0xb3: {  	s29 =	simm.s32 $0x9;
	_ =	strace $0x8000004B  }
0xb4: {  	_ =	swait.ge [sflag:s29], $0x1  }
0xb5: {  	[sflag:s29] =	ssyncadd.s32 $0xFFFFFFFF  }
0xb6: {  	_ =	strace $0x9000004B  }
0xb7: {  	_ =	sfence  }
0xb8: {  	s30 =	sld [smem:$0x0];
	_ =	sdelay $0x2  }
0xb9: {  	s31 =	sshll.u32 s1, $0xD;
	s1 =	sshrl.u32 s1, $0x2  }
0xba: {  	s3 =	sand.u32 $0x4000, s31;
	s1 =	sadd.s32 s1, s30  }
0xbb: {  	s0 =	sor.u32 s3, s0;
	s1 =	sshll.u32 s1, $0x11  }
0xbc: {  	s0 =	sor.u32 s1, s0  }
0xbd: {  	s0 =	sadd.s32 $0x8F2B, s0  }
0xbe: {  	[sflag:s0] =	ssyncadd.remote.s32 $0x1  }
0xbf: {  	_ =	sfence.sel $0xFFFF  }
0xc0: {  	[dreg:$0x0] =	wrdreg $0xFFFFFFFF;
	(pc) =	sbr.abs _section_cstart, $3  }
0xc1: {  	[dreg:$0x1] =	wrdreg $0xFFFFFFFF  }
0xc2: {  	_ =	task.clear_ibuf [dreg:s7], $0x2FFFF;
	_ =	strace $0x9FFFFFFF  }
0xc3: {  	(tm) =	ssettm $0x7FFFFFFF  }
tec
execute0_lowered:
.L_overlay_start_1:
0x0: {  	(tag) =	ssettag $0x1  }
0x1: {  	s10 =	stileid.u32  }
0x2: {  	s6 =	smul.u32 $0x2800, s10  }
0x3: {  	s0 =	srdreg.scid;
	s16 =	smul.u32 $0x14000, s10  }
0x4: {  	s1 =	rddreg [dreg:$0x0];
	s0 =	sand.u32 $0x1, s0;
	s10 =	smul.u32 $0x50000, s10  }
0x5: {  	s2 =	rddreg [dreg:$0x1];
	s5 =	smul.u32 $0x28000, s0  }
0x6: {  	s3 =	rddreg [dreg:$0x2];
	s7 =	smul.u32 $0x140000, s0;
	s0 =	ssub.s32 $0x2, s0  }
0x7: {  	s4 =	simm.s32 $0x0;
	s17 =	sshrl.u32 s0, $0x1;
	s19 =	sshrl.u32 s10, $0x2  }
0x8: {  	[smem:$0x7FF] =	sst s4;
	s0 =	ssub.s32 s0, s17;
	s12 =	sadd.s32 s19, s3  }
0x9: {  	_ =	strace $0x8000004A;
	s0 =	smax.u32 s0, $0x1;
	[dreg:$0x6] =	wrdreg s12  }
0xa: {  	s11 =	sadd.s32 $0xE00, s2;
	s24 =	sadd.s32 $0x800, s12;
	[dreg:$0xb] =	wrdreg s0  }
0xb: {  	s5 =	sadd.s32 s6, s5;
	s25 =	sadd.s32 $0x1000, s12;
	[dreg:$0xc] =	wrdreg s24  }
0xc: {  	s6 =	sadd.s32 s16, s7;
	s26 =	sadd.s32 $0x1800, s12;
	[dreg:$0xd] =	wrdreg s25  }
0xd: {  	s8 =	sshrl.u32 s5, $0x3;
	s10 =	sadd.s32 $0x4000, s12;
	[dreg:$0xe] =	wrdreg s26  }
0xe: {  	s6 =	sshrl.u32 s6, $0x3;
	s19 =	sadd.s32 $0x5000, s12;
	[dreg:$0x13] =	wrdreg s10  }
0xf: {  	s9 =	sadd.s32 s8, s2;
	s20 =	sadd.s32 s11, s8;
	[dreg:$0x19] =	wrdreg s19  }
0x10: {  	s2 =	sadd.s32 s6, s2;
	s6 =	sadd.s32 $0x2800, s12;
	[dreg:$0x5] =	wrdreg s20  }
0x11: {  	s7 =	sor.u32 $0x180, s5;
	s8 =	sadd.s32 $0x3000, s12;
	[dreg:$0x10] =	wrdreg s6  }
0x12: {  	s13 =	sor.u32 $0x140, s5;
	s24 =	sadd.s32 $0x7800, s12;
	[dreg:$0x11] =	wrdreg s8  }
0x13: {  	s14 =	sor.u32 $0x1C0, s5;
	s25 =	sadd.s32 $0x8000, s12;
	[dreg:$0x1e] =	wrdreg s24  }
0x14: {  	s5 =	sor.u32 $0x100, s5;
	s26 =	sadd.s32 $0x8800, s12;
	[dreg:$0x1f] =	wrdreg s25  }
0x15: {  	s16 =	sshrl.u32 s5, $0x3;
	s5 =	sadd.s32 $0x9800, s12;
	[smem:$0x7E7] =	sst s26  }
0x16: {  	s0 =	sshrl.u32 s7, $0x3;
	s7 =	sadd.s32 $0xA800, s12;
	[smem:$0x7E9] =	sst s5  }
0x17: {  	s10 =	sadd.s32 $0xC000, s12;
	[smem:$0x7EB] =	sst s7  }
0x18: {  	s15 =	sshrl.u32 s14, $0x3;
	s14 =	sadd.s32 $0xD800, s12;
	[smem:$0x7EE] =	sst s10  }
0x19: {  	s19 =	sadd.s32 $0x10000, s12;
	[smem:$0x7F1] =	sst s14  }
0x1a: {  	s18 =	sadd.s32 $0xAE00, s9;
	[smem:$0x7F6] =	sst s19  }
0x1b: {  	s21 =	sadd.s32 $0x8, s20;
	[dreg:$0x4] =	wrdreg s18  }
0x1c: {  	s22 =	sadd.s32 $0x10, s20;
	[dreg:$0x7] =	wrdreg s21  }
0x1d: {  	s23 =	sadd.s32 $0x18, s20;
	[dreg:$0x8] =	wrdreg s22  }
0x1e: {  	s2 =	sadd.s32 $0x14E00, s2;
	[dreg:$0x9] =	wrdreg s23  }
0x1f: {  	s9 =	sadd.s32 $0x3800, s12;
	[dreg:$0xa] =	wrdreg s2  }
0x20: {  	s0 =	sadd.s32 s0, s11;
	[dreg:$0x12] =	wrdreg s9  }
0x21: {  	s17 =	sadd.s32 s16, s11;
	[dreg:$0x14] =	wrdreg s0  }
0x22: {  	s28 =	simm.s32 $0xB;
	s20 =	sadd.s32 $0x5800, s12;
	[dreg:$0x17] =	wrdreg s17  }
0x23: {  	s30 =	simm.s32 $0x4;
	s6 =	sadd.s32 $0xA000, s12;
	[dreg:$0x1a] =	wrdreg s20  }
0x24: {  	s31 =	simm.s32 $0xA;
	s8 =	sadd.s32 $0xB000, s12;
	[smem:$0x7EA] =	sst s6  }
0x25: {  	s29 =	simm.s32 $0x8;
	s16 =	sadd.s32 $0xE800, s12;
	[smem:$0x7EC] =	sst s8  }
0x26: {  	s24 =	sadd.s32 $0x12800, s12;
	s25 =	sadd.s32 $0x13000, s12;
	[smem:$0x7F3] =	sst s16  }
0x27: {  	s26 =	sadd.s32 $0x13800, s12;
	s7 =	simm.s32 $0x14000;
	[smem:$0x7FB] =	sst s24  }
0x28: {  	s10 =	simm.s32 $0x9;
	s14 =	simm.s32 $0x16880;
	[smem:$0x7FC] =	sst s25  }
0x29: {  	s19 =	simm.s32 $0x1;
	s2 =	sadd.s32 $0x2000, s12;
	[smem:$0x7FD] =	sst s26  }
0x2a: {  	s5 =	simm.s32 $0x0;
	s18 =	sadd.s32 $0x4800, s12;
	[dreg:$0xf] =	wrdreg s2  }
0x2b: {  	s0 =	sshrl.u32 s13, $0x3;
	s21 =	sadd.s32 $0x6000, s12;
	[dreg:$0x18] =	wrdreg s18  }
0x2c: {  	s22 =	sadd.s32 $0x6800, s12;
	s23 =	sadd.s32 $0x7000, s12;
	[dreg:$0x1b] =	wrdreg s21  }
0x2d: {  	s9 =	sadd.s32 $0xB800, s12;
	s13 =	sadd.s32 $0xD000, s12;
	[dreg:$0x1c] =	wrdreg s22  }
0x2e: {  	s17 =	sadd.s32 $0xF000, s12;
	s20 =	sadd.s32 $0x10800, s12;
	[dreg:$0x1d] =	wrdreg s23  }
0x2f: {  	s16 =	simm.s32 $0x16900;
	s6 =	simm.s32 $0x1AA00;
	[smem:$0x7ED] =	sst s9  }
0x30: {  	s8 =	simm.s32 $0x3;
	s24 =	simm.s32 $0x8;
	[smem:$0x7F0] =	sst s13  }
0x31: {  	s25 =	simm.s32 $0x4;
	s26 =	simm.s32 $0xA;
	[smem:$0x7F4] =	sst s17  }
0x32: {  	s0 =	sadd.s32 s0, s11;
	s2 =	sadd.s32 $0x9000, s12;
	[smem:$0x7F7] =	sst s20  }
0x33: {  	s18 =	sadd.s32 $0xF800, s12;
	s21 =	sadd.s32 $0x11000, s12;
	[dreg:$0x15] =	wrdreg s0  }
0x34: {  	s22 =	sadd.s32 $0x11800, s12;
	s23 =	sadd.s32 $0x12000, s12;
	[smem:$0x7E8] =	sst s2  }
0x35: {  	s9 =	simm.s32 $0x16A00;
	s13 =	simm.s32 $0x40;
	[smem:$0x7F5] =	sst s18  }
0x36: {  	s17 =	simm.s32 $0x16980;
	s20 =	simm.s32 $0x6;
	[smem:$0x7F8] =	sst s21  }
0x37: {  	s0 =	sadd.s32 s15, s11;
	s11 =	sadd.s32 $0xC800, s12;
	[smem:$0x7F9] =	sst s22  }
0x38: {  	s15 =	sadd.s32 $0xE000, s12;
	[smem:$0x7FA] =	sst s23;
	s21 =	simm.s32 $0x16800  }
0x39: {  	s18 =	simm.s32 $0x1CA00;
	s22 =	simm.s32 $0x2;
	[dreg:$0x16] =	wrdreg s0  }
0x3a: {  	s23 =	simm.s32 $0x7;
	s2 =	simm.s32 $0xC;
	[smem:$0x7EF] =	sst s11  }
0x3b: {  	v0 =	vimm.f32 $0.0e+00;
	[smem:$0x7F2] =	sst s15;
	s11 =	simm.s32 $0x5;
	s15 =	simm.s32 $0x18A00  }
.LBB2_1:
0x3c: {  	[tilespmem:$0x16A00] =	vst v0  }
0x3d: {  	[tilespmem:$0x16A10] =	vst v0  }
0x3e: {  	[tilespmem:$0x16A20] =	vst v0  }
0x3f: {  	[tilespmem:$0x16A30] =	vst v0  }
0x40: {  	[tilespmem:$0x16A40] =	vst v0  }
0x41: {  	[tilespmem:$0x16A50] =	vst v0  }
0x42: {  	[tilespmem:$0x16A60] =	vst v0  }
0x43: {  	[tilespmem:$0x16A70] =	vst v0  }
0x44: {  	[tilespmem:$0x16A80] =	vst v0  }
0x45: {  	[tilespmem:$0x16A90] =	vst v0  }
0x46: {  	[tilespmem:$0x16AA0] =	vst v0  }
0x47: {  	[tilespmem:$0x16AB0] =	vst v0  }
0x48: {  	[tilespmem:$0x16AC0] =	vst v0  }
0x49: {  	[tilespmem:$0x16AD0] =	vst v0  }
0x4a: {  	[tilespmem:$0x16AE0] =	vst v0  }
0x4b: {  	[tilespmem:$0x16AF0] =	vst v0  }
0x4c: {  	[tilespmem:$0x16B00] =	vst v0  }
0x4d: {  	[tilespmem:$0x16B10] =	vst v0  }
0x4e: {  	[tilespmem:$0x16B20] =	vst v0  }
0x4f: {  	[tilespmem:$0x16B30] =	vst v0  }
0x50: {  	[tilespmem:$0x16B40] =	vst v0  }
0x51: {  	[tilespmem:$0x16B50] =	vst v0  }
0x52: {  	[tilespmem:$0x16B60] =	vst v0  }
0x53: {  	[tilespmem:$0x16B70] =	vst v0  }
0x54: {  	[tilespmem:$0x16B80] =	vst v0  }
0x55: {  	[tilespmem:$0x16B90] =	vst v0  }
0x56: {  	[tilespmem:$0x16BA0] =	vst v0  }
0x57: {  	[tilespmem:$0x16BB0] =	vst v0  }
0x58: {  	[tilespmem:$0x16BC0] =	vst v0  }
0x59: {  	[tilespmem:$0x16BD0] =	vst v0  }
0x5a: {  	[tilespmem:$0x16BE0] =	vst v0  }
0x5b: {  	[tilespmem:$0x16BF0] =	vst v0  }
0x5c: {  	[tilespmem:$0x16C00] =	vst v0  }
0x5d: {  	[tilespmem:$0x16C10] =	vst v0  }
0x5e: {  	[tilespmem:$0x16C20] =	vst v0  }
0x5f: {  	[tilespmem:$0x16C30] =	vst v0  }
0x60: {  	[tilespmem:$0x16C40] =	vst v0  }
0x61: {  	[tilespmem:$0x16C50] =	vst v0  }
0x62: {  	[tilespmem:$0x16C60] =	vst v0  }
0x63: {  	[tilespmem:$0x16C70] =	vst v0  }
0x64: {  	[tilespmem:$0x16C80] =	vst v0  }
0x65: {  	[tilespmem:$0x16C90] =	vst v0  }
0x66: {  	[tilespmem:$0x16CA0] =	vst v0  }
0x67: {  	[tilespmem:$0x16CB0] =	vst v0  }
0x68: {  	[tilespmem:$0x16CC0] =	vst v0  }
0x69: {  	[tilespmem:$0x16CD0] =	vst v0  }
0x6a: {  	[tilespmem:$0x16CE0] =	vst v0  }
0x6b: {  	[tilespmem:$0x16CF0] =	vst v0  }
0x6c: {  	[tilespmem:$0x16D00] =	vst v0  }
0x6d: {  	[tilespmem:$0x16D10] =	vst v0  }
0x6e: {  	[tilespmem:$0x16D20] =	vst v0  }
0x6f: {  	[tilespmem:$0x16D30] =	vst v0  }
0x70: {  	[tilespmem:$0x16D40] =	vst v0  }
0x71: {  	[tilespmem:$0x16D50] =	vst v0  }
0x72: {  	[tilespmem:$0x16D60] =	vst v0  }
0x73: {  	[tilespmem:$0x16D70] =	vst v0  }
0x74: {  	[tilespmem:$0x16D80] =	vst v0  }
0x75: {  	[tilespmem:$0x16D90] =	vst v0  }
0x76: {  	[tilespmem:$0x16DA0] =	vst v0  }
0x77: {  	[tilespmem:$0x16DB0] =	vst v0  }
0x78: {  	[tilespmem:$0x16DC0] =	vst v0  }
0x79: {  	[tilespmem:$0x16DD0] =	vst v0  }
0x7a: {  	[tilespmem:$0x16DE0] =	vst v0  }
0x7b: {  	[tilespmem:$0x16DF0] =	vst v0  }
0x7c: {  	[tilespmem:$0x16E00] =	vst v0  }
0x7d: {  	[tilespmem:$0x16E10] =	vst v0  }
0x7e: {  	[tilespmem:$0x16E20] =	vst v0  }
0x7f: {  	[tilespmem:$0x16E30] =	vst v0  }
0x80: {  	[tilespmem:$0x16E40] =	vst v0  }
0x81: {  	[tilespmem:$0x16E50] =	vst v0  }
0x82: {  	[tilespmem:$0x16E60] =	vst v0  }
0x83: {  	[tilespmem:$0x16E70] =	vst v0  }
0x84: {  	[tilespmem:$0x16E80] =	vst v0  }
0x85: {  	[tilespmem:$0x16E90] =	vst v0  }
0x86: {  	[tilespmem:$0x16EA0] =	vst v0  }
0x87: {  	[tilespmem:$0x16EB0] =	vst v0  }
0x88: {  	[tilespmem:$0x16EC0] =	vst v0  }
0x89: {  	[tilespmem:$0x16ED0] =	vst v0  }
0x8a: {  	[tilespmem:$0x16EE0] =	vst v0  }
0x8b: {  	[tilespmem:$0x16EF0] =	vst v0  }
0x8c: {  	[tilespmem:$0x16F00] =	vst v0  }
0x8d: {  	[tilespmem:$0x16F10] =	vst v0  }
0x8e: {  	[tilespmem:$0x16F20] =	vst v0  }
0x8f: {  	[tilespmem:$0x16F30] =	vst v0  }
0x90: {  	[tilespmem:$0x16F40] =	vst v0  }
0x91: {  	[tilespmem:$0x16F50] =	vst v0  }
0x92: {  	[tilespmem:$0x16F60] =	vst v0  }
0x93: {  	[tilespmem:$0x16F70] =	vst v0  }
0x94: {  	[tilespmem:$0x16F80] =	vst v0  }
0x95: {  	[tilespmem:$0x16F90] =	vst v0  }
0x96: {  	[tilespmem:$0x16FA0] =	vst v0  }
0x97: {  	[tilespmem:$0x16FB0] =	vst v0  }
0x98: {  	[tilespmem:$0x16FC0] =	vst v0  }
0x99: {  	[tilespmem:$0x16FD0] =	vst v0  }
0x9a: {  	[tilespmem:$0x16FE0] =	vst v0  }
0x9b: {  	[tilespmem:$0x16FF0] =	vst v0  }
0x9c: {  	[tilespmem:$0x17000] =	vst v0  }
0x9d: {  	[tilespmem:$0x17010] =	vst v0  }
0x9e: {  	[tilespmem:$0x17020] =	vst v0  }
0x9f: {  	[tilespmem:$0x17030] =	vst v0  }
0xa0: {  	[tilespmem:$0x17040] =	vst v0  }
0xa1: {  	[tilespmem:$0x17050] =	vst v0  }
0xa2: {  	[tilespmem:$0x17060] =	vst v0  }
0xa3: {  	[tilespmem:$0x17070] =	vst v0  }
0xa4: {  	[tilespmem:$0x17080] =	vst v0  }
0xa5: {  	[tilespmem:$0x17090] =	vst v0  }
0xa6: {  	[tilespmem:$0x170A0] =	vst v0  }
0xa7: {  	[tilespmem:$0x170B0] =	vst v0  }
0xa8: {  	[tilespmem:$0x170C0] =	vst v0  }
0xa9: {  	[tilespmem:$0x170D0] =	vst v0  }
0xaa: {  	[tilespmem:$0x170E0] =	vst v0  }
0xab: {  	[tilespmem:$0x170F0] =	vst v0  }
0xac: {  	[tilespmem:$0x17100] =	vst v0  }
0xad: {  	[tilespmem:$0x17110] =	vst v0  }
0xae: {  	[tilespmem:$0x17120] =	vst v0  }
0xaf: {  	[tilespmem:$0x17130] =	vst v0  }
0xb0: {  	[tilespmem:$0x17140] =	vst v0  }
0xb1: {  	[tilespmem:$0x17150] =	vst v0  }
0xb2: {  	[tilespmem:$0x17160] =	vst v0  }
0xb3: {  	[tilespmem:$0x17170] =	vst v0  }
0xb4: {  	[tilespmem:$0x17180] =	vst v0  }
0xb5: {  	[tilespmem:$0x17190] =	vst v0  }
0xb6: {  	[tilespmem:$0x171A0] =	vst v0  }
0xb7: {  	[tilespmem:$0x171B0] =	vst v0  }
0xb8: {  	[tilespmem:$0x171C0] =	vst v0  }
0xb9: {  	[tilespmem:$0x171D0] =	vst v0  }
0xba: {  	[smem:$0x7E6] =	sst s5;
	[tilespmem:$0x171E0] =	vst v0  }
0xbb: {  	[tilespmem:$0x171F0] =	vst v0;
	s0 =	rddreg [dreg:$0x4]  }
0xbc: {  	[tilespmem:s7], [sflag:$0x5] =	stream.linear.gather [hbm4b:s0+s4], $0x2800, $0x38;
	[tilespmem:$0x1EA00] =	vst v63  }
0xbd: {  	s5 =	rddreg [dreg:$0xd]  }
0xbe: {  	[spmem:s12] =	stream.linear.scatter [tilespmem:s9], [sflag:$0x9], $0x800, $0x38;
	[tilespmem:$0x1EA00] =	vst v63  }
0xbf: {  	s12 =	rddreg [dreg:$0xc]  }
0xc0: {  	[spmem:s12] =	stream.linear.scatter [tilespmem:s9], [sflag:$0x9], $0x800, $0x38;
	[tilespmem:$0x1EA00] =	vst v63  }
0xc1: {  	s12 =	rddreg [dreg:$0xe]  }
0xc2: {  	[spmem:s5] =	stream.linear.scatter [tilespmem:s9], [sflag:$0x9], $0x800, $0x38;
	[tilespmem:$0x1EA00] =	vst v63  }
0xc3: {  	s5 =	rddreg [dreg:$0xf]  }
0xc4: {  	[spmem:s12] =	stream.linear.scatter [tilespmem:s9], [sflag:$0x9], $0x800, $0x38;
	[tilespmem:$0x1EA00] =	vst v63  }
0xc5: {  	s12 =	rddreg [dreg:$0x10]  }
0xc6: {  	[spmem:s5] =	stream.linear.scatter [tilespmem:s9], [sflag:$0x9], $0x800, $0x38;
	[tilespmem:$0x1EA00] =	vst v63  }
0xc7: {  	s5 =	rddreg [dreg:$0x11]  }
0xc8: {  	[spmem:s12] =	stream.linear.scatter [tilespmem:s9], [sflag:$0x9], $0x800, $0x38;
	[tilespmem:$0x1EA00] =	vst v63  }
0xc9: {  	s12 =	rddreg [dreg:$0x12]  }
0xca: {  	[spmem:s5] =	stream.linear.scatter [tilespmem:s9], [sflag:$0x9], $0x800, $0x38;
	[tilespmem:$0x1EA00] =	vst v63  }
0xcb: {  	s5 =	rddreg [dreg:$0x13]  }
0xcc: {  	[spmem:s12] =	stream.linear.scatter [tilespmem:s9], [sflag:$0x9], $0x800, $0x38;
	[tilespmem:$0x1EA00] =	vst v63  }
0xcd: {  	s12 =	rddreg [dreg:$0x18]  }
0xce: {  	[spmem:s5] =	stream.linear.scatter [tilespmem:s9], [sflag:$0x9], $0x800, $0x38;
	[tilespmem:$0x1EA00] =	vst v63  }
0xcf: {  	s5 =	rddreg [dreg:$0x19]  }
0xd0: {  	[spmem:s12] =	stream.linear.scatter [tilespmem:s9], [sflag:$0x9], $0x800, $0x38;
	[tilespmem:$0x1EA00] =	vst v63  }
0xd1: {  	s12 =	rddreg [dreg:$0x1a]  }
0xd2: {  	[spmem:s5] =	stream.linear.scatter [tilespmem:s9], [sflag:$0x9], $0x800, $0x38;
	[tilespmem:$0x1EA00] =	vst v63  }
0xd3: {  	s5 =	rddreg [dreg:$0x1b]  }
0xd4: {  	[spmem:s12] =	stream.linear.scatter [tilespmem:s9], [sflag:$0x9], $0x800, $0x38;
	[tilespmem:$0x1EA00] =	vst v63  }
0xd5: {  	s12 =	rddreg [dreg:$0x1c]  }
0xd6: {  	[spmem:s5] =	stream.linear.scatter [tilespmem:s9], [sflag:$0x9], $0x800, $0x38;
	[tilespmem:$0x1EA00] =	vst v63  }
0xd7: {  	s5 =	rddreg [dreg:$0x1d]  }
0xd8: {  	[spmem:s12] =	stream.linear.scatter [tilespmem:s9], [sflag:$0x9], $0x800, $0x38;
	[tilespmem:$0x1EA00] =	vst v63  }
0xd9: {  	s12 =	rddreg [dreg:$0x1e]  }
0xda: {  	[spmem:s5] =	stream.linear.scatter [tilespmem:s9], [sflag:$0x9], $0x800, $0x38;
	[tilespmem:$0x1EA00] =	vst v63  }
0xdb: {  	s5 =	rddreg [dreg:$0x1f]  }
0xdc: {  	[spmem:s12] =	stream.linear.scatter [tilespmem:s9], [sflag:$0x9], $0x800, $0x38;
	[tilespmem:$0x1EA00] =	vst v63  }
0xdd: {  	s12 =	sld [smem:$0x7E7]  }
0xde: {  	[spmem:s5] =	stream.linear.scatter [tilespmem:s9], [sflag:$0x9], $0x800, $0x38;
	[tilespmem:$0x1EA00] =	vst v63  }
0xdf: {  	s5 =	sld [smem:$0x7E8]  }
0xe0: {  	[spmem:s12] =	stream.linear.scatter [tilespmem:s9], [sflag:$0x9], $0x800, $0x38;
	[tilespmem:$0x1EA00] =	vst v63  }
0xe1: {  	s12 =	sld [smem:$0x7E9]  }
0xe2: {  	[spmem:s5] =	stream.linear.scatter [tilespmem:s9], [sflag:$0x9], $0x800, $0x38;
	[tilespmem:$0x1EA00] =	vst v63  }
0xe3: {  	s5 =	sld [smem:$0x7EA]  }
0xe4: {  	[spmem:s12] =	stream.linear.scatter [tilespmem:s9], [sflag:$0x9], $0x800, $0x38;
	[tilespmem:$0x1EA00] =	vst v63  }
0xe5: {  	s12 =	sld [smem:$0x7EB]  }
0xe6: {  	[spmem:s5] =	stream.linear.scatter [tilespmem:s9], [sflag:$0x9], $0x800, $0x38;
	[tilespmem:$0x1EA00] =	vst v63  }
0xe7: {  	s5 =	sld [smem:$0x7EC]  }
0xe8: {  	[spmem:s12] =	stream.linear.scatter [tilespmem:s9], [sflag:$0x9], $0x800, $0x38;
	[tilespmem:$0x1EA00] =	vst v63  }
0xe9: {  	s12 =	sld [smem:$0x7ED]  }
0xea: {  	[spmem:s5] =	stream.linear.scatter [tilespmem:s9], [sflag:$0x9], $0x800, $0x38;
	[tilespmem:$0x1EA00] =	vst v63  }
0xeb: {  	s5 =	sld [smem:$0x7EE]  }
0xec: {  	[spmem:s12] =	stream.linear.scatter [tilespmem:s9], [sflag:$0x9], $0x800, $0x38;
	[tilespmem:$0x1EA00] =	vst v63  }
0xed: {  	s12 =	sld [smem:$0x7EF]  }
0xee: {  	[spmem:s5] =	stream.linear.scatter [tilespmem:s9], [sflag:$0x9], $0x800, $0x38;
	[tilespmem:$0x1EA00] =	vst v63  }
0xef: {  	s5 =	sld [smem:$0x7F0]  }
0xf0: {  	[spmem:s12] =	stream.linear.scatter [tilespmem:s9], [sflag:$0x9], $0x800, $0x38;
	[tilespmem:$0x1EA00] =	vst v63  }
0xf1: {  	s12 =	sld [smem:$0x7F1]  }
0xf2: {  	[spmem:s5] =	stream.linear.scatter [tilespmem:s9], [sflag:$0x9], $0x800, $0x38;
	[tilespmem:$0x1EA00] =	vst v63  }
0xf3: {  	s5 =	sld [smem:$0x7F2]  }
0xf4: {  	[spmem:s12] =	stream.linear.scatter [tilespmem:s9], [sflag:$0x9], $0x800, $0x38;
	[tilespmem:$0x1EA00] =	vst v63  }
0xf5: {  	s12 =	sld [smem:$0x7F3]  }
0xf6: {  	[spmem:s5] =	stream.linear.scatter [tilespmem:s9], [sflag:$0x9], $0x800, $0x38;
	[tilespmem:$0x1EA00] =	vst v63  }
0xf7: {  	s5 =	sld [smem:$0x7F4]  }
0xf8: {  	[spmem:s12] =	stream.linear.scatter [tilespmem:s9], [sflag:$0x9], $0x800, $0x38;
	[tilespmem:$0x1EA00] =	vst v63  }
0xf9: {  	s12 =	sld [smem:$0x7F5]  }
0xfa: {  	[spmem:s5] =	stream.linear.scatter [tilespmem:s9], [sflag:$0x9], $0x800, $0x38;
	[tilespmem:$0x1EA00] =	vst v63  }
0xfb: {  	s5 =	sld [smem:$0x7F6]  }
0xfc: {  	[spmem:s12] =	stream.linear.scatter [tilespmem:s9], [sflag:$0x9], $0x800, $0x38;
	[tilespmem:$0x1EA00] =	vst v63  }
0xfd: {  	s12 =	sld [smem:$0x7F7]  }
0xfe: {  	[spmem:s5] =	stream.linear.scatter [tilespmem:s9], [sflag:$0x9], $0x800, $0x38;
	[tilespmem:$0x1EA00] =	vst v63  }
0xff: {  	s5 =	sld [smem:$0x7F8]  }
0x100: {  	[spmem:s12] =	stream.linear.scatter [tilespmem:s9], [sflag:$0x9], $0x800, $0x38;
	[tilespmem:$0x1EA00] =	vst v63  }
0x101: {  	s12 =	sld [smem:$0x7F9]  }
0x102: {  	[spmem:s5] =	stream.linear.scatter [tilespmem:s9], [sflag:$0x9], $0x800, $0x38;
	[tilespmem:$0x1EA00] =	vst v63  }
0x103: {  	s5 =	sld [smem:$0x7FA]  }
0x104: {  	[spmem:s12] =	stream.linear.scatter [tilespmem:s9], [sflag:$0x9], $0x800, $0x38;
	[tilespmem:$0x1EA00] =	vst v63  }
0x105: {  	s12 =	sld [smem:$0x7FB]  }
0x106: {  	[spmem:s5] =	stream.linear.scatter [tilespmem:s9], [sflag:$0x9], $0x800, $0x38;
	[tilespmem:$0x1EA00] =	vst v63  }
0x107: {  	s5 =	sld [smem:$0x7FC]  }
0x108: {  	[spmem:s12] =	stream.linear.scatter [tilespmem:s9], [sflag:$0x9], $0x800, $0x38;
	[tilespmem:$0x1EA00] =	vst v63  }
0x109: {  	s12 =	sld [smem:$0x7FD]  }
0x10a: {  	[spmem:s5] =	stream.linear.scatter [tilespmem:s9], [sflag:$0x9], $0x800, $0x38;
	[tilespmem:$0x1EA00] =	vst v63  }
0x10b: {  	_ = 	snop  }
0x10c: {  	[spmem:s12] =	stream.linear.scatter [tilespmem:s9], [sflag:$0x9], $0x800, $0x38;
	[tilespmem:$0x1EA00] =	vst v63  }
0x10d: {  	_ =	swait.ge [sflag:s10], $0x800  }
0x10e: {  	s0 =	simm.s32 $0x27;
	[sflag:s10] =	ssyncset.done $0x0  }
.LBB2_2:
0x10f: {  	p0 =	sne.s32 s0, $0x1;
	s0 =	sadd.s32 $0xFFFFFFFF, s0;
	[sflag:s10] =	ssyncadd.s32 $0xFFFFF800  }
.Ltmp0:
0x110: {  	(pc) =	sbr.rel @p0 .LBB2_2-.Ltmp0, $3  }
0x111: {  	_ =	sdelay $0x1  }
0x112: {  	_ =	swait.ge [sflag:s10], $0x800  }
0x113: {  	[sflag:s10] =	ssyncset.done $0x0  }
0x114: {  	[sflag:s10] =	ssyncadd.s32 $0xFFFFF800  }
0x115: {  	_ =	swait.ge [sflag:s11], $0x2800  }
0x116: {  	[sflag:s11] =	ssyncset.done $0x0  }
0x117: {  	[sflag:s11] =	ssyncadd.s32 $0xFFFFD800  }
0x118: {  	[bflag:$0x0] =	sbarrier.arrive $0xFFFF  }
0x119: {  	s0 =	simm.s32 $0x0;
	s5 =	rddreg [dreg:$0x5]  }
0x11a: {  	[tilespmem:s21], [sflag:$0x1] =	stream.linear.gather [hbm4b:s5+s0], $0x40, $0x38;
	[tilespmem:$0x1EA00] =	vst v63  }
0x11b: {  	_ = 	snop  }
0x11c: {  	[tilespmem:s9], [sflag:$0x5] =	stream.indirect.gather [hbm4b:s1+s13], $0x80, s7, s13, $0xb8;
	[tilespmem:$0x1EA00] =	vst v63  }
0x11d: {  	s7 =	rddreg [dreg:$0x7]  }
0x11e: {  	[tilespmem:s14], [sflag:$0x2] =	stream.linear.gather [hbm4b:s7+s0], $0x40, $0x38;
	[tilespmem:$0x1EA00] =	vst v63  }
0x11f: {  	s12 =	simm.s32 $0x14040  }
0x120: {  	[tilespmem:s15], [sflag:$0x6] =	stream.indirect.gather [hbm4b:s1+s13], $0x80, s12, s13, $0xb8;
	[tilespmem:$0x1EA00] =	vst v63  }
0x121: {  	s7 =	rddreg [dreg:$0x8]  }
0x122: {  	[tilespmem:s16], [sflag:$0x3] =	stream.linear.gather [hbm4b:s7+s0], $0x40, $0x38;
	[tilespmem:$0x1EA00] =	vst v63  }
0x123: {  	s12 =	simm.s32 $0x14080  }
0x124: {  	[tilespmem:s6], [sflag:$0x7] =	stream.indirect.gather [hbm4b:s1+s13], $0x80, s12, s13, $0xb8;
	[tilespmem:$0x1EA00] =	vst v63  }
0x125: {  	s7 =	rddreg [dreg:$0x9]  }
0x126: {  	[tilespmem:s17], [sflag:$0x4] =	stream.linear.gather [hbm4b:s7+s0], $0x40, $0x38;
	[tilespmem:$0x1EA00] =	vst v63  }
0x127: {  	s12 =	simm.s32 $0x140C0  }
0x128: {  	[tilespmem:s18], [sflag:$0x8] =	stream.indirect.gather [hbm4b:s1+s13], $0x80, s12, s13, $0xb8;
	[tilespmem:$0x1EA00] =	vst v63  }
0x129: {  	_ =	swait.ge [sflag:s11], $0x2000  }
0x12a: {  	[sflag:s11] =	ssyncset.done $0x0  }
0x12b: {  	[sflag:s11] =	ssyncadd.s32 $0xFFFFE000  }
0x12c: {  	_ =	swait.ge [sflag:s19], $0x40  }
0x12d: {  	[sflag:s19] =	ssyncset.done $0x0  }
0x12e: {  	[sflag:s19] =	ssyncadd.s32 $0xFFFFFFC0  }
0x12f: {  	[spmem:s3] =	stream.indirect.scatter.add.f32 [tilespmem:s9], [sflag:$0x9], $0x80, s21, s13, $0xb8;
	[tilespmem:$0x1EA00] =	vst v63  }
0x130: {  	_ =	swait.ge [sflag:s20], $0x2000  }
0x131: {  	[sflag:s20] =	ssyncset.done $0x0  }
0x132: {  	[sflag:s20] =	ssyncadd.s32 $0xFFFFE000  }
0x133: {  	_ =	swait.ge [sflag:s22], $0x40  }
0x134: {  	[sflag:s22] =	ssyncset.done $0x0  }
0x135: {  	[sflag:s22] =	ssyncadd.s32 $0xFFFFFFC0  }
0x136: {  	[spmem:s3] =	stream.indirect.scatter.add.f32 [tilespmem:s15], [sflag:$0xA], $0x80, s14, s13, $0xb8;
	[tilespmem:$0x1EA00] =	vst v63  }
0x137: {  	_ =	swait.ge [sflag:s23], $0x2000  }
0x138: {  	[sflag:s23] =	ssyncset.done $0x0  }
0x139: {  	[sflag:s23] =	ssyncadd.s32 $0xFFFFE000  }
0x13a: {  	_ =	swait.ge [sflag:s8], $0x40  }
0x13b: {  	[sflag:s8] =	ssyncset.done $0x0  }
0x13c: {  	[sflag:s8] =	ssyncadd.s32 $0xFFFFFFC0  }
0x13d: {  	[spmem:s3] =	stream.indirect.scatter.add.f32 [tilespmem:s6], [sflag:$0xB], $0x80, s16, s13, $0xb8;
	[tilespmem:$0x1EA00] =	vst v63  }
0x13e: {  	_ =	swait.ge [sflag:s24], $0x2000  }
0x13f: {  	[sflag:s24] =	ssyncset.done $0x0  }
0x140: {  	[sflag:s24] =	ssyncadd.s32 $0xFFFFE000  }
0x141: {  	_ =	swait.ge [sflag:s25], $0x40  }
0x142: {  	[sflag:s25] =	ssyncset.done $0x0  }
0x143: {  	[sflag:s25] =	ssyncadd.s32 $0xFFFFFFC0  }
0x144: {  	[spmem:s3] =	stream.indirect.scatter.add.f32 [tilespmem:s18], [sflag:$0xC], $0x80, s17, s13, $0xb8;
	[tilespmem:$0x1EA00] =	vst v63  }
0x145: {  	_ =	swait.ge [sflag:s10], $0x2000  }
0x146: {  	[sflag:s10] =	ssyncset.done $0x0  }
0x147: {  	s5 =	simm.s32 $0x14100;
	[sflag:s10] =	ssyncadd.s32 $0xFFFFE000  }
0x148: {  	[tilespmem:s9], [sflag:$0x5] =	stream.indirect.gather [hbm4b:s1+s13], $0x80, s5, s13, $0xb8;
	[tilespmem:$0x1EA00] =	vst v63  }
0x149: {  	s12 =	rddreg [dreg:$0x17]  }
0x14a: {  	[tilespmem:s21], [sflag:$0x1] =	stream.linear.gather [hbm4b:s12+s4], $0x40, $0x38;
	[tilespmem:$0x1EA00] =	vst v63  }
0x14b: {  	s7 =	simm.s32 $0x14140;
	s0 =	simm.s32 $0x400;
	_ =	swait.ge [sflag:s26], $0x2000  }
0x14c: {  	s11 =	simm.s32 $0x1CA00;
	s19 =	simm.s32 $0x5;
	[sflag:s26] =	ssyncset.done $0x0  }
0x14d: {  	s20 =	simm.s32 $0x1;
	s23 =	simm.s32 $0x14180;
	[sflag:s26] =	ssyncadd.s32 $0xFFFFE000  }
0x14e: {  	[tilespmem:s15], [sflag:$0x6] =	stream.indirect.gather [hbm4b:s1+s13], $0x80, s7, s13, $0xb8;
	[tilespmem:$0x1EA00] =	vst v63  }
0x14f: {  	s25 =	simm.s32 $0x6;
	s17 =	simm.s32 $0x1AA00;
	s8 =	rddreg [dreg:$0x15]  }
0x150: {  	[tilespmem:s14], [sflag:$0x2] =	stream.linear.gather [hbm4b:s8+s4], $0x40, $0x38;
	[tilespmem:$0x1EA00] =	vst v63  }
0x151: {  	s9 =	simm.s32 $0x16900;
	s21 =	sadd.s32 $0x20, s12;
	_ =	swait.ge [sflag:s28], $0x2000  }
0x152: {  	s26 =	simm.s32 $0x141C0;
	s15 =	simm.s32 $0x16880;
	[sflag:s28] =	ssyncset.done $0x0  }
0x153: {  	s14 =	simm.s32 $0x16800;
	s24 =	rddreg [dreg:$0x14];
	[sflag:s28] =	ssyncadd.s32 $0xFFFFE000  }
0x154: {  	[tilespmem:s6], [sflag:$0x7] =	stream.indirect.gather [hbm4b:s1+s13], $0x80, s23, s13, $0xb8;
	[tilespmem:$0x1EA00] =	vst v63  }
0x155: {  	s22 =	sadd.s32 $0x20, s24;
	s28 =	simm.s32 $0x3;
	s6 =	simm.s32 $0x16A00  }
0x156: {  	[tilespmem:s16], [sflag:$0x3] =	stream.linear.gather [hbm4b:s24+s4], $0x40, $0x38;
	[tilespmem:$0x1EA00] =	vst v63  }
0x157: {  	s16 =	simm.s32 $0x18A00;
	s24 =	sadd.s32 $0x20, s8;
	_ =	swait.ge [sflag:s2], $0x2000  }
0x158: {  	s4 =	simm.s32 $0xC;
	s8 =	simm.s32 $0x7;
	[sflag:s2] =	ssyncset.done $0x0  }
0x159: {  	s7 =	rddreg [dreg:$0x16];
	[sflag:s2] =	ssyncadd.s32 $0xFFFFE000;
	s2 =	simm.s32 $0xB  }
0x15a: {  	[tilespmem:s18], [sflag:$0x8] =	stream.indirect.gather [hbm4b:s1+s13], $0x80, s26, s13, $0xb8;
	[tilespmem:$0x1EA00] =	vst v63  }
0x15b: {  	s23 =	sadd.s32 $0x20, s7;
	s26 =	simm.s32 $0x2;
	s18 =	simm.s32 $0x0  }
.LBB2_4:
0x15c: {  	s12 =	simm.s32 $0x16980  }
0x15d: {  	[tilespmem:s12], [sflag:$0x4] =	stream.linear.gather [hbm4b:s7+s18], $0x40, $0x38;
	[tilespmem:$0x1EA00] =	vst v63  }
0x15e: {  	s5 =	smov.u32 s0;
	s7 =	smov.u32 s23  }
0x15f: {  	p0 =	sne.s32 s0, $0x9800;
	s0 =	sadd.s32 $0x400, s0;
	_ =	swait.ge [sflag:s19], $0x2000  }
0x160: {  	[sflag:s19] =	ssyncset.done $0x0  }
0x161: {  	[sflag:s19] =	ssyncadd.s32 $0xFFFFE000  }
0x162: {  	_ =	swait.ge [sflag:s20], $0x40  }
0x163: {  	[sflag:s20] =	ssyncset.done $0x0  }
0x164: {  	[sflag:s20] =	ssyncadd.s32 $0xFFFFFFC0  }
0x165: {  	[spmem:s3] =	stream.indirect.scatter.add.f32 [tilespmem:s6], [sflag:$0x9], $0x80, s14, s13, $0xb8;
	[tilespmem:$0x1EA00] =	vst v63  }
0x166: {  	_ =	swait.ge [sflag:s25], $0x2000  }
0x167: {  	[sflag:s25] =	ssyncset.done $0x0  }
0x168: {  	[sflag:s25] =	ssyncadd.s32 $0xFFFFE000  }
0x169: {  	_ =	swait.ge [sflag:s26], $0x40  }
0x16a: {  	[sflag:s26] =	ssyncset.done $0x0  }
0x16b: {  	[sflag:s26] =	ssyncadd.s32 $0xFFFFFFC0  }
0x16c: {  	[spmem:s3] =	stream.indirect.scatter.add.f32 [tilespmem:s16], [sflag:$0xA], $0x80, s15, s13, $0xb8;
	[tilespmem:$0x1EA00] =	vst v63  }
0x16d: {  	_ =	swait.ge [sflag:s8], $0x2000  }
0x16e: {  	[sflag:s8] =	ssyncset.done $0x0  }
0x16f: {  	[sflag:s8] =	ssyncadd.s32 $0xFFFFE000  }
0x170: {  	_ =	swait.ge [sflag:s28], $0x40  }
0x171: {  	[sflag:s28] =	ssyncset.done $0x0  }
0x172: {  	[sflag:s28] =	ssyncadd.s32 $0xFFFFFFC0  }
0x173: {  	[spmem:s3] =	stream.indirect.scatter.add.f32 [tilespmem:s17], [sflag:$0xB], $0x80, s9, s13, $0xb8;
	[tilespmem:$0x1EA00] =	vst v63  }
0x174: {  	_ =	swait.ge [sflag:s29], $0x2000  }
0x175: {  	[sflag:s29] =	ssyncset.done $0x0  }
0x176: {  	[sflag:s29] =	ssyncadd.s32 $0xFFFFE000  }
0x177: {  	_ =	swait.ge [sflag:s30], $0x40  }
0x178: {  	[sflag:s30] =	ssyncset.done $0x0  }
0x179: {  	[sflag:s30] =	ssyncadd.s32 $0xFFFFFFC0  }
0x17a: {  	[spmem:s3] =	stream.indirect.scatter.add.f32 [tilespmem:s11], [sflag:$0xC], $0x80, s12, s13, $0xb8;
	[tilespmem:$0x1EA00] =	vst v63  }
0x17b: {  	_ =	swait.ge [sflag:s10], $0x2000  }
0x17c: {  	s5 =	sshra.s32 s5, $0x2;
	[sflag:s10] =	ssyncset.done $0x0  }
0x17d: {  	s12 =	sadd.s32 $0x14100, s5;
	[sflag:s10] =	ssyncadd.s32 $0xFFFFE000  }
0x17e: {  	[tilespmem:s6], [sflag:$0x5] =	stream.indirect.gather [hbm4b:s1+s13], $0x80, s12, s13, $0xb8;
	[tilespmem:$0x1EA00] =	vst v63  }
0x17f: {  	_ = 	snop  }
0x180: {  	[tilespmem:s14], [sflag:$0x1] =	stream.linear.gather [hbm4b:s21+s18], $0x40, $0x38;
	[tilespmem:$0x1EA00] =	vst v63  }
0x181: {  	_ =	swait.ge [sflag:s31], $0x2000  }
0x182: {  	[sflag:s31] =	ssyncset.done $0x0  }
0x183: {  	s12 =	sadd.s32 $0x14140, s5;
	[sflag:s31] =	ssyncadd.s32 $0xFFFFE000  }
0x184: {  	[tilespmem:s16], [sflag:$0x6] =	stream.indirect.gather [hbm4b:s1+s13], $0x80, s12, s13, $0xb8;
	[tilespmem:$0x1EA00] =	vst v63  }
0x185: {  	_ = 	snop  }
0x186: {  	[tilespmem:s15], [sflag:$0x2] =	stream.linear.gather [hbm4b:s24+s18], $0x40, $0x38;
	[tilespmem:$0x1EA00] =	vst v63  }
0x187: {  	_ =	swait.ge [sflag:s2], $0x2000  }
0x188: {  	[sflag:s2] =	ssyncset.done $0x0  }
0x189: {  	s12 =	sadd.s32 $0x14180, s5;
	[sflag:s2] =	ssyncadd.s32 $0xFFFFE000  }
0x18a: {  	[tilespmem:s17], [sflag:$0x7] =	stream.indirect.gather [hbm4b:s1+s13], $0x80, s12, s13, $0xb8;
	[tilespmem:$0x1EA00] =	vst v63  }
0x18b: {  	_ = 	snop  }
0x18c: {  	[tilespmem:s9], [sflag:$0x3] =	stream.linear.gather [hbm4b:s22+s18], $0x40, $0x38;
	[tilespmem:$0x1EA00] =	vst v63  }
.Ltmp1:
0x18d: {  	_ =	swait.ge [sflag:s4], $0x2000;
	(pc) =	sbr.rel @p0 .LBB2_4-.Ltmp1, $4  }
0x18e: {  	[sflag:s4] =	ssyncset.done $0x0  }
0x18f: {  	s21 =	sadd.s32 $0x20, s21;
	s5 =	sadd.s32 $0x141C0, s5;
	[sflag:s4] =	ssyncadd.s32 $0xFFFFE000  }
0x190: {  	[tilespmem:s11], [sflag:$0x8] =	stream.indirect.gather [hbm4b:s1+s13], $0x80, s5, s13, $0xb8;
	[tilespmem:$0x1EA00] =	vst v63  }
0x191: {  	s23 =	sadd.s32 $0x20, s23;
	s24 =	sadd.s32 $0x20, s24;
	s22 =	sadd.s32 $0x20, s22  }
0x192: {  	s0 =	simm.s32 $0x16980  }
0x193: {  	[tilespmem:s0], [sflag:$0x4] =	stream.linear.gather [hbm4b:s7+s18], $0x40, $0x38;
	[tilespmem:$0x1EA00] =	vst v63  }
0x194: {  	_ =	swait.ge [sflag:s19], $0x2000  }
0x195: {  	[sflag:s19] =	ssyncset.done $0x0  }
0x196: {  	[sflag:s19] =	ssyncadd.s32 $0xFFFFE000  }
0x197: {  	_ =	swait.ge [sflag:s20], $0x40  }
0x198: {  	[sflag:s20] =	ssyncset.done $0x0  }
0x199: {  	[sflag:s20] =	ssyncadd.s32 $0xFFFFFFC0  }
0x19a: {  	[spmem:s3] =	stream.indirect.scatter.add.f32 [tilespmem:s6], [sflag:$0x9], $0x80, s14, s13, $0xb8;
	[tilespmem:$0x1EA00] =	vst v63  }
0x19b: {  	_ =	swait.ge [sflag:s25], $0x2000  }
0x19c: {  	[sflag:s25] =	ssyncset.done $0x0  }
0x19d: {  	[sflag:s25] =	ssyncadd.s32 $0xFFFFE000  }
0x19e: {  	_ =	swait.ge [sflag:s26], $0x40  }
0x19f: {  	[sflag:s26] =	ssyncset.done $0x0  }
0x1a0: {  	[sflag:s26] =	ssyncadd.s32 $0xFFFFFFC0  }
0x1a1: {  	[spmem:s3] =	stream.indirect.scatter.add.f32 [tilespmem:s16], [sflag:$0xA], $0x80, s15, s13, $0xb8;
	[tilespmem:$0x1EA00] =	vst v63  }
0x1a2: {  	_ =	swait.ge [sflag:s8], $0x2000  }
0x1a3: {  	[sflag:s8] =	ssyncset.done $0x0  }
0x1a4: {  	[sflag:s8] =	ssyncadd.s32 $0xFFFFE000  }
0x1a5: {  	_ =	swait.ge [sflag:s28], $0x40  }
0x1a6: {  	[sflag:s28] =	ssyncset.done $0x0  }
0x1a7: {  	[sflag:s28] =	ssyncadd.s32 $0xFFFFFFC0  }
0x1a8: {  	[spmem:s3] =	stream.indirect.scatter.add.f32 [tilespmem:s17], [sflag:$0xB], $0x80, s9, s13, $0xb8;
	[tilespmem:$0x1EA00] =	vst v63  }
0x1a9: {  	_ =	swait.ge [sflag:s29], $0x2000  }
0x1aa: {  	[sflag:s29] =	ssyncset.done $0x0  }
0x1ab: {  	[sflag:s29] =	ssyncadd.s32 $0xFFFFE000  }
0x1ac: {  	_ =	swait.ge [sflag:s30], $0x40  }
0x1ad: {  	[sflag:s30] =	ssyncset.done $0x0  }
0x1ae: {  	[sflag:s30] =	ssyncadd.s32 $0xFFFFFFC0  }
0x1af: {  	[spmem:s3] =	stream.indirect.scatter.add.f32 [tilespmem:s11], [sflag:$0xC], $0x80, s0, s13, $0xb8;
	[tilespmem:$0x1EA00] =	vst v63  }
0x1b0: {  	_ =	swait.ge [sflag:s10], $0x2000  }
0x1b1: {  	[sflag:s10] =	ssyncset.done $0x0  }
0x1b2: {  	[sflag:s10] =	ssyncadd.s32 $0xFFFFE000  }
0x1b3: {  	_ =	swait.ge [sflag:s31], $0x2000  }
0x1b4: {  	[sflag:s31] =	ssyncset.done $0x0  }
0x1b5: {  	[sflag:s31] =	ssyncadd.s32 $0xFFFFE000  }
0x1b6: {  	_ =	swait.ge [sflag:s2], $0x2000  }
0x1b7: {  	[sflag:s2] =	ssyncset.done $0x0  }
0x1b8: {  	[sflag:s2] =	ssyncadd.s32 $0xFFFFE000  }
0x1b9: {  	_ =	swait.ge [sflag:s4], $0x2000  }
0x1ba: {  	[sflag:s4] =	ssyncset.done $0x0  }
0x1bb: {  	[sflag:s4] =	ssyncadd.s32 $0xFFFFE000  }
0x1bc: {  	s22 =	stileid.u32;
	[bflag:$0x0] =	sbarrier.arrive $0xFFFF  }
0x1bd: {  	s24 =	simm.s32 $0xD;
	s0 =	sshll.u32 s22, $0x6;
	s12 =	rddreg [dreg:$0x6]  }
0x1be: {  	s0 =	sor.u32 $0x1C0D, s0;
	s23 =	rddreg [dreg:$0xa];
	s5 =	sshrl.u32 s12, $0x3  }
0x1bf: {  	[hbm:s23], [sflag:s0] =	dma.local [spmem:s5], $0x2800  }
0x1c0: {  	_ =	swait.ge [sflag:s24], $0x2800  }
0x1c1: {  	s25 =	sld [smem:$0x7E6]  }
0x1c2: {  	s21 =	simm.s32 $0x16800;
	s7 =	simm.s32 $0x14000;
	s18 =	simm.s32 $0x1CA00  }
0x1c3: {  	s19 =	simm.s32 $0x1;
	s20 =	simm.s32 $0x6;
	s14 =	simm.s32 $0x16880  }
0x1c4: {  	s6 =	simm.s32 $0x1AA00;
	s26 =	rddreg [dreg:$0xb];
	s5 =	sadd.s32 $0x1, s25  }
0x1c5: {  	s15 =	simm.s32 $0x18A00;
	s16 =	simm.s32 $0x16900;
	p0 =	sne.s32 s5, s26  }
.Ltmp2:
0x1c6: {  	s8 =	simm.s32 $0x3;
	s28 =	simm.s32 $0xB;
	(pc) =	sbr.rel @p0 .LBB2_1-.Ltmp2, $4  }
0x1c7: {  	s9 =	simm.s32 $0x16A00;
	s17 =	simm.s32 $0x16980;
	s11 =	simm.s32 $0x5  }
0x1c8: {  	s22 =	simm.s32 $0x2;
	s2 =	simm.s32 $0xC;
	[sflag:s24] =	ssyncset.done $0x0  }
0x1c9: {  	s4 =	simm.s32 $0x0;
	s23 =	simm.s32 $0x7;
	[sflag:s24] =	ssyncadd.s32 $0xFFFFD800  }
0x1ca: {  	s24 =	simm.s32 $0x8;
	s25 =	simm.s32 $0x4;
	s26 =	simm.s32 $0xA  }
0x1cb: {  	_ =	sfence.sel $0x180000  }
0x1cc: {  	[bflag:$0x0] =	sbarrier.arrive $0xFFFF  }
0x1cd: {  	_ =	strace $0x9000004A  }
0x1ce: {  	s0 =	stileid.u32;
	[bflag:$0x2] =	sbarrier.arrive $0xFFFF  }
0x1cf: {  	p0 =	sne.s32 s0, $0x0;
	s0 =	rddreg [dreg:$0x3]  }
0x1d0: {  	s0 =	sadd.s32 @!p0 $0x100000, s0  }
0x1d1: {  	[sflag:s0] =	ssyncadd.tile.s32 @!p0 $0x1;
	_ =	shalt  }
.Lfunc_end2:
_tile_overlayer_lowered:
.L_overlay_start_2:
0x1d2: {  	(tag) =	ssettag $0x2  }
0x1d3: {  	s0 =	rddreg [dreg:$0x0];
	s2 =	stileid.u32  }
0x1d4: {  	s1 =	rddreg [dreg:$0x1];
	p0 =	sne.s32 s2, $0x0  }
0x1d5: {  	s3 =	rddreg [dreg:$0x2];
	[bflag:$0x3] =	sbarrier.arrive $0xFFFF;
	s2 =	simm.s32 @!p0 $0x1C0D  }
0x1d6: {  	[timem:s3], [sflag:s2] =	dma.local @!p0 [hbm:s0], s1  }
0x1d7: {  	s0 =	simm.s32 @!p0 $0xD  }
0x1d8: {  	_ =	swait.ge @!p0 [sflag:s0], s1  }
0x1d9: {  	s1 =	ssub.s32 @!p0 $0x0, s1;
	[sflag:s0] =	ssyncset.done @!p0 $0x0  }
0x1da: {  	[sflag:s0] =	ssyncadd.s32 @!p0 s1  }
0x1db: {  	[bflag:$0x3] =	sbarrier.arrive $0xFFFF  }
0x1dc: {  	_ =	shalt  }

</sc_bundles>
